<compile_context>
chip_gen: v7x
topology: tpu7x:2x2x1
jax: 0.10.2.dev20260603
libtpu: 0.0.44.dev20260713+nightly
codegen_flags: <defaults>
</compile_context>

<pallas_src>
import functools

import jax
import jax.numpy as jnp
from jax import lax
from jax.experimental import pallas as pl
from jax.experimental.pallas import tpu as pltpu
from jax.experimental.pallas import tpu_sc as plsc

NC = 2
NS = 16
L = 16
NW = NC * NS

D0, D1, D2 = 2, 8192, 2048
N = D0 * D1 * D2
ROWS = D0 * D1
RPW = ROWS // NW
VPR = D2 // L

RPC1 = 16
NCHUNK1 = RPW // RPC1
VPC1 = RPC1 * D2 // L

RPC2 = 8
NCHUNK2 = RPW // RPC2
VPC2 = RPC2 * D2 // L
NG2 = VPC2 // L

_mesh = plsc.VectorSubcoreMesh(core_axis_name="c", subcore_axis_name="s")
_params = pltpu.CompilerParams(needs_layout_passes=False)


def _wid():
    return lax.axis_index("c") * NS + lax.axis_index("s")


def _splat_j(v, j):
    idx = jnp.full((L, 1), j, jnp.int32)
    dn = lax.GatherDimensionNumbers(
        offset_dims=(), collapsed_slice_dims=(0,), start_index_map=(0,)
    )
    return lax.gather(
        v, idx, dn, (1,), mode=lax.GatherScatterMode.PROMISE_IN_BOUNDS
    )


def _splat_last(v):
    return _splat_j(v, L - 1)


@functools.partial(
    pl.kernel,
    out_type=jax.ShapeDtypeStruct((NW, L), jnp.float32),
    mesh=_mesh,
    compiler_params=_params,
    scratch_types=[
        pltpu.VMEM((RPC1, D2), jnp.float32),
        pltpu.VMEM((RPC1, D2), jnp.float32),
        pltpu.VMEM((L,), jnp.float32),
        pltpu.SemaphoreType.DMA,
        pltpu.SemaphoreType.DMA,
    ],
)
def _k1_totals(x_hbm, tot_hbm, buf0, buf1, tvm, is0, is1):
    wid = _wid()
    d = wid // NS
    row0 = (wid % NS) * RPW
    bufs = (buf0, buf1)
    isem = (is0, is1)

    def in_slice(ci):
        return x_hbm.at[d, pl.ds(row0 + ci * RPC1, RPC1), :]

    pltpu.async_copy(in_slice(0), buf0, is0)
    pltpu.async_copy(in_slice(1), buf1, is1)

    def pair_body(k, accs):
        for b in range(2):
            ci = k * 2 + b
            buf = bufs[b]
            pltpu.make_async_copy(in_slice(0), buf, isem[b]).wait()

            @plsc.parallel_loop(0, VPC1 // 4, unroll=2, carry=accs)
            def accs(t, a2):
                i = t >> 5
                c = (t & 31) * (4 * L)
                a0, a1, a2_, a3 = a2
                return (
                    a0 + buf[i, pl.ds(c, L)],
                    a1 + buf[i, pl.ds(c + L, L)],
                    a2_ + buf[i, pl.ds(c + 2 * L, L)],
                    a3 + buf[i, pl.ds(c + 3 * L, L)],
                )

            @pl.when(ci + 2 < NCHUNK1)
            def _():
                pltpu.async_copy(in_slice(ci + 2), buf, isem[b])

        return accs

    z = jnp.zeros((L,), jnp.float32)
    a0, a1, a2, a3 = lax.fori_loop(0, NCHUNK1 // 2, pair_body, (z, z, z, z))
    total = jnp.sum(a0 + a1 + a2 + a3)
    tvm[...] = jnp.full((L,), total, jnp.float32)
    pltpu.sync_copy(tvm, tot_hbm.at[wid])


@functools.partial(
    pl.kernel,
    out_type=jax.ShapeDtypeStruct((D0, D1, D2), jnp.float32),
    mesh=_mesh,
    compiler_params=_params,
    scratch_types=[
        pltpu.VMEM((RPC2, D2), jnp.float32),
        pltpu.VMEM((RPC2, D2), jnp.float32),
        pltpu.VMEM((RPC2, D2), jnp.float32),
        pltpu.VMEM((RPC2, D2), jnp.float32),
        pltpu.VMEM((VPC2,), jnp.float32),
        pltpu.VMEM((VPC2,), jnp.float32),
        pltpu.VMEM((NG2,), jnp.float32),
        pltpu.VMEM((NW, L), jnp.float32),
        pltpu.VMEM((NW,), jnp.float32),
        pltpu.SemaphoreType.DMA,
        pltpu.SemaphoreType.DMA,
        pltpu.SemaphoreType.DMA,
        pltpu.SemaphoreType.DMA,
        pltpu.SemaphoreType.DMA,
        pltpu.SemaphoreType.DMA,
        pltpu.SemaphoreType.DMA,
        pltpu.SemaphoreType.DMA,
    ],
)
def _k2_scan(
    x_hbm, tot_hbm, out_hbm,
    buf0, buf1, buf2, buf3, offs, gts, gos, tvm, excl,
    is0, is1, is2, is3, os0, os1, os2, os3,
):
    wid = _wid()
    d = wid // NS
    row0 = (wid % NS) * RPW
    iot = lax.iota(jnp.int32, 16)
    zeros = jnp.zeros((L,), jnp.int32)
    bufs = (buf0, buf1, buf2, buf3)
    isem = (is0, is1, is2, is3)
    osem = (os0, os1, os2, os3)

    def in_slice(ci):
        return x_hbm.at[d, pl.ds(row0 + ci * RPC2, RPC2), :]

    def out_slice(ci):
        return out_hbm.at[d, pl.ds(row0 + ci * RPC2, RPC2), :]

    pltpu.sync_copy(tot_hbm, tvm)
    t_a = plsc.load_gather(tvm, [iot, zeros])
    t_b = plsc.load_gather(tvm, [iot + L, zeros])
    s_a = plsc.cumsum(t_a)
    s_b = plsc.cumsum(t_b) + _splat_last(s_a)
    excl[pl.ds(0, L)] = s_a - t_a
    excl[pl.ds(L, L)] = s_b - t_b
    carry0 = plsc.load_gather(excl, [jnp.full((L,), wid, jnp.int32)])

    pltpu.async_copy(in_slice(0), buf0, is0)
    pltpu.async_copy(in_slice(1), buf1, is1)

    def quad_body(k, carry):
        for b in range(4):
            ci = k * 4 + b
            pre = (b + 2) % 4
            buf = bufs[b]

            @pl.when(ci >= 2)
            def _():
                pltpu.make_async_copy(bufs[pre], out_slice(0), osem[pre]).wait()

            @pl.when(ci + 2 < NCHUNK2)
            def _():
                pltpu.async_copy(in_slice(ci + 2), bufs[pre], isem[pre])

            pltpu.make_async_copy(in_slice(0), buf, isem[b]).wait()

            @plsc.parallel_loop(0, NG2, unroll=4)
            def p1(g):
                i = g >> 3
                cb = (g & 7) * (L * L)
                for j in range(L):
                    c = cb + j * L
                    buf[i, pl.ds(c, L)] = plsc.cumsum(buf[i, pl.ds(c, L)])

            @plsc.parallel_loop(0, NG2, unroll=4)
            def p1b(g):
                i = g >> 3
                cb = (g & 7) * (L * L)
                tg = plsc.load_gather(
                    buf, [jnp.full((L,), i, jnp.int32), cb + iot * L + (L - 1)]
                )
                sg = plsc.cumsum(tg)
                offs[pl.ds(g * L, L)] = sg - tg
                gts[pl.ds(g * L, L)] = _splat_last(sg)

            for gg in range(NG2 // L):
                gt = plsc.load_gather(gts, [(gg * L + iot) * L])
                sgt = plsc.cumsum(gt)
                gos[pl.ds(gg * L, L)] = sgt - gt + carry
                carry = carry + _splat_last(sgt)

            @plsc.parallel_loop(0, NG2, unroll=2)
            def p3(g):
                i = g >> 3
                cb = (g & 7) * (L * L)
                go = plsc.load_gather(gos, [jnp.full((L,), g, jnp.int32)])
                ov = offs[pl.ds(g * L, L)] + go
                for j in range(L):
                    c = cb + j * L
                    buf[i, pl.ds(c, L)] = buf[i, pl.ds(c, L)] + _splat_j(ov, j)

            pltpu.async_copy(buf, out_slice(ci), osem[b])

        return carry

    lax.fori_loop(0, NCHUNK2 // 4, quad_body, carry0)
    pltpu.make_async_copy(buf2, out_slice(0), os2).wait()
    pltpu.make_async_copy(buf3, out_slice(0), os3).wait()


def kernel(x):
    totals = _k1_totals(x)
    return _k2_scan(x, totals)

# --- scband reference (transcript-rebuilt; emitter-appended) ---
"""Pipeline reference for scband-model-new-23656679867343 (READ-ONLY COPY).

The authoritative reference and input builder live on the scoring server;
editing this copy changes nothing except your own understanding.
"""

import jax, jax.numpy as jnp
import numpy as np

def setup_inputs(seed: int = 0) -> dict:
    key = jax.random.key(seed)
    x = jax.random.normal(key, (2, 8192, 2048), dtype=jnp.float32)
    return {"x": x}

def reference(x):
    # Faithful to the CUDA kernel: it ignores `dim` and performs a cumulative
    # sum over the flattened tensor (input.numel() elements), writing into an
    # output of the same shape.
    flat = jnp.reshape(x, (-1,))
    out = jnp.cumsum(flat)
    return jnp.reshape(out, x.shape)

if __name__ == "__main__":
    import jax
    _d = setup_inputs()
    print(jax.jit(kernel)(*tuple(_d.values())))

</pallas_src>

<mosaic_0001>
#map = affine_map<(d0, d1) -> (0, 0, 0)>
#map1 = affine_map<(d0, d1) -> (0, 0)>
module attributes {stable_mosaic.version = 14 : i64} {
  func.func @_k1_totals(%arg0: i32, %arg1: i32, %arg2: memref<2x8192x2048xf32, #tpu.memory_space<hbm>>, %arg3: memref<32x16xf32, #tpu.memory_space<hbm>>, %arg4: memref<16x2048xf32, #tpu.memory_space<vmem>>, %arg5: memref<16x2048xf32, #tpu.memory_space<vmem>>, %arg6: memref<16xf32, #tpu.memory_space<vmem>>, %arg7: memref<!tpu.dma_semaphore, #tpu.memory_space<semaphore_mem>>, %arg8: memref<!tpu.dma_semaphore, #tpu.memory_space<semaphore_mem>>) attributes {dimension_semantics = [#tpu.dimension_semantics<core_parallel>, #tpu.dimension_semantics<subcore_parallel>], iteration_bounds = array<i64: 2, 16>, scalar_prefetch = 0 : i64, scratch_operands = 5 : i64, tpu.core_type = #tpu.core_type<sc_vector_subcore>, window_params = [{transform_indices = #map}, {transform_indices = #map1}]} {
    %mul3A = arith.constant 16 : i32
    %mul3A_0 = arith.muli %arg0, %mul3A : i32
    %add3A = arith.addi %mul3A_0, %arg1 : i32
    %jit3A = arith.constant 16 : i32
    %div3A = arith.divsi %add3A, %jit3A : i32
    %sign3A = arith.constant 0 : i32
    %sign3A_1 = arith.cmpi sgt, %add3A, %sign3A : i32
    %sign3A_2 = arith.extui %sign3A_1 : i1 to i32
    %sign3A_3 = arith.constant 0 : i32
    %sign3A_4 = arith.cmpi slt, %add3A, %sign3A_3 : i32
    %sign3A_5 = arith.extui %sign3A_4 : i1 to i32
    %sign3A_6 = arith.subi %sign3A_2, %sign3A_5 : i32
    %sign3A_7 = arith.constant 0 : i32
    %sign3A_8 = arith.cmpi sgt, %jit3A, %sign3A_7 : i32
    %sign3A_9 = arith.extui %sign3A_8 : i1 to i32
    %sign3A_10 = arith.constant 0 : i32
    %sign3A_11 = arith.cmpi slt, %jit3A, %sign3A_10 : i32
    %sign3A_12 = arith.extui %sign3A_11 : i1 to i32
    %sign3A_13 = arith.subi %sign3A_9, %sign3A_12 : i32
    %ne3A = arith.cmpi ne, %sign3A_6, %sign3A_13 : i32
    %rem3A = arith.remsi %add3A, %jit3A : i32
    %ne3A_14 = arith.constant 0 : i32
    %ne3A_15 = arith.cmpi ne, %rem3A, %ne3A_14 : i32
    %and3A = arith.andi %ne3A, %ne3A_15 : i1
    %sub3A = arith.constant 1 : i32
    %sub3A_16 = arith.subi %div3A, %sub3A : i32
    %select_n3A = arith.select %and3A, %sub3A_16, %div3A : i32
    %jit3A_17 = arith.constant 16 : i32
    %eq3A = arith.constant 0 : i32
    %eq3A_18 = arith.cmpi eq, %jit3A_17, %eq3A : i32
    %jit3A_19 = arith.constant 1 : i32
    %select_n3A_20 = arith.select %eq3A_18, %jit3A_19, %jit3A_17 : i32
    %rem3A_21 = arith.remsi %add3A, %select_n3A_20 : i32
    %ne3A_22 = arith.constant 0 : i32
    %ne3A_23 = arith.cmpi ne, %rem3A_21, %ne3A_22 : i32
    %lt3A = arith.constant 0 : i32
    %lt3A_24 = arith.cmpi slt, %rem3A_21, %lt3A : i32
    %lt3A_25 = arith.constant 0 : i32
    %lt3A_26 = arith.cmpi slt, %select_n3A_20, %lt3A_25 : i32
    %ne3A_27 = arith.xori %lt3A_24, %lt3A_26 : i1
    %and3A_28 = arith.andi %ne3A_27, %ne3A_23 : i1
    %add3A_29 = arith.addi %rem3A_21, %select_n3A_20 : i32
    %select_n3A_30 = arith.select %and3A_28, %add3A_29, %rem3A_21 : i32
    %mul3A_31 = arith.constant 512 : i32
    %mul3A_32 = arith.muli %select_n3A_30, %mul3A_31 : i32
    %add3A_33 = arith.constant 0 : i32
    %add3A_34 = arith.addi %mul3A_32, %add3A_33 : i32
    %dma_start3A = arith.constant 0 : i32
    %dma_start3A_35 = tpu.memref_slice %arg2[%select_n3A, %add3A_34, %dma_start3A] : memref<2x8192x2048xf32, #tpu.memory_space<hbm>> -> memref<1x16x2048xf32, #tpu.memory_space<hbm>>
    %dma_start3A_36 = tpu.memref_squeeze %dma_start3A_35 : memref<1x16x2048xf32, #tpu.memory_space<hbm>> -> memref<16x2048xf32, #tpu.memory_space<hbm>>
    %dma_start3A_37 = arith.constant 0 : i32
    %dma_start3A_38 = tpu.memref_slice %arg2[%select_n3A, %add3A_34, %dma_start3A_37] : memref<2x8192x2048xf32, #tpu.memory_space<hbm>> -> memref<1x16x2048xf32, #tpu.memory_space<hbm>>
    %dma_start3A_39 = tpu.memref_squeeze %dma_start3A_38 : memref<1x16x2048xf32, #tpu.memory_space<hbm>> -> memref<16x2048xf32, #tpu.memory_space<hbm>>
    tpu.enqueue_dma source(%dma_start3A_39 : memref<16x2048xf32, #tpu.memory_space<hbm>>) target(%arg4 : memref<16x2048xf32, #tpu.memory_space<vmem>>) target_semaphore(%arg7 : memref<!tpu.dma_semaphore, #tpu.memory_space<semaphore_mem>>)
    %add3A_40 = arith.constant 16 : i32
    %add3A_41 = arith.addi %mul3A_32, %add3A_40 : i32
    %dma_start3A_42 = arith.constant 0 : i32
    %dma_start3A_43 = tpu.memref_slice %arg2[%select_n3A, %add3A_41, %dma_start3A_42] : memref<2x8192x2048xf32, #tpu.memory_space<hbm>> -> memref<1x16x2048xf32, #tpu.memory_space<hbm>>
    %dma_start3A_44 = tpu.memref_squeeze %dma_start3A_43 : memref<1x16x2048xf32, #tpu.memory_space<hbm>> -> memref<16x2048xf32, #tpu.memory_space<hbm>>
    %dma_start3A_45 = arith.constant 0 : i32
    %dma_start3A_46 = tpu.memref_slice %arg2[%select_n3A, %add3A_41, %dma_start3A_45] : memref<2x8192x2048xf32, #tpu.memory_space<hbm>> -> memref<1x16x2048xf32, #tpu.memory_space<hbm>>
    %dma_start3A_47 = tpu.memref_squeeze %dma_start3A_46 : memref<1x16x2048xf32, #tpu.memory_space<hbm>> -> memref<16x2048xf32, #tpu.memory_space<hbm>>
    tpu.enqueue_dma source(%dma_start3A_47 : memref<16x2048xf32, #tpu.memory_space<hbm>>) target(%arg5 : memref<16x2048xf32, #tpu.memory_space<vmem>>) target_semaphore(%arg8 : memref<!tpu.dma_semaphore, #tpu.memory_space<semaphore_mem>>)
    %broadcast_in_dim3A = arith.constant 0.000000e+00 : f32
    %broadcast_in_dim3A_48 = vector.broadcast %broadcast_in_dim3A : f32 to vector<16xf32>
    %scan3A = arith.constant 0 : i32
    %scan3A_49 = arith.constant 16 : i32
    %scan3A_50 = arith.addi %scan3A, %scan3A_49 : i32
    %scan3A_51 = arith.constant 1 : i32
    %scan3A_52:4 = scf.for %scan3A_62 = %scan3A to %scan3A_50 step %scan3A_51 iter_args(%scan3A_63 = %broadcast_in_dim3A_48, %scan3A_64 = %broadcast_in_dim3A_48, %scan3A_65 = %broadcast_in_dim3A_48, %scan3A_66 = %broadcast_in_dim3A_48) -> (vector<16xf32>, vector<16xf32>, vector<16xf32>, vector<16xf32>)  : i32 {
      %mul3A_67 = arith.constant 2 : i32
      %mul3A_68 = arith.muli %scan3A_62, %mul3A_67 : i32
      %add3A_69 = arith.constant 0 : i32
      %add3A_70 = arith.addi %mul3A_68, %add3A_69 : i32
      %add3A_71 = arith.constant 0 : i32
      %add3A_72 = arith.addi %mul3A_32, %add3A_71 : i32
      %dma_wait3A = arith.constant 0 : i32
      %dma_wait3A_73 = tpu.memref_slice %arg2[%select_n3A, %add3A_72, %dma_wait3A] : memref<2x8192x2048xf32, #tpu.memory_space<hbm>> -> memref<1x16x2048xf32, #tpu.memory_space<hbm>>
      %dma_wait3A_74 = tpu.memref_squeeze %dma_wait3A_73 : memref<1x16x2048xf32, #tpu.memory_space<hbm>> -> memref<16x2048xf32, #tpu.memory_space<hbm>>
      %dma_wait3A_75 = arith.constant 0 : i32
      %dma_wait3A_76 = tpu.memref_slice %arg2[%select_n3A, %add3A_72, %dma_wait3A_75] : memref<2x8192x2048xf32, #tpu.memory_space<hbm>> -> memref<1x16x2048xf32, #tpu.memory_space<hbm>>
      %dma_wait3A_77 = tpu.memref_squeeze %dma_wait3A_76 : memref<1x16x2048xf32, #tpu.memory_space<hbm>> -> memref<16x2048xf32, #tpu.memory_space<hbm>>
      tpu.wait_dma2 semaphore(%arg7 : memref<!tpu.dma_semaphore, #tpu.memory_space<semaphore_mem>>) src(%dma_wait3A_77 : memref<16x2048xf32, #tpu.memory_space<hbm>>) dst(%arg4 : memref<16x2048xf32, #tpu.memory_space<vmem>>)
      %parallel_loop3A = arith.constant 0 : i32
      %parallel_loop3A_78 = arith.constant 512 : i32
      %parallel_loop3A_79 = arith.constant 1 : i32
      %parallel_loop3A_80:4 = scf.for %parallel_loop3A_109 = %parallel_loop3A to %parallel_loop3A_78 step %parallel_loop3A_79 iter_args(%parallel_loop3A_110 = %scan3A_63, %parallel_loop3A_111 = %scan3A_64, %parallel_loop3A_112 = %scan3A_65, %parallel_loop3A_113 = %scan3A_66) -> (vector<16xf32>, vector<16xf32>, vector<16xf32>, vector<16xf32>)  : i32 {
        %parallel_loop3A_114 = arith.constant 5 : i32
        %parallel_loop3A_115 = arith.shrsi %parallel_loop3A_109, %parallel_loop3A_114 : i32
        %parallel_loop3A_116 = arith.constant 31 : i32
        %parallel_loop3A_117 = arith.andi %parallel_loop3A_109, %parallel_loop3A_116 : i32
        %parallel_loop3A_118 = arith.constant 64 : i32
        %parallel_loop3A_119 = arith.muli %parallel_loop3A_117, %parallel_loop3A_118 : i32
        %parallel_loop3A_120 = arith.index_cast %parallel_loop3A_115 : i32 to index
        %parallel_loop3A_121 = arith.index_cast %parallel_loop3A_119 : i32 to index
        %parallel_loop3A_122 = tpu.vector_load %arg4[%parallel_loop3A_120, %parallel_loop3A_121] {strides = array<i32>} : memref<16x2048xf32, #tpu.memory_space<vmem>>, vector<16xf32>,
        %parallel_loop3A_123 = arith.addf %parallel_loop3A_110, %parallel_loop3A_122 : vector<16xf32>
        %parallel_loop3A_124 = arith.constant 16 : i32
        %parallel_loop3A_125 = arith.addi %parallel_loop3A_119, %parallel_loop3A_124 : i32
        %parallel_loop3A_126 = arith.index_cast %parallel_loop3A_115 : i32 to index
        %parallel_loop3A_127 = arith.index_cast %parallel_loop3A_125 : i32 to index
        %parallel_loop3A_128 = tpu.vector_load %arg4[%parallel_loop3A_126, %parallel_loop3A_127] {strides = array<i32>} : memref<16x2048xf32, #tpu.memory_space<vmem>>, vector<16xf32>,
        %parallel_loop3A_129 = arith.addf %parallel_loop3A_111, %parallel_loop3A_128 : vector<16xf32>
        %parallel_loop3A_130 = arith.constant 32 : i32
        %parallel_loop3A_131 = arith.addi %parallel_loop3A_119, %parallel_loop3A_130 : i32
        %parallel_loop3A_132 = arith.index_cast %parallel_loop3A_115 : i32 to index
        %parallel_loop3A_133 = arith.index_cast %parallel_loop3A_131 : i32 to index
        %parallel_loop3A_134 = tpu.vector_load %arg4[%parallel_loop3A_132, %parallel_loop3A_133] {strides = array<i32>} : memref<16x2048xf32, #tpu.memory_space<vmem>>, vector<16xf32>,
        %parallel_loop3A_135 = arith.addf %parallel_loop3A_112, %parallel_loop3A_134 : vector<16xf32>
        %parallel_loop3A_136 = arith.constant 48 : i32
        %parallel_loop3A_137 = arith.addi %parallel_loop3A_119, %parallel_loop3A_136 : i32
        %parallel_loop3A_138 = arith.index_cast %parallel_loop3A_115 : i32 to index
        %parallel_loop3A_139 = arith.index_cast %parallel_loop3A_137 : i32 to index
        %parallel_loop3A_140 = tpu.vector_load %arg4[%parallel_loop3A_138, %parallel_loop3A_139] {strides = array<i32>} : memref<16x2048xf32, #tpu.memory_space<vmem>>, vector<16xf32>,
        %parallel_loop3A_141 = arith.addf %parallel_loop3A_113, %parallel_loop3A_140 : vector<16xf32>
        scf.yield %parallel_loop3A_123, %parallel_loop3A_129, %parallel_loop3A_135, %parallel_loop3A_141 : vector<16xf32>, vector<16xf32>, vector<16xf32>, vector<16xf32>
      } {sc.loop_unroll_factor = 2 : i64, sc.parallel_access}
      %add3A_81 = arith.constant 2 : i32
      %add3A_82 = arith.addi %add3A_70, %add3A_81 : i32
      %lt3A_83 = arith.constant 32 : i32
      %lt3A_84 = arith.cmpi slt, %add3A_82, %lt3A_83 : i32
      %convert_element_type3A = arith.extui %lt3A_84 : i1 to i32
      %cond3A = arith.constant 0 : i32
      %cond3A_85 = arith.cmpi ne, %convert_element_type3A, %cond3A : i32
      scf.if %cond3A_85 {
        %add3A_109 = arith.constant 2 : i32
        %add3A_110 = arith.addi %add3A_70, %add3A_109 : i32
        %mul3A_111 = arith.constant 16 : i32
        %mul3A_112 = arith.muli %add3A_110, %mul3A_111 : i32
        %add3A_113 = arith.addi %mul3A_32, %mul3A_112 : i32
        %dma_start3A_114 = arith.constant 0 : i32
        %dma_start3A_115 = tpu.memref_slice %arg2[%select_n3A, %add3A_113, %dma_start3A_114] : memref<2x8192x2048xf32, #tpu.memory_space<hbm>> -> memref<1x16x2048xf32, #tpu.memory_space<hbm>>
        %dma_start3A_116 = tpu.memref_squeeze %dma_start3A_115 : memref<1x16x2048xf32, #tpu.memory_space<hbm>> -> memref<16x2048xf32, #tpu.memory_space<hbm>>
        %dma_start3A_117 = arith.constant 0 : i32
        %dma_start3A_118 = tpu.memref_slice %arg2[%select_n3A, %add3A_113, %dma_start3A_117] : memref<2x8192x2048xf32, #tpu.memory_space<hbm>> -> memref<1x16x2048xf32, #tpu.memory_space<hbm>>
        %dma_start3A_119 = tpu.memref_squeeze %dma_start3A_118 : memref<1x16x2048xf32, #tpu.memory_space<hbm>> -> memref<16x2048xf32, #tpu.memory_space<hbm>>
        tpu.enqueue_dma source(%dma_start3A_119 : memref<16x2048xf32, #tpu.memory_space<hbm>>) target(%arg4 : memref<16x2048xf32, #tpu.memory_space<vmem>>) target_semaphore(%arg7 : memref<!tpu.dma_semaphore, #tpu.memory_space<semaphore_mem>>)
      } else {
      }
      %mul3A_86 = arith.constant 2 : i32
      %mul3A_87 = arith.muli %scan3A_62, %mul3A_86 : i32
      %add3A_88 = arith.constant 1 : i32
      %add3A_89 = arith.addi %mul3A_87, %add3A_88 : i32
      %add3A_90 = arith.constant 0 : i32
      %add3A_91 = arith.addi %mul3A_32, %add3A_90 : i32
      %dma_wait3A_92 = arith.constant 0 : i32
      %dma_wait3A_93 = tpu.memref_slice %arg2[%select_n3A, %add3A_91, %dma_wait3A_92] : memref<2x8192x2048xf32, #tpu.memory_space<hbm>> -> memref<1x16x2048xf32, #tpu.memory_space<hbm>>
      %dma_wait3A_94 = tpu.memref_squeeze %dma_wait3A_93 : memref<1x16x2048xf32, #tpu.memory_space<hbm>> -> memref<16x2048xf32, #tpu.memory_space<hbm>>
      %dma_wait3A_95 = arith.constant 0 : i32
      %dma_wait3A_96 = tpu.memref_slice %arg2[%select_n3A, %add3A_91, %dma_wait3A_95] : memref<2x8192x2048xf32, #tpu.memory_space<hbm>> -> memref<1x16x2048xf32, #tpu.memory_space<hbm>>
      %dma_wait3A_97 = tpu.memref_squeeze %dma_wait3A_96 : memref<1x16x2048xf32, #tpu.memory_space<hbm>> -> memref<16x2048xf32, #tpu.memory_space<hbm>>
      tpu.wait_dma2 semaphore(%arg8 : memref<!tpu.dma_semaphore, #tpu.memory_space<semaphore_mem>>) src(%dma_wait3A_97 : memref<16x2048xf32, #tpu.memory_space<hbm>>) dst(%arg5 : memref<16x2048xf32, #tpu.memory_space<vmem>>)
      %parallel_loop3A_98 = arith.constant 0 : i32
      %parallel_loop3A_99 = arith.constant 512 : i32
      %parallel_loop3A_100 = arith.constant 1 : i32
      %parallel_loop3A_101:4 = scf.for %parallel_loop3A_109 = %parallel_loop3A_98 to %parallel_loop3A_99 step %parallel_loop3A_100 iter_args(%parallel_loop3A_110 = %parallel_loop3A_80#0, %parallel_loop3A_111 = %parallel_loop3A_80#1, %parallel_loop3A_112 = %parallel_loop3A_80#2, %parallel_loop3A_113 = %parallel_loop3A_80#3) -> (vector<16xf32>, vector<16xf32>, vector<16xf32>, vector<16xf32>)  : i32 {
        %parallel_loop3A_114 = arith.constant 5 : i32
        %parallel_loop3A_115 = arith.shrsi %parallel_loop3A_109, %parallel_loop3A_114 : i32
        %parallel_loop3A_116 = arith.constant 31 : i32
        %parallel_loop3A_117 = arith.andi %parallel_loop3A_109, %parallel_loop3A_116 : i32
        %parallel_loop3A_118 = arith.constant 64 : i32
        %parallel_loop3A_119 = arith.muli %parallel_loop3A_117, %parallel_loop3A_118 : i32
        %parallel_loop3A_120 = arith.index_cast %parallel_loop3A_115 : i32 to index
        %parallel_loop3A_121 = arith.index_cast %parallel_loop3A_119 : i32 to index
        %parallel_loop3A_122 = tpu.vector_load %arg5[%parallel_loop3A_120, %parallel_loop3A_121] {strides = array<i32>} : memref<16x2048xf32, #tpu.memory_space<vmem>>, vector<16xf32>,
        %parallel_loop3A_123 = arith.addf %parallel_loop3A_110, %parallel_loop3A_122 : vector<16xf32>
        %parallel_loop3A_124 = arith.constant 16 : i32
        %parallel_loop3A_125 = arith.addi %parallel_loop3A_119, %parallel_loop3A_124 : i32
        %parallel_loop3A_126 = arith.index_cast %parallel_loop3A_115 : i32 to index
        %parallel_loop3A_127 = arith.index_cast %parallel_loop3A_125 : i32 to index
        %parallel_loop3A_128 = tpu.vector_load %arg5[%parallel_loop3A_126, %parallel_loop3A_127] {strides = array<i32>} : memref<16x2048xf32, #tpu.memory_space<vmem>>, vector<16xf32>,
        %parallel_loop3A_129 = arith.addf %parallel_loop3A_111, %parallel_loop3A_128 : vector<16xf32>
        %parallel_loop3A_130 = arith.constant 32 : i32
        %parallel_loop3A_131 = arith.addi %parallel_loop3A_119, %parallel_loop3A_130 : i32
        %parallel_loop3A_132 = arith.index_cast %parallel_loop3A_115 : i32 to index
        %parallel_loop3A_133 = arith.index_cast %parallel_loop3A_131 : i32 to index
        %parallel_loop3A_134 = tpu.vector_load %arg5[%parallel_loop3A_132, %parallel_loop3A_133] {strides = array<i32>} : memref<16x2048xf32, #tpu.memory_space<vmem>>, vector<16xf32>,
        %parallel_loop3A_135 = arith.addf %parallel_loop3A_112, %parallel_loop3A_134 : vector<16xf32>
        %parallel_loop3A_136 = arith.constant 48 : i32
        %parallel_loop3A_137 = arith.addi %parallel_loop3A_119, %parallel_loop3A_136 : i32
        %parallel_loop3A_138 = arith.index_cast %parallel_loop3A_115 : i32 to index
        %parallel_loop3A_139 = arith.index_cast %parallel_loop3A_137 : i32 to index
        %parallel_loop3A_140 = tpu.vector_load %arg5[%parallel_loop3A_138, %parallel_loop3A_139] {strides = array<i32>} : memref<16x2048xf32, #tpu.memory_space<vmem>>, vector<16xf32>,
        %parallel_loop3A_141 = arith.addf %parallel_loop3A_113, %parallel_loop3A_140 : vector<16xf32>
        scf.yield %parallel_loop3A_123, %parallel_loop3A_129, %parallel_loop3A_135, %parallel_loop3A_141 : vector<16xf32>, vector<16xf32>, vector<16xf32>, vector<16xf32>
      } {sc.loop_unroll_factor = 2 : i64, sc.parallel_access}
      %add3A_102 = arith.constant 2 : i32
      %add3A_103 = arith.addi %add3A_89, %add3A_102 : i32
      %lt3A_104 = arith.constant 32 : i32
      %lt3A_105 = arith.cmpi slt, %add3A_103, %lt3A_104 : i32
      %convert_element_type3A_106 = arith.extui %lt3A_105 : i1 to i32
      %cond3A_107 = arith.constant 0 : i32
      %cond3A_108 = arith.cmpi ne, %convert_element_type3A_106, %cond3A_107 : i32
      scf.if %cond3A_108 {
        %add3A_109 = arith.constant 2 : i32
        %add3A_110 = arith.addi %add3A_89, %add3A_109 : i32
        %mul3A_111 = arith.constant 16 : i32
        %mul3A_112 = arith.muli %add3A_110, %mul3A_111 : i32
        %add3A_113 = arith.addi %mul3A_32, %mul3A_112 : i32
        %dma_start3A_114 = arith.constant 0 : i32
        %dma_start3A_115 = tpu.memref_slice %arg2[%select_n3A, %add3A_113, %dma_start3A_114] : memref<2x8192x2048xf32, #tpu.memory_space<hbm>> -> memref<1x16x2048xf32, #tpu.memory_space<hbm>>
        %dma_start3A_116 = tpu.memref_squeeze %dma_start3A_115 : memref<1x16x2048xf32, #tpu.memory_space<hbm>> -> memref<16x2048xf32, #tpu.memory_space<hbm>>
        %dma_start3A_117 = arith.constant 0 : i32
        %dma_start3A_118 = tpu.memref_slice %arg2[%select_n3A, %add3A_113, %dma_start3A_117] : memref<2x8192x2048xf32, #tpu.memory_space<hbm>> -> memref<1x16x2048xf32, #tpu.memory_space<hbm>>
        %dma_start3A_119 = tpu.memref_squeeze %dma_start3A_118 : memref<1x16x2048xf32, #tpu.memory_space<hbm>> -> memref<16x2048xf32, #tpu.memory_space<hbm>>
        tpu.enqueue_dma source(%dma_start3A_119 : memref<16x2048xf32, #tpu.memory_space<hbm>>) target(%arg5 : memref<16x2048xf32, #tpu.memory_space<vmem>>) target_semaphore(%arg8 : memref<!tpu.dma_semaphore, #tpu.memory_space<semaphore_mem>>)
      } else {
      }
      scf.yield %parallel_loop3A_101#0, %parallel_loop3A_101#1, %parallel_loop3A_101#2, %parallel_loop3A_101#3 : vector<16xf32>, vector<16xf32>, vector<16xf32>, vector<16xf32>
    }
    %scan3A_53 = arith.constant 16 : i32
    %add3A_54 = arith.addf %scan3A_52#0, %scan3A_52#1 : vector<16xf32>
    %add3A_55 = arith.addf %add3A_54, %scan3A_52#2 : vector<16xf32>
    %add3A_56 = arith.addf %add3A_55, %scan3A_52#3 : vector<16xf32>
    %reduce_sum3A = arith.constant true
    %reduce_sum3A_57 = vector.broadcast %reduce_sum3A : i1 to vector<16xi1>
    %reduce_sum3A_58 = tpu.scan <sum>, %add3A_56 masked %reduce_sum3A_57 : vector<16xf32>, vector<16xi1> -> vector<16xf32>
    %reduce_sum3A_59 = vector.extract %reduce_sum3A_58[15] : f32 from vector<16xf32>
    %broadcast_in_dim3A_60 = vector.broadcast %reduce_sum3A_59 : f32 to vector<16xf32>
    %swap3A = arith.constant 0 : index
    %swap3A_61 = tpu.vector_load %arg6[%swap3A] {strides = array<i32>} : memref<16xf32, #tpu.memory_space<vmem>>, vector<16xf32>,
    tpu.vector_store %arg6[%swap3A], %broadcast_in_dim3A_60 {strides = array<i32>} : memref<16xf32, #tpu.memory_space<vmem>>, vector<16xf32>,
    "tpu.region"() ({
      %run_scoped3A = tpu.sem_alloc : memref<!tpu.dma_semaphore, #tpu.memory_space<semaphore_mem>>
      %dma_start3A_62 = arith.constant 0 : i32
      %dma_start3A_63 = tpu.memref_slice %arg3[%add3A, %dma_start3A_62] : memref<32x16xf32, #tpu.memory_space<hbm>> -> memref<1x16xf32, #tpu.memory_space<hbm>>
      %dma_start3A_64 = tpu.memref_squeeze %dma_start3A_63 : memref<1x16xf32, #tpu.memory_space<hbm>> -> memref<16xf32, #tpu.memory_space<hbm>>
      %dma_start3A_65 = arith.constant 0 : i32
      %dma_start3A_66 = tpu.memref_slice %arg3[%add3A, %dma_start3A_65] : memref<32x16xf32, #tpu.memory_space<hbm>> -> memref<1x16xf32, #tpu.memory_space<hbm>>
      %dma_start3A_67 = tpu.memref_squeeze %dma_start3A_66 : memref<1x16xf32, #tpu.memory_space<hbm>> -> memref<16xf32, #tpu.memory_space<hbm>>
      tpu.enqueue_dma source(%arg6 : memref<16xf32, #tpu.memory_space<vmem>>) target(%dma_start3A_67 : memref<16xf32, #tpu.memory_space<hbm>>) target_semaphore(%run_scoped3A : memref<!tpu.dma_semaphore, #tpu.memory_space<semaphore_mem>>)
      %dma_wait3A = arith.constant 0 : i32
      %dma_wait3A_68 = tpu.memref_slice %arg3[%add3A, %dma_wait3A] : memref<32x16xf32, #tpu.memory_space<hbm>> -> memref<1x16xf32, #tpu.memory_space<hbm>>
      %dma_wait3A_69 = tpu.memref_squeeze %dma_wait3A_68 : memref<1x16xf32, #tpu.memory_space<hbm>> -> memref<16xf32, #tpu.memory_space<hbm>>
      %dma_wait3A_70 = arith.constant 0 : i32
      %dma_wait3A_71 = tpu.memref_slice %arg3[%add3A, %dma_wait3A_70] : memref<32x16xf32, #tpu.memory_space<hbm>> -> memref<1x16xf32, #tpu.memory_space<hbm>>
      %dma_wait3A_72 = tpu.memref_squeeze %dma_wait3A_71 : memref<1x16xf32, #tpu.memory_space<hbm>> -> memref<16xf32, #tpu.memory_space<hbm>>
      tpu.wait_dma2 semaphore(%run_scoped3A : memref<!tpu.dma_semaphore, #tpu.memory_space<semaphore_mem>>) src(%arg6 : memref<16xf32, #tpu.memory_space<vmem>>) dst(%dma_wait3A_72 : memref<16xf32, #tpu.memory_space<hbm>>)
      tpu.yield
    }) : () -> ()
    return
  }
}

#map = affine_map<(d0, d1) -> (0, 0, 0)>
#map1 = affine_map<(d0, d1) -> (0, 0)>
module attributes {stable_mosaic.version = 14 : i64} {
  func.func @_k2_scan(%arg0: i32, %arg1: i32, %arg2: memref<2x8192x2048xf32, #tpu.memory_space<hbm>>, %arg3: memref<32x16xf32, #tpu.memory_space<hbm>>, %arg4: memref<2x8192x2048xf32, #tpu.memory_space<hbm>>, %arg5: memref<8x2048xf32, #tpu.memory_space<vmem>>, %arg6: memref<8x2048xf32, #tpu.memory_space<vmem>>, %arg7: memref<8x2048xf32, #tpu.memory_space<vmem>>, %arg8: memref<8x2048xf32, #tpu.memory_space<vmem>>, %arg9: memref<1024xf32, #tpu.memory_space<vmem>>, %arg10: memref<1024xf32, #tpu.memory_space<vmem>>, %arg11: memref<64xf32, #tpu.memory_space<vmem>>, %arg12: memref<32x16xf32, #tpu.memory_space<vmem>>, %arg13: memref<32xf32, #tpu.memory_space<vmem>>, %arg14: memref<!tpu.dma_semaphore, #tpu.memory_space<semaphore_mem>>, %arg15: memref<!tpu.dma_semaphore, #tpu.memory_space<semaphore_mem>>, %arg16: memref<!tpu.dma_semaphore, #tpu.memory_space<semaphore_mem>>, %arg17: memref<!tpu.dma_semaphore, #tpu.memory_space<semaphore_mem>>, %arg18: memref<!tpu.dma_semaphore, #tpu.memory_space<semaphore_mem>>, %arg19: memref<!tpu.dma_semaphore, #tpu.memory_space<semaphore_mem>>, %arg20: memref<!tpu.dma_semaphore, #tpu.memory_space<semaphore_mem>>, %arg21: memref<!tpu.dma_semaphore, #tpu.memory_space<semaphore_mem>>) attributes {dimension_semantics = [#tpu.dimension_semantics<core_parallel>, #tpu.dimension_semantics<subcore_parallel>], iteration_bounds = array<i64: 2, 16>, scalar_prefetch = 0 : i64, scratch_operands = 17 : i64, tpu.core_type = #tpu.core_type<sc_vector_subcore>, window_params = [{transform_indices = #map}, {transform_indices = #map1}, {transform_indices = #map}]} {
    %mul3A = arith.constant 16 : i32
    %mul3A_0 = arith.muli %arg0, %mul3A : i32
    %add3A = arith.addi %mul3A_0, %arg1 : i32
    %jit3A = arith.constant 16 : i32
    %div3A = arith.divsi %add3A, %jit3A : i32
    %sign3A = arith.constant 0 : i32
    %sign3A_1 = arith.cmpi sgt, %add3A, %sign3A : i32
    %sign3A_2 = arith.extui %sign3A_1 : i1 to i32
    %sign3A_3 = arith.constant 0 : i32
    %sign3A_4 = arith.cmpi slt, %add3A, %sign3A_3 : i32
    %sign3A_5 = arith.extui %sign3A_4 : i1 to i32
    %sign3A_6 = arith.subi %sign3A_2, %sign3A_5 : i32
    %sign3A_7 = arith.constant 0 : i32
    %sign3A_8 = arith.cmpi sgt, %jit3A, %sign3A_7 : i32
    %sign3A_9 = arith.extui %sign3A_8 : i1 to i32
    %sign3A_10 = arith.constant 0 : i32
    %sign3A_11 = arith.cmpi slt, %jit3A, %sign3A_10 : i32
    %sign3A_12 = arith.extui %sign3A_11 : i1 to i32
    %sign3A_13 = arith.subi %sign3A_9, %sign3A_12 : i32
    %ne3A = arith.cmpi ne, %sign3A_6, %sign3A_13 : i32
    %rem3A = arith.remsi %add3A, %jit3A : i32
    %ne3A_14 = arith.constant 0 : i32
    %ne3A_15 = arith.cmpi ne, %rem3A, %ne3A_14 : i32
    %and3A = arith.andi %ne3A, %ne3A_15 : i1
    %sub3A = arith.constant 1 : i32
    %sub3A_16 = arith.subi %div3A, %sub3A : i32
    %select_n3A = arith.select %and3A, %sub3A_16, %div3A : i32
    %jit3A_17 = arith.constant 16 : i32
    %eq3A = arith.constant 0 : i32
    %eq3A_18 = arith.cmpi eq, %jit3A_17, %eq3A : i32
    %jit3A_19 = arith.constant 1 : i32
    %select_n3A_20 = arith.select %eq3A_18, %jit3A_19, %jit3A_17 : i32
    %rem3A_21 = arith.remsi %add3A, %select_n3A_20 : i32
    %ne3A_22 = arith.constant 0 : i32
    %ne3A_23 = arith.cmpi ne, %rem3A_21, %ne3A_22 : i32
    %lt3A = arith.constant 0 : i32
    %lt3A_24 = arith.cmpi slt, %rem3A_21, %lt3A : i32
    %lt3A_25 = arith.constant 0 : i32
    %lt3A_26 = arith.cmpi slt, %select_n3A_20, %lt3A_25 : i32
    %ne3A_27 = arith.xori %lt3A_24, %lt3A_26 : i1
    %and3A_28 = arith.andi %ne3A_27, %ne3A_23 : i1
    %add3A_29 = arith.addi %rem3A_21, %select_n3A_20 : i32
    %select_n3A_30 = arith.select %and3A_28, %add3A_29, %rem3A_21 : i32
    %mul3A_31 = arith.constant 512 : i32
    %mul3A_32 = arith.muli %select_n3A_30, %mul3A_31 : i32
    %iota3A = tpu.iota {dimensions = array<i32: 0>} : vector<16xi32>
    %broadcast_in_dim3A = arith.constant 0 : i32
    %broadcast_in_dim3A_33 = vector.broadcast %broadcast_in_dim3A : i32 to vector<16xi32>
    "tpu.region"() ({
      %run_scoped3A = tpu.sem_alloc : memref<!tpu.dma_semaphore, #tpu.memory_space<semaphore_mem>>
      tpu.enqueue_dma source(%arg3 : memref<32x16xf32, #tpu.memory_space<hbm>>) target(%arg12 : memref<32x16xf32, #tpu.memory_space<vmem>>) target_semaphore(%run_scoped3A : memref<!tpu.dma_semaphore, #tpu.memory_space<semaphore_mem>>)
      tpu.wait_dma2 semaphore(%run_scoped3A : memref<!tpu.dma_semaphore, #tpu.memory_space<semaphore_mem>>) src(%arg3 : memref<32x16xf32, #tpu.memory_space<hbm>>) dst(%arg12 : memref<32x16xf32, #tpu.memory_space<vmem>>)
      tpu.yield
    }) : () -> ()
    %gather3A = tpu.vector_load_idx %arg12[%iota3A, %broadcast_in_dim3A_33] : memref<32x16xf32, #tpu.memory_space<vmem>>[vector<16xi32>, vector<16xi32>], vector<16xf32>,
    %add3A_34 = arith.constant 16 : i32
    %add3A_35 = vector.broadcast %add3A_34 : i32 to vector<16xi32>
    %add3A_36 = arith.addi %iota3A, %add3A_35 : vector<16xi32>
    %gather3A_37 = tpu.vector_load_idx %arg12[%add3A_36, %broadcast_in_dim3A_33] : memref<32x16xf32, #tpu.memory_space<vmem>>[vector<16xi32>, vector<16xi32>], vector<16xf32>,
    %broadcast_in_dim3A_38 = arith.constant true
    %broadcast_in_dim3A_39 = vector.broadcast %broadcast_in_dim3A_38 : i1 to vector<16xi1>
    %masked_cumsum3A = tpu.scan <sum>, %gather3A masked %broadcast_in_dim3A_39 : vector<16xf32>, vector<16xi1> -> vector<16xf32>
    %broadcast_in_dim3A_40 = arith.constant true
    %broadcast_in_dim3A_41 = vector.broadcast %broadcast_in_dim3A_40 : i1 to vector<16xi1>
    %masked_cumsum3A_42 = tpu.scan <sum>, %gather3A_37 masked %broadcast_in_dim3A_41 : vector<16xf32>, vector<16xi1> -> vector<16xf32>
    %broadcast_in_dim3A_43 = arith.constant 15 : i32
    %broadcast_in_dim3A_44 = vector.broadcast %broadcast_in_dim3A_43 : i32 to vector<16x1xi32>
    %gather3A_45 = vector.shape_cast %broadcast_in_dim3A_44 : vector<16x1xi32> to vector<16xi32>
    %gather3A_46 = tpu.dynamic_gather %masked_cumsum3A[%gather3A_45] in [0] : vector<16xf32>, vector<16xi32> -> vector<16xf32>
    %add3A_47 = arith.addf %masked_cumsum3A_42, %gather3A_46 : vector<16xf32>
    %sub3A_48 = arith.subf %masked_cumsum3A, %gather3A : vector<16xf32>
    %swap3A = arith.constant 0 : index
    %swap3A_49 = tpu.vector_load %arg13[%swap3A] {strides = array<i32>} : memref<32xf32, #tpu.memory_space<vmem>>, vector<16xf32>,
    tpu.vector_store %arg13[%swap3A], %sub3A_48 {strides = array<i32>} : memref<32xf32, #tpu.memory_space<vmem>>, vector<16xf32>,
    %sub3A_50 = arith.subf %add3A_47, %gather3A_37 : vector<16xf32>
    %swap3A_51 = arith.constant 16 : index
    %swap3A_52 = tpu.vector_load %arg13[%swap3A_51] {strides = array<i32>} : memref<32xf32, #tpu.memory_space<vmem>>, vector<16xf32>,
    tpu.vector_store %arg13[%swap3A_51], %sub3A_50 {strides = array<i32>} : memref<32xf32, #tpu.memory_space<vmem>>, vector<16xf32>,
    %broadcast_in_dim3A_53 = vector.broadcast %add3A : i32 to vector<16xi32>
    %gather3A_54 = tpu.vector_load_idx %arg13[%broadcast_in_dim3A_53] : memref<32xf32, #tpu.memory_space<vmem>>[vector<16xi32>], vector<16xf32>,
    %add3A_55 = arith.constant 0 : i32
    %add3A_56 = arith.addi %mul3A_32, %add3A_55 : i32
    %dma_start3A = arith.constant 0 : i32
    %dma_start3A_57 = tpu.memref_slice %arg2[%select_n3A, %add3A_56, %dma_start3A] : memref<2x8192x2048xf32, #tpu.memory_space<hbm>> -> memref<1x8x2048xf32, #tpu.memory_space<hbm>>
    %dma_start3A_58 = tpu.memref_squeeze %dma_start3A_57 : memref<1x8x2048xf32, #tpu.memory_space<hbm>> -> memref<8x2048xf32, #tpu.memory_space<hbm>>
    %dma_start3A_59 = arith.constant 0 : i32
    %dma_start3A_60 = tpu.memref_slice %arg2[%select_n3A, %add3A_56, %dma_start3A_59] : memref<2x8192x2048xf32, #tpu.memory_space<hbm>> -> memref<1x8x2048xf32, #tpu.memory_space<hbm>>
    %dma_start3A_61 = tpu.memref_squeeze %dma_start3A_60 : memref<1x8x2048xf32, #tpu.memory_space<hbm>> -> memref<8x2048xf32, #tpu.memory_space<hbm>>
    tpu.enqueue_dma source(%dma_start3A_61 : memref<8x2048xf32, #tpu.memory_space<hbm>>) target(%arg5 : memref<8x2048xf32, #tpu.memory_space<vmem>>) target_semaphore(%arg14 : memref<!tpu.dma_semaphore, #tpu.memory_space<semaphore_mem>>)
    %add3A_62 = arith.constant 8 : i32
    %add3A_63 = arith.addi %mul3A_32, %add3A_62 : i32
    %dma_start3A_64 = arith.constant 0 : i32
    %dma_start3A_65 = tpu.memref_slice %arg2[%select_n3A, %add3A_63, %dma_start3A_64] : memref<2x8192x2048xf32, #tpu.memory_space<hbm>> -> memref<1x8x2048xf32, #tpu.memory_space<hbm>>
    %dma_start3A_66 = tpu.memref_squeeze %dma_start3A_65 : memref<1x8x2048xf32, #tpu.memory_space<hbm>> -> memref<8x2048xf32, #tpu.memory_space<hbm>>
    %dma_start3A_67 = arith.constant 0 : i32
    %dma_start3A_68 = tpu.memref_slice %arg2[%select_n3A, %add3A_63, %dma_start3A_67] : memref<2x8192x2048xf32, #tpu.memory_space<hbm>> -> memref<1x8x2048xf32, #tpu.memory_space<hbm>>
    %dma_start3A_69 = tpu.memref_squeeze %dma_start3A_68 : memref<1x8x2048xf32, #tpu.memory_space<hbm>> -> memref<8x2048xf32, #tpu.memory_space<hbm>>
    tpu.enqueue_dma source(%dma_start3A_69 : memref<8x2048xf32, #tpu.memory_space<hbm>>) target(%arg6 : memref<8x2048xf32, #tpu.memory_space<vmem>>) target_semaphore(%arg15 : memref<!tpu.dma_semaphore, #tpu.memory_space<semaphore_mem>>)
    %scan3A = arith.constant 0 : i32
    %scan3A_70 = arith.constant 16 : i32
    %scan3A_71 = arith.addi %scan3A, %scan3A_70 : i32
    %scan3A_72 = arith.constant 1 : i32
    %scan3A_73 = scf.for %scan3A_90 = %scan3A to %scan3A_71 step %scan3A_72 iter_args(%scan3A_91 = %gather3A_54) -> (vector<16xf32>)  : i32 {
      %mul3A_92 = arith.constant 4 : i32
      %mul3A_93 = arith.muli %scan3A_90, %mul3A_92 : i32
      %add3A_94 = arith.constant 0 : i32
      %add3A_95 = arith.addi %mul3A_93, %add3A_94 : i32
      %ge3A = arith.constant 2 : i32
      %ge3A_96 = arith.cmpi sge, %add3A_95, %ge3A : i32
      %convert_element_type3A = arith.extui %ge3A_96 : i1 to i32
      %cond3A = arith.constant 0 : i32
      %cond3A_97 = arith.cmpi ne, %convert_element_type3A, %cond3A : i32
      scf.if %cond3A_97 {
        %add3A_560 = arith.constant 0 : i32
        %add3A_561 = arith.addi %mul3A_32, %add3A_560 : i32
        %dma_wait3A_562 = arith.constant 0 : i32
        %dma_wait3A_563 = tpu.memref_slice %arg4[%select_n3A, %add3A_561, %dma_wait3A_562] : memref<2x8192x2048xf32, #tpu.memory_space<hbm>> -> memref<1x8x2048xf32, #tpu.memory_space<hbm>>
        %dma_wait3A_564 = tpu.memref_squeeze %dma_wait3A_563 : memref<1x8x2048xf32, #tpu.memory_space<hbm>> -> memref<8x2048xf32, #tpu.memory_space<hbm>>
        %dma_wait3A_565 = arith.constant 0 : i32
        %dma_wait3A_566 = tpu.memref_slice %arg4[%select_n3A, %add3A_561, %dma_wait3A_565] : memref<2x8192x2048xf32, #tpu.memory_space<hbm>> -> memref<1x8x2048xf32, #tpu.memory_space<hbm>>
        %dma_wait3A_567 = tpu.memref_squeeze %dma_wait3A_566 : memref<1x8x2048xf32, #tpu.memory_space<hbm>> -> memref<8x2048xf32, #tpu.memory_space<hbm>>
        tpu.wait_dma2 semaphore(%arg20 : memref<!tpu.dma_semaphore, #tpu.memory_space<semaphore_mem>>) src(%arg7 : memref<8x2048xf32, #tpu.memory_space<vmem>>) dst(%dma_wait3A_567 : memref<8x2048xf32, #tpu.memory_space<hbm>>)
      } else {
      }
      %add3A_98 = arith.constant 2 : i32
      %add3A_99 = arith.addi %add3A_95, %add3A_98 : i32
      %lt3A_100 = arith.constant 64 : i32
      %lt3A_101 = arith.cmpi slt, %add3A_99, %lt3A_100 : i32
      %convert_element_type3A_102 = arith.extui %lt3A_101 : i1 to i32
      %cond3A_103 = arith.constant 0 : i32
      %cond3A_104 = arith.cmpi ne, %convert_element_type3A_102, %cond3A_103 : i32
      scf.if %cond3A_104 {
        %add3A_560 = arith.constant 2 : i32
        %add3A_561 = arith.addi %add3A_95, %add3A_560 : i32
        %mul3A_562 = arith.constant 8 : i32
        %mul3A_563 = arith.muli %add3A_561, %mul3A_562 : i32
        %add3A_564 = arith.addi %mul3A_32, %mul3A_563 : i32
        %dma_start3A_565 = arith.constant 0 : i32
        %dma_start3A_566 = tpu.memref_slice %arg2[%select_n3A, %add3A_564, %dma_start3A_565] : memref<2x8192x2048xf32, #tpu.memory_space<hbm>> -> memref<1x8x2048xf32, #tpu.memory_space<hbm>>
        %dma_start3A_567 = tpu.memref_squeeze %dma_start3A_566 : memref<1x8x2048xf32, #tpu.memory_space<hbm>> -> memref<8x2048xf32, #tpu.memory_space<hbm>>
        %dma_start3A_568 = arith.constant 0 : i32
        %dma_start3A_569 = tpu.memref_slice %arg2[%select_n3A, %add3A_564, %dma_start3A_568] : memref<2x8192x2048xf32, #tpu.memory_space<hbm>> -> memref<1x8x2048xf32, #tpu.memory_space<hbm>>
        %dma_start3A_570 = tpu.memref_squeeze %dma_start3A_569 : memref<1x8x2048xf32, #tpu.memory_space<hbm>> -> memref<8x2048xf32, #tpu.memory_space<hbm>>
        tpu.enqueue_dma source(%dma_start3A_570 : memref<8x2048xf32, #tpu.memory_space<hbm>>) target(%arg7 : memref<8x2048xf32, #tpu.memory_space<vmem>>) target_semaphore(%arg16 : memref<!tpu.dma_semaphore, #tpu.memory_space<semaphore_mem>>)
      } else {
      }
      %add3A_105 = arith.constant 0 : i32
      %add3A_106 = arith.addi %mul3A_32, %add3A_105 : i32
      %dma_wait3A_107 = arith.constant 0 : i32
      %dma_wait3A_108 = tpu.memref_slice %arg2[%select_n3A, %add3A_106, %dma_wait3A_107] : memref<2x8192x2048xf32, #tpu.memory_space<hbm>> -> memref<1x8x2048xf32, #tpu.memory_space<hbm>>
      %dma_wait3A_109 = tpu.memref_squeeze %dma_wait3A_108 : memref<1x8x2048xf32, #tpu.memory_space<hbm>> -> memref<8x2048xf32, #tpu.memory_space<hbm>>
      %dma_wait3A_110 = arith.constant 0 : i32
      %dma_wait3A_111 = tpu.memref_slice %arg2[%select_n3A, %add3A_106, %dma_wait3A_110] : memref<2x8192x2048xf32, #tpu.memory_space<hbm>> -> memref<1x8x2048xf32, #tpu.memory_space<hbm>>
      %dma_wait3A_112 = tpu.memref_squeeze %dma_wait3A_111 : memref<1x8x2048xf32, #tpu.memory_space<hbm>> -> memref<8x2048xf32, #tpu.memory_space<hbm>>
      tpu.wait_dma2 semaphore(%arg14 : memref<!tpu.dma_semaphore, #tpu.memory_space<semaphore_mem>>) src(%dma_wait3A_112 : memref<8x2048xf32, #tpu.memory_space<hbm>>) dst(%arg5 : memref<8x2048xf32, #tpu.memory_space<vmem>>)
      %parallel_loop3A = arith.constant 0 : i32
      %parallel_loop3A_113 = arith.constant 64 : i32
      %parallel_loop3A_114 = arith.constant 1 : i32
      scf.for %parallel_loop3A_560 = %parallel_loop3A to %parallel_loop3A_113 step %parallel_loop3A_114  : i32 {
        %parallel_loop3A_561 = arith.constant 3 : i32
        %parallel_loop3A_562 = arith.shrsi %parallel_loop3A_560, %parallel_loop3A_561 : i32
        %parallel_loop3A_563 = arith.constant 7 : i32
        %parallel_loop3A_564 = arith.andi %parallel_loop3A_560, %parallel_loop3A_563 : i32
        %parallel_loop3A_565 = arith.constant 256 : i32
        %parallel_loop3A_566 = arith.muli %parallel_loop3A_564, %parallel_loop3A_565 : i32
        %parallel_loop3A_567 = arith.constant 0 : i32
        %parallel_loop3A_568 = arith.addi %parallel_loop3A_566, %parallel_loop3A_567 : i32
        %parallel_loop3A_569 = arith.index_cast %parallel_loop3A_562 : i32 to index
        %parallel_loop3A_570 = arith.index_cast %parallel_loop3A_568 : i32 to index
        %parallel_loop3A_571 = tpu.vector_load %arg5[%parallel_loop3A_569, %parallel_loop3A_570] {strides = array<i32>} : memref<8x2048xf32, #tpu.memory_space<vmem>>, vector<16xf32>,
        %parallel_loop3A_572 = arith.constant true
        %parallel_loop3A_573 = vector.broadcast %parallel_loop3A_572 : i1 to vector<16xi1>
        %parallel_loop3A_574 = tpu.scan <sum>, %parallel_loop3A_571 masked %parallel_loop3A_573 : vector<16xf32>, vector<16xi1> -> vector<16xf32>
        %parallel_loop3A_575 = arith.index_cast %parallel_loop3A_562 : i32 to index
        %parallel_loop3A_576 = arith.index_cast %parallel_loop3A_568 : i32 to index
        %parallel_loop3A_577 = tpu.vector_load %arg5[%parallel_loop3A_575, %parallel_loop3A_576] {strides = array<i32>} : memref<8x2048xf32, #tpu.memory_space<vmem>>, vector<16xf32>,
        tpu.vector_store %arg5[%parallel_loop3A_575, %parallel_loop3A_576], %parallel_loop3A_574 {strides = array<i32>} : memref<8x2048xf32, #tpu.memory_space<vmem>>, vector<16xf32>,
        %parallel_loop3A_578 = arith.constant 16 : i32
        %parallel_loop3A_579 = arith.addi %parallel_loop3A_566, %parallel_loop3A_578 : i32
        %parallel_loop3A_580 = arith.index_cast %parallel_loop3A_562 : i32 to index
        %parallel_loop3A_581 = arith.index_cast %parallel_loop3A_579 : i32 to index
        %parallel_loop3A_582 = tpu.vector_load %arg5[%parallel_loop3A_580, %parallel_loop3A_581] {strides = array<i32>} : memref<8x2048xf32, #tpu.memory_space<vmem>>, vector<16xf32>,
        %parallel_loop3A_583 = arith.constant true
        %parallel_loop3A_584 = vector.broadcast %parallel_loop3A_583 : i1 to vector<16xi1>
        %parallel_loop3A_585 = tpu.scan <sum>, %parallel_loop3A_582 masked %parallel_loop3A_584 : vector<16xf32>, vector<16xi1> -> vector<16xf32>
        %parallel_loop3A_586 = arith.index_cast %parallel_loop3A_562 : i32 to index
        %parallel_loop3A_587 = arith.index_cast %parallel_loop3A_579 : i32 to index
        %parallel_loop3A_588 = tpu.vector_load %arg5[%parallel_loop3A_586, %parallel_loop3A_587] {strides = array<i32>} : memref<8x2048xf32, #tpu.memory_space<vmem>>, vector<16xf32>,
        tpu.vector_store %arg5[%parallel_loop3A_586, %parallel_loop3A_587], %parallel_loop3A_585 {strides = array<i32>} : memref<8x2048xf32, #tpu.memory_space<vmem>>, vector<16xf32>,
        %parallel_loop3A_589 = arith.constant 32 : i32
        %parallel_loop3A_590 = arith.addi %parallel_loop3A_566, %parallel_loop3A_589 : i32
        %parallel_loop3A_591 = arith.index_cast %parallel_loop3A_562 : i32 to index
        %parallel_loop3A_592 = arith.index_cast %parallel_loop3A_590 : i32 to index
        %parallel_loop3A_593 = tpu.vector_load %arg5[%parallel_loop3A_591, %parallel_loop3A_592] {strides = array<i32>} : memref<8x2048xf32, #tpu.memory_space<vmem>>, vector<16xf32>,
        %parallel_loop3A_594 = arith.constant true
        %parallel_loop3A_595 = vector.broadcast %parallel_loop3A_594 : i1 to vector<16xi1>
        %parallel_loop3A_596 = tpu.scan <sum>, %parallel_loop3A_593 masked %parallel_loop3A_595 : vector<16xf32>, vector<16xi1> -> vector<16xf32>
        %parallel_loop3A_597 = arith.index_cast %parallel_loop3A_562 : i32 to index
        %parallel_loop3A_598 = arith.index_cast %parallel_loop3A_590 : i32 to index
        %parallel_loop3A_599 = tpu.vector_load %arg5[%parallel_loop3A_597, %parallel_loop3A_598] {strides = array<i32>} : memref<8x2048xf32, #tpu.memory_space<vmem>>, vector<16xf32>,
        tpu.vector_store %arg5[%parallel_loop3A_597, %parallel_loop3A_598], %parallel_loop3A_596 {strides = array<i32>} : memref<8x2048xf32, #tpu.memory_space<vmem>>, vector<16xf32>,
        %parallel_loop3A_600 = arith.constant 48 : i32
        %parallel_loop3A_601 = arith.addi %parallel_loop3A_566, %parallel_loop3A_600 : i32
        %parallel_loop3A_602 = arith.index_cast %parallel_loop3A_562 : i32 to index
        %parallel_loop3A_603 = arith.index_cast %parallel_loop3A_601 : i32 to index
        %parallel_loop3A_604 = tpu.vector_load %arg5[%parallel_loop3A_602, %parallel_loop3A_603] {strides = array<i32>} : memref<8x2048xf32, #tpu.memory_space<vmem>>, vector<16xf32>,
        %parallel_loop3A_605 = arith.constant true
        %parallel_loop3A_606 = vector.broadcast %parallel_loop3A_605 : i1 to vector<16xi1>
        %parallel_loop3A_607 = tpu.scan <sum>, %parallel_loop3A_604 masked %parallel_loop3A_606 : vector<16xf32>, vector<16xi1> -> vector<16xf32>
        %parallel_loop3A_608 = arith.index_cast %parallel_loop3A_562 : i32 to index
        %parallel_loop3A_609 = arith.index_cast %parallel_loop3A_601 : i32 to index
        %parallel_loop3A_610 = tpu.vector_load %arg5[%parallel_loop3A_608, %parallel_loop3A_609] {strides = array<i32>} : memref<8x2048xf32, #tpu.memory_space<vmem>>, vector<16xf32>,
        tpu.vector_store %arg5[%parallel_loop3A_608, %parallel_loop3A_609], %parallel_loop3A_607 {strides = array<i32>} : memref<8x2048xf32, #tpu.memory_space<vmem>>, vector<16xf32>,
        %parallel_loop3A_611 = arith.constant 64 : i32
        %parallel_loop3A_612 = arith.addi %parallel_loop3A_566, %parallel_loop3A_611 : i32
        %parallel_loop3A_613 = arith.index_cast %parallel_loop3A_562 : i32 to index
        %parallel_loop3A_614 = arith.index_cast %parallel_loop3A_612 : i32 to index
        %parallel_loop3A_615 = tpu.vector_load %arg5[%parallel_loop3A_613, %parallel_loop3A_614] {strides = array<i32>} : memref<8x2048xf32, #tpu.memory_space<vmem>>, vector<16xf32>,
        %parallel_loop3A_616 = arith.constant true
        %parallel_loop3A_617 = vector.broadcast %parallel_loop3A_616 : i1 to vector<16xi1>
        %parallel_loop3A_618 = tpu.scan <sum>, %parallel_loop3A_615 masked %parallel_loop3A_617 : vector<16xf32>, vector<16xi1> -> vector<16xf32>
        %parallel_loop3A_619 = arith.index_cast %parallel_loop3A_562 : i32 to index
        %parallel_loop3A_620 = arith.index_cast %parallel_loop3A_612 : i32 to index
        %parallel_loop3A_621 = tpu.vector_load %arg5[%parallel_loop3A_619, %parallel_loop3A_620] {strides = array<i32>} : memref<8x2048xf32, #tpu.memory_space<vmem>>, vector<16xf32>,
        tpu.vector_store %arg5[%parallel_loop3A_619, %parallel_loop3A_620], %parallel_loop3A_618 {strides = array<i32>} : memref<8x2048xf32, #tpu.memory_space<vmem>>, vector<16xf32>,
        %parallel_loop3A_622 = arith.constant 80 : i32
        %parallel_loop3A_623 = arith.addi %parallel_loop3A_566, %parallel_loop3A_622 : i32
        %parallel_loop3A_624 = arith.index_cast %parallel_loop3A_562 : i32 to index
        %parallel_loop3A_625 = arith.index_cast %parallel_loop3A_623 : i32 to index
        %parallel_loop3A_626 = tpu.vector_load %arg5[%parallel_loop3A_624, %parallel_loop3A_625] {strides = array<i32>} : memref<8x2048xf32, #tpu.memory_space<vmem>>, vector<16xf32>,
        %parallel_loop3A_627 = arith.constant true
        %parallel_loop3A_628 = vector.broadcast %parallel_loop3A_627 : i1 to vector<16xi1>
        %parallel_loop3A_629 = tpu.scan <sum>, %parallel_loop3A_626 masked %parallel_loop3A_628 : vector<16xf32>, vector<16xi1> -> vector<16xf32>
        %parallel_loop3A_630 = arith.index_cast %parallel_loop3A_562 : i32 to index
        %parallel_loop3A_631 = arith.index_cast %parallel_loop3A_623 : i32 to index
        %parallel_loop3A_632 = tpu.vector_load %arg5[%parallel_loop3A_630, %parallel_loop3A_631] {strides = array<i32>} : memref<8x2048xf32, #tpu.memory_space<vmem>>, vector<16xf32>,
        tpu.vector_store %arg5[%parallel_loop3A_630, %parallel_loop3A_631], %parallel_loop3A_629 {strides = array<i32>} : memref<8x2048xf32, #tpu.memory_space<vmem>>, vector<16xf32>,
        %parallel_loop3A_633 = arith.constant 96 : i32
        %parallel_loop3A_634 = arith.addi %parallel_loop3A_566, %parallel_loop3A_633 : i32
        %parallel_loop3A_635 = arith.index_cast %parallel_loop3A_562 : i32 to index
        %parallel_loop3A_636 = arith.index_cast %parallel_loop3A_634 : i32 to index
        %parallel_loop3A_637 = tpu.vector_load %arg5[%parallel_loop3A_635, %parallel_loop3A_636] {strides = array<i32>} : memref<8x2048xf32, #tpu.memory_space<vmem>>, vector<16xf32>,
        %parallel_loop3A_638 = arith.constant true
        %parallel_loop3A_639 = vector.broadcast %parallel_loop3A_638 : i1 to vector<16xi1>
        %parallel_loop3A_640 = tpu.scan <sum>, %parallel_loop3A_637 masked %parallel_loop3A_639 : vector<16xf32>, vector<16xi1> -> vector<16xf32>
        %parallel_loop3A_641 = arith.index_cast %parallel_loop3A_562 : i32 to index
        %parallel_loop3A_642 = arith.index_cast %parallel_loop3A_634 : i32 to index
        %parallel_loop3A_643 = tpu.vector_load %arg5[%parallel_loop3A_641, %parallel_loop3A_642] {strides = array<i32>} : memref<8x2048xf32, #tpu.memory_space<vmem>>, vector<16xf32>,
        tpu.vector_store %arg5[%parallel_loop3A_641, %parallel_loop3A_642], %parallel_loop3A_640 {strides = array<i32>} : memref<8x2048xf32, #tpu.memory_space<vmem>>, vector<16xf32>,
        %parallel_loop3A_644 = arith.constant 112 : i32
        %parallel_loop3A_645 = arith.addi %parallel_loop3A_566, %parallel_loop3A_644 : i32
        %parallel_loop3A_646 = arith.index_cast %parallel_loop3A_562 : i32 to index
        %parallel_loop3A_647 = arith.index_cast %parallel_loop3A_645 : i32 to index
        %parallel_loop3A_648 = tpu.vector_load %arg5[%parallel_loop3A_646, %parallel_loop3A_647] {strides = array<i32>} : memref<8x2048xf32, #tpu.memory_space<vmem>>, vector<16xf32>,
        %parallel_loop3A_649 = arith.constant true
        %parallel_loop3A_650 = vector.broadcast %parallel_loop3A_649 : i1 to vector<16xi1>
        %parallel_loop3A_651 = tpu.scan <sum>, %parallel_loop3A_648 masked %parallel_loop3A_650 : vector<16xf32>, vector<16xi1> -> vector<16xf32>
        %parallel_loop3A_652 = arith.index_cast %parallel_loop3A_562 : i32 to index
        %parallel_loop3A_653 = arith.index_cast %parallel_loop3A_645 : i32 to index
        %parallel_loop3A_654 = tpu.vector_load %arg5[%parallel_loop3A_652, %parallel_loop3A_653] {strides = array<i32>} : memref<8x2048xf32, #tpu.memory_space<vmem>>, vector<16xf32>,
        tpu.vector_store %arg5[%parallel_loop3A_652, %parallel_loop3A_653], %parallel_loop3A_651 {strides = array<i32>} : memref<8x2048xf32, #tpu.memory_space<vmem>>, vector<16xf32>,
        %parallel_loop3A_655 = arith.constant 128 : i32
        %parallel_loop3A_656 = arith.addi %parallel_loop3A_566, %parallel_loop3A_655 : i32
        %parallel_loop3A_657 = arith.index_cast %parallel_loop3A_562 : i32 to index
        %parallel_loop3A_658 = arith.index_cast %parallel_loop3A_656 : i32 to index
        %parallel_loop3A_659 = tpu.vector_load %arg5[%parallel_loop3A_657, %parallel_loop3A_658] {strides = array<i32>} : memref<8x2048xf32, #tpu.memory_space<vmem>>, vector<16xf32>,
        %parallel_loop3A_660 = arith.constant true
        %parallel_loop3A_661 = vector.broadcast %parallel_loop3A_660 : i1 to vector<16xi1>
        %parallel_loop3A_662 = tpu.scan <sum>, %parallel_loop3A_659 masked %parallel_loop3A_661 : vector<16xf32>, vector<16xi1> -> vector<16xf32>
        %parallel_loop3A_663 = arith.index_cast %parallel_loop3A_562 : i32 to index
        %parallel_loop3A_664 = arith.index_cast %parallel_loop3A_656 : i32 to index
        %parallel_loop3A_665 = tpu.vector_load %arg5[%parallel_loop3A_663, %parallel_loop3A_664] {strides = array<i32>} : memref<8x2048xf32, #tpu.memory_space<vmem>>, vector<16xf32>,
        tpu.vector_store %arg5[%parallel_loop3A_663, %parallel_loop3A_664], %parallel_loop3A_662 {strides = array<i32>} : memref<8x2048xf32, #tpu.memory_space<vmem>>, vector<16xf32>,
        %parallel_loop3A_666 = arith.constant 144 : i32
        %parallel_loop3A_667 = arith.addi %parallel_loop3A_566, %parallel_loop3A_666 : i32
        %parallel_loop3A_668 = arith.index_cast %parallel_loop3A_562 : i32 to index
        %parallel_loop3A_669 = arith.index_cast %parallel_loop3A_667 : i32 to index
        %parallel_loop3A_670 = tpu.vector_load %arg5[%parallel_loop3A_668, %parallel_loop3A_669] {strides = array<i32>} : memref<8x2048xf32, #tpu.memory_space<vmem>>, vector<16xf32>,
        %parallel_loop3A_671 = arith.constant true
        %parallel_loop3A_672 = vector.broadcast %parallel_loop3A_671 : i1 to vector<16xi1>
        %parallel_loop3A_673 = tpu.scan <sum>, %parallel_loop3A_670 masked %parallel_loop3A_672 : vector<16xf32>, vector<16xi1> -> vector<16xf32>
        %parallel_loop3A_674 = arith.index_cast %parallel_loop3A_562 : i32 to index
        %parallel_loop3A_675 = arith.index_cast %parallel_loop3A_667 : i32 to index
        %parallel_loop3A_676 = tpu.vector_load %arg5[%parallel_loop3A_674, %parallel_loop3A_675] {strides = array<i32>} : memref<8x2048xf32, #tpu.memory_space<vmem>>, vector<16xf32>,
        tpu.vector_store %arg5[%parallel_loop3A_674, %parallel_loop3A_675], %parallel_loop3A_673 {strides = array<i32>} : memref<8x2048xf32, #tpu.memory_space<vmem>>, vector<16xf32>,
        %parallel_loop3A_677 = arith.constant 160 : i32
        %parallel_loop3A_678 = arith.addi %parallel_loop3A_566, %parallel_loop3A_677 : i32
        %parallel_loop3A_679 = arith.index_cast %parallel_loop3A_562 : i32 to index
        %parallel_loop3A_680 = arith.index_cast %parallel_loop3A_678 : i32 to index
        %parallel_loop3A_681 = tpu.vector_load %arg5[%parallel_loop3A_679, %parallel_loop3A_680] {strides = array<i32>} : memref<8x2048xf32, #tpu.memory_space<vmem>>, vector<16xf32>,
        %parallel_loop3A_682 = arith.constant true
        %parallel_loop3A_683 = vector.broadcast %parallel_loop3A_682 : i1 to vector<16xi1>
        %parallel_loop3A_684 = tpu.scan <sum>, %parallel_loop3A_681 masked %parallel_loop3A_683 : vector<16xf32>, vector<16xi1> -> vector<16xf32>
        %parallel_loop3A_685 = arith.index_cast %parallel_loop3A_562 : i32 to index
        %parallel_loop3A_686 = arith.index_cast %parallel_loop3A_678 : i32 to index
        %parallel_loop3A_687 = tpu.vector_load %arg5[%parallel_loop3A_685, %parallel_loop3A_686] {strides = array<i32>} : memref<8x2048xf32, #tpu.memory_space<vmem>>, vector<16xf32>,
        tpu.vector_store %arg5[%parallel_loop3A_685, %parallel_loop3A_686], %parallel_loop3A_684 {strides = array<i32>} : memref<8x2048xf32, #tpu.memory_space<vmem>>, vector<16xf32>,
        %parallel_loop3A_688 = arith.constant 176 : i32
        %parallel_loop3A_689 = arith.addi %parallel_loop3A_566, %parallel_loop3A_688 : i32
        %parallel_loop3A_690 = arith.index_cast %parallel_loop3A_562 : i32 to index
        %parallel_loop3A_691 = arith.index_cast %parallel_loop3A_689 : i32 to index
        %parallel_loop3A_692 = tpu.vector_load %arg5[%parallel_loop3A_690, %parallel_loop3A_691] {strides = array<i32>} : memref<8x2048xf32, #tpu.memory_space<vmem>>, vector<16xf32>,
        %parallel_loop3A_693 = arith.constant true
        %parallel_loop3A_694 = vector.broadcast %parallel_loop3A_693 : i1 to vector<16xi1>
        %parallel_loop3A_695 = tpu.scan <sum>, %parallel_loop3A_692 masked %parallel_loop3A_694 : vector<16xf32>, vector<16xi1> -> vector<16xf32>
        %parallel_loop3A_696 = arith.index_cast %parallel_loop3A_562 : i32 to index
        %parallel_loop3A_697 = arith.index_cast %parallel_loop3A_689 : i32 to index
        %parallel_loop3A_698 = tpu.vector_load %arg5[%parallel_loop3A_696, %parallel_loop3A_697] {strides = array<i32>} : memref<8x2048xf32, #tpu.memory_space<vmem>>, vector<16xf32>,
        tpu.vector_store %arg5[%parallel_loop3A_696, %parallel_loop3A_697], %parallel_loop3A_695 {strides = array<i32>} : memref<8x2048xf32, #tpu.memory_space<vmem>>, vector<16xf32>,
        %parallel_loop3A_699 = arith.constant 192 : i32
        %parallel_loop3A_700 = arith.addi %parallel_loop3A_566, %parallel_loop3A_699 : i32
        %parallel_loop3A_701 = arith.index_cast %parallel_loop3A_562 : i32 to index
        %parallel_loop3A_702 = arith.index_cast %parallel_loop3A_700 : i32 to index
        %parallel_loop3A_703 = tpu.vector_load %arg5[%parallel_loop3A_701, %parallel_loop3A_702] {strides = array<i32>} : memref<8x2048xf32, #tpu.memory_space<vmem>>, vector<16xf32>,
        %parallel_loop3A_704 = arith.constant true
        %parallel_loop3A_705 = vector.broadcast %parallel_loop3A_704 : i1 to vector<16xi1>
        %parallel_loop3A_706 = tpu.scan <sum>, %parallel_loop3A_703 masked %parallel_loop3A_705 : vector<16xf32>, vector<16xi1> -> vector<16xf32>
        %parallel_loop3A_707 = arith.index_cast %parallel_loop3A_562 : i32 to index
        %parallel_loop3A_708 = arith.index_cast %parallel_loop3A_700 : i32 to index
        %parallel_loop3A_709 = tpu.vector_load %arg5[%parallel_loop3A_707, %parallel_loop3A_708] {strides = array<i32>} : memref<8x2048xf32, #tpu.memory_space<vmem>>, vector<16xf32>,
        tpu.vector_store %arg5[%parallel_loop3A_707, %parallel_loop3A_708], %parallel_loop3A_706 {strides = array<i32>} : memref<8x2048xf32, #tpu.memory_space<vmem>>, vector<16xf32>,
        %parallel_loop3A_710 = arith.constant 208 : i32
        %parallel_loop3A_711 = arith.addi %parallel_loop3A_566, %parallel_loop3A_710 : i32
        %parallel_loop3A_712 = arith.index_cast %parallel_loop3A_562 : i32 to index
        %parallel_loop3A_713 = arith.index_cast %parallel_loop3A_711 : i32 to index
        %parallel_loop3A_714 = tpu.vector_load %arg5[%parallel_loop3A_712, %parallel_loop3A_713] {strides = array<i32>} : memref<8x2048xf32, #tpu.memory_space<vmem>>, vector<16xf32>,
        %parallel_loop3A_715 = arith.constant true
        %parallel_loop3A_716 = vector.broadcast %parallel_loop3A_715 : i1 to vector<16xi1>
        %parallel_loop3A_717 = tpu.scan <sum>, %parallel_loop3A_714 masked %parallel_loop3A_716 : vector<16xf32>, vector<16xi1> -> vector<16xf32>
        %parallel_loop3A_718 = arith.index_cast %parallel_loop3A_562 : i32 to index
        %parallel_loop3A_719 = arith.index_cast %parallel_loop3A_711 : i32 to index
        %parallel_loop3A_720 = tpu.vector_load %arg5[%parallel_loop3A_718, %parallel_loop3A_719] {strides = array<i32>} : memref<8x2048xf32, #tpu.memory_space<vmem>>, vector<16xf32>,
        tpu.vector_store %arg5[%parallel_loop3A_718, %parallel_loop3A_719], %parallel_loop3A_717 {strides = array<i32>} : memref<8x2048xf32, #tpu.memory_space<vmem>>, vector<16xf32>,
        %parallel_loop3A_721 = arith.constant 224 : i32
        %parallel_loop3A_722 = arith.addi %parallel_loop3A_566, %parallel_loop3A_721 : i32
        %parallel_loop3A_723 = arith.index_cast %parallel_loop3A_562 : i32 to index
        %parallel_loop3A_724 = arith.index_cast %parallel_loop3A_722 : i32 to index
        %parallel_loop3A_725 = tpu.vector_load %arg5[%parallel_loop3A_723, %parallel_loop3A_724] {strides = array<i32>} : memref<8x2048xf32, #tpu.memory_space<vmem>>, vector<16xf32>,
        %parallel_loop3A_726 = arith.constant true
        %parallel_loop3A_727 = vector.broadcast %parallel_loop3A_726 : i1 to vector<16xi1>
        %parallel_loop3A_728 = tpu.scan <sum>, %parallel_loop3A_725 masked %parallel_loop3A_727 : vector<16xf32>, vector<16xi1> -> vector<16xf32>
        %parallel_loop3A_729 = arith.index_cast %parallel_loop3A_562 : i32 to index
        %parallel_loop3A_730 = arith.index_cast %parallel_loop3A_722 : i32 to index
        %parallel_loop3A_731 = tpu.vector_load %arg5[%parallel_loop3A_729, %parallel_loop3A_730] {strides = array<i32>} : memref<8x2048xf32, #tpu.memory_space<vmem>>, vector<16xf32>,
        tpu.vector_store %arg5[%parallel_loop3A_729, %parallel_loop3A_730], %parallel_loop3A_728 {strides = array<i32>} : memref<8x2048xf32, #tpu.memory_space<vmem>>, vector<16xf32>,
        %parallel_loop3A_732 = arith.constant 240 : i32
        %parallel_loop3A_733 = arith.addi %parallel_loop3A_566, %parallel_loop3A_732 : i32
        %parallel_loop3A_734 = arith.index_cast %parallel_loop3A_562 : i32 to index
        %parallel_loop3A_735 = arith.index_cast %parallel_loop3A_733 : i32 to index
        %parallel_loop3A_736 = tpu.vector_load %arg5[%parallel_loop3A_734, %parallel_loop3A_735] {strides = array<i32>} : memref<8x2048xf32, #tpu.memory_space<vmem>>, vector<16xf32>,
        %parallel_loop3A_737 = arith.constant true
        %parallel_loop3A_738 = vector.broadcast %parallel_loop3A_737 : i1 to vector<16xi1>
        %parallel_loop3A_739 = tpu.scan <sum>, %parallel_loop3A_736 masked %parallel_loop3A_738 : vector<16xf32>, vector<16xi1> -> vector<16xf32>
        %parallel_loop3A_740 = arith.index_cast %parallel_loop3A_562 : i32 to index
        %parallel_loop3A_741 = arith.index_cast %parallel_loop3A_733 : i32 to index
        %parallel_loop3A_742 = tpu.vector_load %arg5[%parallel_loop3A_740, %parallel_loop3A_741] {strides = array<i32>} : memref<8x2048xf32, #tpu.memory_space<vmem>>, vector<16xf32>,
        tpu.vector_store %arg5[%parallel_loop3A_740, %parallel_loop3A_741], %parallel_loop3A_739 {strides = array<i32>} : memref<8x2048xf32, #tpu.memory_space<vmem>>, vector<16xf32>,
      } {sc.loop_unroll_factor = 4 : i64, sc.parallel_access}
      %parallel_loop3A_115 = arith.constant 0 : i32
      %parallel_loop3A_116 = arith.constant 64 : i32
      %parallel_loop3A_117 = arith.constant 1 : i32
      scf.for %parallel_loop3A_560 = %parallel_loop3A_115 to %parallel_loop3A_116 step %parallel_loop3A_117  : i32 {
        %parallel_loop3A_561 = arith.constant 3 : i32
        %parallel_loop3A_562 = arith.shrsi %parallel_loop3A_560, %parallel_loop3A_561 : i32
        %parallel_loop3A_563 = arith.constant 7 : i32
        %parallel_loop3A_564 = arith.andi %parallel_loop3A_560, %parallel_loop3A_563 : i32
        %parallel_loop3A_565 = arith.constant 256 : i32
        %parallel_loop3A_566 = arith.muli %parallel_loop3A_564, %parallel_loop3A_565 : i32
        %parallel_loop3A_567 = vector.broadcast %parallel_loop3A_562 : i32 to vector<16xi32>
        %parallel_loop3A_568 = arith.constant 16 : i32
        %parallel_loop3A_569 = vector.broadcast %parallel_loop3A_568 : i32 to vector<16xi32>
        %parallel_loop3A_570 = arith.muli %iota3A, %parallel_loop3A_569 : vector<16xi32>
        %parallel_loop3A_571 = vector.broadcast %parallel_loop3A_566 : i32 to vector<16xi32>
        %parallel_loop3A_572 = arith.addi %parallel_loop3A_571, %parallel_loop3A_570 : vector<16xi32>
        %parallel_loop3A_573 = arith.constant 15 : i32
        %parallel_loop3A_574 = vector.broadcast %parallel_loop3A_573 : i32 to vector<16xi32>
        %parallel_loop3A_575 = arith.addi %parallel_loop3A_572, %parallel_loop3A_574 : vector<16xi32>
        %parallel_loop3A_576 = tpu.vector_load_idx %arg5[%parallel_loop3A_567, %parallel_loop3A_575] : memref<8x2048xf32, #tpu.memory_space<vmem>>[vector<16xi32>, vector<16xi32>], vector<16xf32>,
        %parallel_loop3A_577 = arith.constant true
        %parallel_loop3A_578 = vector.broadcast %parallel_loop3A_577 : i1 to vector<16xi1>
        %parallel_loop3A_579 = tpu.scan <sum>, %parallel_loop3A_576 masked %parallel_loop3A_578 : vector<16xf32>, vector<16xi1> -> vector<16xf32>
        %parallel_loop3A_580 = arith.subf %parallel_loop3A_579, %parallel_loop3A_576 : vector<16xf32>
        %parallel_loop3A_581 = arith.constant 16 : i32
        %parallel_loop3A_582 = arith.muli %parallel_loop3A_560, %parallel_loop3A_581 : i32
        %parallel_loop3A_583 = arith.index_cast %parallel_loop3A_582 : i32 to index
        %parallel_loop3A_584 = tpu.vector_load %arg9[%parallel_loop3A_583] {strides = array<i32>} : memref<1024xf32, #tpu.memory_space<vmem>>, vector<16xf32>,
        tpu.vector_store %arg9[%parallel_loop3A_583], %parallel_loop3A_580 {strides = array<i32>} : memref<1024xf32, #tpu.memory_space<vmem>>, vector<16xf32>,
        %parallel_loop3A_585 = arith.constant 15 : i32
        %parallel_loop3A_586 = vector.broadcast %parallel_loop3A_585 : i32 to vector<16x1xi32>
        %parallel_loop3A_587 = vector.shape_cast %parallel_loop3A_586 : vector<16x1xi32> to vector<16xi32>
        %parallel_loop3A_588 = tpu.dynamic_gather %parallel_loop3A_579[%parallel_loop3A_587] in [0] : vector<16xf32>, vector<16xi32> -> vector<16xf32>
        %parallel_loop3A_589 = arith.constant 16 : i32
        %parallel_loop3A_590 = arith.muli %parallel_loop3A_560, %parallel_loop3A_589 : i32
        %parallel_loop3A_591 = arith.index_cast %parallel_loop3A_590 : i32 to index
        %parallel_loop3A_592 = tpu.vector_load %arg10[%parallel_loop3A_591] {strides = array<i32>} : memref<1024xf32, #tpu.memory_space<vmem>>, vector<16xf32>,
        tpu.vector_store %arg10[%parallel_loop3A_591], %parallel_loop3A_588 {strides = array<i32>} : memref<1024xf32, #tpu.memory_space<vmem>>, vector<16xf32>,
      } {sc.loop_unroll_factor = 4 : i64, sc.parallel_access}
      %add3A_118 = arith.constant 0 : i32
      %add3A_119 = vector.broadcast %add3A_118 : i32 to vector<16xi32>
      %add3A_120 = arith.addi %add3A_119, %iota3A : vector<16xi32>
      %mul3A_121 = arith.constant 16 : i32
      %mul3A_122 = vector.broadcast %mul3A_121 : i32 to vector<16xi32>
      %mul3A_123 = arith.muli %add3A_120, %mul3A_122 : vector<16xi32>
      %gather3A_124 = tpu.vector_load_idx %arg10[%mul3A_123] : memref<1024xf32, #tpu.memory_space<vmem>>[vector<16xi32>], vector<16xf32>,
      %broadcast_in_dim3A_125 = arith.constant true
      %broadcast_in_dim3A_126 = vector.broadcast %broadcast_in_dim3A_125 : i1 to vector<16xi1>
      %masked_cumsum3A_127 = tpu.scan <sum>, %gather3A_124 masked %broadcast_in_dim3A_126 : vector<16xf32>, vector<16xi1> -> vector<16xf32>
      %sub3A_128 = arith.subf %masked_cumsum3A_127, %gather3A_124 : vector<16xf32>
      %add3A_129 = arith.addf %sub3A_128, %scan3A_91 : vector<16xf32>
      %swap3A_130 = arith.constant 0 : index
      %swap3A_131 = tpu.vector_load %arg11[%swap3A_130] {strides = array<i32>} : memref<64xf32, #tpu.memory_space<vmem>>, vector<16xf32>,
      tpu.vector_store %arg11[%swap3A_130], %add3A_129 {strides = array<i32>} : memref<64xf32, #tpu.memory_space<vmem>>, vector<16xf32>,
      %broadcast_in_dim3A_132 = arith.constant 15 : i32
      %broadcast_in_dim3A_133 = vector.broadcast %broadcast_in_dim3A_132 : i32 to vector<16x1xi32>
      %gather3A_134 = vector.shape_cast %broadcast_in_dim3A_133 : vector<16x1xi32> to vector<16xi32>
      %gather3A_135 = tpu.dynamic_gather %masked_cumsum3A_127[%gather3A_134] in [0] : vector<16xf32>, vector<16xi32> -> vector<16xf32>
      %add3A_136 = arith.addf %scan3A_91, %gather3A_135 : vector<16xf32>
      %add3A_137 = arith.constant 16 : i32
      %add3A_138 = vector.broadcast %add3A_137 : i32 to vector<16xi32>
      %add3A_139 = arith.addi %add3A_138, %iota3A : vector<16xi32>
      %mul3A_140 = arith.constant 16 : i32
      %mul3A_141 = vector.broadcast %mul3A_140 : i32 to vector<16xi32>
      %mul3A_142 = arith.muli %add3A_139, %mul3A_141 : vector<16xi32>
      %gather3A_143 = tpu.vector_load_idx %arg10[%mul3A_142] : memref<1024xf32, #tpu.memory_space<vmem>>[vector<16xi32>], vector<16xf32>,
      %broadcast_in_dim3A_144 = arith.constant true
      %broadcast_in_dim3A_145 = vector.broadcast %broadcast_in_dim3A_144 : i1 to vector<16xi1>
      %masked_cumsum3A_146 = tpu.scan <sum>, %gather3A_143 masked %broadcast_in_dim3A_145 : vector<16xf32>, vector<16xi1> -> vector<16xf32>
      %sub3A_147 = arith.subf %masked_cumsum3A_146, %gather3A_143 : vector<16xf32>
      %add3A_148 = arith.addf %sub3A_147, %add3A_136 : vector<16xf32>
      %swap3A_149 = arith.constant 16 : index
      %swap3A_150 = tpu.vector_load %arg11[%swap3A_149] {strides = array<i32>} : memref<64xf32, #tpu.memory_space<vmem>>, vector<16xf32>,
      tpu.vector_store %arg11[%swap3A_149], %add3A_148 {strides = array<i32>} : memref<64xf32, #tpu.memory_space<vmem>>, vector<16xf32>,
      %broadcast_in_dim3A_151 = arith.constant 15 : i32
      %broadcast_in_dim3A_152 = vector.broadcast %broadcast_in_dim3A_151 : i32 to vector<16x1xi32>
      %gather3A_153 = vector.shape_cast %broadcast_in_dim3A_152 : vector<16x1xi32> to vector<16xi32>
      %gather3A_154 = tpu.dynamic_gather %masked_cumsum3A_146[%gather3A_153] in [0] : vector<16xf32>, vector<16xi32> -> vector<16xf32>
      %add3A_155 = arith.addf %add3A_136, %gather3A_154 : vector<16xf32>
      %add3A_156 = arith.constant 32 : i32
      %add3A_157 = vector.broadcast %add3A_156 : i32 to vector<16xi32>
      %add3A_158 = arith.addi %add3A_157, %iota3A : vector<16xi32>
      %mul3A_159 = arith.constant 16 : i32
      %mul3A_160 = vector.broadcast %mul3A_159 : i32 to vector<16xi32>
      %mul3A_161 = arith.muli %add3A_158, %mul3A_160 : vector<16xi32>
      %gather3A_162 = tpu.vector_load_idx %arg10[%mul3A_161] : memref<1024xf32, #tpu.memory_space<vmem>>[vector<16xi32>], vector<16xf32>,
      %broadcast_in_dim3A_163 = arith.constant true
      %broadcast_in_dim3A_164 = vector.broadcast %broadcast_in_dim3A_163 : i1 to vector<16xi1>
      %masked_cumsum3A_165 = tpu.scan <sum>, %gather3A_162 masked %broadcast_in_dim3A_164 : vector<16xf32>, vector<16xi1> -> vector<16xf32>
      %sub3A_166 = arith.subf %masked_cumsum3A_165, %gather3A_162 : vector<16xf32>
      %add3A_167 = arith.addf %sub3A_166, %add3A_155 : vector<16xf32>
      %swap3A_168 = arith.constant 32 : index
      %swap3A_169 = tpu.vector_load %arg11[%swap3A_168] {strides = array<i32>} : memref<64xf32, #tpu.memory_space<vmem>>, vector<16xf32>,
      tpu.vector_store %arg11[%swap3A_168], %add3A_167 {strides = array<i32>} : memref<64xf32, #tpu.memory_space<vmem>>, vector<16xf32>,
      %broadcast_in_dim3A_170 = arith.constant 15 : i32
      %broadcast_in_dim3A_171 = vector.broadcast %broadcast_in_dim3A_170 : i32 to vector<16x1xi32>
      %gather3A_172 = vector.shape_cast %broadcast_in_dim3A_171 : vector<16x1xi32> to vector<16xi32>
      %gather3A_173 = tpu.dynamic_gather %masked_cumsum3A_165[%gather3A_172] in [0] : vector<16xf32>, vector<16xi32> -> vector<16xf32>
      %add3A_174 = arith.addf %add3A_155, %gather3A_173 : vector<16xf32>
      %add3A_175 = arith.constant 48 : i32
      %add3A_176 = vector.broadcast %add3A_175 : i32 to vector<16xi32>
      %add3A_177 = arith.addi %add3A_176, %iota3A : vector<16xi32>
      %mul3A_178 = arith.constant 16 : i32
      %mul3A_179 = vector.broadcast %mul3A_178 : i32 to vector<16xi32>
      %mul3A_180 = arith.muli %add3A_177, %mul3A_179 : vector<16xi32>
      %gather3A_181 = tpu.vector_load_idx %arg10[%mul3A_180] : memref<1024xf32, #tpu.memory_space<vmem>>[vector<16xi32>], vector<16xf32>,
      %broadcast_in_dim3A_182 = arith.constant true
      %broadcast_in_dim3A_183 = vector.broadcast %broadcast_in_dim3A_182 : i1 to vector<16xi1>
      %masked_cumsum3A_184 = tpu.scan <sum>, %gather3A_181 masked %broadcast_in_dim3A_183 : vector<16xf32>, vector<16xi1> -> vector<16xf32>
      %sub3A_185 = arith.subf %masked_cumsum3A_184, %gather3A_181 : vector<16xf32>
      %add3A_186 = arith.addf %sub3A_185, %add3A_174 : vector<16xf32>
      %swap3A_187 = arith.constant 48 : index
      %swap3A_188 = tpu.vector_load %arg11[%swap3A_187] {strides = array<i32>} : memref<64xf32, #tpu.memory_space<vmem>>, vector<16xf32>,
      tpu.vector_store %arg11[%swap3A_187], %add3A_186 {strides = array<i32>} : memref<64xf32, #tpu.memory_space<vmem>>, vector<16xf32>,
      %broadcast_in_dim3A_189 = arith.constant 15 : i32
      %broadcast_in_dim3A_190 = vector.broadcast %broadcast_in_dim3A_189 : i32 to vector<16x1xi32>
      %gather3A_191 = vector.shape_cast %broadcast_in_dim3A_190 : vector<16x1xi32> to vector<16xi32>
      %gather3A_192 = tpu.dynamic_gather %masked_cumsum3A_184[%gather3A_191] in [0] : vector<16xf32>, vector<16xi32> -> vector<16xf32>
      %add3A_193 = arith.addf %add3A_174, %gather3A_192 : vector<16xf32>
      %parallel_loop3A_194 = arith.constant 0 : i32
      %parallel_loop3A_195 = arith.constant 64 : i32
      %parallel_loop3A_196 = arith.constant 1 : i32
      scf.for %parallel_loop3A_560 = %parallel_loop3A_194 to %parallel_loop3A_195 step %parallel_loop3A_196  : i32 {
        %parallel_loop3A_561 = arith.constant 3 : i32
        %parallel_loop3A_562 = arith.shrsi %parallel_loop3A_560, %parallel_loop3A_561 : i32
        %parallel_loop3A_563 = arith.constant 7 : i32
        %parallel_loop3A_564 = arith.andi %parallel_loop3A_560, %parallel_loop3A_563 : i32
        %parallel_loop3A_565 = arith.constant 256 : i32
        %parallel_loop3A_566 = arith.muli %parallel_loop3A_564, %parallel_loop3A_565 : i32
        %parallel_loop3A_567 = vector.broadcast %parallel_loop3A_560 : i32 to vector<16xi32>
        %parallel_loop3A_568 = tpu.vector_load_idx %arg11[%parallel_loop3A_567] : memref<64xf32, #tpu.memory_space<vmem>>[vector<16xi32>], vector<16xf32>,
        %parallel_loop3A_569 = arith.constant 16 : i32
        %parallel_loop3A_570 = arith.muli %parallel_loop3A_560, %parallel_loop3A_569 : i32
        %parallel_loop3A_571 = arith.index_cast %parallel_loop3A_570 : i32 to index
        %parallel_loop3A_572 = tpu.vector_load %arg9[%parallel_loop3A_571] {strides = array<i32>} : memref<1024xf32, #tpu.memory_space<vmem>>, vector<16xf32>,
        %parallel_loop3A_573 = arith.addf %parallel_loop3A_572, %parallel_loop3A_568 : vector<16xf32>
        %parallel_loop3A_574 = arith.constant 0 : i32
        %parallel_loop3A_575 = arith.addi %parallel_loop3A_566, %parallel_loop3A_574 : i32
        %parallel_loop3A_576 = arith.index_cast %parallel_loop3A_562 : i32 to index
        %parallel_loop3A_577 = arith.index_cast %parallel_loop3A_575 : i32 to index
        %parallel_loop3A_578 = tpu.vector_load %arg5[%parallel_loop3A_576, %parallel_loop3A_577] {strides = array<i32>} : memref<8x2048xf32, #tpu.memory_space<vmem>>, vector<16xf32>,
        %parallel_loop3A_579 = arith.constant 0 : i32
        %parallel_loop3A_580 = vector.broadcast %parallel_loop3A_579 : i32 to vector<16x1xi32>
        %parallel_loop3A_581 = vector.shape_cast %parallel_loop3A_580 : vector<16x1xi32> to vector<16xi32>
        %parallel_loop3A_582 = tpu.dynamic_gather %parallel_loop3A_573[%parallel_loop3A_581] in [0] : vector<16xf32>, vector<16xi32> -> vector<16xf32>
        %parallel_loop3A_583 = arith.addf %parallel_loop3A_578, %parallel_loop3A_582 : vector<16xf32>
        %parallel_loop3A_584 = arith.index_cast %parallel_loop3A_562 : i32 to index
        %parallel_loop3A_585 = arith.index_cast %parallel_loop3A_575 : i32 to index
        %parallel_loop3A_586 = tpu.vector_load %arg5[%parallel_loop3A_584, %parallel_loop3A_585] {strides = array<i32>} : memref<8x2048xf32, #tpu.memory_space<vmem>>, vector<16xf32>,
        tpu.vector_store %arg5[%parallel_loop3A_584, %parallel_loop3A_585], %parallel_loop3A_583 {strides = array<i32>} : memref<8x2048xf32, #tpu.memory_space<vmem>>, vector<16xf32>,
        %parallel_loop3A_587 = arith.constant 16 : i32
        %parallel_loop3A_588 = arith.addi %parallel_loop3A_566, %parallel_loop3A_587 : i32
        %parallel_loop3A_589 = arith.index_cast %parallel_loop3A_562 : i32 to index
        %parallel_loop3A_590 = arith.index_cast %parallel_loop3A_588 : i32 to index
        %parallel_loop3A_591 = tpu.vector_load %arg5[%parallel_loop3A_589, %parallel_loop3A_590] {strides = array<i32>} : memref<8x2048xf32, #tpu.memory_space<vmem>>, vector<16xf32>,
        %parallel_loop3A_592 = arith.constant 1 : i32
        %parallel_loop3A_593 = vector.broadcast %parallel_loop3A_592 : i32 to vector<16x1xi32>
        %parallel_loop3A_594 = vector.shape_cast %parallel_loop3A_593 : vector<16x1xi32> to vector<16xi32>
        %parallel_loop3A_595 = tpu.dynamic_gather %parallel_loop3A_573[%parallel_loop3A_594] in [0] : vector<16xf32>, vector<16xi32> -> vector<16xf32>
        %parallel_loop3A_596 = arith.addf %parallel_loop3A_591, %parallel_loop3A_595 : vector<16xf32>
        %parallel_loop3A_597 = arith.index_cast %parallel_loop3A_562 : i32 to index
        %parallel_loop3A_598 = arith.index_cast %parallel_loop3A_588 : i32 to index
        %parallel_loop3A_599 = tpu.vector_load %arg5[%parallel_loop3A_597, %parallel_loop3A_598] {strides = array<i32>} : memref<8x2048xf32, #tpu.memory_space<vmem>>, vector<16xf32>,
        tpu.vector_store %arg5[%parallel_loop3A_597, %parallel_loop3A_598], %parallel_loop3A_596 {strides = array<i32>} : memref<8x2048xf32, #tpu.memory_space<vmem>>, vector<16xf32>,
        %parallel_loop3A_600 = arith.constant 32 : i32
        %parallel_loop3A_601 = arith.addi %parallel_loop3A_566, %parallel_loop3A_600 : i32
        %parallel_loop3A_602 = arith.index_cast %parallel_loop3A_562 : i32 to index
        %parallel_loop3A_603 = arith.index_cast %parallel_loop3A_601 : i32 to index
        %parallel_loop3A_604 = tpu.vector_load %arg5[%parallel_loop3A_602, %parallel_loop3A_603] {strides = array<i32>} : memref<8x2048xf32, #tpu.memory_space<vmem>>, vector<16xf32>,
        %parallel_loop3A_605 = arith.constant 2 : i32
        %parallel_loop3A_606 = vector.broadcast %parallel_loop3A_605 : i32 to vector<16x1xi32>
        %parallel_loop3A_607 = vector.shape_cast %parallel_loop3A_606 : vector<16x1xi32> to vector<16xi32>
        %parallel_loop3A_608 = tpu.dynamic_gather %parallel_loop3A_573[%parallel_loop3A_607] in [0] : vector<16xf32>, vector<16xi32> -> vector<16xf32>
        %parallel_loop3A_609 = arith.addf %parallel_loop3A_604, %parallel_loop3A_608 : vector<16xf32>
        %parallel_loop3A_610 = arith.index_cast %parallel_loop3A_562 : i32 to index
        %parallel_loop3A_611 = arith.index_cast %parallel_loop3A_601 : i32 to index
        %parallel_loop3A_612 = tpu.vector_load %arg5[%parallel_loop3A_610, %parallel_loop3A_611] {strides = array<i32>} : memref<8x2048xf32, #tpu.memory_space<vmem>>, vector<16xf32>,
        tpu.vector_store %arg5[%parallel_loop3A_610, %parallel_loop3A_611], %parallel_loop3A_609 {strides = array<i32>} : memref<8x2048xf32, #tpu.memory_space<vmem>>, vector<16xf32>,
        %parallel_loop3A_613 = arith.constant 48 : i32
        %parallel_loop3A_614 = arith.addi %parallel_loop3A_566, %parallel_loop3A_613 : i32
        %parallel_loop3A_615 = arith.index_cast %parallel_loop3A_562 : i32 to index
        %parallel_loop3A_616 = arith.index_cast %parallel_loop3A_614 : i32 to index
        %parallel_loop3A_617 = tpu.vector_load %arg5[%parallel_loop3A_615, %parallel_loop3A_616] {strides = array<i32>} : memref<8x2048xf32, #tpu.memory_space<vmem>>, vector<16xf32>,
        %parallel_loop3A_618 = arith.constant 3 : i32
        %parallel_loop3A_619 = vector.broadcast %parallel_loop3A_618 : i32 to vector<16x1xi32>
        %parallel_loop3A_620 = vector.shape_cast %parallel_loop3A_619 : vector<16x1xi32> to vector<16xi32>
        %parallel_loop3A_621 = tpu.dynamic_gather %parallel_loop3A_573[%parallel_loop3A_620] in [0] : vector<16xf32>, vector<16xi32> -> vector<16xf32>
        %parallel_loop3A_622 = arith.addf %parallel_loop3A_617, %parallel_loop3A_621 : vector<16xf32>
        %parallel_loop3A_623 = arith.index_cast %parallel_loop3A_562 : i32 to index
        %parallel_loop3A_624 = arith.index_cast %parallel_loop3A_614 : i32 to index
        %parallel_loop3A_625 = tpu.vector_load %arg5[%parallel_loop3A_623, %parallel_loop3A_624] {strides = array<i32>} : memref<8x2048xf32, #tpu.memory_space<vmem>>, vector<16xf32>,
        tpu.vector_store %arg5[%parallel_loop3A_623, %parallel_loop3A_624], %parallel_loop3A_622 {strides = array<i32>} : memref<8x2048xf32, #tpu.memory_space<vmem>>, vector<16xf32>,
        %parallel_loop3A_626 = arith.constant 64 : i32
        %parallel_loop3A_627 = arith.addi %parallel_loop3A_566, %parallel_loop3A_626 : i32
        %parallel_loop3A_628 = arith.index_cast %parallel_loop3A_562 : i32 to index
        %parallel_loop3A_629 = arith.index_cast %parallel_loop3A_627 : i32 to index
        %parallel_loop3A_630 = tpu.vector_load %arg5[%parallel_loop3A_628, %parallel_loop3A_629] {strides = array<i32>} : memref<8x2048xf32, #tpu.memory_space<vmem>>, vector<16xf32>,
        %parallel_loop3A_631 = arith.constant 4 : i32
        %parallel_loop3A_632 = vector.broadcast %parallel_loop3A_631 : i32 to vector<16x1xi32>
        %parallel_loop3A_633 = vector.shape_cast %parallel_loop3A_632 : vector<16x1xi32> to vector<16xi32>
        %parallel_loop3A_634 = tpu.dynamic_gather %parallel_loop3A_573[%parallel_loop3A_633] in [0] : vector<16xf32>, vector<16xi32> -> vector<16xf32>
        %parallel_loop3A_635 = arith.addf %parallel_loop3A_630, %parallel_loop3A_634 : vector<16xf32>
        %parallel_loop3A_636 = arith.index_cast %parallel_loop3A_562 : i32 to index
        %parallel_loop3A_637 = arith.index_cast %parallel_loop3A_627 : i32 to index
        %parallel_loop3A_638 = tpu.vector_load %arg5[%parallel_loop3A_636, %parallel_loop3A_637] {strides = array<i32>} : memref<8x2048xf32, #tpu.memory_space<vmem>>, vector<16xf32>,
        tpu.vector_store %arg5[%parallel_loop3A_636, %parallel_loop3A_637], %parallel_loop3A_635 {strides = array<i32>} : memref<8x2048xf32, #tpu.memory_space<vmem>>, vector<16xf32>,
        %parallel_loop3A_639 = arith.constant 80 : i32
        %parallel_loop3A_640 = arith.addi %parallel_loop3A_566, %parallel_loop3A_639 : i32
        %parallel_loop3A_641 = arith.index_cast %parallel_loop3A_562 : i32 to index
        %parallel_loop3A_642 = arith.index_cast %parallel_loop3A_640 : i32 to index
        %parallel_loop3A_643 = tpu.vector_load %arg5[%parallel_loop3A_641, %parallel_loop3A_642] {strides = array<i32>} : memref<8x2048xf32, #tpu.memory_space<vmem>>, vector<16xf32>,
        %parallel_loop3A_644 = arith.constant 5 : i32
        %parallel_loop3A_645 = vector.broadcast %parallel_loop3A_644 : i32 to vector<16x1xi32>
        %parallel_loop3A_646 = vector.shape_cast %parallel_loop3A_645 : vector<16x1xi32> to vector<16xi32>
        %parallel_loop3A_647 = tpu.dynamic_gather %parallel_loop3A_573[%parallel_loop3A_646] in [0] : vector<16xf32>, vector<16xi32> -> vector<16xf32>
        %parallel_loop3A_648 = arith.addf %parallel_loop3A_643, %parallel_loop3A_647 : vector<16xf32>
        %parallel_loop3A_649 = arith.index_cast %parallel_loop3A_562 : i32 to index
        %parallel_loop3A_650 = arith.index_cast %parallel_loop3A_640 : i32 to index
        %parallel_loop3A_651 = tpu.vector_load %arg5[%parallel_loop3A_649, %parallel_loop3A_650] {strides = array<i32>} : memref<8x2048xf32, #tpu.memory_space<vmem>>, vector<16xf32>,
        tpu.vector_store %arg5[%parallel_loop3A_649, %parallel_loop3A_650], %parallel_loop3A_648 {strides = array<i32>} : memref<8x2048xf32, #tpu.memory_space<vmem>>, vector<16xf32>,
        %parallel_loop3A_652 = arith.constant 96 : i32
        %parallel_loop3A_653 = arith.addi %parallel_loop3A_566, %parallel_loop3A_652 : i32
        %parallel_loop3A_654 = arith.index_cast %parallel_loop3A_562 : i32 to index
        %parallel_loop3A_655 = arith.index_cast %parallel_loop3A_653 : i32 to index
        %parallel_loop3A_656 = tpu.vector_load %arg5[%parallel_loop3A_654, %parallel_loop3A_655] {strides = array<i32>} : memref<8x2048xf32, #tpu.memory_space<vmem>>, vector<16xf32>,
        %parallel_loop3A_657 = arith.constant 6 : i32
        %parallel_loop3A_658 = vector.broadcast %parallel_loop3A_657 : i32 to vector<16x1xi32>
        %parallel_loop3A_659 = vector.shape_cast %parallel_loop3A_658 : vector<16x1xi32> to vector<16xi32>
        %parallel_loop3A_660 = tpu.dynamic_gather %parallel_loop3A_573[%parallel_loop3A_659] in [0] : vector<16xf32>, vector<16xi32> -> vector<16xf32>
        %parallel_loop3A_661 = arith.addf %parallel_loop3A_656, %parallel_loop3A_660 : vector<16xf32>
        %parallel_loop3A_662 = arith.index_cast %parallel_loop3A_562 : i32 to index
        %parallel_loop3A_663 = arith.index_cast %parallel_loop3A_653 : i32 to index
        %parallel_loop3A_664 = tpu.vector_load %arg5[%parallel_loop3A_662, %parallel_loop3A_663] {strides = array<i32>} : memref<8x2048xf32, #tpu.memory_space<vmem>>, vector<16xf32>,
        tpu.vector_store %arg5[%parallel_loop3A_662, %parallel_loop3A_663], %parallel_loop3A_661 {strides = array<i32>} : memref<8x2048xf32, #tpu.memory_space<vmem>>, vector<16xf32>,
        %parallel_loop3A_665 = arith.constant 112 : i32
        %parallel_loop3A_666 = arith.addi %parallel_loop3A_566, %parallel_loop3A_665 : i32
        %parallel_loop3A_667 = arith.index_cast %parallel_loop3A_562 : i32 to index
        %parallel_loop3A_668 = arith.index_cast %parallel_loop3A_666 : i32 to index
        %parallel_loop3A_669 = tpu.vector_load %arg5[%parallel_loop3A_667, %parallel_loop3A_668] {strides = array<i32>} : memref<8x2048xf32, #tpu.memory_space<vmem>>, vector<16xf32>,
        %parallel_loop3A_670 = arith.constant 7 : i32
        %parallel_loop3A_671 = vector.broadcast %parallel_loop3A_670 : i32 to vector<16x1xi32>
        %parallel_loop3A_672 = vector.shape_cast %parallel_loop3A_671 : vector<16x1xi32> to vector<16xi32>
        %parallel_loop3A_673 = tpu.dynamic_gather %parallel_loop3A_573[%parallel_loop3A_672] in [0] : vector<16xf32>, vector<16xi32> -> vector<16xf32>
        %parallel_loop3A_674 = arith.addf %parallel_loop3A_669, %parallel_loop3A_673 : vector<16xf32>
        %parallel_loop3A_675 = arith.index_cast %parallel_loop3A_562 : i32 to index
        %parallel_loop3A_676 = arith.index_cast %parallel_loop3A_666 : i32 to index
        %parallel_loop3A_677 = tpu.vector_load %arg5[%parallel_loop3A_675, %parallel_loop3A_676] {strides = array<i32>} : memref<8x2048xf32, #tpu.memory_space<vmem>>, vector<16xf32>,
        tpu.vector_store %arg5[%parallel_loop3A_675, %parallel_loop3A_676], %parallel_loop3A_674 {strides = array<i32>} : memref<8x2048xf32, #tpu.memory_space<vmem>>, vector<16xf32>,
        %parallel_loop3A_678 = arith.constant 128 : i32
        %parallel_loop3A_679 = arith.addi %parallel_loop3A_566, %parallel_loop3A_678 : i32
        %parallel_loop3A_680 = arith.index_cast %parallel_loop3A_562 : i32 to index
        %parallel_loop3A_681 = arith.index_cast %parallel_loop3A_679 : i32 to index
        %parallel_loop3A_682 = tpu.vector_load %arg5[%parallel_loop3A_680, %parallel_loop3A_681] {strides = array<i32>} : memref<8x2048xf32, #tpu.memory_space<vmem>>, vector<16xf32>,
        %parallel_loop3A_683 = arith.constant 8 : i32
        %parallel_loop3A_684 = vector.broadcast %parallel_loop3A_683 : i32 to vector<16x1xi32>
        %parallel_loop3A_685 = vector.shape_cast %parallel_loop3A_684 : vector<16x1xi32> to vector<16xi32>
        %parallel_loop3A_686 = tpu.dynamic_gather %parallel_loop3A_573[%parallel_loop3A_685] in [0] : vector<16xf32>, vector<16xi32> -> vector<16xf32>
        %parallel_loop3A_687 = arith.addf %parallel_loop3A_682, %parallel_loop3A_686 : vector<16xf32>
        %parallel_loop3A_688 = arith.index_cast %parallel_loop3A_562 : i32 to index
        %parallel_loop3A_689 = arith.index_cast %parallel_loop3A_679 : i32 to index
        %parallel_loop3A_690 = tpu.vector_load %arg5[%parallel_loop3A_688, %parallel_loop3A_689] {strides = array<i32>} : memref<8x2048xf32, #tpu.memory_space<vmem>>, vector<16xf32>,
        tpu.vector_store %arg5[%parallel_loop3A_688, %parallel_loop3A_689], %parallel_loop3A_687 {strides = array<i32>} : memref<8x2048xf32, #tpu.memory_space<vmem>>, vector<16xf32>,
        %parallel_loop3A_691 = arith.constant 144 : i32
        %parallel_loop3A_692 = arith.addi %parallel_loop3A_566, %parallel_loop3A_691 : i32
        %parallel_loop3A_693 = arith.index_cast %parallel_loop3A_562 : i32 to index
        %parallel_loop3A_694 = arith.index_cast %parallel_loop3A_692 : i32 to index
        %parallel_loop3A_695 = tpu.vector_load %arg5[%parallel_loop3A_693, %parallel_loop3A_694] {strides = array<i32>} : memref<8x2048xf32, #tpu.memory_space<vmem>>, vector<16xf32>,
        %parallel_loop3A_696 = arith.constant 9 : i32
        %parallel_loop3A_697 = vector.broadcast %parallel_loop3A_696 : i32 to vector<16x1xi32>
        %parallel_loop3A_698 = vector.shape_cast %parallel_loop3A_697 : vector<16x1xi32> to vector<16xi32>
        %parallel_loop3A_699 = tpu.dynamic_gather %parallel_loop3A_573[%parallel_loop3A_698] in [0] : vector<16xf32>, vector<16xi32> -> vector<16xf32>
        %parallel_loop3A_700 = arith.addf %parallel_loop3A_695, %parallel_loop3A_699 : vector<16xf32>
        %parallel_loop3A_701 = arith.index_cast %parallel_loop3A_562 : i32 to index
        %parallel_loop3A_702 = arith.index_cast %parallel_loop3A_692 : i32 to index
        %parallel_loop3A_703 = tpu.vector_load %arg5[%parallel_loop3A_701, %parallel_loop3A_702] {strides = array<i32>} : memref<8x2048xf32, #tpu.memory_space<vmem>>, vector<16xf32>,
        tpu.vector_store %arg5[%parallel_loop3A_701, %parallel_loop3A_702], %parallel_loop3A_700 {strides = array<i32>} : memref<8x2048xf32, #tpu.memory_space<vmem>>, vector<16xf32>,
        %parallel_loop3A_704 = arith.constant 160 : i32
        %parallel_loop3A_705 = arith.addi %parallel_loop3A_566, %parallel_loop3A_704 : i32
        %parallel_loop3A_706 = arith.index_cast %parallel_loop3A_562 : i32 to index
        %parallel_loop3A_707 = arith.index_cast %parallel_loop3A_705 : i32 to index
        %parallel_loop3A_708 = tpu.vector_load %arg5[%parallel_loop3A_706, %parallel_loop3A_707] {strides = array<i32>} : memref<8x2048xf32, #tpu.memory_space<vmem>>, vector<16xf32>,
        %parallel_loop3A_709 = arith.constant 10 : i32
        %parallel_loop3A_710 = vector.broadcast %parallel_loop3A_709 : i32 to vector<16x1xi32>
        %parallel_loop3A_711 = vector.shape_cast %parallel_loop3A_710 : vector<16x1xi32> to vector<16xi32>
        %parallel_loop3A_712 = tpu.dynamic_gather %parallel_loop3A_573[%parallel_loop3A_711] in [0] : vector<16xf32>, vector<16xi32> -> vector<16xf32>
        %parallel_loop3A_713 = arith.addf %parallel_loop3A_708, %parallel_loop3A_712 : vector<16xf32>
        %parallel_loop3A_714 = arith.index_cast %parallel_loop3A_562 : i32 to index
        %parallel_loop3A_715 = arith.index_cast %parallel_loop3A_705 : i32 to index
        %parallel_loop3A_716 = tpu.vector_load %arg5[%parallel_loop3A_714, %parallel_loop3A_715] {strides = array<i32>} : memref<8x2048xf32, #tpu.memory_space<vmem>>, vector<16xf32>,
        tpu.vector_store %arg5[%parallel_loop3A_714, %parallel_loop3A_715], %parallel_loop3A_713 {strides = array<i32>} : memref<8x2048xf32, #tpu.memory_space<vmem>>, vector<16xf32>,
        %parallel_loop3A_717 = arith.constant 176 : i32
        %parallel_loop3A_718 = arith.addi %parallel_loop3A_566, %parallel_loop3A_717 : i32
        %parallel_loop3A_719 = arith.index_cast %parallel_loop3A_562 : i32 to index
        %parallel_loop3A_720 = arith.index_cast %parallel_loop3A_718 : i32 to index
        %parallel_loop3A_721 = tpu.vector_load %arg5[%parallel_loop3A_719, %parallel_loop3A_720] {strides = array<i32>} : memref<8x2048xf32, #tpu.memory_space<vmem>>, vector<16xf32>,
        %parallel_loop3A_722 = arith.constant 11 : i32
        %parallel_loop3A_723 = vector.broadcast %parallel_loop3A_722 : i32 to vector<16x1xi32>
        %parallel_loop3A_724 = vector.shape_cast %parallel_loop3A_723 : vector<16x1xi32> to vector<16xi32>
        %parallel_loop3A_725 = tpu.dynamic_gather %parallel_loop3A_573[%parallel_loop3A_724] in [0] : vector<16xf32>, vector<16xi32> -> vector<16xf32>
        %parallel_loop3A_726 = arith.addf %parallel_loop3A_721, %parallel_loop3A_725 : vector<16xf32>
        %parallel_loop3A_727 = arith.index_cast %parallel_loop3A_562 : i32 to index
        %parallel_loop3A_728 = arith.index_cast %parallel_loop3A_718 : i32 to index
        %parallel_loop3A_729 = tpu.vector_load %arg5[%parallel_loop3A_727, %parallel_loop3A_728] {strides = array<i32>} : memref<8x2048xf32, #tpu.memory_space<vmem>>, vector<16xf32>,
        tpu.vector_store %arg5[%parallel_loop3A_727, %parallel_loop3A_728], %parallel_loop3A_726 {strides = array<i32>} : memref<8x2048xf32, #tpu.memory_space<vmem>>, vector<16xf32>,
        %parallel_loop3A_730 = arith.constant 192 : i32
        %parallel_loop3A_731 = arith.addi %parallel_loop3A_566, %parallel_loop3A_730 : i32
        %parallel_loop3A_732 = arith.index_cast %parallel_loop3A_562 : i32 to index
        %parallel_loop3A_733 = arith.index_cast %parallel_loop3A_731 : i32 to index
        %parallel_loop3A_734 = tpu.vector_load %arg5[%parallel_loop3A_732, %parallel_loop3A_733] {strides = array<i32>} : memref<8x2048xf32, #tpu.memory_space<vmem>>, vector<16xf32>,
        %parallel_loop3A_735 = arith.constant 12 : i32
        %parallel_loop3A_736 = vector.broadcast %parallel_loop3A_735 : i32 to vector<16x1xi32>
        %parallel_loop3A_737 = vector.shape_cast %parallel_loop3A_736 : vector<16x1xi32> to vector<16xi32>
        %parallel_loop3A_738 = tpu.dynamic_gather %parallel_loop3A_573[%parallel_loop3A_737] in [0] : vector<16xf32>, vector<16xi32> -> vector<16xf32>
        %parallel_loop3A_739 = arith.addf %parallel_loop3A_734, %parallel_loop3A_738 : vector<16xf32>
        %parallel_loop3A_740 = arith.index_cast %parallel_loop3A_562 : i32 to index
        %parallel_loop3A_741 = arith.index_cast %parallel_loop3A_731 : i32 to index
        %parallel_loop3A_742 = tpu.vector_load %arg5[%parallel_loop3A_740, %parallel_loop3A_741] {strides = array<i32>} : memref<8x2048xf32, #tpu.memory_space<vmem>>, vector<16xf32>,
        tpu.vector_store %arg5[%parallel_loop3A_740, %parallel_loop3A_741], %parallel_loop3A_739 {strides = array<i32>} : memref<8x2048xf32, #tpu.memory_space<vmem>>, vector<16xf32>,
        %parallel_loop3A_743 = arith.constant 208 : i32
        %parallel_loop3A_744 = arith.addi %parallel_loop3A_566, %parallel_loop3A_743 : i32
        %parallel_loop3A_745 = arith.index_cast %parallel_loop3A_562 : i32 to index
        %parallel_loop3A_746 = arith.index_cast %parallel_loop3A_744 : i32 to index
        %parallel_loop3A_747 = tpu.vector_load %arg5[%parallel_loop3A_745, %parallel_loop3A_746] {strides = array<i32>} : memref<8x2048xf32, #tpu.memory_space<vmem>>, vector<16xf32>,
        %parallel_loop3A_748 = arith.constant 13 : i32
        %parallel_loop3A_749 = vector.broadcast %parallel_loop3A_748 : i32 to vector<16x1xi32>
        %parallel_loop3A_750 = vector.shape_cast %parallel_loop3A_749 : vector<16x1xi32> to vector<16xi32>
        %parallel_loop3A_751 = tpu.dynamic_gather %parallel_loop3A_573[%parallel_loop3A_750] in [0] : vector<16xf32>, vector<16xi32> -> vector<16xf32>
        %parallel_loop3A_752 = arith.addf %parallel_loop3A_747, %parallel_loop3A_751 : vector<16xf32>
        %parallel_loop3A_753 = arith.index_cast %parallel_loop3A_562 : i32 to index
        %parallel_loop3A_754 = arith.index_cast %parallel_loop3A_744 : i32 to index
        %parallel_loop3A_755 = tpu.vector_load %arg5[%parallel_loop3A_753, %parallel_loop3A_754] {strides = array<i32>} : memref<8x2048xf32, #tpu.memory_space<vmem>>, vector<16xf32>,
        tpu.vector_store %arg5[%parallel_loop3A_753, %parallel_loop3A_754], %parallel_loop3A_752 {strides = array<i32>} : memref<8x2048xf32, #tpu.memory_space<vmem>>, vector<16xf32>,
        %parallel_loop3A_756 = arith.constant 224 : i32
        %parallel_loop3A_757 = arith.addi %parallel_loop3A_566, %parallel_loop3A_756 : i32
        %parallel_loop3A_758 = arith.index_cast %parallel_loop3A_562 : i32 to index
        %parallel_loop3A_759 = arith.index_cast %parallel_loop3A_757 : i32 to index
        %parallel_loop3A_760 = tpu.vector_load %arg5[%parallel_loop3A_758, %parallel_loop3A_759] {strides = array<i32>} : memref<8x2048xf32, #tpu.memory_space<vmem>>, vector<16xf32>,
        %parallel_loop3A_761 = arith.constant 14 : i32
        %parallel_loop3A_762 = vector.broadcast %parallel_loop3A_761 : i32 to vector<16x1xi32>
        %parallel_loop3A_763 = vector.shape_cast %parallel_loop3A_762 : vector<16x1xi32> to vector<16xi32>
        %parallel_loop3A_764 = tpu.dynamic_gather %parallel_loop3A_573[%parallel_loop3A_763] in [0] : vector<16xf32>, vector<16xi32> -> vector<16xf32>
        %parallel_loop3A_765 = arith.addf %parallel_loop3A_760, %parallel_loop3A_764 : vector<16xf32>
        %parallel_loop3A_766 = arith.index_cast %parallel_loop3A_562 : i32 to index
        %parallel_loop3A_767 = arith.index_cast %parallel_loop3A_757 : i32 to index
        %parallel_loop3A_768 = tpu.vector_load %arg5[%parallel_loop3A_766, %parallel_loop3A_767] {strides = array<i32>} : memref<8x2048xf32, #tpu.memory_space<vmem>>, vector<16xf32>,
        tpu.vector_store %arg5[%parallel_loop3A_766, %parallel_loop3A_767], %parallel_loop3A_765 {strides = array<i32>} : memref<8x2048xf32, #tpu.memory_space<vmem>>, vector<16xf32>,
        %parallel_loop3A_769 = arith.constant 240 : i32
        %parallel_loop3A_770 = arith.addi %parallel_loop3A_566, %parallel_loop3A_769 : i32
        %parallel_loop3A_771 = arith.index_cast %parallel_loop3A_562 : i32 to index
        %parallel_loop3A_772 = arith.index_cast %parallel_loop3A_770 : i32 to index
        %parallel_loop3A_773 = tpu.vector_load %arg5[%parallel_loop3A_771, %parallel_loop3A_772] {strides = array<i32>} : memref<8x2048xf32, #tpu.memory_space<vmem>>, vector<16xf32>,
        %parallel_loop3A_774 = arith.constant 15 : i32
        %parallel_loop3A_775 = vector.broadcast %parallel_loop3A_774 : i32 to vector<16x1xi32>
        %parallel_loop3A_776 = vector.shape_cast %parallel_loop3A_775 : vector<16x1xi32> to vector<16xi32>
        %parallel_loop3A_777 = tpu.dynamic_gather %parallel_loop3A_573[%parallel_loop3A_776] in [0] : vector<16xf32>, vector<16xi32> -> vector<16xf32>
        %parallel_loop3A_778 = arith.addf %parallel_loop3A_773, %parallel_loop3A_777 : vector<16xf32>
        %parallel_loop3A_779 = arith.index_cast %parallel_loop3A_562 : i32 to index
        %parallel_loop3A_780 = arith.index_cast %parallel_loop3A_770 : i32 to index
        %parallel_loop3A_781 = tpu.vector_load %arg5[%parallel_loop3A_779, %parallel_loop3A_780] {strides = array<i32>} : memref<8x2048xf32, #tpu.memory_space<vmem>>, vector<16xf32>,
        tpu.vector_store %arg5[%parallel_loop3A_779, %parallel_loop3A_780], %parallel_loop3A_778 {strides = array<i32>} : memref<8x2048xf32, #tpu.memory_space<vmem>>, vector<16xf32>,
      } {sc.loop_unroll_factor = 2 : i64, sc.parallel_access}
      %mul3A_197 = arith.constant 8 : i32
      %mul3A_198 = arith.muli %add3A_95, %mul3A_197 : i32
      %add3A_199 = arith.addi %mul3A_32, %mul3A_198 : i32
      %dma_start3A_200 = arith.constant 0 : i32
      %dma_start3A_201 = tpu.memref_slice %arg4[%select_n3A, %add3A_199, %dma_start3A_200] : memref<2x8192x2048xf32, #tpu.memory_space<hbm>> -> memref<1x8x2048xf32, #tpu.memory_space<hbm>>
      %dma_start3A_202 = tpu.memref_squeeze %dma_start3A_201 : memref<1x8x2048xf32, #tpu.memory_space<hbm>> -> memref<8x2048xf32, #tpu.memory_space<hbm>>
      %dma_start3A_203 = arith.constant 0 : i32
      %dma_start3A_204 = tpu.memref_slice %arg4[%select_n3A, %add3A_199, %dma_start3A_203] : memref<2x8192x2048xf32, #tpu.memory_space<hbm>> -> memref<1x8x2048xf32, #tpu.memory_space<hbm>>
      %dma_start3A_205 = tpu.memref_squeeze %dma_start3A_204 : memref<1x8x2048xf32, #tpu.memory_space<hbm>> -> memref<8x2048xf32, #tpu.memory_space<hbm>>
      tpu.enqueue_dma source(%arg5 : memref<8x2048xf32, #tpu.memory_space<vmem>>) target(%dma_start3A_205 : memref<8x2048xf32, #tpu.memory_space<hbm>>) target_semaphore(%arg18 : memref<!tpu.dma_semaphore, #tpu.memory_space<semaphore_mem>>)
      %mul3A_206 = arith.constant 4 : i32
      %mul3A_207 = arith.muli %scan3A_90, %mul3A_206 : i32
      %add3A_208 = arith.constant 1 : i32
      %add3A_209 = arith.addi %mul3A_207, %add3A_208 : i32
      %ge3A_210 = arith.constant 2 : i32
      %ge3A_211 = arith.cmpi sge, %add3A_209, %ge3A_210 : i32
      %convert_element_type3A_212 = arith.extui %ge3A_211 : i1 to i32
      %cond3A_213 = arith.constant 0 : i32
      %cond3A_214 = arith.cmpi ne, %convert_element_type3A_212, %cond3A_213 : i32
      scf.if %cond3A_214 {
        %add3A_560 = arith.constant 0 : i32
        %add3A_561 = arith.addi %mul3A_32, %add3A_560 : i32
        %dma_wait3A_562 = arith.constant 0 : i32
        %dma_wait3A_563 = tpu.memref_slice %arg4[%select_n3A, %add3A_561, %dma_wait3A_562] : memref<2x8192x2048xf32, #tpu.memory_space<hbm>> -> memref<1x8x2048xf32, #tpu.memory_space<hbm>>
        %dma_wait3A_564 = tpu.memref_squeeze %dma_wait3A_563 : memref<1x8x2048xf32, #tpu.memory_space<hbm>> -> memref<8x2048xf32, #tpu.memory_space<hbm>>
        %dma_wait3A_565 = arith.constant 0 : i32
        %dma_wait3A_566 = tpu.memref_slice %arg4[%select_n3A, %add3A_561, %dma_wait3A_565] : memref<2x8192x2048xf32, #tpu.memory_space<hbm>> -> memref<1x8x2048xf32, #tpu.memory_space<hbm>>
        %dma_wait3A_567 = tpu.memref_squeeze %dma_wait3A_566 : memref<1x8x2048xf32, #tpu.memory_space<hbm>> -> memref<8x2048xf32, #tpu.memory_space<hbm>>
        tpu.wait_dma2 semaphore(%arg21 : memref<!tpu.dma_semaphore, #tpu.memory_space<semaphore_mem>>) src(%arg8 : memref<8x2048xf32, #tpu.memory_space<vmem>>) dst(%dma_wait3A_567 : memref<8x2048xf32, #tpu.memory_space<hbm>>)
      } else {
      }
      %add3A_215 = arith.constant 2 : i32
      %add3A_216 = arith.addi %add3A_209, %add3A_215 : i32
      %lt3A_217 = arith.constant 64 : i32
      %lt3A_218 = arith.cmpi slt, %add3A_216, %lt3A_217 : i32
      %convert_element_type3A_219 = arith.extui %lt3A_218 : i1 to i32
      %cond3A_220 = arith.constant 0 : i32
      %cond3A_221 = arith.cmpi ne, %convert_element_type3A_219, %cond3A_220 : i32
      scf.if %cond3A_221 {
        %add3A_560 = arith.constant 2 : i32
        %add3A_561 = arith.addi %add3A_209, %add3A_560 : i32
        %mul3A_562 = arith.constant 8 : i32
        %mul3A_563 = arith.muli %add3A_561, %mul3A_562 : i32
        %add3A_564 = arith.addi %mul3A_32, %mul3A_563 : i32
        %dma_start3A_565 = arith.constant 0 : i32
        %dma_start3A_566 = tpu.memref_slice %arg2[%select_n3A, %add3A_564, %dma_start3A_565] : memref<2x8192x2048xf32, #tpu.memory_space<hbm>> -> memref<1x8x2048xf32, #tpu.memory_space<hbm>>
        %dma_start3A_567 = tpu.memref_squeeze %dma_start3A_566 : memref<1x8x2048xf32, #tpu.memory_space<hbm>> -> memref<8x2048xf32, #tpu.memory_space<hbm>>
        %dma_start3A_568 = arith.constant 0 : i32
        %dma_start3A_569 = tpu.memref_slice %arg2[%select_n3A, %add3A_564, %dma_start3A_568] : memref<2x8192x2048xf32, #tpu.memory_space<hbm>> -> memref<1x8x2048xf32, #tpu.memory_space<hbm>>
        %dma_start3A_570 = tpu.memref_squeeze %dma_start3A_569 : memref<1x8x2048xf32, #tpu.memory_space<hbm>> -> memref<8x2048xf32, #tpu.memory_space<hbm>>
        tpu.enqueue_dma source(%dma_start3A_570 : memref<8x2048xf32, #tpu.memory_space<hbm>>) target(%arg8 : memref<8x2048xf32, #tpu.memory_space<vmem>>) target_semaphore(%arg17 : memref<!tpu.dma_semaphore, #tpu.memory_space<semaphore_mem>>)
      } else {
      }
      %add3A_222 = arith.constant 0 : i32
      %add3A_223 = arith.addi %mul3A_32, %add3A_222 : i32
      %dma_wait3A_224 = arith.constant 0 : i32
      %dma_wait3A_225 = tpu.memref_slice %arg2[%select_n3A, %add3A_223, %dma_wait3A_224] : memref<2x8192x2048xf32, #tpu.memory_space<hbm>> -> memref<1x8x2048xf32, #tpu.memory_space<hbm>>
      %dma_wait3A_226 = tpu.memref_squeeze %dma_wait3A_225 : memref<1x8x2048xf32, #tpu.memory_space<hbm>> -> memref<8x2048xf32, #tpu.memory_space<hbm>>
      %dma_wait3A_227 = arith.constant 0 : i32
      %dma_wait3A_228 = tpu.memref_slice %arg2[%select_n3A, %add3A_223, %dma_wait3A_227] : memref<2x8192x2048xf32, #tpu.memory_space<hbm>> -> memref<1x8x2048xf32, #tpu.memory_space<hbm>>
      %dma_wait3A_229 = tpu.memref_squeeze %dma_wait3A_228 : memref<1x8x2048xf32, #tpu.memory_space<hbm>> -> memref<8x2048xf32, #tpu.memory_space<hbm>>
      tpu.wait_dma2 semaphore(%arg15 : memref<!tpu.dma_semaphore, #tpu.memory_space<semaphore_mem>>) src(%dma_wait3A_229 : memref<8x2048xf32, #tpu.memory_space<hbm>>) dst(%arg6 : memref<8x2048xf32, #tpu.memory_space<vmem>>)
      %parallel_loop3A_230 = arith.constant 0 : i32
      %parallel_loop3A_231 = arith.constant 64 : i32
      %parallel_loop3A_232 = arith.constant 1 : i32
      scf.for %parallel_loop3A_560 = %parallel_loop3A_230 to %parallel_loop3A_231 step %parallel_loop3A_232  : i32 {
        %parallel_loop3A_561 = arith.constant 3 : i32
        %parallel_loop3A_562 = arith.shrsi %parallel_loop3A_560, %parallel_loop3A_561 : i32
        %parallel_loop3A_563 = arith.constant 7 : i32
        %parallel_loop3A_564 = arith.andi %parallel_loop3A_560, %parallel_loop3A_563 : i32
        %parallel_loop3A_565 = arith.constant 256 : i32
        %parallel_loop3A_566 = arith.muli %parallel_loop3A_564, %parallel_loop3A_565 : i32
        %parallel_loop3A_567 = arith.constant 0 : i32
        %parallel_loop3A_568 = arith.addi %parallel_loop3A_566, %parallel_loop3A_567 : i32
        %parallel_loop3A_569 = arith.index_cast %parallel_loop3A_562 : i32 to index
        %parallel_loop3A_570 = arith.index_cast %parallel_loop3A_568 : i32 to index
        %parallel_loop3A_571 = tpu.vector_load %arg6[%parallel_loop3A_569, %parallel_loop3A_570] {strides = array<i32>} : memref<8x2048xf32, #tpu.memory_space<vmem>>, vector<16xf32>,
        %parallel_loop3A_572 = arith.constant true
        %parallel_loop3A_573 = vector.broadcast %parallel_loop3A_572 : i1 to vector<16xi1>
        %parallel_loop3A_574 = tpu.scan <sum>, %parallel_loop3A_571 masked %parallel_loop3A_573 : vector<16xf32>, vector<16xi1> -> vector<16xf32>
        %parallel_loop3A_575 = arith.index_cast %parallel_loop3A_562 : i32 to index
        %parallel_loop3A_576 = arith.index_cast %parallel_loop3A_568 : i32 to index
        %parallel_loop3A_577 = tpu.vector_load %arg6[%parallel_loop3A_575, %parallel_loop3A_576] {strides = array<i32>} : memref<8x2048xf32, #tpu.memory_space<vmem>>, vector<16xf32>,
        tpu.vector_store %arg6[%parallel_loop3A_575, %parallel_loop3A_576], %parallel_loop3A_574 {strides = array<i32>} : memref<8x2048xf32, #tpu.memory_space<vmem>>, vector<16xf32>,
        %parallel_loop3A_578 = arith.constant 16 : i32
        %parallel_loop3A_579 = arith.addi %parallel_loop3A_566, %parallel_loop3A_578 : i32
        %parallel_loop3A_580 = arith.index_cast %parallel_loop3A_562 : i32 to index
        %parallel_loop3A_581 = arith.index_cast %parallel_loop3A_579 : i32 to index
        %parallel_loop3A_582 = tpu.vector_load %arg6[%parallel_loop3A_580, %parallel_loop3A_581] {strides = array<i32>} : memref<8x2048xf32, #tpu.memory_space<vmem>>, vector<16xf32>,
        %parallel_loop3A_583 = arith.constant true
        %parallel_loop3A_584 = vector.broadcast %parallel_loop3A_583 : i1 to vector<16xi1>
        %parallel_loop3A_585 = tpu.scan <sum>, %parallel_loop3A_582 masked %parallel_loop3A_584 : vector<16xf32>, vector<16xi1> -> vector<16xf32>
        %parallel_loop3A_586 = arith.index_cast %parallel_loop3A_562 : i32 to index
        %parallel_loop3A_587 = arith.index_cast %parallel_loop3A_579 : i32 to index
        %parallel_loop3A_588 = tpu.vector_load %arg6[%parallel_loop3A_586, %parallel_loop3A_587] {strides = array<i32>} : memref<8x2048xf32, #tpu.memory_space<vmem>>, vector<16xf32>,
        tpu.vector_store %arg6[%parallel_loop3A_586, %parallel_loop3A_587], %parallel_loop3A_585 {strides = array<i32>} : memref<8x2048xf32, #tpu.memory_space<vmem>>, vector<16xf32>,
        %parallel_loop3A_589 = arith.constant 32 : i32
        %parallel_loop3A_590 = arith.addi %parallel_loop3A_566, %parallel_loop3A_589 : i32
        %parallel_loop3A_591 = arith.index_cast %parallel_loop3A_562 : i32 to index
        %parallel_loop3A_592 = arith.index_cast %parallel_loop3A_590 : i32 to index
        %parallel_loop3A_593 = tpu.vector_load %arg6[%parallel_loop3A_591, %parallel_loop3A_592] {strides = array<i32>} : memref<8x2048xf32, #tpu.memory_space<vmem>>, vector<16xf32>,
        %parallel_loop3A_594 = arith.constant true
        %parallel_loop3A_595 = vector.broadcast %parallel_loop3A_594 : i1 to vector<16xi1>
        %parallel_loop3A_596 = tpu.scan <sum>, %parallel_loop3A_593 masked %parallel_loop3A_595 : vector<16xf32>, vector<16xi1> -> vector<16xf32>
        %parallel_loop3A_597 = arith.index_cast %parallel_loop3A_562 : i32 to index
        %parallel_loop3A_598 = arith.index_cast %parallel_loop3A_590 : i32 to index
        %parallel_loop3A_599 = tpu.vector_load %arg6[%parallel_loop3A_597, %parallel_loop3A_598] {strides = array<i32>} : memref<8x2048xf32, #tpu.memory_space<vmem>>, vector<16xf32>,
        tpu.vector_store %arg6[%parallel_loop3A_597, %parallel_loop3A_598], %parallel_loop3A_596 {strides = array<i32>} : memref<8x2048xf32, #tpu.memory_space<vmem>>, vector<16xf32>,
        %parallel_loop3A_600 = arith.constant 48 : i32
        %parallel_loop3A_601 = arith.addi %parallel_loop3A_566, %parallel_loop3A_600 : i32
        %parallel_loop3A_602 = arith.index_cast %parallel_loop3A_562 : i32 to index
        %parallel_loop3A_603 = arith.index_cast %parallel_loop3A_601 : i32 to index
        %parallel_loop3A_604 = tpu.vector_load %arg6[%parallel_loop3A_602, %parallel_loop3A_603] {strides = array<i32>} : memref<8x2048xf32, #tpu.memory_space<vmem>>, vector<16xf32>,
        %parallel_loop3A_605 = arith.constant true
        %parallel_loop3A_606 = vector.broadcast %parallel_loop3A_605 : i1 to vector<16xi1>
        %parallel_loop3A_607 = tpu.scan <sum>, %parallel_loop3A_604 masked %parallel_loop3A_606 : vector<16xf32>, vector<16xi1> -> vector<16xf32>
        %parallel_loop3A_608 = arith.index_cast %parallel_loop3A_562 : i32 to index
        %parallel_loop3A_609 = arith.index_cast %parallel_loop3A_601 : i32 to index
        %parallel_loop3A_610 = tpu.vector_load %arg6[%parallel_loop3A_608, %parallel_loop3A_609] {strides = array<i32>} : memref<8x2048xf32, #tpu.memory_space<vmem>>, vector<16xf32>,
        tpu.vector_store %arg6[%parallel_loop3A_608, %parallel_loop3A_609], %parallel_loop3A_607 {strides = array<i32>} : memref<8x2048xf32, #tpu.memory_space<vmem>>, vector<16xf32>,
        %parallel_loop3A_611 = arith.constant 64 : i32
        %parallel_loop3A_612 = arith.addi %parallel_loop3A_566, %parallel_loop3A_611 : i32
        %parallel_loop3A_613 = arith.index_cast %parallel_loop3A_562 : i32 to index
        %parallel_loop3A_614 = arith.index_cast %parallel_loop3A_612 : i32 to index
        %parallel_loop3A_615 = tpu.vector_load %arg6[%parallel_loop3A_613, %parallel_loop3A_614] {strides = array<i32>} : memref<8x2048xf32, #tpu.memory_space<vmem>>, vector<16xf32>,
        %parallel_loop3A_616 = arith.constant true
        %parallel_loop3A_617 = vector.broadcast %parallel_loop3A_616 : i1 to vector<16xi1>
        %parallel_loop3A_618 = tpu.scan <sum>, %parallel_loop3A_615 masked %parallel_loop3A_617 : vector<16xf32>, vector<16xi1> -> vector<16xf32>
        %parallel_loop3A_619 = arith.index_cast %parallel_loop3A_562 : i32 to index
        %parallel_loop3A_620 = arith.index_cast %parallel_loop3A_612 : i32 to index
        %parallel_loop3A_621 = tpu.vector_load %arg6[%parallel_loop3A_619, %parallel_loop3A_620] {strides = array<i32>} : memref<8x2048xf32, #tpu.memory_space<vmem>>, vector<16xf32>,
        tpu.vector_store %arg6[%parallel_loop3A_619, %parallel_loop3A_620], %parallel_loop3A_618 {strides = array<i32>} : memref<8x2048xf32, #tpu.memory_space<vmem>>, vector<16xf32>,
        %parallel_loop3A_622 = arith.constant 80 : i32
        %parallel_loop3A_623 = arith.addi %parallel_loop3A_566, %parallel_loop3A_622 : i32
        %parallel_loop3A_624 = arith.index_cast %parallel_loop3A_562 : i32 to index
        %parallel_loop3A_625 = arith.index_cast %parallel_loop3A_623 : i32 to index
        %parallel_loop3A_626 = tpu.vector_load %arg6[%parallel_loop3A_624, %parallel_loop3A_625] {strides = array<i32>} : memref<8x2048xf32, #tpu.memory_space<vmem>>, vector<16xf32>,
        %parallel_loop3A_627 = arith.constant true
        %parallel_loop3A_628 = vector.broadcast %parallel_loop3A_627 : i1 to vector<16xi1>
        %parallel_loop3A_629 = tpu.scan <sum>, %parallel_loop3A_626 masked %parallel_loop3A_628 : vector<16xf32>, vector<16xi1> -> vector<16xf32>
        %parallel_loop3A_630 = arith.index_cast %parallel_loop3A_562 : i32 to index
        %parallel_loop3A_631 = arith.index_cast %parallel_loop3A_623 : i32 to index
        %parallel_loop3A_632 = tpu.vector_load %arg6[%parallel_loop3A_630, %parallel_loop3A_631] {strides = array<i32>} : memref<8x2048xf32, #tpu.memory_space<vmem>>, vector<16xf32>,
        tpu.vector_store %arg6[%parallel_loop3A_630, %parallel_loop3A_631], %parallel_loop3A_629 {strides = array<i32>} : memref<8x2048xf32, #tpu.memory_space<vmem>>, vector<16xf32>,
        %parallel_loop3A_633 = arith.constant 96 : i32
        %parallel_loop3A_634 = arith.addi %parallel_loop3A_566, %parallel_loop3A_633 : i32
        %parallel_loop3A_635 = arith.index_cast %parallel_loop3A_562 : i32 to index
        %parallel_loop3A_636 = arith.index_cast %parallel_loop3A_634 : i32 to index
        %parallel_loop3A_637 = tpu.vector_load %arg6[%parallel_loop3A_635, %parallel_loop3A_636] {strides = array<i32>} : memref<8x2048xf32, #tpu.memory_space<vmem>>, vector<16xf32>,
        %parallel_loop3A_638 = arith.constant true
        %parallel_loop3A_639 = vector.broadcast %parallel_loop3A_638 : i1 to vector<16xi1>
        %parallel_loop3A_640 = tpu.scan <sum>, %parallel_loop3A_637 masked %parallel_loop3A_639 : vector<16xf32>, vector<16xi1> -> vector<16xf32>
        %parallel_loop3A_641 = arith.index_cast %parallel_loop3A_562 : i32 to index
        %parallel_loop3A_642 = arith.index_cast %parallel_loop3A_634 : i32 to index
        %parallel_loop3A_643 = tpu.vector_load %arg6[%parallel_loop3A_641, %parallel_loop3A_642] {strides = array<i32>} : memref<8x2048xf32, #tpu.memory_space<vmem>>, vector<16xf32>,
        tpu.vector_store %arg6[%parallel_loop3A_641, %parallel_loop3A_642], %parallel_loop3A_640 {strides = array<i32>} : memref<8x2048xf32, #tpu.memory_space<vmem>>, vector<16xf32>,
        %parallel_loop3A_644 = arith.constant 112 : i32
        %parallel_loop3A_645 = arith.addi %parallel_loop3A_566, %parallel_loop3A_644 : i32
        %parallel_loop3A_646 = arith.index_cast %parallel_loop3A_562 : i32 to index
        %parallel_loop3A_647 = arith.index_cast %parallel_loop3A_645 : i32 to index
        %parallel_loop3A_648 = tpu.vector_load %arg6[%parallel_loop3A_646, %parallel_loop3A_647] {strides = array<i32>} : memref<8x2048xf32, #tpu.memory_space<vmem>>, vector<16xf32>,
        %parallel_loop3A_649 = arith.constant true
        %parallel_loop3A_650 = vector.broadcast %parallel_loop3A_649 : i1 to vector<16xi1>
        %parallel_loop3A_651 = tpu.scan <sum>, %parallel_loop3A_648 masked %parallel_loop3A_650 : vector<16xf32>, vector<16xi1> -> vector<16xf32>
        %parallel_loop3A_652 = arith.index_cast %parallel_loop3A_562 : i32 to index
        %parallel_loop3A_653 = arith.index_cast %parallel_loop3A_645 : i32 to index
        %parallel_loop3A_654 = tpu.vector_load %arg6[%parallel_loop3A_652, %parallel_loop3A_653] {strides = array<i32>} : memref<8x2048xf32, #tpu.memory_space<vmem>>, vector<16xf32>,
        tpu.vector_store %arg6[%parallel_loop3A_652, %parallel_loop3A_653], %parallel_loop3A_651 {strides = array<i32>} : memref<8x2048xf32, #tpu.memory_space<vmem>>, vector<16xf32>,
        %parallel_loop3A_655 = arith.constant 128 : i32
        %parallel_loop3A_656 = arith.addi %parallel_loop3A_566, %parallel_loop3A_655 : i32
        %parallel_loop3A_657 = arith.index_cast %parallel_loop3A_562 : i32 to index
        %parallel_loop3A_658 = arith.index_cast %parallel_loop3A_656 : i32 to index
        %parallel_loop3A_659 = tpu.vector_load %arg6[%parallel_loop3A_657, %parallel_loop3A_658] {strides = array<i32>} : memref<8x2048xf32, #tpu.memory_space<vmem>>, vector<16xf32>,
        %parallel_loop3A_660 = arith.constant true
        %parallel_loop3A_661 = vector.broadcast %parallel_loop3A_660 : i1 to vector<16xi1>
        %parallel_loop3A_662 = tpu.scan <sum>, %parallel_loop3A_659 masked %parallel_loop3A_661 : vector<16xf32>, vector<16xi1> -> vector<16xf32>
        %parallel_loop3A_663 = arith.index_cast %parallel_loop3A_562 : i32 to index
        %parallel_loop3A_664 = arith.index_cast %parallel_loop3A_656 : i32 to index
        %parallel_loop3A_665 = tpu.vector_load %arg6[%parallel_loop3A_663, %parallel_loop3A_664] {strides = array<i32>} : memref<8x2048xf32, #tpu.memory_space<vmem>>, vector<16xf32>,
        tpu.vector_store %arg6[%parallel_loop3A_663, %parallel_loop3A_664], %parallel_loop3A_662 {strides = array<i32>} : memref<8x2048xf32, #tpu.memory_space<vmem>>, vector<16xf32>,
        %parallel_loop3A_666 = arith.constant 144 : i32
        %parallel_loop3A_667 = arith.addi %parallel_loop3A_566, %parallel_loop3A_666 : i32
        %parallel_loop3A_668 = arith.index_cast %parallel_loop3A_562 : i32 to index
        %parallel_loop3A_669 = arith.index_cast %parallel_loop3A_667 : i32 to index
        %parallel_loop3A_670 = tpu.vector_load %arg6[%parallel_loop3A_668, %parallel_loop3A_669] {strides = array<i32>} : memref<8x2048xf32, #tpu.memory_space<vmem>>, vector<16xf32>,
        %parallel_loop3A_671 = arith.constant true
        %parallel_loop3A_672 = vector.broadcast %parallel_loop3A_671 : i1 to vector<16xi1>
        %parallel_loop3A_673 = tpu.scan <sum>, %parallel_loop3A_670 masked %parallel_loop3A_672 : vector<16xf32>, vector<16xi1> -> vector<16xf32>
        %parallel_loop3A_674 = arith.index_cast %parallel_loop3A_562 : i32 to index
        %parallel_loop3A_675 = arith.index_cast %parallel_loop3A_667 : i32 to index
        %parallel_loop3A_676 = tpu.vector_load %arg6[%parallel_loop3A_674, %parallel_loop3A_675] {strides = array<i32>} : memref<8x2048xf32, #tpu.memory_space<vmem>>, vector<16xf32>,
        tpu.vector_store %arg6[%parallel_loop3A_674, %parallel_loop3A_675], %parallel_loop3A_673 {strides = array<i32>} : memref<8x2048xf32, #tpu.memory_space<vmem>>, vector<16xf32>,
        %parallel_loop3A_677 = arith.constant 160 : i32
        %parallel_loop3A_678 = arith.addi %parallel_loop3A_566, %parallel_loop3A_677 : i32
        %parallel_loop3A_679 = arith.index_cast %parallel_loop3A_562 : i32 to index
        %parallel_loop3A_680 = arith.index_cast %parallel_loop3A_678 : i32 to index
        %parallel_loop3A_681 = tpu.vector_load %arg6[%parallel_loop3A_679, %parallel_loop3A_680] {strides = array<i32>} : memref<8x2048xf32, #tpu.memory_space<vmem>>, vector<16xf32>,
        %parallel_loop3A_682 = arith.constant true
        %parallel_loop3A_683 = vector.broadcast %parallel_loop3A_682 : i1 to vector<16xi1>
        %parallel_loop3A_684 = tpu.scan <sum>, %parallel_loop3A_681 masked %parallel_loop3A_683 : vector<16xf32>, vector<16xi1> -> vector<16xf32>
        %parallel_loop3A_685 = arith.index_cast %parallel_loop3A_562 : i32 to index
        %parallel_loop3A_686 = arith.index_cast %parallel_loop3A_678 : i32 to index
        %parallel_loop3A_687 = tpu.vector_load %arg6[%parallel_loop3A_685, %parallel_loop3A_686] {strides = array<i32>} : memref<8x2048xf32, #tpu.memory_space<vmem>>, vector<16xf32>,
        tpu.vector_store %arg6[%parallel_loop3A_685, %parallel_loop3A_686], %parallel_loop3A_684 {strides = array<i32>} : memref<8x2048xf32, #tpu.memory_space<vmem>>, vector<16xf32>,
        %parallel_loop3A_688 = arith.constant 176 : i32
        %parallel_loop3A_689 = arith.addi %parallel_loop3A_566, %parallel_loop3A_688 : i32
        %parallel_loop3A_690 = arith.index_cast %parallel_loop3A_562 : i32 to index
        %parallel_loop3A_691 = arith.index_cast %parallel_loop3A_689 : i32 to index
        %parallel_loop3A_692 = tpu.vector_load %arg6[%parallel_loop3A_690, %parallel_loop3A_691] {strides = array<i32>} : memref<8x2048xf32, #tpu.memory_space<vmem>>, vector<16xf32>,
        %parallel_loop3A_693 = arith.constant true
        %parallel_loop3A_694 = vector.broadcast %parallel_loop3A_693 : i1 to vector<16xi1>
        %parallel_loop3A_695 = tpu.scan <sum>, %parallel_loop3A_692 masked %parallel_loop3A_694 : vector<16xf32>, vector<16xi1> -> vector<16xf32>
        %parallel_loop3A_696 = arith.index_cast %parallel_loop3A_562 : i32 to index
        %parallel_loop3A_697 = arith.index_cast %parallel_loop3A_689 : i32 to index
        %parallel_loop3A_698 = tpu.vector_load %arg6[%parallel_loop3A_696, %parallel_loop3A_697] {strides = array<i32>} : memref<8x2048xf32, #tpu.memory_space<vmem>>, vector<16xf32>,
        tpu.vector_store %arg6[%parallel_loop3A_696, %parallel_loop3A_697], %parallel_loop3A_695 {strides = array<i32>} : memref<8x2048xf32, #tpu.memory_space<vmem>>, vector<16xf32>,
        %parallel_loop3A_699 = arith.constant 192 : i32
        %parallel_loop3A_700 = arith.addi %parallel_loop3A_566, %parallel_loop3A_699 : i32
        %parallel_loop3A_701 = arith.index_cast %parallel_loop3A_562 : i32 to index
        %parallel_loop3A_702 = arith.index_cast %parallel_loop3A_700 : i32 to index
        %parallel_loop3A_703 = tpu.vector_load %arg6[%parallel_loop3A_701, %parallel_loop3A_702] {strides = array<i32>} : memref<8x2048xf32, #tpu.memory_space<vmem>>, vector<16xf32>,
        %parallel_loop3A_704 = arith.constant true
        %parallel_loop3A_705 = vector.broadcast %parallel_loop3A_704 : i1 to vector<16xi1>
        %parallel_loop3A_706 = tpu.scan <sum>, %parallel_loop3A_703 masked %parallel_loop3A_705 : vector<16xf32>, vector<16xi1> -> vector<16xf32>
        %parallel_loop3A_707 = arith.index_cast %parallel_loop3A_562 : i32 to index
        %parallel_loop3A_708 = arith.index_cast %parallel_loop3A_700 : i32 to index
        %parallel_loop3A_709 = tpu.vector_load %arg6[%parallel_loop3A_707, %parallel_loop3A_708] {strides = array<i32>} : memref<8x2048xf32, #tpu.memory_space<vmem>>, vector<16xf32>,
        tpu.vector_store %arg6[%parallel_loop3A_707, %parallel_loop3A_708], %parallel_loop3A_706 {strides = array<i32>} : memref<8x2048xf32, #tpu.memory_space<vmem>>, vector<16xf32>,
        %parallel_loop3A_710 = arith.constant 208 : i32
        %parallel_loop3A_711 = arith.addi %parallel_loop3A_566, %parallel_loop3A_710 : i32
        %parallel_loop3A_712 = arith.index_cast %parallel_loop3A_562 : i32 to index
        %parallel_loop3A_713 = arith.index_cast %parallel_loop3A_711 : i32 to index
        %parallel_loop3A_714 = tpu.vector_load %arg6[%parallel_loop3A_712, %parallel_loop3A_713] {strides = array<i32>} : memref<8x2048xf32, #tpu.memory_space<vmem>>, vector<16xf32>,
        %parallel_loop3A_715 = arith.constant true
        %parallel_loop3A_716 = vector.broadcast %parallel_loop3A_715 : i1 to vector<16xi1>
        %parallel_loop3A_717 = tpu.scan <sum>, %parallel_loop3A_714 masked %parallel_loop3A_716 : vector<16xf32>, vector<16xi1> -> vector<16xf32>
        %parallel_loop3A_718 = arith.index_cast %parallel_loop3A_562 : i32 to index
        %parallel_loop3A_719 = arith.index_cast %parallel_loop3A_711 : i32 to index
        %parallel_loop3A_720 = tpu.vector_load %arg6[%parallel_loop3A_718, %parallel_loop3A_719] {strides = array<i32>} : memref<8x2048xf32, #tpu.memory_space<vmem>>, vector<16xf32>,
        tpu.vector_store %arg6[%parallel_loop3A_718, %parallel_loop3A_719], %parallel_loop3A_717 {strides = array<i32>} : memref<8x2048xf32, #tpu.memory_space<vmem>>, vector<16xf32>,
        %parallel_loop3A_721 = arith.constant 224 : i32
        %parallel_loop3A_722 = arith.addi %parallel_loop3A_566, %parallel_loop3A_721 : i32
        %parallel_loop3A_723 = arith.index_cast %parallel_loop3A_562 : i32 to index
        %parallel_loop3A_724 = arith.index_cast %parallel_loop3A_722 : i32 to index
        %parallel_loop3A_725 = tpu.vector_load %arg6[%parallel_loop3A_723, %parallel_loop3A_724] {strides = array<i32>} : memref<8x2048xf32, #tpu.memory_space<vmem>>, vector<16xf32>,
        %parallel_loop3A_726 = arith.constant true
        %parallel_loop3A_727 = vector.broadcast %parallel_loop3A_726 : i1 to vector<16xi1>
        %parallel_loop3A_728 = tpu.scan <sum>, %parallel_loop3A_725 masked %parallel_loop3A_727 : vector<16xf32>, vector<16xi1> -> vector<16xf32>
        %parallel_loop3A_729 = arith.index_cast %parallel_loop3A_562 : i32 to index
        %parallel_loop3A_730 = arith.index_cast %parallel_loop3A_722 : i32 to index
        %parallel_loop3A_731 = tpu.vector_load %arg6[%parallel_loop3A_729, %parallel_loop3A_730] {strides = array<i32>} : memref<8x2048xf32, #tpu.memory_space<vmem>>, vector<16xf32>,
        tpu.vector_store %arg6[%parallel_loop3A_729, %parallel_loop3A_730], %parallel_loop3A_728 {strides = array<i32>} : memref<8x2048xf32, #tpu.memory_space<vmem>>, vector<16xf32>,
        %parallel_loop3A_732 = arith.constant 240 : i32
        %parallel_loop3A_733 = arith.addi %parallel_loop3A_566, %parallel_loop3A_732 : i32
        %parallel_loop3A_734 = arith.index_cast %parallel_loop3A_562 : i32 to index
        %parallel_loop3A_735 = arith.index_cast %parallel_loop3A_733 : i32 to index
        %parallel_loop3A_736 = tpu.vector_load %arg6[%parallel_loop3A_734, %parallel_loop3A_735] {strides = array<i32>} : memref<8x2048xf32, #tpu.memory_space<vmem>>, vector<16xf32>,
        %parallel_loop3A_737 = arith.constant true
        %parallel_loop3A_738 = vector.broadcast %parallel_loop3A_737 : i1 to vector<16xi1>
        %parallel_loop3A_739 = tpu.scan <sum>, %parallel_loop3A_736 masked %parallel_loop3A_738 : vector<16xf32>, vector<16xi1> -> vector<16xf32>
        %parallel_loop3A_740 = arith.index_cast %parallel_loop3A_562 : i32 to index
        %parallel_loop3A_741 = arith.index_cast %parallel_loop3A_733 : i32 to index
        %parallel_loop3A_742 = tpu.vector_load %arg6[%parallel_loop3A_740, %parallel_loop3A_741] {strides = array<i32>} : memref<8x2048xf32, #tpu.memory_space<vmem>>, vector<16xf32>,
        tpu.vector_store %arg6[%parallel_loop3A_740, %parallel_loop3A_741], %parallel_loop3A_739 {strides = array<i32>} : memref<8x2048xf32, #tpu.memory_space<vmem>>, vector<16xf32>,
      } {sc.loop_unroll_factor = 4 : i64, sc.parallel_access}
      %parallel_loop3A_233 = arith.constant 0 : i32
      %parallel_loop3A_234 = arith.constant 64 : i32
      %parallel_loop3A_235 = arith.constant 1 : i32
      scf.for %parallel_loop3A_560 = %parallel_loop3A_233 to %parallel_loop3A_234 step %parallel_loop3A_235  : i32 {
        %parallel_loop3A_561 = arith.constant 3 : i32
        %parallel_loop3A_562 = arith.shrsi %parallel_loop3A_560, %parallel_loop3A_561 : i32
        %parallel_loop3A_563 = arith.constant 7 : i32
        %parallel_loop3A_564 = arith.andi %parallel_loop3A_560, %parallel_loop3A_563 : i32
        %parallel_loop3A_565 = arith.constant 256 : i32
        %parallel_loop3A_566 = arith.muli %parallel_loop3A_564, %parallel_loop3A_565 : i32
        %parallel_loop3A_567 = vector.broadcast %parallel_loop3A_562 : i32 to vector<16xi32>
        %parallel_loop3A_568 = arith.constant 16 : i32
        %parallel_loop3A_569 = vector.broadcast %parallel_loop3A_568 : i32 to vector<16xi32>
        %parallel_loop3A_570 = arith.muli %iota3A, %parallel_loop3A_569 : vector<16xi32>
        %parallel_loop3A_571 = vector.broadcast %parallel_loop3A_566 : i32 to vector<16xi32>
        %parallel_loop3A_572 = arith.addi %parallel_loop3A_571, %parallel_loop3A_570 : vector<16xi32>
        %parallel_loop3A_573 = arith.constant 15 : i32
        %parallel_loop3A_574 = vector.broadcast %parallel_loop3A_573 : i32 to vector<16xi32>
        %parallel_loop3A_575 = arith.addi %parallel_loop3A_572, %parallel_loop3A_574 : vector<16xi32>
        %parallel_loop3A_576 = tpu.vector_load_idx %arg6[%parallel_loop3A_567, %parallel_loop3A_575] : memref<8x2048xf32, #tpu.memory_space<vmem>>[vector<16xi32>, vector<16xi32>], vector<16xf32>,
        %parallel_loop3A_577 = arith.constant true
        %parallel_loop3A_578 = vector.broadcast %parallel_loop3A_577 : i1 to vector<16xi1>
        %parallel_loop3A_579 = tpu.scan <sum>, %parallel_loop3A_576 masked %parallel_loop3A_578 : vector<16xf32>, vector<16xi1> -> vector<16xf32>
        %parallel_loop3A_580 = arith.subf %parallel_loop3A_579, %parallel_loop3A_576 : vector<16xf32>
        %parallel_loop3A_581 = arith.constant 16 : i32
        %parallel_loop3A_582 = arith.muli %parallel_loop3A_560, %parallel_loop3A_581 : i32
        %parallel_loop3A_583 = arith.index_cast %parallel_loop3A_582 : i32 to index
        %parallel_loop3A_584 = tpu.vector_load %arg9[%parallel_loop3A_583] {strides = array<i32>} : memref<1024xf32, #tpu.memory_space<vmem>>, vector<16xf32>,
        tpu.vector_store %arg9[%parallel_loop3A_583], %parallel_loop3A_580 {strides = array<i32>} : memref<1024xf32, #tpu.memory_space<vmem>>, vector<16xf32>,
        %parallel_loop3A_585 = arith.constant 15 : i32
        %parallel_loop3A_586 = vector.broadcast %parallel_loop3A_585 : i32 to vector<16x1xi32>
        %parallel_loop3A_587 = vector.shape_cast %parallel_loop3A_586 : vector<16x1xi32> to vector<16xi32>
        %parallel_loop3A_588 = tpu.dynamic_gather %parallel_loop3A_579[%parallel_loop3A_587] in [0] : vector<16xf32>, vector<16xi32> -> vector<16xf32>
        %parallel_loop3A_589 = arith.constant 16 : i32
        %parallel_loop3A_590 = arith.muli %parallel_loop3A_560, %parallel_loop3A_589 : i32
        %parallel_loop3A_591 = arith.index_cast %parallel_loop3A_590 : i32 to index
        %parallel_loop3A_592 = tpu.vector_load %arg10[%parallel_loop3A_591] {strides = array<i32>} : memref<1024xf32, #tpu.memory_space<vmem>>, vector<16xf32>,
        tpu.vector_store %arg10[%parallel_loop3A_591], %parallel_loop3A_588 {strides = array<i32>} : memref<1024xf32, #tpu.memory_space<vmem>>, vector<16xf32>,
      } {sc.loop_unroll_factor = 4 : i64, sc.parallel_access}
      %add3A_236 = arith.constant 0 : i32
      %add3A_237 = vector.broadcast %add3A_236 : i32 to vector<16xi32>
      %add3A_238 = arith.addi %add3A_237, %iota3A : vector<16xi32>
      %mul3A_239 = arith.constant 16 : i32
      %mul3A_240 = vector.broadcast %mul3A_239 : i32 to vector<16xi32>
      %mul3A_241 = arith.muli %add3A_238, %mul3A_240 : vector<16xi32>
      %gather3A_242 = tpu.vector_load_idx %arg10[%mul3A_241] : memref<1024xf32, #tpu.memory_space<vmem>>[vector<16xi32>], vector<16xf32>,
      %broadcast_in_dim3A_243 = arith.constant true
      %broadcast_in_dim3A_244 = vector.broadcast %broadcast_in_dim3A_243 : i1 to vector<16xi1>
      %masked_cumsum3A_245 = tpu.scan <sum>, %gather3A_242 masked %broadcast_in_dim3A_244 : vector<16xf32>, vector<16xi1> -> vector<16xf32>
      %sub3A_246 = arith.subf %masked_cumsum3A_245, %gather3A_242 : vector<16xf32>
      %add3A_247 = arith.addf %sub3A_246, %add3A_193 : vector<16xf32>
      %swap3A_248 = arith.constant 0 : index
      %swap3A_249 = tpu.vector_load %arg11[%swap3A_248] {strides = array<i32>} : memref<64xf32, #tpu.memory_space<vmem>>, vector<16xf32>,
      tpu.vector_store %arg11[%swap3A_248], %add3A_247 {strides = array<i32>} : memref<64xf32, #tpu.memory_space<vmem>>, vector<16xf32>,
      %broadcast_in_dim3A_250 = arith.constant 15 : i32
      %broadcast_in_dim3A_251 = vector.broadcast %broadcast_in_dim3A_250 : i32 to vector<16x1xi32>
      %gather3A_252 = vector.shape_cast %broadcast_in_dim3A_251 : vector<16x1xi32> to vector<16xi32>
      %gather3A_253 = tpu.dynamic_gather %masked_cumsum3A_245[%gather3A_252] in [0] : vector<16xf32>, vector<16xi32> -> vector<16xf32>
      %add3A_254 = arith.addf %add3A_193, %gather3A_253 : vector<16xf32>
      %add3A_255 = arith.constant 16 : i32
      %add3A_256 = vector.broadcast %add3A_255 : i32 to vector<16xi32>
      %add3A_257 = arith.addi %add3A_256, %iota3A : vector<16xi32>
      %mul3A_258 = arith.constant 16 : i32
      %mul3A_259 = vector.broadcast %mul3A_258 : i32 to vector<16xi32>
      %mul3A_260 = arith.muli %add3A_257, %mul3A_259 : vector<16xi32>
      %gather3A_261 = tpu.vector_load_idx %arg10[%mul3A_260] : memref<1024xf32, #tpu.memory_space<vmem>>[vector<16xi32>], vector<16xf32>,
      %broadcast_in_dim3A_262 = arith.constant true
      %broadcast_in_dim3A_263 = vector.broadcast %broadcast_in_dim3A_262 : i1 to vector<16xi1>
      %masked_cumsum3A_264 = tpu.scan <sum>, %gather3A_261 masked %broadcast_in_dim3A_263 : vector<16xf32>, vector<16xi1> -> vector<16xf32>
      %sub3A_265 = arith.subf %masked_cumsum3A_264, %gather3A_261 : vector<16xf32>
      %add3A_266 = arith.addf %sub3A_265, %add3A_254 : vector<16xf32>
      %swap3A_267 = arith.constant 16 : index
      %swap3A_268 = tpu.vector_load %arg11[%swap3A_267] {strides = array<i32>} : memref<64xf32, #tpu.memory_space<vmem>>, vector<16xf32>,
      tpu.vector_store %arg11[%swap3A_267], %add3A_266 {strides = array<i32>} : memref<64xf32, #tpu.memory_space<vmem>>, vector<16xf32>,
      %broadcast_in_dim3A_269 = arith.constant 15 : i32
      %broadcast_in_dim3A_270 = vector.broadcast %broadcast_in_dim3A_269 : i32 to vector<16x1xi32>
      %gather3A_271 = vector.shape_cast %broadcast_in_dim3A_270 : vector<16x1xi32> to vector<16xi32>
      %gather3A_272 = tpu.dynamic_gather %masked_cumsum3A_264[%gather3A_271] in [0] : vector<16xf32>, vector<16xi32> -> vector<16xf32>
      %add3A_273 = arith.addf %add3A_254, %gather3A_272 : vector<16xf32>
      %add3A_274 = arith.constant 32 : i32
      %add3A_275 = vector.broadcast %add3A_274 : i32 to vector<16xi32>
      %add3A_276 = arith.addi %add3A_275, %iota3A : vector<16xi32>
      %mul3A_277 = arith.constant 16 : i32
      %mul3A_278 = vector.broadcast %mul3A_277 : i32 to vector<16xi32>
      %mul3A_279 = arith.muli %add3A_276, %mul3A_278 : vector<16xi32>
      %gather3A_280 = tpu.vector_load_idx %arg10[%mul3A_279] : memref<1024xf32, #tpu.memory_space<vmem>>[vector<16xi32>], vector<16xf32>,
      %broadcast_in_dim3A_281 = arith.constant true
      %broadcast_in_dim3A_282 = vector.broadcast %broadcast_in_dim3A_281 : i1 to vector<16xi1>
      %masked_cumsum3A_283 = tpu.scan <sum>, %gather3A_280 masked %broadcast_in_dim3A_282 : vector<16xf32>, vector<16xi1> -> vector<16xf32>
      %sub3A_284 = arith.subf %masked_cumsum3A_283, %gather3A_280 : vector<16xf32>
      %add3A_285 = arith.addf %sub3A_284, %add3A_273 : vector<16xf32>
      %swap3A_286 = arith.constant 32 : index
      %swap3A_287 = tpu.vector_load %arg11[%swap3A_286] {strides = array<i32>} : memref<64xf32, #tpu.memory_space<vmem>>, vector<16xf32>,
      tpu.vector_store %arg11[%swap3A_286], %add3A_285 {strides = array<i32>} : memref<64xf32, #tpu.memory_space<vmem>>, vector<16xf32>,
      %broadcast_in_dim3A_288 = arith.constant 15 : i32
      %broadcast_in_dim3A_289 = vector.broadcast %broadcast_in_dim3A_288 : i32 to vector<16x1xi32>
      %gather3A_290 = vector.shape_cast %broadcast_in_dim3A_289 : vector<16x1xi32> to vector<16xi32>
      %gather3A_291 = tpu.dynamic_gather %masked_cumsum3A_283[%gather3A_290] in [0] : vector<16xf32>, vector<16xi32> -> vector<16xf32>
      %add3A_292 = arith.addf %add3A_273, %gather3A_291 : vector<16xf32>
      %add3A_293 = arith.constant 48 : i32
      %add3A_294 = vector.broadcast %add3A_293 : i32 to vector<16xi32>
      %add3A_295 = arith.addi %add3A_294, %iota3A : vector<16xi32>
      %mul3A_296 = arith.constant 16 : i32
      %mul3A_297 = vector.broadcast %mul3A_296 : i32 to vector<16xi32>
      %mul3A_298 = arith.muli %add3A_295, %mul3A_297 : vector<16xi32>
      %gather3A_299 = tpu.vector_load_idx %arg10[%mul3A_298] : memref<1024xf32, #tpu.memory_space<vmem>>[vector<16xi32>], vector<16xf32>,
      %broadcast_in_dim3A_300 = arith.constant true
      %broadcast_in_dim3A_301 = vector.broadcast %broadcast_in_dim3A_300 : i1 to vector<16xi1>
      %masked_cumsum3A_302 = tpu.scan <sum>, %gather3A_299 masked %broadcast_in_dim3A_301 : vector<16xf32>, vector<16xi1> -> vector<16xf32>
      %sub3A_303 = arith.subf %masked_cumsum3A_302, %gather3A_299 : vector<16xf32>
      %add3A_304 = arith.addf %sub3A_303, %add3A_292 : vector<16xf32>
      %swap3A_305 = arith.constant 48 : index
      %swap3A_306 = tpu.vector_load %arg11[%swap3A_305] {strides = array<i32>} : memref<64xf32, #tpu.memory_space<vmem>>, vector<16xf32>,
      tpu.vector_store %arg11[%swap3A_305], %add3A_304 {strides = array<i32>} : memref<64xf32, #tpu.memory_space<vmem>>, vector<16xf32>,
      %broadcast_in_dim3A_307 = arith.constant 15 : i32
      %broadcast_in_dim3A_308 = vector.broadcast %broadcast_in_dim3A_307 : i32 to vector<16x1xi32>
      %gather3A_309 = vector.shape_cast %broadcast_in_dim3A_308 : vector<16x1xi32> to vector<16xi32>
      %gather3A_310 = tpu.dynamic_gather %masked_cumsum3A_302[%gather3A_309] in [0] : vector<16xf32>, vector<16xi32> -> vector<16xf32>
      %add3A_311 = arith.addf %add3A_292, %gather3A_310 : vector<16xf32>
      %parallel_loop3A_312 = arith.constant 0 : i32
      %parallel_loop3A_313 = arith.constant 64 : i32
      %parallel_loop3A_314 = arith.constant 1 : i32
      scf.for %parallel_loop3A_560 = %parallel_loop3A_312 to %parallel_loop3A_313 step %parallel_loop3A_314  : i32 {
        %parallel_loop3A_561 = arith.constant 3 : i32
        %parallel_loop3A_562 = arith.shrsi %parallel_loop3A_560, %parallel_loop3A_561 : i32
        %parallel_loop3A_563 = arith.constant 7 : i32
        %parallel_loop3A_564 = arith.andi %parallel_loop3A_560, %parallel_loop3A_563 : i32
        %parallel_loop3A_565 = arith.constant 256 : i32
        %parallel_loop3A_566 = arith.muli %parallel_loop3A_564, %parallel_loop3A_565 : i32
        %parallel_loop3A_567 = vector.broadcast %parallel_loop3A_560 : i32 to vector<16xi32>
        %parallel_loop3A_568 = tpu.vector_load_idx %arg11[%parallel_loop3A_567] : memref<64xf32, #tpu.memory_space<vmem>>[vector<16xi32>], vector<16xf32>,
        %parallel_loop3A_569 = arith.constant 16 : i32
        %parallel_loop3A_570 = arith.muli %parallel_loop3A_560, %parallel_loop3A_569 : i32
        %parallel_loop3A_571 = arith.index_cast %parallel_loop3A_570 : i32 to index
        %parallel_loop3A_572 = tpu.vector_load %arg9[%parallel_loop3A_571] {strides = array<i32>} : memref<1024xf32, #tpu.memory_space<vmem>>, vector<16xf32>,
        %parallel_loop3A_573 = arith.addf %parallel_loop3A_572, %parallel_loop3A_568 : vector<16xf32>
        %parallel_loop3A_574 = arith.constant 0 : i32
        %parallel_loop3A_575 = arith.addi %parallel_loop3A_566, %parallel_loop3A_574 : i32
        %parallel_loop3A_576 = arith.index_cast %parallel_loop3A_562 : i32 to index
        %parallel_loop3A_577 = arith.index_cast %parallel_loop3A_575 : i32 to index
        %parallel_loop3A_578 = tpu.vector_load %arg6[%parallel_loop3A_576, %parallel_loop3A_577] {strides = array<i32>} : memref<8x2048xf32, #tpu.memory_space<vmem>>, vector<16xf32>,
        %parallel_loop3A_579 = arith.constant 0 : i32
        %parallel_loop3A_580 = vector.broadcast %parallel_loop3A_579 : i32 to vector<16x1xi32>
        %parallel_loop3A_581 = vector.shape_cast %parallel_loop3A_580 : vector<16x1xi32> to vector<16xi32>
        %parallel_loop3A_582 = tpu.dynamic_gather %parallel_loop3A_573[%parallel_loop3A_581] in [0] : vector<16xf32>, vector<16xi32> -> vector<16xf32>
        %parallel_loop3A_583 = arith.addf %parallel_loop3A_578, %parallel_loop3A_582 : vector<16xf32>
        %parallel_loop3A_584 = arith.index_cast %parallel_loop3A_562 : i32 to index
        %parallel_loop3A_585 = arith.index_cast %parallel_loop3A_575 : i32 to index
        %parallel_loop3A_586 = tpu.vector_load %arg6[%parallel_loop3A_584, %parallel_loop3A_585] {strides = array<i32>} : memref<8x2048xf32, #tpu.memory_space<vmem>>, vector<16xf32>,
        tpu.vector_store %arg6[%parallel_loop3A_584, %parallel_loop3A_585], %parallel_loop3A_583 {strides = array<i32>} : memref<8x2048xf32, #tpu.memory_space<vmem>>, vector<16xf32>,
        %parallel_loop3A_587 = arith.constant 16 : i32
        %parallel_loop3A_588 = arith.addi %parallel_loop3A_566, %parallel_loop3A_587 : i32
        %parallel_loop3A_589 = arith.index_cast %parallel_loop3A_562 : i32 to index
        %parallel_loop3A_590 = arith.index_cast %parallel_loop3A_588 : i32 to index
        %parallel_loop3A_591 = tpu.vector_load %arg6[%parallel_loop3A_589, %parallel_loop3A_590] {strides = array<i32>} : memref<8x2048xf32, #tpu.memory_space<vmem>>, vector<16xf32>,
        %parallel_loop3A_592 = arith.constant 1 : i32
        %parallel_loop3A_593 = vector.broadcast %parallel_loop3A_592 : i32 to vector<16x1xi32>
        %parallel_loop3A_594 = vector.shape_cast %parallel_loop3A_593 : vector<16x1xi32> to vector<16xi32>
        %parallel_loop3A_595 = tpu.dynamic_gather %parallel_loop3A_573[%parallel_loop3A_594] in [0] : vector<16xf32>, vector<16xi32> -> vector<16xf32>
        %parallel_loop3A_596 = arith.addf %parallel_loop3A_591, %parallel_loop3A_595 : vector<16xf32>
        %parallel_loop3A_597 = arith.index_cast %parallel_loop3A_562 : i32 to index
        %parallel_loop3A_598 = arith.index_cast %parallel_loop3A_588 : i32 to index
        %parallel_loop3A_599 = tpu.vector_load %arg6[%parallel_loop3A_597, %parallel_loop3A_598] {strides = array<i32>} : memref<8x2048xf32, #tpu.memory_space<vmem>>, vector<16xf32>,
        tpu.vector_store %arg6[%parallel_loop3A_597, %parallel_loop3A_598], %parallel_loop3A_596 {strides = array<i32>} : memref<8x2048xf32, #tpu.memory_space<vmem>>, vector<16xf32>,
        %parallel_loop3A_600 = arith.constant 32 : i32
        %parallel_loop3A_601 = arith.addi %parallel_loop3A_566, %parallel_loop3A_600 : i32
        %parallel_loop3A_602 = arith.index_cast %parallel_loop3A_562 : i32 to index
        %parallel_loop3A_603 = arith.index_cast %parallel_loop3A_601 : i32 to index
        %parallel_loop3A_604 = tpu.vector_load %arg6[%parallel_loop3A_602, %parallel_loop3A_603] {strides = array<i32>} : memref<8x2048xf32, #tpu.memory_space<vmem>>, vector<16xf32>,
        %parallel_loop3A_605 = arith.constant 2 : i32
        %parallel_loop3A_606 = vector.broadcast %parallel_loop3A_605 : i32 to vector<16x1xi32>
        %parallel_loop3A_607 = vector.shape_cast %parallel_loop3A_606 : vector<16x1xi32> to vector<16xi32>
        %parallel_loop3A_608 = tpu.dynamic_gather %parallel_loop3A_573[%parallel_loop3A_607] in [0] : vector<16xf32>, vector<16xi32> -> vector<16xf32>
        %parallel_loop3A_609 = arith.addf %parallel_loop3A_604, %parallel_loop3A_608 : vector<16xf32>
        %parallel_loop3A_610 = arith.index_cast %parallel_loop3A_562 : i32 to index
        %parallel_loop3A_611 = arith.index_cast %parallel_loop3A_601 : i32 to index
        %parallel_loop3A_612 = tpu.vector_load %arg6[%parallel_loop3A_610, %parallel_loop3A_611] {strides = array<i32>} : memref<8x2048xf32, #tpu.memory_space<vmem>>, vector<16xf32>,
        tpu.vector_store %arg6[%parallel_loop3A_610, %parallel_loop3A_611], %parallel_loop3A_609 {strides = array<i32>} : memref<8x2048xf32, #tpu.memory_space<vmem>>, vector<16xf32>,
        %parallel_loop3A_613 = arith.constant 48 : i32
        %parallel_loop3A_614 = arith.addi %parallel_loop3A_566, %parallel_loop3A_613 : i32
        %parallel_loop3A_615 = arith.index_cast %parallel_loop3A_562 : i32 to index
        %parallel_loop3A_616 = arith.index_cast %parallel_loop3A_614 : i32 to index
        %parallel_loop3A_617 = tpu.vector_load %arg6[%parallel_loop3A_615, %parallel_loop3A_616] {strides = array<i32>} : memref<8x2048xf32, #tpu.memory_space<vmem>>, vector<16xf32>,
        %parallel_loop3A_618 = arith.constant 3 : i32
        %parallel_loop3A_619 = vector.broadcast %parallel_loop3A_618 : i32 to vector<16x1xi32>
        %parallel_loop3A_620 = vector.shape_cast %parallel_loop3A_619 : vector<16x1xi32> to vector<16xi32>
        %parallel_loop3A_621 = tpu.dynamic_gather %parallel_loop3A_573[%parallel_loop3A_620] in [0] : vector<16xf32>, vector<16xi32> -> vector<16xf32>
        %parallel_loop3A_622 = arith.addf %parallel_loop3A_617, %parallel_loop3A_621 : vector<16xf32>
        %parallel_loop3A_623 = arith.index_cast %parallel_loop3A_562 : i32 to index
        %parallel_loop3A_624 = arith.index_cast %parallel_loop3A_614 : i32 to index
        %parallel_loop3A_625 = tpu.vector_load %arg6[%parallel_loop3A_623, %parallel_loop3A_624] {strides = array<i32>} : memref<8x2048xf32, #tpu.memory_space<vmem>>, vector<16xf32>,
        tpu.vector_store %arg6[%parallel_loop3A_623, %parallel_loop3A_624], %parallel_loop3A_622 {strides = array<i32>} : memref<8x2048xf32, #tpu.memory_space<vmem>>, vector<16xf32>,
        %parallel_loop3A_626 = arith.constant 64 : i32
        %parallel_loop3A_627 = arith.addi %parallel_loop3A_566, %parallel_loop3A_626 : i32
        %parallel_loop3A_628 = arith.index_cast %parallel_loop3A_562 : i32 to index
        %parallel_loop3A_629 = arith.index_cast %parallel_loop3A_627 : i32 to index
        %parallel_loop3A_630 = tpu.vector_load %arg6[%parallel_loop3A_628, %parallel_loop3A_629] {strides = array<i32>} : memref<8x2048xf32, #tpu.memory_space<vmem>>, vector<16xf32>,
        %parallel_loop3A_631 = arith.constant 4 : i32
        %parallel_loop3A_632 = vector.broadcast %parallel_loop3A_631 : i32 to vector<16x1xi32>
        %parallel_loop3A_633 = vector.shape_cast %parallel_loop3A_632 : vector<16x1xi32> to vector<16xi32>
        %parallel_loop3A_634 = tpu.dynamic_gather %parallel_loop3A_573[%parallel_loop3A_633] in [0] : vector<16xf32>, vector<16xi32> -> vector<16xf32>
        %parallel_loop3A_635 = arith.addf %parallel_loop3A_630, %parallel_loop3A_634 : vector<16xf32>
        %parallel_loop3A_636 = arith.index_cast %parallel_loop3A_562 : i32 to index
        %parallel_loop3A_637 = arith.index_cast %parallel_loop3A_627 : i32 to index
        %parallel_loop3A_638 = tpu.vector_load %arg6[%parallel_loop3A_636, %parallel_loop3A_637] {strides = array<i32>} : memref<8x2048xf32, #tpu.memory_space<vmem>>, vector<16xf32>,
        tpu.vector_store %arg6[%parallel_loop3A_636, %parallel_loop3A_637], %parallel_loop3A_635 {strides = array<i32>} : memref<8x2048xf32, #tpu.memory_space<vmem>>, vector<16xf32>,
        %parallel_loop3A_639 = arith.constant 80 : i32
        %parallel_loop3A_640 = arith.addi %parallel_loop3A_566, %parallel_loop3A_639 : i32
        %parallel_loop3A_641 = arith.index_cast %parallel_loop3A_562 : i32 to index
        %parallel_loop3A_642 = arith.index_cast %parallel_loop3A_640 : i32 to index
        %parallel_loop3A_643 = tpu.vector_load %arg6[%parallel_loop3A_641, %parallel_loop3A_642] {strides = array<i32>} : memref<8x2048xf32, #tpu.memory_space<vmem>>, vector<16xf32>,
        %parallel_loop3A_644 = arith.constant 5 : i32
        %parallel_loop3A_645 = vector.broadcast %parallel_loop3A_644 : i32 to vector<16x1xi32>
        %parallel_loop3A_646 = vector.shape_cast %parallel_loop3A_645 : vector<16x1xi32> to vector<16xi32>
        %parallel_loop3A_647 = tpu.dynamic_gather %parallel_loop3A_573[%parallel_loop3A_646] in [0] : vector<16xf32>, vector<16xi32> -> vector<16xf32>
        %parallel_loop3A_648 = arith.addf %parallel_loop3A_643, %parallel_loop3A_647 : vector<16xf32>
        %parallel_loop3A_649 = arith.index_cast %parallel_loop3A_562 : i32 to index
        %parallel_loop3A_650 = arith.index_cast %parallel_loop3A_640 : i32 to index
        %parallel_loop3A_651 = tpu.vector_load %arg6[%parallel_loop3A_649, %parallel_loop3A_650] {strides = array<i32>} : memref<8x2048xf32, #tpu.memory_space<vmem>>, vector<16xf32>,
        tpu.vector_store %arg6[%parallel_loop3A_649, %parallel_loop3A_650], %parallel_loop3A_648 {strides = array<i32>} : memref<8x2048xf32, #tpu.memory_space<vmem>>, vector<16xf32>,
        %parallel_loop3A_652 = arith.constant 96 : i32
        %parallel_loop3A_653 = arith.addi %parallel_loop3A_566, %parallel_loop3A_652 : i32
        %parallel_loop3A_654 = arith.index_cast %parallel_loop3A_562 : i32 to index
        %parallel_loop3A_655 = arith.index_cast %parallel_loop3A_653 : i32 to index
        %parallel_loop3A_656 = tpu.vector_load %arg6[%parallel_loop3A_654, %parallel_loop3A_655] {strides = array<i32>} : memref<8x2048xf32, #tpu.memory_space<vmem>>, vector<16xf32>,
        %parallel_loop3A_657 = arith.constant 6 : i32
        %parallel_loop3A_658 = vector.broadcast %parallel_loop3A_657 : i32 to vector<16x1xi32>
        %parallel_loop3A_659 = vector.shape_cast %parallel_loop3A_658 : vector<16x1xi32> to vector<16xi32>
        %parallel_loop3A_660 = tpu.dynamic_gather %parallel_loop3A_573[%parallel_loop3A_659] in [0] : vector<16xf32>, vector<16xi32> -> vector<16xf32>
        %parallel_loop3A_661 = arith.addf %parallel_loop3A_656, %parallel_loop3A_660 : vector<16xf32>
        %parallel_loop3A_662 = arith.index_cast %parallel_loop3A_562 : i32 to index
        %parallel_loop3A_663 = arith.index_cast %parallel_loop3A_653 : i32 to index
        %parallel_loop3A_664 = tpu.vector_load %arg6[%parallel_loop3A_662, %parallel_loop3A_663] {strides = array<i32>} : memref<8x2048xf32, #tpu.memory_space<vmem>>, vector<16xf32>,
        tpu.vector_store %arg6[%parallel_loop3A_662, %parallel_loop3A_663], %parallel_loop3A_661 {strides = array<i32>} : memref<8x2048xf32, #tpu.memory_space<vmem>>, vector<16xf32>,
        %parallel_loop3A_665 = arith.constant 112 : i32
        %parallel_loop3A_666 = arith.addi %parallel_loop3A_566, %parallel_loop3A_665 : i32
        %parallel_loop3A_667 = arith.index_cast %parallel_loop3A_562 : i32 to index
        %parallel_loop3A_668 = arith.index_cast %parallel_loop3A_666 : i32 to index
        %parallel_loop3A_669 = tpu.vector_load %arg6[%parallel_loop3A_667, %parallel_loop3A_668] {strides = array<i32>} : memref<8x2048xf32, #tpu.memory_space<vmem>>, vector<16xf32>,
        %parallel_loop3A_670 = arith.constant 7 : i32
        %parallel_loop3A_671 = vector.broadcast %parallel_loop3A_670 : i32 to vector<16x1xi32>
        %parallel_loop3A_672 = vector.shape_cast %parallel_loop3A_671 : vector<16x1xi32> to vector<16xi32>
        %parallel_loop3A_673 = tpu.dynamic_gather %parallel_loop3A_573[%parallel_loop3A_672] in [0] : vector<16xf32>, vector<16xi32> -> vector<16xf32>
        %parallel_loop3A_674 = arith.addf %parallel_loop3A_669, %parallel_loop3A_673 : vector<16xf32>
        %parallel_loop3A_675 = arith.index_cast %parallel_loop3A_562 : i32 to index
        %parallel_loop3A_676 = arith.index_cast %parallel_loop3A_666 : i32 to index
        %parallel_loop3A_677 = tpu.vector_load %arg6[%parallel_loop3A_675, %parallel_loop3A_676] {strides = array<i32>} : memref<8x2048xf32, #tpu.memory_space<vmem>>, vector<16xf32>,
        tpu.vector_store %arg6[%parallel_loop3A_675, %parallel_loop3A_676], %parallel_loop3A_674 {strides = array<i32>} : memref<8x2048xf32, #tpu.memory_space<vmem>>, vector<16xf32>,
        %parallel_loop3A_678 = arith.constant 128 : i32
        %parallel_loop3A_679 = arith.addi %parallel_loop3A_566, %parallel_loop3A_678 : i32
        %parallel_loop3A_680 = arith.index_cast %parallel_loop3A_562 : i32 to index
        %parallel_loop3A_681 = arith.index_cast %parallel_loop3A_679 : i32 to index
        %parallel_loop3A_682 = tpu.vector_load %arg6[%parallel_loop3A_680, %parallel_loop3A_681] {strides = array<i32>} : memref<8x2048xf32, #tpu.memory_space<vmem>>, vector<16xf32>,
        %parallel_loop3A_683 = arith.constant 8 : i32
        %parallel_loop3A_684 = vector.broadcast %parallel_loop3A_683 : i32 to vector<16x1xi32>
        %parallel_loop3A_685 = vector.shape_cast %parallel_loop3A_684 : vector<16x1xi32> to vector<16xi32>
        %parallel_loop3A_686 = tpu.dynamic_gather %parallel_loop3A_573[%parallel_loop3A_685] in [0] : vector<16xf32>, vector<16xi32> -> vector<16xf32>
        %parallel_loop3A_687 = arith.addf %parallel_loop3A_682, %parallel_loop3A_686 : vector<16xf32>
        %parallel_loop3A_688 = arith.index_cast %parallel_loop3A_562 : i32 to index
        %parallel_loop3A_689 = arith.index_cast %parallel_loop3A_679 : i32 to index
        %parallel_loop3A_690 = tpu.vector_load %arg6[%parallel_loop3A_688, %parallel_loop3A_689] {strides = array<i32>} : memref<8x2048xf32, #tpu.memory_space<vmem>>, vector<16xf32>,
        tpu.vector_store %arg6[%parallel_loop3A_688, %parallel_loop3A_689], %parallel_loop3A_687 {strides = array<i32>} : memref<8x2048xf32, #tpu.memory_space<vmem>>, vector<16xf32>,
        %parallel_loop3A_691 = arith.constant 144 : i32
        %parallel_loop3A_692 = arith.addi %parallel_loop3A_566, %parallel_loop3A_691 : i32
        %parallel_loop3A_693 = arith.index_cast %parallel_loop3A_562 : i32 to index
        %parallel_loop3A_694 = arith.index_cast %parallel_loop3A_692 : i32 to index
        %parallel_loop3A_695 = tpu.vector_load %arg6[%parallel_loop3A_693, %parallel_loop3A_694] {strides = array<i32>} : memref<8x2048xf32, #tpu.memory_space<vmem>>, vector<16xf32>,
        %parallel_loop3A_696 = arith.constant 9 : i32
        %parallel_loop3A_697 = vector.broadcast %parallel_loop3A_696 : i32 to vector<16x1xi32>
        %parallel_loop3A_698 = vector.shape_cast %parallel_loop3A_697 : vector<16x1xi32> to vector<16xi32>
        %parallel_loop3A_699 = tpu.dynamic_gather %parallel_loop3A_573[%parallel_loop3A_698] in [0] : vector<16xf32>, vector<16xi32> -> vector<16xf32>
        %parallel_loop3A_700 = arith.addf %parallel_loop3A_695, %parallel_loop3A_699 : vector<16xf32>
        %parallel_loop3A_701 = arith.index_cast %parallel_loop3A_562 : i32 to index
        %parallel_loop3A_702 = arith.index_cast %parallel_loop3A_692 : i32 to index
        %parallel_loop3A_703 = tpu.vector_load %arg6[%parallel_loop3A_701, %parallel_loop3A_702] {strides = array<i32>} : memref<8x2048xf32, #tpu.memory_space<vmem>>, vector<16xf32>,
        tpu.vector_store %arg6[%parallel_loop3A_701, %parallel_loop3A_702], %parallel_loop3A_700 {strides = array<i32>} : memref<8x2048xf32, #tpu.memory_space<vmem>>, vector<16xf32>,
        %parallel_loop3A_704 = arith.constant 160 : i32
        %parallel_loop3A_705 = arith.addi %parallel_loop3A_566, %parallel_loop3A_704 : i32
        %parallel_loop3A_706 = arith.index_cast %parallel_loop3A_562 : i32 to index
        %parallel_loop3A_707 = arith.index_cast %parallel_loop3A_705 : i32 to index
        %parallel_loop3A_708 = tpu.vector_load %arg6[%parallel_loop3A_706, %parallel_loop3A_707] {strides = array<i32>} : memref<8x2048xf32, #tpu.memory_space<vmem>>, vector<16xf32>,
        %parallel_loop3A_709 = arith.constant 10 : i32
        %parallel_loop3A_710 = vector.broadcast %parallel_loop3A_709 : i32 to vector<16x1xi32>
        %parallel_loop3A_711 = vector.shape_cast %parallel_loop3A_710 : vector<16x1xi32> to vector<16xi32>
        %parallel_loop3A_712 = tpu.dynamic_gather %parallel_loop3A_573[%parallel_loop3A_711] in [0] : vector<16xf32>, vector<16xi32> -> vector<16xf32>
        %parallel_loop3A_713 = arith.addf %parallel_loop3A_708, %parallel_loop3A_712 : vector<16xf32>
        %parallel_loop3A_714 = arith.index_cast %parallel_loop3A_562 : i32 to index
        %parallel_loop3A_715 = arith.index_cast %parallel_loop3A_705 : i32 to index
        %parallel_loop3A_716 = tpu.vector_load %arg6[%parallel_loop3A_714, %parallel_loop3A_715] {strides = array<i32>} : memref<8x2048xf32, #tpu.memory_space<vmem>>, vector<16xf32>,
        tpu.vector_store %arg6[%parallel_loop3A_714, %parallel_loop3A_715], %parallel_loop3A_713 {strides = array<i32>} : memref<8x2048xf32, #tpu.memory_space<vmem>>, vector<16xf32>,
        %parallel_loop3A_717 = arith.constant 176 : i32
        %parallel_loop3A_718 = arith.addi %parallel_loop3A_566, %parallel_loop3A_717 : i32
        %parallel_loop3A_719 = arith.index_cast %parallel_loop3A_562 : i32 to index
        %parallel_loop3A_720 = arith.index_cast %parallel_loop3A_718 : i32 to index
        %parallel_loop3A_721 = tpu.vector_load %arg6[%parallel_loop3A_719, %parallel_loop3A_720] {strides = array<i32>} : memref<8x2048xf32, #tpu.memory_space<vmem>>, vector<16xf32>,
        %parallel_loop3A_722 = arith.constant 11 : i32
        %parallel_loop3A_723 = vector.broadcast %parallel_loop3A_722 : i32 to vector<16x1xi32>
        %parallel_loop3A_724 = vector.shape_cast %parallel_loop3A_723 : vector<16x1xi32> to vector<16xi32>
        %parallel_loop3A_725 = tpu.dynamic_gather %parallel_loop3A_573[%parallel_loop3A_724] in [0] : vector<16xf32>, vector<16xi32> -> vector<16xf32>
        %parallel_loop3A_726 = arith.addf %parallel_loop3A_721, %parallel_loop3A_725 : vector<16xf32>
        %parallel_loop3A_727 = arith.index_cast %parallel_loop3A_562 : i32 to index
        %parallel_loop3A_728 = arith.index_cast %parallel_loop3A_718 : i32 to index
        %parallel_loop3A_729 = tpu.vector_load %arg6[%parallel_loop3A_727, %parallel_loop3A_728] {strides = array<i32>} : memref<8x2048xf32, #tpu.memory_space<vmem>>, vector<16xf32>,
        tpu.vector_store %arg6[%parallel_loop3A_727, %parallel_loop3A_728], %parallel_loop3A_726 {strides = array<i32>} : memref<8x2048xf32, #tpu.memory_space<vmem>>, vector<16xf32>,
        %parallel_loop3A_730 = arith.constant 192 : i32
        %parallel_loop3A_731 = arith.addi %parallel_loop3A_566, %parallel_loop3A_730 : i32
        %parallel_loop3A_732 = arith.index_cast %parallel_loop3A_562 : i32 to index
        %parallel_loop3A_733 = arith.index_cast %parallel_loop3A_731 : i32 to index
        %parallel_loop3A_734 = tpu.vector_load %arg6[%parallel_loop3A_732, %parallel_loop3A_733] {strides = array<i32>} : memref<8x2048xf32, #tpu.memory_space<vmem>>, vector<16xf32>,
        %parallel_loop3A_735 = arith.constant 12 : i32
        %parallel_loop3A_736 = vector.broadcast %parallel_loop3A_735 : i32 to vector<16x1xi32>
        %parallel_loop3A_737 = vector.shape_cast %parallel_loop3A_736 : vector<16x1xi32> to vector<16xi32>
        %parallel_loop3A_738 = tpu.dynamic_gather %parallel_loop3A_573[%parallel_loop3A_737] in [0] : vector<16xf32>, vector<16xi32> -> vector<16xf32>
        %parallel_loop3A_739 = arith.addf %parallel_loop3A_734, %parallel_loop3A_738 : vector<16xf32>
        %parallel_loop3A_740 = arith.index_cast %parallel_loop3A_562 : i32 to index
        %parallel_loop3A_741 = arith.index_cast %parallel_loop3A_731 : i32 to index
        %parallel_loop3A_742 = tpu.vector_load %arg6[%parallel_loop3A_740, %parallel_loop3A_741] {strides = array<i32>} : memref<8x2048xf32, #tpu.memory_space<vmem>>, vector<16xf32>,
        tpu.vector_store %arg6[%parallel_loop3A_740, %parallel_loop3A_741], %parallel_loop3A_739 {strides = array<i32>} : memref<8x2048xf32, #tpu.memory_space<vmem>>, vector<16xf32>,
        %parallel_loop3A_743 = arith.constant 208 : i32
        %parallel_loop3A_744 = arith.addi %parallel_loop3A_566, %parallel_loop3A_743 : i32
        %parallel_loop3A_745 = arith.index_cast %parallel_loop3A_562 : i32 to index
        %parallel_loop3A_746 = arith.index_cast %parallel_loop3A_744 : i32 to index
        %parallel_loop3A_747 = tpu.vector_load %arg6[%parallel_loop3A_745, %parallel_loop3A_746] {strides = array<i32>} : memref<8x2048xf32, #tpu.memory_space<vmem>>, vector<16xf32>,
        %parallel_loop3A_748 = arith.constant 13 : i32
        %parallel_loop3A_749 = vector.broadcast %parallel_loop3A_748 : i32 to vector<16x1xi32>
        %parallel_loop3A_750 = vector.shape_cast %parallel_loop3A_749 : vector<16x1xi32> to vector<16xi32>
        %parallel_loop3A_751 = tpu.dynamic_gather %parallel_loop3A_573[%parallel_loop3A_750] in [0] : vector<16xf32>, vector<16xi32> -> vector<16xf32>
        %parallel_loop3A_752 = arith.addf %parallel_loop3A_747, %parallel_loop3A_751 : vector<16xf32>
        %parallel_loop3A_753 = arith.index_cast %parallel_loop3A_562 : i32 to index
        %parallel_loop3A_754 = arith.index_cast %parallel_loop3A_744 : i32 to index
        %parallel_loop3A_755 = tpu.vector_load %arg6[%parallel_loop3A_753, %parallel_loop3A_754] {strides = array<i32>} : memref<8x2048xf32, #tpu.memory_space<vmem>>, vector<16xf32>,
        tpu.vector_store %arg6[%parallel_loop3A_753, %parallel_loop3A_754], %parallel_loop3A_752 {strides = array<i32>} : memref<8x2048xf32, #tpu.memory_space<vmem>>, vector<16xf32>,
        %parallel_loop3A_756 = arith.constant 224 : i32
        %parallel_loop3A_757 = arith.addi %parallel_loop3A_566, %parallel_loop3A_756 : i32
        %parallel_loop3A_758 = arith.index_cast %parallel_loop3A_562 : i32 to index
        %parallel_loop3A_759 = arith.index_cast %parallel_loop3A_757 : i32 to index
        %parallel_loop3A_760 = tpu.vector_load %arg6[%parallel_loop3A_758, %parallel_loop3A_759] {strides = array<i32>} : memref<8x2048xf32, #tpu.memory_space<vmem>>, vector<16xf32>,
        %parallel_loop3A_761 = arith.constant 14 : i32
        %parallel_loop3A_762 = vector.broadcast %parallel_loop3A_761 : i32 to vector<16x1xi32>
        %parallel_loop3A_763 = vector.shape_cast %parallel_loop3A_762 : vector<16x1xi32> to vector<16xi32>
        %parallel_loop3A_764 = tpu.dynamic_gather %parallel_loop3A_573[%parallel_loop3A_763] in [0] : vector<16xf32>, vector<16xi32> -> vector<16xf32>
        %parallel_loop3A_765 = arith.addf %parallel_loop3A_760, %parallel_loop3A_764 : vector<16xf32>
        %parallel_loop3A_766 = arith.index_cast %parallel_loop3A_562 : i32 to index
        %parallel_loop3A_767 = arith.index_cast %parallel_loop3A_757 : i32 to index
        %parallel_loop3A_768 = tpu.vector_load %arg6[%parallel_loop3A_766, %parallel_loop3A_767] {strides = array<i32>} : memref<8x2048xf32, #tpu.memory_space<vmem>>, vector<16xf32>,
        tpu.vector_store %arg6[%parallel_loop3A_766, %parallel_loop3A_767], %parallel_loop3A_765 {strides = array<i32>} : memref<8x2048xf32, #tpu.memory_space<vmem>>, vector<16xf32>,
        %parallel_loop3A_769 = arith.constant 240 : i32
        %parallel_loop3A_770 = arith.addi %parallel_loop3A_566, %parallel_loop3A_769 : i32
        %parallel_loop3A_771 = arith.index_cast %parallel_loop3A_562 : i32 to index
        %parallel_loop3A_772 = arith.index_cast %parallel_loop3A_770 : i32 to index
        %parallel_loop3A_773 = tpu.vector_load %arg6[%parallel_loop3A_771, %parallel_loop3A_772] {strides = array<i32>} : memref<8x2048xf32, #tpu.memory_space<vmem>>, vector<16xf32>,
        %parallel_loop3A_774 = arith.constant 15 : i32
        %parallel_loop3A_775 = vector.broadcast %parallel_loop3A_774 : i32 to vector<16x1xi32>
        %parallel_loop3A_776 = vector.shape_cast %parallel_loop3A_775 : vector<16x1xi32> to vector<16xi32>
        %parallel_loop3A_777 = tpu.dynamic_gather %parallel_loop3A_573[%parallel_loop3A_776] in [0] : vector<16xf32>, vector<16xi32> -> vector<16xf32>
        %parallel_loop3A_778 = arith.addf %parallel_loop3A_773, %parallel_loop3A_777 : vector<16xf32>
        %parallel_loop3A_779 = arith.index_cast %parallel_loop3A_562 : i32 to index
        %parallel_loop3A_780 = arith.index_cast %parallel_loop3A_770 : i32 to index
        %parallel_loop3A_781 = tpu.vector_load %arg6[%parallel_loop3A_779, %parallel_loop3A_780] {strides = array<i32>} : memref<8x2048xf32, #tpu.memory_space<vmem>>, vector<16xf32>,
        tpu.vector_store %arg6[%parallel_loop3A_779, %parallel_loop3A_780], %parallel_loop3A_778 {strides = array<i32>} : memref<8x2048xf32, #tpu.memory_space<vmem>>, vector<16xf32>,
      } {sc.loop_unroll_factor = 2 : i64, sc.parallel_access}
      %mul3A_315 = arith.constant 8 : i32
      %mul3A_316 = arith.muli %add3A_209, %mul3A_315 : i32
      %add3A_317 = arith.addi %mul3A_32, %mul3A_316 : i32
      %dma_start3A_318 = arith.constant 0 : i32
      %dma_start3A_319 = tpu.memref_slice %arg4[%select_n3A, %add3A_317, %dma_start3A_318] : memref<2x8192x2048xf32, #tpu.memory_space<hbm>> -> memref<1x8x2048xf32, #tpu.memory_space<hbm>>
      %dma_start3A_320 = tpu.memref_squeeze %dma_start3A_319 : memref<1x8x2048xf32, #tpu.memory_space<hbm>> -> memref<8x2048xf32, #tpu.memory_space<hbm>>
      %dma_start3A_321 = arith.constant 0 : i32
      %dma_start3A_322 = tpu.memref_slice %arg4[%select_n3A, %add3A_317, %dma_start3A_321] : memref<2x8192x2048xf32, #tpu.memory_space<hbm>> -> memref<1x8x2048xf32, #tpu.memory_space<hbm>>
      %dma_start3A_323 = tpu.memref_squeeze %dma_start3A_322 : memref<1x8x2048xf32, #tpu.memory_space<hbm>> -> memref<8x2048xf32, #tpu.memory_space<hbm>>
      tpu.enqueue_dma source(%arg6 : memref<8x2048xf32, #tpu.memory_space<vmem>>) target(%dma_start3A_323 : memref<8x2048xf32, #tpu.memory_space<hbm>>) target_semaphore(%arg19 : memref<!tpu.dma_semaphore, #tpu.memory_space<semaphore_mem>>)
      %mul3A_324 = arith.constant 4 : i32
      %mul3A_325 = arith.muli %scan3A_90, %mul3A_324 : i32
      %add3A_326 = arith.constant 2 : i32
      %add3A_327 = arith.addi %mul3A_325, %add3A_326 : i32
      %ge3A_328 = arith.constant 2 : i32
      %ge3A_329 = arith.cmpi sge, %add3A_327, %ge3A_328 : i32
      %convert_element_type3A_330 = arith.extui %ge3A_329 : i1 to i32
      %cond3A_331 = arith.constant 0 : i32
      %cond3A_332 = arith.cmpi ne, %convert_element_type3A_330, %cond3A_331 : i32
      scf.if %cond3A_332 {
        %add3A_560 = arith.constant 0 : i32
        %add3A_561 = arith.addi %mul3A_32, %add3A_560 : i32
        %dma_wait3A_562 = arith.constant 0 : i32
        %dma_wait3A_563 = tpu.memref_slice %arg4[%select_n3A, %add3A_561, %dma_wait3A_562] : memref<2x8192x2048xf32, #tpu.memory_space<hbm>> -> memref<1x8x2048xf32, #tpu.memory_space<hbm>>
        %dma_wait3A_564 = tpu.memref_squeeze %dma_wait3A_563 : memref<1x8x2048xf32, #tpu.memory_space<hbm>> -> memref<8x2048xf32, #tpu.memory_space<hbm>>
        %dma_wait3A_565 = arith.constant 0 : i32
        %dma_wait3A_566 = tpu.memref_slice %arg4[%select_n3A, %add3A_561, %dma_wait3A_565] : memref<2x8192x2048xf32, #tpu.memory_space<hbm>> -> memref<1x8x2048xf32, #tpu.memory_space<hbm>>
        %dma_wait3A_567 = tpu.memref_squeeze %dma_wait3A_566 : memref<1x8x2048xf32, #tpu.memory_space<hbm>> -> memref<8x2048xf32, #tpu.memory_space<hbm>>
        tpu.wait_dma2 semaphore(%arg18 : memref<!tpu.dma_semaphore, #tpu.memory_space<semaphore_mem>>) src(%arg5 : memref<8x2048xf32, #tpu.memory_space<vmem>>) dst(%dma_wait3A_567 : memref<8x2048xf32, #tpu.memory_space<hbm>>)
      } else {
      }
      %add3A_333 = arith.constant 2 : i32
      %add3A_334 = arith.addi %add3A_327, %add3A_333 : i32
      %lt3A_335 = arith.constant 64 : i32
      %lt3A_336 = arith.cmpi slt, %add3A_334, %lt3A_335 : i32
      %convert_element_type3A_337 = arith.extui %lt3A_336 : i1 to i32
      %cond3A_338 = arith.constant 0 : i32
      %cond3A_339 = arith.cmpi ne, %convert_element_type3A_337, %cond3A_338 : i32
      scf.if %cond3A_339 {
        %add3A_560 = arith.constant 2 : i32
        %add3A_561 = arith.addi %add3A_327, %add3A_560 : i32
        %mul3A_562 = arith.constant 8 : i32
        %mul3A_563 = arith.muli %add3A_561, %mul3A_562 : i32
        %add3A_564 = arith.addi %mul3A_32, %mul3A_563 : i32
        %dma_start3A_565 = arith.constant 0 : i32
        %dma_start3A_566 = tpu.memref_slice %arg2[%select_n3A, %add3A_564, %dma_start3A_565] : memref<2x8192x2048xf32, #tpu.memory_space<hbm>> -> memref<1x8x2048xf32, #tpu.memory_space<hbm>>
        %dma_start3A_567 = tpu.memref_squeeze %dma_start3A_566 : memref<1x8x2048xf32, #tpu.memory_space<hbm>> -> memref<8x2048xf32, #tpu.memory_space<hbm>>
        %dma_start3A_568 = arith.constant 0 : i32
        %dma_start3A_569 = tpu.memref_slice %arg2[%select_n3A, %add3A_564, %dma_start3A_568] : memref<2x8192x2048xf32, #tpu.memory_space<hbm>> -> memref<1x8x2048xf32, #tpu.memory_space<hbm>>
        %dma_start3A_570 = tpu.memref_squeeze %dma_start3A_569 : memref<1x8x2048xf32, #tpu.memory_space<hbm>> -> memref<8x2048xf32, #tpu.memory_space<hbm>>
        tpu.enqueue_dma source(%dma_start3A_570 : memref<8x2048xf32, #tpu.memory_space<hbm>>) target(%arg5 : memref<8x2048xf32, #tpu.memory_space<vmem>>) target_semaphore(%arg14 : memref<!tpu.dma_semaphore, #tpu.memory_space<semaphore_mem>>)
      } else {
      }
      %add3A_340 = arith.constant 0 : i32
      %add3A_341 = arith.addi %mul3A_32, %add3A_340 : i32
      %dma_wait3A_342 = arith.constant 0 : i32
      %dma_wait3A_343 = tpu.memref_slice %arg2[%select_n3A, %add3A_341, %dma_wait3A_342] : memref<2x8192x2048xf32, #tpu.memory_space<hbm>> -> memref<1x8x2048xf32, #tpu.memory_space<hbm>>
      %dma_wait3A_344 = tpu.memref_squeeze %dma_wait3A_343 : memref<1x8x2048xf32, #tpu.memory_space<hbm>> -> memref<8x2048xf32, #tpu.memory_space<hbm>>
      %dma_wait3A_345 = arith.constant 0 : i32
      %dma_wait3A_346 = tpu.memref_slice %arg2[%select_n3A, %add3A_341, %dma_wait3A_345] : memref<2x8192x2048xf32, #tpu.memory_space<hbm>> -> memref<1x8x2048xf32, #tpu.memory_space<hbm>>
      %dma_wait3A_347 = tpu.memref_squeeze %dma_wait3A_346 : memref<1x8x2048xf32, #tpu.memory_space<hbm>> -> memref<8x2048xf32, #tpu.memory_space<hbm>>
      tpu.wait_dma2 semaphore(%arg16 : memref<!tpu.dma_semaphore, #tpu.memory_space<semaphore_mem>>) src(%dma_wait3A_347 : memref<8x2048xf32, #tpu.memory_space<hbm>>) dst(%arg7 : memref<8x2048xf32, #tpu.memory_space<vmem>>)
      %parallel_loop3A_348 = arith.constant 0 : i32
      %parallel_loop3A_349 = arith.constant 64 : i32
      %parallel_loop3A_350 = arith.constant 1 : i32
      scf.for %parallel_loop3A_560 = %parallel_loop3A_348 to %parallel_loop3A_349 step %parallel_loop3A_350  : i32 {
        %parallel_loop3A_561 = arith.constant 3 : i32
        %parallel_loop3A_562 = arith.shrsi %parallel_loop3A_560, %parallel_loop3A_561 : i32
        %parallel_loop3A_563 = arith.constant 7 : i32
        %parallel_loop3A_564 = arith.andi %parallel_loop3A_560, %parallel_loop3A_563 : i32
        %parallel_loop3A_565 = arith.constant 256 : i32
        %parallel_loop3A_566 = arith.muli %parallel_loop3A_564, %parallel_loop3A_565 : i32
        %parallel_loop3A_567 = arith.constant 0 : i32
        %parallel_loop3A_568 = arith.addi %parallel_loop3A_566, %parallel_loop3A_567 : i32
        %parallel_loop3A_569 = arith.index_cast %parallel_loop3A_562 : i32 to index
        %parallel_loop3A_570 = arith.index_cast %parallel_loop3A_568 : i32 to index
        %parallel_loop3A_571 = tpu.vector_load %arg7[%parallel_loop3A_569, %parallel_loop3A_570] {strides = array<i32>} : memref<8x2048xf32, #tpu.memory_space<vmem>>, vector<16xf32>,
        %parallel_loop3A_572 = arith.constant true
        %parallel_loop3A_573 = vector.broadcast %parallel_loop3A_572 : i1 to vector<16xi1>
        %parallel_loop3A_574 = tpu.scan <sum>, %parallel_loop3A_571 masked %parallel_loop3A_573 : vector<16xf32>, vector<16xi1> -> vector<16xf32>
        %parallel_loop3A_575 = arith.index_cast %parallel_loop3A_562 : i32 to index
        %parallel_loop3A_576 = arith.index_cast %parallel_loop3A_568 : i32 to index
        %parallel_loop3A_577 = tpu.vector_load %arg7[%parallel_loop3A_575, %parallel_loop3A_576] {strides = array<i32>} : memref<8x2048xf32, #tpu.memory_space<vmem>>, vector<16xf32>,
        tpu.vector_store %arg7[%parallel_loop3A_575, %parallel_loop3A_576], %parallel_loop3A_574 {strides = array<i32>} : memref<8x2048xf32, #tpu.memory_space<vmem>>, vector<16xf32>,
        %parallel_loop3A_578 = arith.constant 16 : i32
        %parallel_loop3A_579 = arith.addi %parallel_loop3A_566, %parallel_loop3A_578 : i32
        %parallel_loop3A_580 = arith.index_cast %parallel_loop3A_562 : i32 to index
        %parallel_loop3A_581 = arith.index_cast %parallel_loop3A_579 : i32 to index
        %parallel_loop3A_582 = tpu.vector_load %arg7[%parallel_loop3A_580, %parallel_loop3A_581] {strides = array<i32>} : memref<8x2048xf32, #tpu.memory_space<vmem>>, vector<16xf32>,
        %parallel_loop3A_583 = arith.constant true
        %parallel_loop3A_584 = vector.broadcast %parallel_loop3A_583 : i1 to vector<16xi1>
        %parallel_loop3A_585 = tpu.scan <sum>, %parallel_loop3A_582 masked %parallel_loop3A_584 : vector<16xf32>, vector<16xi1> -> vector<16xf32>
        %parallel_loop3A_586 = arith.index_cast %parallel_loop3A_562 : i32 to index
        %parallel_loop3A_587 = arith.index_cast %parallel_loop3A_579 : i32 to index
        %parallel_loop3A_588 = tpu.vector_load %arg7[%parallel_loop3A_586, %parallel_loop3A_587] {strides = array<i32>} : memref<8x2048xf32, #tpu.memory_space<vmem>>, vector<16xf32>,
        tpu.vector_store %arg7[%parallel_loop3A_586, %parallel_loop3A_587], %parallel_loop3A_585 {strides = array<i32>} : memref<8x2048xf32, #tpu.memory_space<vmem>>, vector<16xf32>,
        %parallel_loop3A_589 = arith.constant 32 : i32
        %parallel_loop3A_590 = arith.addi %parallel_loop3A_566, %parallel_loop3A_589 : i32
        %parallel_loop3A_591 = arith.index_cast %parallel_loop3A_562 : i32 to index
        %parallel_loop3A_592 = arith.index_cast %parallel_loop3A_590 : i32 to index
        %parallel_loop3A_593 = tpu.vector_load %arg7[%parallel_loop3A_591, %parallel_loop3A_592] {strides = array<i32>} : memref<8x2048xf32, #tpu.memory_space<vmem>>, vector<16xf32>,
        %parallel_loop3A_594 = arith.constant true
        %parallel_loop3A_595 = vector.broadcast %parallel_loop3A_594 : i1 to vector<16xi1>
        %parallel_loop3A_596 = tpu.scan <sum>, %parallel_loop3A_593 masked %parallel_loop3A_595 : vector<16xf32>, vector<16xi1> -> vector<16xf32>
        %parallel_loop3A_597 = arith.index_cast %parallel_loop3A_562 : i32 to index
        %parallel_loop3A_598 = arith.index_cast %parallel_loop3A_590 : i32 to index
        %parallel_loop3A_599 = tpu.vector_load %arg7[%parallel_loop3A_597, %parallel_loop3A_598] {strides = array<i32>} : memref<8x2048xf32, #tpu.memory_space<vmem>>, vector<16xf32>,
        tpu.vector_store %arg7[%parallel_loop3A_597, %parallel_loop3A_598], %parallel_loop3A_596 {strides = array<i32>} : memref<8x2048xf32, #tpu.memory_space<vmem>>, vector<16xf32>,
        %parallel_loop3A_600 = arith.constant 48 : i32
        %parallel_loop3A_601 = arith.addi %parallel_loop3A_566, %parallel_loop3A_600 : i32
        %parallel_loop3A_602 = arith.index_cast %parallel_loop3A_562 : i32 to index
        %parallel_loop3A_603 = arith.index_cast %parallel_loop3A_601 : i32 to index
        %parallel_loop3A_604 = tpu.vector_load %arg7[%parallel_loop3A_602, %parallel_loop3A_603] {strides = array<i32>} : memref<8x2048xf32, #tpu.memory_space<vmem>>, vector<16xf32>,
        %parallel_loop3A_605 = arith.constant true
        %parallel_loop3A_606 = vector.broadcast %parallel_loop3A_605 : i1 to vector<16xi1>
        %parallel_loop3A_607 = tpu.scan <sum>, %parallel_loop3A_604 masked %parallel_loop3A_606 : vector<16xf32>, vector<16xi1> -> vector<16xf32>
        %parallel_loop3A_608 = arith.index_cast %parallel_loop3A_562 : i32 to index
        %parallel_loop3A_609 = arith.index_cast %parallel_loop3A_601 : i32 to index
        %parallel_loop3A_610 = tpu.vector_load %arg7[%parallel_loop3A_608, %parallel_loop3A_609] {strides = array<i32>} : memref<8x2048xf32, #tpu.memory_space<vmem>>, vector<16xf32>,
        tpu.vector_store %arg7[%parallel_loop3A_608, %parallel_loop3A_609], %parallel_loop3A_607 {strides = array<i32>} : memref<8x2048xf32, #tpu.memory_space<vmem>>, vector<16xf32>,
        %parallel_loop3A_611 = arith.constant 64 : i32
        %parallel_loop3A_612 = arith.addi %parallel_loop3A_566, %parallel_loop3A_611 : i32
        %parallel_loop3A_613 = arith.index_cast %parallel_loop3A_562 : i32 to index
        %parallel_loop3A_614 = arith.index_cast %parallel_loop3A_612 : i32 to index
        %parallel_loop3A_615 = tpu.vector_load %arg7[%parallel_loop3A_613, %parallel_loop3A_614] {strides = array<i32>} : memref<8x2048xf32, #tpu.memory_space<vmem>>, vector<16xf32>,
        %parallel_loop3A_616 = arith.constant true
        %parallel_loop3A_617 = vector.broadcast %parallel_loop3A_616 : i1 to vector<16xi1>
        %parallel_loop3A_618 = tpu.scan <sum>, %parallel_loop3A_615 masked %parallel_loop3A_617 : vector<16xf32>, vector<16xi1> -> vector<16xf32>
        %parallel_loop3A_619 = arith.index_cast %parallel_loop3A_562 : i32 to index
        %parallel_loop3A_620 = arith.index_cast %parallel_loop3A_612 : i32 to index
        %parallel_loop3A_621 = tpu.vector_load %arg7[%parallel_loop3A_619, %parallel_loop3A_620] {strides = array<i32>} : memref<8x2048xf32, #tpu.memory_space<vmem>>, vector<16xf32>,
        tpu.vector_store %arg7[%parallel_loop3A_619, %parallel_loop3A_620], %parallel_loop3A_618 {strides = array<i32>} : memref<8x2048xf32, #tpu.memory_space<vmem>>, vector<16xf32>,
        %parallel_loop3A_622 = arith.constant 80 : i32
        %parallel_loop3A_623 = arith.addi %parallel_loop3A_566, %parallel_loop3A_622 : i32
        %parallel_loop3A_624 = arith.index_cast %parallel_loop3A_562 : i32 to index
        %parallel_loop3A_625 = arith.index_cast %parallel_loop3A_623 : i32 to index
        %parallel_loop3A_626 = tpu.vector_load %arg7[%parallel_loop3A_624, %parallel_loop3A_625] {strides = array<i32>} : memref<8x2048xf32, #tpu.memory_space<vmem>>, vector<16xf32>,
        %parallel_loop3A_627 = arith.constant true
        %parallel_loop3A_628 = vector.broadcast %parallel_loop3A_627 : i1 to vector<16xi1>
        %parallel_loop3A_629 = tpu.scan <sum>, %parallel_loop3A_626 masked %parallel_loop3A_628 : vector<16xf32>, vector<16xi1> -> vector<16xf32>
        %parallel_loop3A_630 = arith.index_cast %parallel_loop3A_562 : i32 to index
        %parallel_loop3A_631 = arith.index_cast %parallel_loop3A_623 : i32 to index
        %parallel_loop3A_632 = tpu.vector_load %arg7[%parallel_loop3A_630, %parallel_loop3A_631] {strides = array<i32>} : memref<8x2048xf32, #tpu.memory_space<vmem>>, vector<16xf32>,
        tpu.vector_store %arg7[%parallel_loop3A_630, %parallel_loop3A_631], %parallel_loop3A_629 {strides = array<i32>} : memref<8x2048xf32, #tpu.memory_space<vmem>>, vector<16xf32>,
        %parallel_loop3A_633 = arith.constant 96 : i32
        %parallel_loop3A_634 = arith.addi %parallel_loop3A_566, %parallel_loop3A_633 : i32
        %parallel_loop3A_635 = arith.index_cast %parallel_loop3A_562 : i32 to index
        %parallel_loop3A_636 = arith.index_cast %parallel_loop3A_634 : i32 to index
        %parallel_loop3A_637 = tpu.vector_load %arg7[%parallel_loop3A_635, %parallel_loop3A_636] {strides = array<i32>} : memref<8x2048xf32, #tpu.memory_space<vmem>>, vector<16xf32>,
        %parallel_loop3A_638 = arith.constant true
        %parallel_loop3A_639 = vector.broadcast %parallel_loop3A_638 : i1 to vector<16xi1>
        %parallel_loop3A_640 = tpu.scan <sum>, %parallel_loop3A_637 masked %parallel_loop3A_639 : vector<16xf32>, vector<16xi1> -> vector<16xf32>
        %parallel_loop3A_641 = arith.index_cast %parallel_loop3A_562 : i32 to index
        %parallel_loop3A_642 = arith.index_cast %parallel_loop3A_634 : i32 to index
        %parallel_loop3A_643 = tpu.vector_load %arg7[%parallel_loop3A_641, %parallel_loop3A_642] {strides = array<i32>} : memref<8x2048xf32, #tpu.memory_space<vmem>>, vector<16xf32>,
        tpu.vector_store %arg7[%parallel_loop3A_641, %parallel_loop3A_642], %parallel_loop3A_640 {strides = array<i32>} : memref<8x2048xf32, #tpu.memory_space<vmem>>, vector<16xf32>,
        %parallel_loop3A_644 = arith.constant 112 : i32
        %parallel_loop3A_645 = arith.addi %parallel_loop3A_566, %parallel_loop3A_644 : i32
        %parallel_loop3A_646 = arith.index_cast %parallel_loop3A_562 : i32 to index
        %parallel_loop3A_647 = arith.index_cast %parallel_loop3A_645 : i32 to index
        %parallel_loop3A_648 = tpu.vector_load %arg7[%parallel_loop3A_646, %parallel_loop3A_647] {strides = array<i32>} : memref<8x2048xf32, #tpu.memory_space<vmem>>, vector<16xf32>,
        %parallel_loop3A_649 = arith.constant true
        %parallel_loop3A_650 = vector.broadcast %parallel_loop3A_649 : i1 to vector<16xi1>
        %parallel_loop3A_651 = tpu.scan <sum>, %parallel_loop3A_648 masked %parallel_loop3A_650 : vector<16xf32>, vector<16xi1> -> vector<16xf32>
        %parallel_loop3A_652 = arith.index_cast %parallel_loop3A_562 : i32 to index
        %parallel_loop3A_653 = arith.index_cast %parallel_loop3A_645 : i32 to index
        %parallel_loop3A_654 = tpu.vector_load %arg7[%parallel_loop3A_652, %parallel_loop3A_653] {strides = array<i32>} : memref<8x2048xf32, #tpu.memory_space<vmem>>, vector<16xf32>,
        tpu.vector_store %arg7[%parallel_loop3A_652, %parallel_loop3A_653], %parallel_loop3A_651 {strides = array<i32>} : memref<8x2048xf32, #tpu.memory_space<vmem>>, vector<16xf32>,
        %parallel_loop3A_655 = arith.constant 128 : i32
        %parallel_loop3A_656 = arith.addi %parallel_loop3A_566, %parallel_loop3A_655 : i32
        %parallel_loop3A_657 = arith.index_cast %parallel_loop3A_562 : i32 to index
        %parallel_loop3A_658 = arith.index_cast %parallel_loop3A_656 : i32 to index
        %parallel_loop3A_659 = tpu.vector_load %arg7[%parallel_loop3A_657, %parallel_loop3A_658] {strides = array<i32>} : memref<8x2048xf32, #tpu.memory_space<vmem>>, vector<16xf32>,
        %parallel_loop3A_660 = arith.constant true
        %parallel_loop3A_661 = vector.broadcast %parallel_loop3A_660 : i1 to vector<16xi1>
        %parallel_loop3A_662 = tpu.scan <sum>, %parallel_loop3A_659 masked %parallel_loop3A_661 : vector<16xf32>, vector<16xi1> -> vector<16xf32>
        %parallel_loop3A_663 = arith.index_cast %parallel_loop3A_562 : i32 to index
        %parallel_loop3A_664 = arith.index_cast %parallel_loop3A_656 : i32 to index
        %parallel_loop3A_665 = tpu.vector_load %arg7[%parallel_loop3A_663, %parallel_loop3A_664] {strides = array<i32>} : memref<8x2048xf32, #tpu.memory_space<vmem>>, vector<16xf32>,
        tpu.vector_store %arg7[%parallel_loop3A_663, %parallel_loop3A_664], %parallel_loop3A_662 {strides = array<i32>} : memref<8x2048xf32, #tpu.memory_space<vmem>>, vector<16xf32>,
        %parallel_loop3A_666 = arith.constant 144 : i32
        %parallel_loop3A_667 = arith.addi %parallel_loop3A_566, %parallel_loop3A_666 : i32
        %parallel_loop3A_668 = arith.index_cast %parallel_loop3A_562 : i32 to index
        %parallel_loop3A_669 = arith.index_cast %parallel_loop3A_667 : i32 to index
        %parallel_loop3A_670 = tpu.vector_load %arg7[%parallel_loop3A_668, %parallel_loop3A_669] {strides = array<i32>} : memref<8x2048xf32, #tpu.memory_space<vmem>>, vector<16xf32>,
        %parallel_loop3A_671 = arith.constant true
        %parallel_loop3A_672 = vector.broadcast %parallel_loop3A_671 : i1 to vector<16xi1>
        %parallel_loop3A_673 = tpu.scan <sum>, %parallel_loop3A_670 masked %parallel_loop3A_672 : vector<16xf32>, vector<16xi1> -> vector<16xf32>
        %parallel_loop3A_674 = arith.index_cast %parallel_loop3A_562 : i32 to index
        %parallel_loop3A_675 = arith.index_cast %parallel_loop3A_667 : i32 to index
        %parallel_loop3A_676 = tpu.vector_load %arg7[%parallel_loop3A_674, %parallel_loop3A_675] {strides = array<i32>} : memref<8x2048xf32, #tpu.memory_space<vmem>>, vector<16xf32>,
        tpu.vector_store %arg7[%parallel_loop3A_674, %parallel_loop3A_675], %parallel_loop3A_673 {strides = array<i32>} : memref<8x2048xf32, #tpu.memory_space<vmem>>, vector<16xf32>,
        %parallel_loop3A_677 = arith.constant 160 : i32
        %parallel_loop3A_678 = arith.addi %parallel_loop3A_566, %parallel_loop3A_677 : i32
        %parallel_loop3A_679 = arith.index_cast %parallel_loop3A_562 : i32 to index
        %parallel_loop3A_680 = arith.index_cast %parallel_loop3A_678 : i32 to index
        %parallel_loop3A_681 = tpu.vector_load %arg7[%parallel_loop3A_679, %parallel_loop3A_680] {strides = array<i32>} : memref<8x2048xf32, #tpu.memory_space<vmem>>, vector<16xf32>,
        %parallel_loop3A_682 = arith.constant true
        %parallel_loop3A_683 = vector.broadcast %parallel_loop3A_682 : i1 to vector<16xi1>
        %parallel_loop3A_684 = tpu.scan <sum>, %parallel_loop3A_681 masked %parallel_loop3A_683 : vector<16xf32>, vector<16xi1> -> vector<16xf32>
        %parallel_loop3A_685 = arith.index_cast %parallel_loop3A_562 : i32 to index
        %parallel_loop3A_686 = arith.index_cast %parallel_loop3A_678 : i32 to index
        %parallel_loop3A_687 = tpu.vector_load %arg7[%parallel_loop3A_685, %parallel_loop3A_686] {strides = array<i32>} : memref<8x2048xf32, #tpu.memory_space<vmem>>, vector<16xf32>,
        tpu.vector_store %arg7[%parallel_loop3A_685, %parallel_loop3A_686], %parallel_loop3A_684 {strides = array<i32>} : memref<8x2048xf32, #tpu.memory_space<vmem>>, vector<16xf32>,
        %parallel_loop3A_688 = arith.constant 176 : i32
        %parallel_loop3A_689 = arith.addi %parallel_loop3A_566, %parallel_loop3A_688 : i32
        %parallel_loop3A_690 = arith.index_cast %parallel_loop3A_562 : i32 to index
        %parallel_loop3A_691 = arith.index_cast %parallel_loop3A_689 : i32 to index
        %parallel_loop3A_692 = tpu.vector_load %arg7[%parallel_loop3A_690, %parallel_loop3A_691] {strides = array<i32>} : memref<8x2048xf32, #tpu.memory_space<vmem>>, vector<16xf32>,
        %parallel_loop3A_693 = arith.constant true
        %parallel_loop3A_694 = vector.broadcast %parallel_loop3A_693 : i1 to vector<16xi1>
        %parallel_loop3A_695 = tpu.scan <sum>, %parallel_loop3A_692 masked %parallel_loop3A_694 : vector<16xf32>, vector<16xi1> -> vector<16xf32>
        %parallel_loop3A_696 = arith.index_cast %parallel_loop3A_562 : i32 to index
        %parallel_loop3A_697 = arith.index_cast %parallel_loop3A_689 : i32 to index
        %parallel_loop3A_698 = tpu.vector_load %arg7[%parallel_loop3A_696, %parallel_loop3A_697] {strides = array<i32>} : memref<8x2048xf32, #tpu.memory_space<vmem>>, vector<16xf32>,
        tpu.vector_store %arg7[%parallel_loop3A_696, %parallel_loop3A_697], %parallel_loop3A_695 {strides = array<i32>} : memref<8x2048xf32, #tpu.memory_space<vmem>>, vector<16xf32>,
        %parallel_loop3A_699 = arith.constant 192 : i32
        %parallel_loop3A_700 = arith.addi %parallel_loop3A_566, %parallel_loop3A_699 : i32
        %parallel_loop3A_701 = arith.index_cast %parallel_loop3A_562 : i32 to index
        %parallel_loop3A_702 = arith.index_cast %parallel_loop3A_700 : i32 to index
        %parallel_loop3A_703 = tpu.vector_load %arg7[%parallel_loop3A_701, %parallel_loop3A_702] {strides = array<i32>} : memref<8x2048xf32, #tpu.memory_space<vmem>>, vector<16xf32>,
        %parallel_loop3A_704 = arith.constant true
        %parallel_loop3A_705 = vector.broadcast %parallel_loop3A_704 : i1 to vector<16xi1>
        %parallel_loop3A_706 = tpu.scan <sum>, %parallel_loop3A_703 masked %parallel_loop3A_705 : vector<16xf32>, vector<16xi1> -> vector<16xf32>
        %parallel_loop3A_707 = arith.index_cast %parallel_loop3A_562 : i32 to index
        %parallel_loop3A_708 = arith.index_cast %parallel_loop3A_700 : i32 to index
        %parallel_loop3A_709 = tpu.vector_load %arg7[%parallel_loop3A_707, %parallel_loop3A_708] {strides = array<i32>} : memref<8x2048xf32, #tpu.memory_space<vmem>>, vector<16xf32>,
        tpu.vector_store %arg7[%parallel_loop3A_707, %parallel_loop3A_708], %parallel_loop3A_706 {strides = array<i32>} : memref<8x2048xf32, #tpu.memory_space<vmem>>, vector<16xf32>,
        %parallel_loop3A_710 = arith.constant 208 : i32
        %parallel_loop3A_711 = arith.addi %parallel_loop3A_566, %parallel_loop3A_710 : i32
        %parallel_loop3A_712 = arith.index_cast %parallel_loop3A_562 : i32 to index
        %parallel_loop3A_713 = arith.index_cast %parallel_loop3A_711 : i32 to index
        %parallel_loop3A_714 = tpu.vector_load %arg7[%parallel_loop3A_712, %parallel_loop3A_713] {strides = array<i32>} : memref<8x2048xf32, #tpu.memory_space<vmem>>, vector<16xf32>,
        %parallel_loop3A_715 = arith.constant true
        %parallel_loop3A_716 = vector.broadcast %parallel_loop3A_715 : i1 to vector<16xi1>
        %parallel_loop3A_717 = tpu.scan <sum>, %parallel_loop3A_714 masked %parallel_loop3A_716 : vector<16xf32>, vector<16xi1> -> vector<16xf32>
        %parallel_loop3A_718 = arith.index_cast %parallel_loop3A_562 : i32 to index
        %parallel_loop3A_719 = arith.index_cast %parallel_loop3A_711 : i32 to index
        %parallel_loop3A_720 = tpu.vector_load %arg7[%parallel_loop3A_718, %parallel_loop3A_719] {strides = array<i32>} : memref<8x2048xf32, #tpu.memory_space<vmem>>, vector<16xf32>,
        tpu.vector_store %arg7[%parallel_loop3A_718, %parallel_loop3A_719], %parallel_loop3A_717 {strides = array<i32>} : memref<8x2048xf32, #tpu.memory_space<vmem>>, vector<16xf32>,
        %parallel_loop3A_721 = arith.constant 224 : i32
        %parallel_loop3A_722 = arith.addi %parallel_loop3A_566, %parallel_loop3A_721 : i32
        %parallel_loop3A_723 = arith.index_cast %parallel_loop3A_562 : i32 to index
        %parallel_loop3A_724 = arith.index_cast %parallel_loop3A_722 : i32 to index
        %parallel_loop3A_725 = tpu.vector_load %arg7[%parallel_loop3A_723, %parallel_loop3A_724] {strides = array<i32>} : memref<8x2048xf32, #tpu.memory_space<vmem>>, vector<16xf32>,
        %parallel_loop3A_726 = arith.constant true
        %parallel_loop3A_727 = vector.broadcast %parallel_loop3A_726 : i1 to vector<16xi1>
        %parallel_loop3A_728 = tpu.scan <sum>, %parallel_loop3A_725 masked %parallel_loop3A_727 : vector<16xf32>, vector<16xi1> -> vector<16xf32>
        %parallel_loop3A_729 = arith.index_cast %parallel_loop3A_562 : i32 to index
        %parallel_loop3A_730 = arith.index_cast %parallel_loop3A_722 : i32 to index
        %parallel_loop3A_731 = tpu.vector_load %arg7[%parallel_loop3A_729, %parallel_loop3A_730] {strides = array<i32>} : memref<8x2048xf32, #tpu.memory_space<vmem>>, vector<16xf32>,
        tpu.vector_store %arg7[%parallel_loop3A_729, %parallel_loop3A_730], %parallel_loop3A_728 {strides = array<i32>} : memref<8x2048xf32, #tpu.memory_space<vmem>>, vector<16xf32>,
        %parallel_loop3A_732 = arith.constant 240 : i32
        %parallel_loop3A_733 = arith.addi %parallel_loop3A_566, %parallel_loop3A_732 : i32
        %parallel_loop3A_734 = arith.index_cast %parallel_loop3A_562 : i32 to index
        %parallel_loop3A_735 = arith.index_cast %parallel_loop3A_733 : i32 to index
        %parallel_loop3A_736 = tpu.vector_load %arg7[%parallel_loop3A_734, %parallel_loop3A_735] {strides = array<i32>} : memref<8x2048xf32, #tpu.memory_space<vmem>>, vector<16xf32>,
        %parallel_loop3A_737 = arith.constant true
        %parallel_loop3A_738 = vector.broadcast %parallel_loop3A_737 : i1 to vector<16xi1>
        %parallel_loop3A_739 = tpu.scan <sum>, %parallel_loop3A_736 masked %parallel_loop3A_738 : vector<16xf32>, vector<16xi1> -> vector<16xf32>
        %parallel_loop3A_740 = arith.index_cast %parallel_loop3A_562 : i32 to index
        %parallel_loop3A_741 = arith.index_cast %parallel_loop3A_733 : i32 to index
        %parallel_loop3A_742 = tpu.vector_load %arg7[%parallel_loop3A_740, %parallel_loop3A_741] {strides = array<i32>} : memref<8x2048xf32, #tpu.memory_space<vmem>>, vector<16xf32>,
        tpu.vector_store %arg7[%parallel_loop3A_740, %parallel_loop3A_741], %parallel_loop3A_739 {strides = array<i32>} : memref<8x2048xf32, #tpu.memory_space<vmem>>, vector<16xf32>,
      } {sc.loop_unroll_factor = 4 : i64, sc.parallel_access}
      %parallel_loop3A_351 = arith.constant 0 : i32
      %parallel_loop3A_352 = arith.constant 64 : i32
      %parallel_loop3A_353 = arith.constant 1 : i32
      scf.for %parallel_loop3A_560 = %parallel_loop3A_351 to %parallel_loop3A_352 step %parallel_loop3A_353  : i32 {
        %parallel_loop3A_561 = arith.constant 3 : i32
        %parallel_loop3A_562 = arith.shrsi %parallel_loop3A_560, %parallel_loop3A_561 : i32
        %parallel_loop3A_563 = arith.constant 7 : i32
        %parallel_loop3A_564 = arith.andi %parallel_loop3A_560, %parallel_loop3A_563 : i32
        %parallel_loop3A_565 = arith.constant 256 : i32
        %parallel_loop3A_566 = arith.muli %parallel_loop3A_564, %parallel_loop3A_565 : i32
        %parallel_loop3A_567 = vector.broadcast %parallel_loop3A_562 : i32 to vector<16xi32>
        %parallel_loop3A_568 = arith.constant 16 : i32
        %parallel_loop3A_569 = vector.broadcast %parallel_loop3A_568 : i32 to vector<16xi32>
        %parallel_loop3A_570 = arith.muli %iota3A, %parallel_loop3A_569 : vector<16xi32>
        %parallel_loop3A_571 = vector.broadcast %parallel_loop3A_566 : i32 to vector<16xi32>
        %parallel_loop3A_572 = arith.addi %parallel_loop3A_571, %parallel_loop3A_570 : vector<16xi32>
        %parallel_loop3A_573 = arith.constant 15 : i32
        %parallel_loop3A_574 = vector.broadcast %parallel_loop3A_573 : i32 to vector<16xi32>
        %parallel_loop3A_575 = arith.addi %parallel_loop3A_572, %parallel_loop3A_574 : vector<16xi32>
        %parallel_loop3A_576 = tpu.vector_load_idx %arg7[%parallel_loop3A_567, %parallel_loop3A_575] : memref<8x2048xf32, #tpu.memory_space<vmem>>[vector<16xi32>, vector<16xi32>], vector<16xf32>,
        %parallel_loop3A_577 = arith.constant true
        %parallel_loop3A_578 = vector.broadcast %parallel_loop3A_577 : i1 to vector<16xi1>
        %parallel_loop3A_579 = tpu.scan <sum>, %parallel_loop3A_576 masked %parallel_loop3A_578 : vector<16xf32>, vector<16xi1> -> vector<16xf32>
        %parallel_loop3A_580 = arith.subf %parallel_loop3A_579, %parallel_loop3A_576 : vector<16xf32>
        %parallel_loop3A_581 = arith.constant 16 : i32
        %parallel_loop3A_582 = arith.muli %parallel_loop3A_560, %parallel_loop3A_581 : i32
        %parallel_loop3A_583 = arith.index_cast %parallel_loop3A_582 : i32 to index
        %parallel_loop3A_584 = tpu.vector_load %arg9[%parallel_loop3A_583] {strides = array<i32>} : memref<1024xf32, #tpu.memory_space<vmem>>, vector<16xf32>,
        tpu.vector_store %arg9[%parallel_loop3A_583], %parallel_loop3A_580 {strides = array<i32>} : memref<1024xf32, #tpu.memory_space<vmem>>, vector<16xf32>,
        %parallel_loop3A_585 = arith.constant 15 : i32
        %parallel_loop3A_586 = vector.broadcast %parallel_loop3A_585 : i32 to vector<16x1xi32>
        %parallel_loop3A_587 = vector.shape_cast %parallel_loop3A_586 : vector<16x1xi32> to vector<16xi32>
        %parallel_loop3A_588 = tpu.dynamic_gather %parallel_loop3A_579[%parallel_loop3A_587] in [0] : vector<16xf32>, vector<16xi32> -> vector<16xf32>
        %parallel_loop3A_589 = arith.constant 16 : i32
        %parallel_loop3A_590 = arith.muli %parallel_loop3A_560, %parallel_loop3A_589 : i32
        %parallel_loop3A_591 = arith.index_cast %parallel_loop3A_590 : i32 to index
        %parallel_loop3A_592 = tpu.vector_load %arg10[%parallel_loop3A_591] {strides = array<i32>} : memref<1024xf32, #tpu.memory_space<vmem>>, vector<16xf32>,
        tpu.vector_store %arg10[%parallel_loop3A_591], %parallel_loop3A_588 {strides = array<i32>} : memref<1024xf32, #tpu.memory_space<vmem>>, vector<16xf32>,
      } {sc.loop_unroll_factor = 4 : i64, sc.parallel_access}
      %add3A_354 = arith.constant 0 : i32
      %add3A_355 = vector.broadcast %add3A_354 : i32 to vector<16xi32>
      %add3A_356 = arith.addi %add3A_355, %iota3A : vector<16xi32>
      %mul3A_357 = arith.constant 16 : i32
      %mul3A_358 = vector.broadcast %mul3A_357 : i32 to vector<16xi32>
      %mul3A_359 = arith.muli %add3A_356, %mul3A_358 : vector<16xi32>
      %gather3A_360 = tpu.vector_load_idx %arg10[%mul3A_359] : memref<1024xf32, #tpu.memory_space<vmem>>[vector<16xi32>], vector<16xf32>,
      %broadcast_in_dim3A_361 = arith.constant true
      %broadcast_in_dim3A_362 = vector.broadcast %broadcast_in_dim3A_361 : i1 to vector<16xi1>
      %masked_cumsum3A_363 = tpu.scan <sum>, %gather3A_360 masked %broadcast_in_dim3A_362 : vector<16xf32>, vector<16xi1> -> vector<16xf32>
      %sub3A_364 = arith.subf %masked_cumsum3A_363, %gather3A_360 : vector<16xf32>
      %add3A_365 = arith.addf %sub3A_364, %add3A_311 : vector<16xf32>
      %swap3A_366 = arith.constant 0 : index
      %swap3A_367 = tpu.vector_load %arg11[%swap3A_366] {strides = array<i32>} : memref<64xf32, #tpu.memory_space<vmem>>, vector<16xf32>,
      tpu.vector_store %arg11[%swap3A_366], %add3A_365 {strides = array<i32>} : memref<64xf32, #tpu.memory_space<vmem>>, vector<16xf32>,
      %broadcast_in_dim3A_368 = arith.constant 15 : i32
      %broadcast_in_dim3A_369 = vector.broadcast %broadcast_in_dim3A_368 : i32 to vector<16x1xi32>
      %gather3A_370 = vector.shape_cast %broadcast_in_dim3A_369 : vector<16x1xi32> to vector<16xi32>
      %gather3A_371 = tpu.dynamic_gather %masked_cumsum3A_363[%gather3A_370] in [0] : vector<16xf32>, vector<16xi32> -> vector<16xf32>
      %add3A_372 = arith.addf %add3A_311, %gather3A_371 : vector<16xf32>
      %add3A_373 = arith.constant 16 : i32
      %add3A_374 = vector.broadcast %add3A_373 : i32 to vector<16xi32>
      %add3A_375 = arith.addi %add3A_374, %iota3A : vector<16xi32>
      %mul3A_376 = arith.constant 16 : i32
      %mul3A_377 = vector.broadcast %mul3A_376 : i32 to vector<16xi32>
      %mul3A_378 = arith.muli %add3A_375, %mul3A_377 : vector<16xi32>
      %gather3A_379 = tpu.vector_load_idx %arg10[%mul3A_378] : memref<1024xf32, #tpu.memory_space<vmem>>[vector<16xi32>], vector<16xf32>,
      %broadcast_in_dim3A_380 = arith.constant true
      %broadcast_in_dim3A_381 = vector.broadcast %broadcast_in_dim3A_380 : i1 to vector<16xi1>
      %masked_cumsum3A_382 = tpu.scan <sum>, %gather3A_379 masked %broadcast_in_dim3A_381 : vector<16xf32>, vector<16xi1> -> vector<16xf32>
      %sub3A_383 = arith.subf %masked_cumsum3A_382, %gather3A_379 : vector<16xf32>
      %add3A_384 = arith.addf %sub3A_383, %add3A_372 : vector<16xf32>
      %swap3A_385 = arith.constant 16 : index
      %swap3A_386 = tpu.vector_load %arg11[%swap3A_385] {strides = array<i32>} : memref<64xf32, #tpu.memory_space<vmem>>, vector<16xf32>,
      tpu.vector_store %arg11[%swap3A_385], %add3A_384 {strides = array<i32>} : memref<64xf32, #tpu.memory_space<vmem>>, vector<16xf32>,
      %broadcast_in_dim3A_387 = arith.constant 15 : i32
      %broadcast_in_dim3A_388 = vector.broadcast %broadcast_in_dim3A_387 : i32 to vector<16x1xi32>
      %gather3A_389 = vector.shape_cast %broadcast_in_dim3A_388 : vector<16x1xi32> to vector<16xi32>
      %gather3A_390 = tpu.dynamic_gather %masked_cumsum3A_382[%gather3A_389] in [0] : vector<16xf32>, vector<16xi32> -> vector<16xf32>
      %add3A_391 = arith.addf %add3A_372, %gather3A_390 : vector<16xf32>
      %add3A_392 = arith.constant 32 : i32
      %add3A_393 = vector.broadcast %add3A_392 : i32 to vector<16xi32>
      %add3A_394 = arith.addi %add3A_393, %iota3A : vector<16xi32>
      %mul3A_395 = arith.constant 16 : i32
      %mul3A_396 = vector.broadcast %mul3A_395 : i32 to vector<16xi32>
      %mul3A_397 = arith.muli %add3A_394, %mul3A_396 : vector<16xi32>
      %gather3A_398 = tpu.vector_load_idx %arg10[%mul3A_397] : memref<1024xf32, #tpu.memory_space<vmem>>[vector<16xi32>], vector<16xf32>,
      %broadcast_in_dim3A_399 = arith.constant true
      %broadcast_in_dim3A_400 = vector.broadcast %broadcast_in_dim3A_399 : i1 to vector<16xi1>
      %masked_cumsum3A_401 = tpu.scan <sum>, %gather3A_398 masked %broadcast_in_dim3A_400 : vector<16xf32>, vector<16xi1> -> vector<16xf32>
      %sub3A_402 = arith.subf %masked_cumsum3A_401, %gather3A_398 : vector<16xf32>
      %add3A_403 = arith.addf %sub3A_402, %add3A_391 : vector<16xf32>
      %swap3A_404 = arith.constant 32 : index
      %swap3A_405 = tpu.vector_load %arg11[%swap3A_404] {strides = array<i32>} : memref<64xf32, #tpu.memory_space<vmem>>, vector<16xf32>,
      tpu.vector_store %arg11[%swap3A_404], %add3A_403 {strides = array<i32>} : memref<64xf32, #tpu.memory_space<vmem>>, vector<16xf32>,
      %broadcast_in_dim3A_406 = arith.constant 15 : i32
      %broadcast_in_dim3A_407 = vector.broadcast %broadcast_in_dim3A_406 : i32 to vector<16x1xi32>
      %gather3A_408 = vector.shape_cast %broadcast_in_dim3A_407 : vector<16x1xi32> to vector<16xi32>
      %gather3A_409 = tpu.dynamic_gather %masked_cumsum3A_401[%gather3A_408] in [0] : vector<16xf32>, vector<16xi32> -> vector<16xf32>
      %add3A_410 = arith.addf %add3A_391, %gather3A_409 : vector<16xf32>
      %add3A_411 = arith.constant 48 : i32
      %add3A_412 = vector.broadcast %add3A_411 : i32 to vector<16xi32>
      %add3A_413 = arith.addi %add3A_412, %iota3A : vector<16xi32>
      %mul3A_414 = arith.constant 16 : i32
      %mul3A_415 = vector.broadcast %mul3A_414 : i32 to vector<16xi32>
      %mul3A_416 = arith.muli %add3A_413, %mul3A_415 : vector<16xi32>
      %gather3A_417 = tpu.vector_load_idx %arg10[%mul3A_416] : memref<1024xf32, #tpu.memory_space<vmem>>[vector<16xi32>], vector<16xf32>,
      %broadcast_in_dim3A_418 = arith.constant true
      %broadcast_in_dim3A_419 = vector.broadcast %broadcast_in_dim3A_418 : i1 to vector<16xi1>
      %masked_cumsum3A_420 = tpu.scan <sum>, %gather3A_417 masked %broadcast_in_dim3A_419 : vector<16xf32>, vector<16xi1> -> vector<16xf32>
      %sub3A_421 = arith.subf %masked_cumsum3A_420, %gather3A_417 : vector<16xf32>
      %add3A_422 = arith.addf %sub3A_421, %add3A_410 : vector<16xf32>
      %swap3A_423 = arith.constant 48 : index
      %swap3A_424 = tpu.vector_load %arg11[%swap3A_423] {strides = array<i32>} : memref<64xf32, #tpu.memory_space<vmem>>, vector<16xf32>,
      tpu.vector_store %arg11[%swap3A_423], %add3A_422 {strides = array<i32>} : memref<64xf32, #tpu.memory_space<vmem>>, vector<16xf32>,
      %broadcast_in_dim3A_425 = arith.constant 15 : i32
      %broadcast_in_dim3A_426 = vector.broadcast %broadcast_in_dim3A_425 : i32 to vector<16x1xi32>
      %gather3A_427 = vector.shape_cast %broadcast_in_dim3A_426 : vector<16x1xi32> to vector<16xi32>
      %gather3A_428 = tpu.dynamic_gather %masked_cumsum3A_420[%gather3A_427] in [0] : vector<16xf32>, vector<16xi32> -> vector<16xf32>
      %add3A_429 = arith.addf %add3A_410, %gather3A_428 : vector<16xf32>
      %parallel_loop3A_430 = arith.constant 0 : i32
      %parallel_loop3A_431 = arith.constant 64 : i32
      %parallel_loop3A_432 = arith.constant 1 : i32
      scf.for %parallel_loop3A_560 = %parallel_loop3A_430 to %parallel_loop3A_431 step %parallel_loop3A_432  : i32 {
        %parallel_loop3A_561 = arith.constant 3 : i32
        %parallel_loop3A_562 = arith.shrsi %parallel_loop3A_560, %parallel_loop3A_561 : i32
        %parallel_loop3A_563 = arith.constant 7 : i32
        %parallel_loop3A_564 = arith.andi %parallel_loop3A_560, %parallel_loop3A_563 : i32
        %parallel_loop3A_565 = arith.constant 256 : i32
        %parallel_loop3A_566 = arith.muli %parallel_loop3A_564, %parallel_loop3A_565 : i32
        %parallel_loop3A_567 = vector.broadcast %parallel_loop3A_560 : i32 to vector<16xi32>
        %parallel_loop3A_568 = tpu.vector_load_idx %arg11[%parallel_loop3A_567] : memref<64xf32, #tpu.memory_space<vmem>>[vector<16xi32>], vector<16xf32>,
        %parallel_loop3A_569 = arith.constant 16 : i32
        %parallel_loop3A_570 = arith.muli %parallel_loop3A_560, %parallel_loop3A_569 : i32
        %parallel_loop3A_571 = arith.index_cast %parallel_loop3A_570 : i32 to index
        %parallel_loop3A_572 = tpu.vector_load %arg9[%parallel_loop3A_571] {strides = array<i32>} : memref<1024xf32, #tpu.memory_space<vmem>>, vector<16xf32>,
        %parallel_loop3A_573 = arith.addf %parallel_loop3A_572, %parallel_loop3A_568 : vector<16xf32>
        %parallel_loop3A_574 = arith.constant 0 : i32
        %parallel_loop3A_575 = arith.addi %parallel_loop3A_566, %parallel_loop3A_574 : i32
        %parallel_loop3A_576 = arith.index_cast %parallel_loop3A_562 : i32 to index
        %parallel_loop3A_577 = arith.index_cast %parallel_loop3A_575 : i32 to index
        %parallel_loop3A_578 = tpu.vector_load %arg7[%parallel_loop3A_576, %parallel_loop3A_577] {strides = array<i32>} : memref<8x2048xf32, #tpu.memory_space<vmem>>, vector<16xf32>,
        %parallel_loop3A_579 = arith.constant 0 : i32
        %parallel_loop3A_580 = vector.broadcast %parallel_loop3A_579 : i32 to vector<16x1xi32>
        %parallel_loop3A_581 = vector.shape_cast %parallel_loop3A_580 : vector<16x1xi32> to vector<16xi32>
        %parallel_loop3A_582 = tpu.dynamic_gather %parallel_loop3A_573[%parallel_loop3A_581] in [0] : vector<16xf32>, vector<16xi32> -> vector<16xf32>
        %parallel_loop3A_583 = arith.addf %parallel_loop3A_578, %parallel_loop3A_582 : vector<16xf32>
        %parallel_loop3A_584 = arith.index_cast %parallel_loop3A_562 : i32 to index
        %parallel_loop3A_585 = arith.index_cast %parallel_loop3A_575 : i32 to index
        %parallel_loop3A_586 = tpu.vector_load %arg7[%parallel_loop3A_584, %parallel_loop3A_585] {strides = array<i32>} : memref<8x2048xf32, #tpu.memory_space<vmem>>, vector<16xf32>,
        tpu.vector_store %arg7[%parallel_loop3A_584, %parallel_loop3A_585], %parallel_loop3A_583 {strides = array<i32>} : memref<8x2048xf32, #tpu.memory_space<vmem>>, vector<16xf32>,
        %parallel_loop3A_587 = arith.constant 16 : i32
        %parallel_loop3A_588 = arith.addi %parallel_loop3A_566, %parallel_loop3A_587 : i32
        %parallel_loop3A_589 = arith.index_cast %parallel_loop3A_562 : i32 to index
        %parallel_loop3A_590 = arith.index_cast %parallel_loop3A_588 : i32 to index
        %parallel_loop3A_591 = tpu.vector_load %arg7[%parallel_loop3A_589, %parallel_loop3A_590] {strides = array<i32>} : memref<8x2048xf32, #tpu.memory_space<vmem>>, vector<16xf32>,
        %parallel_loop3A_592 = arith.constant 1 : i32
        %parallel_loop3A_593 = vector.broadcast %parallel_loop3A_592 : i32 to vector<16x1xi32>
        %parallel_loop3A_594 = vector.shape_cast %parallel_loop3A_593 : vector<16x1xi32> to vector<16xi32>
        %parallel_loop3A_595 = tpu.dynamic_gather %parallel_loop3A_573[%parallel_loop3A_594] in [0] : vector<16xf32>, vector<16xi32> -> vector<16xf32>
        %parallel_loop3A_596 = arith.addf %parallel_loop3A_591, %parallel_loop3A_595 : vector<16xf32>
        %parallel_loop3A_597 = arith.index_cast %parallel_loop3A_562 : i32 to index
        %parallel_loop3A_598 = arith.index_cast %parallel_loop3A_588 : i32 to index
        %parallel_loop3A_599 = tpu.vector_load %arg7[%parallel_loop3A_597, %parallel_loop3A_598] {strides = array<i32>} : memref<8x2048xf32, #tpu.memory_space<vmem>>, vector<16xf32>,
        tpu.vector_store %arg7[%parallel_loop3A_597, %parallel_loop3A_598], %parallel_loop3A_596 {strides = array<i32>} : memref<8x2048xf32, #tpu.memory_space<vmem>>, vector<16xf32>,
        %parallel_loop3A_600 = arith.constant 32 : i32
        %parallel_loop3A_601 = arith.addi %parallel_loop3A_566, %parallel_loop3A_600 : i32
        %parallel_loop3A_602 = arith.index_cast %parallel_loop3A_562 : i32 to index
        %parallel_loop3A_603 = arith.index_cast %parallel_loop3A_601 : i32 to index
        %parallel_loop3A_604 = tpu.vector_load %arg7[%parallel_loop3A_602, %parallel_loop3A_603] {strides = array<i32>} : memref<8x2048xf32, #tpu.memory_space<vmem>>, vector<16xf32>,
        %parallel_loop3A_605 = arith.constant 2 : i32
        %parallel_loop3A_606 = vector.broadcast %parallel_loop3A_605 : i32 to vector<16x1xi32>
        %parallel_loop3A_607 = vector.shape_cast %parallel_loop3A_606 : vector<16x1xi32> to vector<16xi32>
        %parallel_loop3A_608 = tpu.dynamic_gather %parallel_loop3A_573[%parallel_loop3A_607] in [0] : vector<16xf32>, vector<16xi32> -> vector<16xf32>
        %parallel_loop3A_609 = arith.addf %parallel_loop3A_604, %parallel_loop3A_608 : vector<16xf32>
        %parallel_loop3A_610 = arith.index_cast %parallel_loop3A_562 : i32 to index
        %parallel_loop3A_611 = arith.index_cast %parallel_loop3A_601 : i32 to index
        %parallel_loop3A_612 = tpu.vector_load %arg7[%parallel_loop3A_610, %parallel_loop3A_611] {strides = array<i32>} : memref<8x2048xf32, #tpu.memory_space<vmem>>, vector<16xf32>,
        tpu.vector_store %arg7[%parallel_loop3A_610, %parallel_loop3A_611], %parallel_loop3A_609 {strides = array<i32>} : memref<8x2048xf32, #tpu.memory_space<vmem>>, vector<16xf32>,
        %parallel_loop3A_613 = arith.constant 48 : i32
        %parallel_loop3A_614 = arith.addi %parallel_loop3A_566, %parallel_loop3A_613 : i32
        %parallel_loop3A_615 = arith.index_cast %parallel_loop3A_562 : i32 to index
        %parallel_loop3A_616 = arith.index_cast %parallel_loop3A_614 : i32 to index
        %parallel_loop3A_617 = tpu.vector_load %arg7[%parallel_loop3A_615, %parallel_loop3A_616] {strides = array<i32>} : memref<8x2048xf32, #tpu.memory_space<vmem>>, vector<16xf32>,
        %parallel_loop3A_618 = arith.constant 3 : i32
        %parallel_loop3A_619 = vector.broadcast %parallel_loop3A_618 : i32 to vector<16x1xi32>
        %parallel_loop3A_620 = vector.shape_cast %parallel_loop3A_619 : vector<16x1xi32> to vector<16xi32>
        %parallel_loop3A_621 = tpu.dynamic_gather %parallel_loop3A_573[%parallel_loop3A_620] in [0] : vector<16xf32>, vector<16xi32> -> vector<16xf32>
        %parallel_loop3A_622 = arith.addf %parallel_loop3A_617, %parallel_loop3A_621 : vector<16xf32>
        %parallel_loop3A_623 = arith.index_cast %parallel_loop3A_562 : i32 to index
        %parallel_loop3A_624 = arith.index_cast %parallel_loop3A_614 : i32 to index
        %parallel_loop3A_625 = tpu.vector_load %arg7[%parallel_loop3A_623, %parallel_loop3A_624] {strides = array<i32>} : memref<8x2048xf32, #tpu.memory_space<vmem>>, vector<16xf32>,
        tpu.vector_store %arg7[%parallel_loop3A_623, %parallel_loop3A_624], %parallel_loop3A_622 {strides = array<i32>} : memref<8x2048xf32, #tpu.memory_space<vmem>>, vector<16xf32>,
        %parallel_loop3A_626 = arith.constant 64 : i32
        %parallel_loop3A_627 = arith.addi %parallel_loop3A_566, %parallel_loop3A_626 : i32
        %parallel_loop3A_628 = arith.index_cast %parallel_loop3A_562 : i32 to index
        %parallel_loop3A_629 = arith.index_cast %parallel_loop3A_627 : i32 to index
        %parallel_loop3A_630 = tpu.vector_load %arg7[%parallel_loop3A_628, %parallel_loop3A_629] {strides = array<i32>} : memref<8x2048xf32, #tpu.memory_space<vmem>>, vector<16xf32>,
        %parallel_loop3A_631 = arith.constant 4 : i32
        %parallel_loop3A_632 = vector.broadcast %parallel_loop3A_631 : i32 to vector<16x1xi32>
        %parallel_loop3A_633 = vector.shape_cast %parallel_loop3A_632 : vector<16x1xi32> to vector<16xi32>
        %parallel_loop3A_634 = tpu.dynamic_gather %parallel_loop3A_573[%parallel_loop3A_633] in [0] : vector<16xf32>, vector<16xi32> -> vector<16xf32>
        %parallel_loop3A_635 = arith.addf %parallel_loop3A_630, %parallel_loop3A_634 : vector<16xf32>
        %parallel_loop3A_636 = arith.index_cast %parallel_loop3A_562 : i32 to index
        %parallel_loop3A_637 = arith.index_cast %parallel_loop3A_627 : i32 to index
        %parallel_loop3A_638 = tpu.vector_load %arg7[%parallel_loop3A_636, %parallel_loop3A_637] {strides = array<i32>} : memref<8x2048xf32, #tpu.memory_space<vmem>>, vector<16xf32>,
        tpu.vector_store %arg7[%parallel_loop3A_636, %parallel_loop3A_637], %parallel_loop3A_635 {strides = array<i32>} : memref<8x2048xf32, #tpu.memory_space<vmem>>, vector<16xf32>,
        %parallel_loop3A_639 = arith.constant 80 : i32
        %parallel_loop3A_640 = arith.addi %parallel_loop3A_566, %parallel_loop3A_639 : i32
        %parallel_loop3A_641 = arith.index_cast %parallel_loop3A_562 : i32 to index
        %parallel_loop3A_642 = arith.index_cast %parallel_loop3A_640 : i32 to index
        %parallel_loop3A_643 = tpu.vector_load %arg7[%parallel_loop3A_641, %parallel_loop3A_642] {strides = array<i32>} : memref<8x2048xf32, #tpu.memory_space<vmem>>, vector<16xf32>,
        %parallel_loop3A_644 = arith.constant 5 : i32
        %parallel_loop3A_645 = vector.broadcast %parallel_loop3A_644 : i32 to vector<16x1xi32>
        %parallel_loop3A_646 = vector.shape_cast %parallel_loop3A_645 : vector<16x1xi32> to vector<16xi32>
        %parallel_loop3A_647 = tpu.dynamic_gather %parallel_loop3A_573[%parallel_loop3A_646] in [0] : vector<16xf32>, vector<16xi32> -> vector<16xf32>
        %parallel_loop3A_648 = arith.addf %parallel_loop3A_643, %parallel_loop3A_647 : vector<16xf32>
        %parallel_loop3A_649 = arith.index_cast %parallel_loop3A_562 : i32 to index
        %parallel_loop3A_650 = arith.index_cast %parallel_loop3A_640 : i32 to index
        %parallel_loop3A_651 = tpu.vector_load %arg7[%parallel_loop3A_649, %parallel_loop3A_650] {strides = array<i32>} : memref<8x2048xf32, #tpu.memory_space<vmem>>, vector<16xf32>,
        tpu.vector_store %arg7[%parallel_loop3A_649, %parallel_loop3A_650], %parallel_loop3A_648 {strides = array<i32>} : memref<8x2048xf32, #tpu.memory_space<vmem>>, vector<16xf32>,
        %parallel_loop3A_652 = arith.constant 96 : i32
        %parallel_loop3A_653 = arith.addi %parallel_loop3A_566, %parallel_loop3A_652 : i32
        %parallel_loop3A_654 = arith.index_cast %parallel_loop3A_562 : i32 to index
        %parallel_loop3A_655 = arith.index_cast %parallel_loop3A_653 : i32 to index
        %parallel_loop3A_656 = tpu.vector_load %arg7[%parallel_loop3A_654, %parallel_loop3A_655] {strides = array<i32>} : memref<8x2048xf32, #tpu.memory_space<vmem>>, vector<16xf32>,
        %parallel_loop3A_657 = arith.constant 6 : i32
        %parallel_loop3A_658 = vector.broadcast %parallel_loop3A_657 : i32 to vector<16x1xi32>
        %parallel_loop3A_659 = vector.shape_cast %parallel_loop3A_658 : vector<16x1xi32> to vector<16xi32>
        %parallel_loop3A_660 = tpu.dynamic_gather %parallel_loop3A_573[%parallel_loop3A_659] in [0] : vector<16xf32>, vector<16xi32> -> vector<16xf32>
        %parallel_loop3A_661 = arith.addf %parallel_loop3A_656, %parallel_loop3A_660 : vector<16xf32>
        %parallel_loop3A_662 = arith.index_cast %parallel_loop3A_562 : i32 to index
        %parallel_loop3A_663 = arith.index_cast %parallel_loop3A_653 : i32 to index
        %parallel_loop3A_664 = tpu.vector_load %arg7[%parallel_loop3A_662, %parallel_loop3A_663] {strides = array<i32>} : memref<8x2048xf32, #tpu.memory_space<vmem>>, vector<16xf32>,
        tpu.vector_store %arg7[%parallel_loop3A_662, %parallel_loop3A_663], %parallel_loop3A_661 {strides = array<i32>} : memref<8x2048xf32, #tpu.memory_space<vmem>>, vector<16xf32>,
        %parallel_loop3A_665 = arith.constant 112 : i32
        %parallel_loop3A_666 = arith.addi %parallel_loop3A_566, %parallel_loop3A_665 : i32
        %parallel_loop3A_667 = arith.index_cast %parallel_loop3A_562 : i32 to index
        %parallel_loop3A_668 = arith.index_cast %parallel_loop3A_666 : i32 to index
        %parallel_loop3A_669 = tpu.vector_load %arg7[%parallel_loop3A_667, %parallel_loop3A_668] {strides = array<i32>} : memref<8x2048xf32, #tpu.memory_space<vmem>>, vector<16xf32>,
        %parallel_loop3A_670 = arith.constant 7 : i32
        %parallel_loop3A_671 = vector.broadcast %parallel_loop3A_670 : i32 to vector<16x1xi32>
        %parallel_loop3A_672 = vector.shape_cast %parallel_loop3A_671 : vector<16x1xi32> to vector<16xi32>
        %parallel_loop3A_673 = tpu.dynamic_gather %parallel_loop3A_573[%parallel_loop3A_672] in [0] : vector<16xf32>, vector<16xi32> -> vector<16xf32>
        %parallel_loop3A_674 = arith.addf %parallel_loop3A_669, %parallel_loop3A_673 : vector<16xf32>
        %parallel_loop3A_675 = arith.index_cast %parallel_loop3A_562 : i32 to index
        %parallel_loop3A_676 = arith.index_cast %parallel_loop3A_666 : i32 to index
        %parallel_loop3A_677 = tpu.vector_load %arg7[%parallel_loop3A_675, %parallel_loop3A_676] {strides = array<i32>} : memref<8x2048xf32, #tpu.memory_space<vmem>>, vector<16xf32>,
        tpu.vector_store %arg7[%parallel_loop3A_675, %parallel_loop3A_676], %parallel_loop3A_674 {strides = array<i32>} : memref<8x2048xf32, #tpu.memory_space<vmem>>, vector<16xf32>,
        %parallel_loop3A_678 = arith.constant 128 : i32
        %parallel_loop3A_679 = arith.addi %parallel_loop3A_566, %parallel_loop3A_678 : i32
        %parallel_loop3A_680 = arith.index_cast %parallel_loop3A_562 : i32 to index
        %parallel_loop3A_681 = arith.index_cast %parallel_loop3A_679 : i32 to index
        %parallel_loop3A_682 = tpu.vector_load %arg7[%parallel_loop3A_680, %parallel_loop3A_681] {strides = array<i32>} : memref<8x2048xf32, #tpu.memory_space<vmem>>, vector<16xf32>,
        %parallel_loop3A_683 = arith.constant 8 : i32
        %parallel_loop3A_684 = vector.broadcast %parallel_loop3A_683 : i32 to vector<16x1xi32>
        %parallel_loop3A_685 = vector.shape_cast %parallel_loop3A_684 : vector<16x1xi32> to vector<16xi32>
        %parallel_loop3A_686 = tpu.dynamic_gather %parallel_loop3A_573[%parallel_loop3A_685] in [0] : vector<16xf32>, vector<16xi32> -> vector<16xf32>
        %parallel_loop3A_687 = arith.addf %parallel_loop3A_682, %parallel_loop3A_686 : vector<16xf32>
        %parallel_loop3A_688 = arith.index_cast %parallel_loop3A_562 : i32 to index
        %parallel_loop3A_689 = arith.index_cast %parallel_loop3A_679 : i32 to index
        %parallel_loop3A_690 = tpu.vector_load %arg7[%parallel_loop3A_688, %parallel_loop3A_689] {strides = array<i32>} : memref<8x2048xf32, #tpu.memory_space<vmem>>, vector<16xf32>,
        tpu.vector_store %arg7[%parallel_loop3A_688, %parallel_loop3A_689], %parallel_loop3A_687 {strides = array<i32>} : memref<8x2048xf32, #tpu.memory_space<vmem>>, vector<16xf32>,
        %parallel_loop3A_691 = arith.constant 144 : i32
        %parallel_loop3A_692 = arith.addi %parallel_loop3A_566, %parallel_loop3A_691 : i32
        %parallel_loop3A_693 = arith.index_cast %parallel_loop3A_562 : i32 to index
        %parallel_loop3A_694 = arith.index_cast %parallel_loop3A_692 : i32 to index
        %parallel_loop3A_695 = tpu.vector_load %arg7[%parallel_loop3A_693, %parallel_loop3A_694] {strides = array<i32>} : memref<8x2048xf32, #tpu.memory_space<vmem>>, vector<16xf32>,
        %parallel_loop3A_696 = arith.constant 9 : i32
        %parallel_loop3A_697 = vector.broadcast %parallel_loop3A_696 : i32 to vector<16x1xi32>
        %parallel_loop3A_698 = vector.shape_cast %parallel_loop3A_697 : vector<16x1xi32> to vector<16xi32>
        %parallel_loop3A_699 = tpu.dynamic_gather %parallel_loop3A_573[%parallel_loop3A_698] in [0] : vector<16xf32>, vector<16xi32> -> vector<16xf32>
        %parallel_loop3A_700 = arith.addf %parallel_loop3A_695, %parallel_loop3A_699 : vector<16xf32>
        %parallel_loop3A_701 = arith.index_cast %parallel_loop3A_562 : i32 to index
        %parallel_loop3A_702 = arith.index_cast %parallel_loop3A_692 : i32 to index
        %parallel_loop3A_703 = tpu.vector_load %arg7[%parallel_loop3A_701, %parallel_loop3A_702] {strides = array<i32>} : memref<8x2048xf32, #tpu.memory_space<vmem>>, vector<16xf32>,
        tpu.vector_store %arg7[%parallel_loop3A_701, %parallel_loop3A_702], %parallel_loop3A_700 {strides = array<i32>} : memref<8x2048xf32, #tpu.memory_space<vmem>>, vector<16xf32>,
        %parallel_loop3A_704 = arith.constant 160 : i32
        %parallel_loop3A_705 = arith.addi %parallel_loop3A_566, %parallel_loop3A_704 : i32
        %parallel_loop3A_706 = arith.index_cast %parallel_loop3A_562 : i32 to index
        %parallel_loop3A_707 = arith.index_cast %parallel_loop3A_705 : i32 to index
        %parallel_loop3A_708 = tpu.vector_load %arg7[%parallel_loop3A_706, %parallel_loop3A_707] {strides = array<i32>} : memref<8x2048xf32, #tpu.memory_space<vmem>>, vector<16xf32>,
        %parallel_loop3A_709 = arith.constant 10 : i32
        %parallel_loop3A_710 = vector.broadcast %parallel_loop3A_709 : i32 to vector<16x1xi32>
        %parallel_loop3A_711 = vector.shape_cast %parallel_loop3A_710 : vector<16x1xi32> to vector<16xi32>
        %parallel_loop3A_712 = tpu.dynamic_gather %parallel_loop3A_573[%parallel_loop3A_711] in [0] : vector<16xf32>, vector<16xi32> -> vector<16xf32>
        %parallel_loop3A_713 = arith.addf %parallel_loop3A_708, %parallel_loop3A_712 : vector<16xf32>
        %parallel_loop3A_714 = arith.index_cast %parallel_loop3A_562 : i32 to index
        %parallel_loop3A_715 = arith.index_cast %parallel_loop3A_705 : i32 to index
        %parallel_loop3A_716 = tpu.vector_load %arg7[%parallel_loop3A_714, %parallel_loop3A_715] {strides = array<i32>} : memref<8x2048xf32, #tpu.memory_space<vmem>>, vector<16xf32>,
        tpu.vector_store %arg7[%parallel_loop3A_714, %parallel_loop3A_715], %parallel_loop3A_713 {strides = array<i32>} : memref<8x2048xf32, #tpu.memory_space<vmem>>, vector<16xf32>,
        %parallel_loop3A_717 = arith.constant 176 : i32
        %parallel_loop3A_718 = arith.addi %parallel_loop3A_566, %parallel_loop3A_717 : i32
        %parallel_loop3A_719 = arith.index_cast %parallel_loop3A_562 : i32 to index
        %parallel_loop3A_720 = arith.index_cast %parallel_loop3A_718 : i32 to index
        %parallel_loop3A_721 = tpu.vector_load %arg7[%parallel_loop3A_719, %parallel_loop3A_720] {strides = array<i32>} : memref<8x2048xf32, #tpu.memory_space<vmem>>, vector<16xf32>,
        %parallel_loop3A_722 = arith.constant 11 : i32
        %parallel_loop3A_723 = vector.broadcast %parallel_loop3A_722 : i32 to vector<16x1xi32>
        %parallel_loop3A_724 = vector.shape_cast %parallel_loop3A_723 : vector<16x1xi32> to vector<16xi32>
        %parallel_loop3A_725 = tpu.dynamic_gather %parallel_loop3A_573[%parallel_loop3A_724] in [0] : vector<16xf32>, vector<16xi32> -> vector<16xf32>
        %parallel_loop3A_726 = arith.addf %parallel_loop3A_721, %parallel_loop3A_725 : vector<16xf32>
        %parallel_loop3A_727 = arith.index_cast %parallel_loop3A_562 : i32 to index
        %parallel_loop3A_728 = arith.index_cast %parallel_loop3A_718 : i32 to index
        %parallel_loop3A_729 = tpu.vector_load %arg7[%parallel_loop3A_727, %parallel_loop3A_728] {strides = array<i32>} : memref<8x2048xf32, #tpu.memory_space<vmem>>, vector<16xf32>,
        tpu.vector_store %arg7[%parallel_loop3A_727, %parallel_loop3A_728], %parallel_loop3A_726 {strides = array<i32>} : memref<8x2048xf32, #tpu.memory_space<vmem>>, vector<16xf32>,
        %parallel_loop3A_730 = arith.constant 192 : i32
        %parallel_loop3A_731 = arith.addi %parallel_loop3A_566, %parallel_loop3A_730 : i32
        %parallel_loop3A_732 = arith.index_cast %parallel_loop3A_562 : i32 to index
        %parallel_loop3A_733 = arith.index_cast %parallel_loop3A_731 : i32 to index
        %parallel_loop3A_734 = tpu.vector_load %arg7[%parallel_loop3A_732, %parallel_loop3A_733] {strides = array<i32>} : memref<8x2048xf32, #tpu.memory_space<vmem>>, vector<16xf32>,
        %parallel_loop3A_735 = arith.constant 12 : i32
        %parallel_loop3A_736 = vector.broadcast %parallel_loop3A_735 : i32 to vector<16x1xi32>
        %parallel_loop3A_737 = vector.shape_cast %parallel_loop3A_736 : vector<16x1xi32> to vector<16xi32>
        %parallel_loop3A_738 = tpu.dynamic_gather %parallel_loop3A_573[%parallel_loop3A_737] in [0] : vector<16xf32>, vector<16xi32> -> vector<16xf32>
        %parallel_loop3A_739 = arith.addf %parallel_loop3A_734, %parallel_loop3A_738 : vector<16xf32>
        %parallel_loop3A_740 = arith.index_cast %parallel_loop3A_562 : i32 to index
        %parallel_loop3A_741 = arith.index_cast %parallel_loop3A_731 : i32 to index
        %parallel_loop3A_742 = tpu.vector_load %arg7[%parallel_loop3A_740, %parallel_loop3A_741] {strides = array<i32>} : memref<8x2048xf32, #tpu.memory_space<vmem>>, vector<16xf32>,
        tpu.vector_store %arg7[%parallel_loop3A_740, %parallel_loop3A_741], %parallel_loop3A_739 {strides = array<i32>} : memref<8x2048xf32, #tpu.memory_space<vmem>>, vector<16xf32>,
        %parallel_loop3A_743 = arith.constant 208 : i32
        %parallel_loop3A_744 = arith.addi %parallel_loop3A_566, %parallel_loop3A_743 : i32
        %parallel_loop3A_745 = arith.index_cast %parallel_loop3A_562 : i32 to index
        %parallel_loop3A_746 = arith.index_cast %parallel_loop3A_744 : i32 to index
        %parallel_loop3A_747 = tpu.vector_load %arg7[%parallel_loop3A_745, %parallel_loop3A_746] {strides = array<i32>} : memref<8x2048xf32, #tpu.memory_space<vmem>>, vector<16xf32>,
        %parallel_loop3A_748 = arith.constant 13 : i32
        %parallel_loop3A_749 = vector.broadcast %parallel_loop3A_748 : i32 to vector<16x1xi32>
        %parallel_loop3A_750 = vector.shape_cast %parallel_loop3A_749 : vector<16x1xi32> to vector<16xi32>
        %parallel_loop3A_751 = tpu.dynamic_gather %parallel_loop3A_573[%parallel_loop3A_750] in [0] : vector<16xf32>, vector<16xi32> -> vector<16xf32>
        %parallel_loop3A_752 = arith.addf %parallel_loop3A_747, %parallel_loop3A_751 : vector<16xf32>
        %parallel_loop3A_753 = arith.index_cast %parallel_loop3A_562 : i32 to index
        %parallel_loop3A_754 = arith.index_cast %parallel_loop3A_744 : i32 to index
        %parallel_loop3A_755 = tpu.vector_load %arg7[%parallel_loop3A_753, %parallel_loop3A_754] {strides = array<i32>} : memref<8x2048xf32, #tpu.memory_space<vmem>>, vector<16xf32>,
        tpu.vector_store %arg7[%parallel_loop3A_753, %parallel_loop3A_754], %parallel_loop3A_752 {strides = array<i32>} : memref<8x2048xf32, #tpu.memory_space<vmem>>, vector<16xf32>,
        %parallel_loop3A_756 = arith.constant 224 : i32
        %parallel_loop3A_757 = arith.addi %parallel_loop3A_566, %parallel_loop3A_756 : i32
        %parallel_loop3A_758 = arith.index_cast %parallel_loop3A_562 : i32 to index
        %parallel_loop3A_759 = arith.index_cast %parallel_loop3A_757 : i32 to index
        %parallel_loop3A_760 = tpu.vector_load %arg7[%parallel_loop3A_758, %parallel_loop3A_759] {strides = array<i32>} : memref<8x2048xf32, #tpu.memory_space<vmem>>, vector<16xf32>,
        %parallel_loop3A_761 = arith.constant 14 : i32
        %parallel_loop3A_762 = vector.broadcast %parallel_loop3A_761 : i32 to vector<16x1xi32>
        %parallel_loop3A_763 = vector.shape_cast %parallel_loop3A_762 : vector<16x1xi32> to vector<16xi32>
        %parallel_loop3A_764 = tpu.dynamic_gather %parallel_loop3A_573[%parallel_loop3A_763] in [0] : vector<16xf32>, vector<16xi32> -> vector<16xf32>
        %parallel_loop3A_765 = arith.addf %parallel_loop3A_760, %parallel_loop3A_764 : vector<16xf32>
        %parallel_loop3A_766 = arith.index_cast %parallel_loop3A_562 : i32 to index
        %parallel_loop3A_767 = arith.index_cast %parallel_loop3A_757 : i32 to index
        %parallel_loop3A_768 = tpu.vector_load %arg7[%parallel_loop3A_766, %parallel_loop3A_767] {strides = array<i32>} : memref<8x2048xf32, #tpu.memory_space<vmem>>, vector<16xf32>,
        tpu.vector_store %arg7[%parallel_loop3A_766, %parallel_loop3A_767], %parallel_loop3A_765 {strides = array<i32>} : memref<8x2048xf32, #tpu.memory_space<vmem>>, vector<16xf32>,
        %parallel_loop3A_769 = arith.constant 240 : i32
        %parallel_loop3A_770 = arith.addi %parallel_loop3A_566, %parallel_loop3A_769 : i32
        %parallel_loop3A_771 = arith.index_cast %parallel_loop3A_562 : i32 to index
        %parallel_loop3A_772 = arith.index_cast %parallel_loop3A_770 : i32 to index
        %parallel_loop3A_773 = tpu.vector_load %arg7[%parallel_loop3A_771, %parallel_loop3A_772] {strides = array<i32>} : memref<8x2048xf32, #tpu.memory_space<vmem>>, vector<16xf32>,
        %parallel_loop3A_774 = arith.constant 15 : i32
        %parallel_loop3A_775 = vector.broadcast %parallel_loop3A_774 : i32 to vector<16x1xi32>
        %parallel_loop3A_776 = vector.shape_cast %parallel_loop3A_775 : vector<16x1xi32> to vector<16xi32>
        %parallel_loop3A_777 = tpu.dynamic_gather %parallel_loop3A_573[%parallel_loop3A_776] in [0] : vector<16xf32>, vector<16xi32> -> vector<16xf32>
        %parallel_loop3A_778 = arith.addf %parallel_loop3A_773, %parallel_loop3A_777 : vector<16xf32>
        %parallel_loop3A_779 = arith.index_cast %parallel_loop3A_562 : i32 to index
        %parallel_loop3A_780 = arith.index_cast %parallel_loop3A_770 : i32 to index
        %parallel_loop3A_781 = tpu.vector_load %arg7[%parallel_loop3A_779, %parallel_loop3A_780] {strides = array<i32>} : memref<8x2048xf32, #tpu.memory_space<vmem>>, vector<16xf32>,
        tpu.vector_store %arg7[%parallel_loop3A_779, %parallel_loop3A_780], %parallel_loop3A_778 {strides = array<i32>} : memref<8x2048xf32, #tpu.memory_space<vmem>>, vector<16xf32>,
      } {sc.loop_unroll_factor = 2 : i64, sc.parallel_access}
      %mul3A_433 = arith.constant 8 : i32
      %mul3A_434 = arith.muli %add3A_327, %mul3A_433 : i32
      %add3A_435 = arith.addi %mul3A_32, %mul3A_434 : i32
      %dma_start3A_436 = arith.constant 0 : i32
      %dma_start3A_437 = tpu.memref_slice %arg4[%select_n3A, %add3A_435, %dma_start3A_436] : memref<2x8192x2048xf32, #tpu.memory_space<hbm>> -> memref<1x8x2048xf32, #tpu.memory_space<hbm>>
      %dma_start3A_438 = tpu.memref_squeeze %dma_start3A_437 : memref<1x8x2048xf32, #tpu.memory_space<hbm>> -> memref<8x2048xf32, #tpu.memory_space<hbm>>
      %dma_start3A_439 = arith.constant 0 : i32
      %dma_start3A_440 = tpu.memref_slice %arg4[%select_n3A, %add3A_435, %dma_start3A_439] : memref<2x8192x2048xf32, #tpu.memory_space<hbm>> -> memref<1x8x2048xf32, #tpu.memory_space<hbm>>
      %dma_start3A_441 = tpu.memref_squeeze %dma_start3A_440 : memref<1x8x2048xf32, #tpu.memory_space<hbm>> -> memref<8x2048xf32, #tpu.memory_space<hbm>>
      tpu.enqueue_dma source(%arg7 : memref<8x2048xf32, #tpu.memory_space<vmem>>) target(%dma_start3A_441 : memref<8x2048xf32, #tpu.memory_space<hbm>>) target_semaphore(%arg20 : memref<!tpu.dma_semaphore, #tpu.memory_space<semaphore_mem>>)
      %mul3A_442 = arith.constant 4 : i32
      %mul3A_443 = arith.muli %scan3A_90, %mul3A_442 : i32
      %add3A_444 = arith.constant 3 : i32
      %add3A_445 = arith.addi %mul3A_443, %add3A_444 : i32
      %ge3A_446 = arith.constant 2 : i32
      %ge3A_447 = arith.cmpi sge, %add3A_445, %ge3A_446 : i32
      %convert_element_type3A_448 = arith.extui %ge3A_447 : i1 to i32
      %cond3A_449 = arith.constant 0 : i32
      %cond3A_450 = arith.cmpi ne, %convert_element_type3A_448, %cond3A_449 : i32
      scf.if %cond3A_450 {
        %add3A_560 = arith.constant 0 : i32
        %add3A_561 = arith.addi %mul3A_32, %add3A_560 : i32
        %dma_wait3A_562 = arith.constant 0 : i32
        %dma_wait3A_563 = tpu.memref_slice %arg4[%select_n3A, %add3A_561, %dma_wait3A_562] : memref<2x8192x2048xf32, #tpu.memory_space<hbm>> -> memref<1x8x2048xf32, #tpu.memory_space<hbm>>
        %dma_wait3A_564 = tpu.memref_squeeze %dma_wait3A_563 : memref<1x8x2048xf32, #tpu.memory_space<hbm>> -> memref<8x2048xf32, #tpu.memory_space<hbm>>
        %dma_wait3A_565 = arith.constant 0 : i32
        %dma_wait3A_566 = tpu.memref_slice %arg4[%select_n3A, %add3A_561, %dma_wait3A_565] : memref<2x8192x2048xf32, #tpu.memory_space<hbm>> -> memref<1x8x2048xf32, #tpu.memory_space<hbm>>
        %dma_wait3A_567 = tpu.memref_squeeze %dma_wait3A_566 : memref<1x8x2048xf32, #tpu.memory_space<hbm>> -> memref<8x2048xf32, #tpu.memory_space<hbm>>
        tpu.wait_dma2 semaphore(%arg19 : memref<!tpu.dma_semaphore, #tpu.memory_space<semaphore_mem>>) src(%arg6 : memref<8x2048xf32, #tpu.memory_space<vmem>>) dst(%dma_wait3A_567 : memref<8x2048xf32, #tpu.memory_space<hbm>>)
      } else {
      }
      %add3A_451 = arith.constant 2 : i32
      %add3A_452 = arith.addi %add3A_445, %add3A_451 : i32
      %lt3A_453 = arith.constant 64 : i32
      %lt3A_454 = arith.cmpi slt, %add3A_452, %lt3A_453 : i32
      %convert_element_type3A_455 = arith.extui %lt3A_454 : i1 to i32
      %cond3A_456 = arith.constant 0 : i32
      %cond3A_457 = arith.cmpi ne, %convert_element_type3A_455, %cond3A_456 : i32
      scf.if %cond3A_457 {
        %add3A_560 = arith.constant 2 : i32
        %add3A_561 = arith.addi %add3A_445, %add3A_560 : i32
        %mul3A_562 = arith.constant 8 : i32
        %mul3A_563 = arith.muli %add3A_561, %mul3A_562 : i32
        %add3A_564 = arith.addi %mul3A_32, %mul3A_563 : i32
        %dma_start3A_565 = arith.constant 0 : i32
        %dma_start3A_566 = tpu.memref_slice %arg2[%select_n3A, %add3A_564, %dma_start3A_565] : memref<2x8192x2048xf32, #tpu.memory_space<hbm>> -> memref<1x8x2048xf32, #tpu.memory_space<hbm>>
        %dma_start3A_567 = tpu.memref_squeeze %dma_start3A_566 : memref<1x8x2048xf32, #tpu.memory_space<hbm>> -> memref<8x2048xf32, #tpu.memory_space<hbm>>
        %dma_start3A_568 = arith.constant 0 : i32
        %dma_start3A_569 = tpu.memref_slice %arg2[%select_n3A, %add3A_564, %dma_start3A_568] : memref<2x8192x2048xf32, #tpu.memory_space<hbm>> -> memref<1x8x2048xf32, #tpu.memory_space<hbm>>
        %dma_start3A_570 = tpu.memref_squeeze %dma_start3A_569 : memref<1x8x2048xf32, #tpu.memory_space<hbm>> -> memref<8x2048xf32, #tpu.memory_space<hbm>>
        tpu.enqueue_dma source(%dma_start3A_570 : memref<8x2048xf32, #tpu.memory_space<hbm>>) target(%arg6 : memref<8x2048xf32, #tpu.memory_space<vmem>>) target_semaphore(%arg15 : memref<!tpu.dma_semaphore, #tpu.memory_space<semaphore_mem>>)
      } else {
      }
      %add3A_458 = arith.constant 0 : i32
      %add3A_459 = arith.addi %mul3A_32, %add3A_458 : i32
      %dma_wait3A_460 = arith.constant 0 : i32
      %dma_wait3A_461 = tpu.memref_slice %arg2[%select_n3A, %add3A_459, %dma_wait3A_460] : memref<2x8192x2048xf32, #tpu.memory_space<hbm>> -> memref<1x8x2048xf32, #tpu.memory_space<hbm>>
      %dma_wait3A_462 = tpu.memref_squeeze %dma_wait3A_461 : memref<1x8x2048xf32, #tpu.memory_space<hbm>> -> memref<8x2048xf32, #tpu.memory_space<hbm>>
      %dma_wait3A_463 = arith.constant 0 : i32
      %dma_wait3A_464 = tpu.memref_slice %arg2[%select_n3A, %add3A_459, %dma_wait3A_463] : memref<2x8192x2048xf32, #tpu.memory_space<hbm>> -> memref<1x8x2048xf32, #tpu.memory_space<hbm>>
      %dma_wait3A_465 = tpu.memref_squeeze %dma_wait3A_464 : memref<1x8x2048xf32, #tpu.memory_space<hbm>> -> memref<8x2048xf32, #tpu.memory_space<hbm>>
      tpu.wait_dma2 semaphore(%arg17 : memref<!tpu.dma_semaphore, #tpu.memory_space<semaphore_mem>>) src(%dma_wait3A_465 : memref<8x2048xf32, #tpu.memory_space<hbm>>) dst(%arg8 : memref<8x2048xf32, #tpu.memory_space<vmem>>)
      %parallel_loop3A_466 = arith.constant 0 : i32
      %parallel_loop3A_467 = arith.constant 64 : i32
      %parallel_loop3A_468 = arith.constant 1 : i32
      scf.for %parallel_loop3A_560 = %parallel_loop3A_466 to %parallel_loop3A_467 step %parallel_loop3A_468  : i32 {
        %parallel_loop3A_561 = arith.constant 3 : i32
        %parallel_loop3A_562 = arith.shrsi %parallel_loop3A_560, %parallel_loop3A_561 : i32
        %parallel_loop3A_563 = arith.constant 7 : i32
        %parallel_loop3A_564 = arith.andi %parallel_loop3A_560, %parallel_loop3A_563 : i32
        %parallel_loop3A_565 = arith.constant 256 : i32
        %parallel_loop3A_566 = arith.muli %parallel_loop3A_564, %parallel_loop3A_565 : i32
        %parallel_loop3A_567 = arith.constant 0 : i32
        %parallel_loop3A_568 = arith.addi %parallel_loop3A_566, %parallel_loop3A_567 : i32
        %parallel_loop3A_569 = arith.index_cast %parallel_loop3A_562 : i32 to index
        %parallel_loop3A_570 = arith.index_cast %parallel_loop3A_568 : i32 to index
        %parallel_loop3A_571 = tpu.vector_load %arg8[%parallel_loop3A_569, %parallel_loop3A_570] {strides = array<i32>} : memref<8x2048xf32, #tpu.memory_space<vmem>>, vector<16xf32>,
        %parallel_loop3A_572 = arith.constant true
        %parallel_loop3A_573 = vector.broadcast %parallel_loop3A_572 : i1 to vector<16xi1>
        %parallel_loop3A_574 = tpu.scan <sum>, %parallel_loop3A_571 masked %parallel_loop3A_573 : vector<16xf32>, vector<16xi1> -> vector<16xf32>
        %parallel_loop3A_575 = arith.index_cast %parallel_loop3A_562 : i32 to index
        %parallel_loop3A_576 = arith.index_cast %parallel_loop3A_568 : i32 to index
        %parallel_loop3A_577 = tpu.vector_load %arg8[%parallel_loop3A_575, %parallel_loop3A_576] {strides = array<i32>} : memref<8x2048xf32, #tpu.memory_space<vmem>>, vector<16xf32>,
        tpu.vector_store %arg8[%parallel_loop3A_575, %parallel_loop3A_576], %parallel_loop3A_574 {strides = array<i32>} : memref<8x2048xf32, #tpu.memory_space<vmem>>, vector<16xf32>,
        %parallel_loop3A_578 = arith.constant 16 : i32
        %parallel_loop3A_579 = arith.addi %parallel_loop3A_566, %parallel_loop3A_578 : i32
        %parallel_loop3A_580 = arith.index_cast %parallel_loop3A_562 : i32 to index
        %parallel_loop3A_581 = arith.index_cast %parallel_loop3A_579 : i32 to index
        %parallel_loop3A_582 = tpu.vector_load %arg8[%parallel_loop3A_580, %parallel_loop3A_581] {strides = array<i32>} : memref<8x2048xf32, #tpu.memory_space<vmem>>, vector<16xf32>,
        %parallel_loop3A_583 = arith.constant true
        %parallel_loop3A_584 = vector.broadcast %parallel_loop3A_583 : i1 to vector<16xi1>
        %parallel_loop3A_585 = tpu.scan <sum>, %parallel_loop3A_582 masked %parallel_loop3A_584 : vector<16xf32>, vector<16xi1> -> vector<16xf32>
        %parallel_loop3A_586 = arith.index_cast %parallel_loop3A_562 : i32 to index
        %parallel_loop3A_587 = arith.index_cast %parallel_loop3A_579 : i32 to index
        %parallel_loop3A_588 = tpu.vector_load %arg8[%parallel_loop3A_586, %parallel_loop3A_587] {strides = array<i32>} : memref<8x2048xf32, #tpu.memory_space<vmem>>, vector<16xf32>,
        tpu.vector_store %arg8[%parallel_loop3A_586, %parallel_loop3A_587], %parallel_loop3A_585 {strides = array<i32>} : memref<8x2048xf32, #tpu.memory_space<vmem>>, vector<16xf32>,
        %parallel_loop3A_589 = arith.constant 32 : i32
        %parallel_loop3A_590 = arith.addi %parallel_loop3A_566, %parallel_loop3A_589 : i32
        %parallel_loop3A_591 = arith.index_cast %parallel_loop3A_562 : i32 to index
        %parallel_loop3A_592 = arith.index_cast %parallel_loop3A_590 : i32 to index
        %parallel_loop3A_593 = tpu.vector_load %arg8[%parallel_loop3A_591, %parallel_loop3A_592] {strides = array<i32>} : memref<8x2048xf32, #tpu.memory_space<vmem>>, vector<16xf32>,
        %parallel_loop3A_594 = arith.constant true
        %parallel_loop3A_595 = vector.broadcast %parallel_loop3A_594 : i1 to vector<16xi1>
        %parallel_loop3A_596 = tpu.scan <sum>, %parallel_loop3A_593 masked %parallel_loop3A_595 : vector<16xf32>, vector<16xi1> -> vector<16xf32>
        %parallel_loop3A_597 = arith.index_cast %parallel_loop3A_562 : i32 to index
        %parallel_loop3A_598 = arith.index_cast %parallel_loop3A_590 : i32 to index
        %parallel_loop3A_599 = tpu.vector_load %arg8[%parallel_loop3A_597, %parallel_loop3A_598] {strides = array<i32>} : memref<8x2048xf32, #tpu.memory_space<vmem>>, vector<16xf32>,
        tpu.vector_store %arg8[%parallel_loop3A_597, %parallel_loop3A_598], %parallel_loop3A_596 {strides = array<i32>} : memref<8x2048xf32, #tpu.memory_space<vmem>>, vector<16xf32>,
        %parallel_loop3A_600 = arith.constant 48 : i32
        %parallel_loop3A_601 = arith.addi %parallel_loop3A_566, %parallel_loop3A_600 : i32
        %parallel_loop3A_602 = arith.index_cast %parallel_loop3A_562 : i32 to index
        %parallel_loop3A_603 = arith.index_cast %parallel_loop3A_601 : i32 to index
        %parallel_loop3A_604 = tpu.vector_load %arg8[%parallel_loop3A_602, %parallel_loop3A_603] {strides = array<i32>} : memref<8x2048xf32, #tpu.memory_space<vmem>>, vector<16xf32>,
        %parallel_loop3A_605 = arith.constant true
        %parallel_loop3A_606 = vector.broadcast %parallel_loop3A_605 : i1 to vector<16xi1>
        %parallel_loop3A_607 = tpu.scan <sum>, %parallel_loop3A_604 masked %parallel_loop3A_606 : vector<16xf32>, vector<16xi1> -> vector<16xf32>
        %parallel_loop3A_608 = arith.index_cast %parallel_loop3A_562 : i32 to index
        %parallel_loop3A_609 = arith.index_cast %parallel_loop3A_601 : i32 to index
        %parallel_loop3A_610 = tpu.vector_load %arg8[%parallel_loop3A_608, %parallel_loop3A_609] {strides = array<i32>} : memref<8x2048xf32, #tpu.memory_space<vmem>>, vector<16xf32>,
        tpu.vector_store %arg8[%parallel_loop3A_608, %parallel_loop3A_609], %parallel_loop3A_607 {strides = array<i32>} : memref<8x2048xf32, #tpu.memory_space<vmem>>, vector<16xf32>,
        %parallel_loop3A_611 = arith.constant 64 : i32
        %parallel_loop3A_612 = arith.addi %parallel_loop3A_566, %parallel_loop3A_611 : i32
        %parallel_loop3A_613 = arith.index_cast %parallel_loop3A_562 : i32 to index
        %parallel_loop3A_614 = arith.index_cast %parallel_loop3A_612 : i32 to index
        %parallel_loop3A_615 = tpu.vector_load %arg8[%parallel_loop3A_613, %parallel_loop3A_614] {strides = array<i32>} : memref<8x2048xf32, #tpu.memory_space<vmem>>, vector<16xf32>,
        %parallel_loop3A_616 = arith.constant true
        %parallel_loop3A_617 = vector.broadcast %parallel_loop3A_616 : i1 to vector<16xi1>
        %parallel_loop3A_618 = tpu.scan <sum>, %parallel_loop3A_615 masked %parallel_loop3A_617 : vector<16xf32>, vector<16xi1> -> vector<16xf32>
        %parallel_loop3A_619 = arith.index_cast %parallel_loop3A_562 : i32 to index
        %parallel_loop3A_620 = arith.index_cast %parallel_loop3A_612 : i32 to index
        %parallel_loop3A_621 = tpu.vector_load %arg8[%parallel_loop3A_619, %parallel_loop3A_620] {strides = array<i32>} : memref<8x2048xf32, #tpu.memory_space<vmem>>, vector<16xf32>,
        tpu.vector_store %arg8[%parallel_loop3A_619, %parallel_loop3A_620], %parallel_loop3A_618 {strides = array<i32>} : memref<8x2048xf32, #tpu.memory_space<vmem>>, vector<16xf32>,
        %parallel_loop3A_622 = arith.constant 80 : i32
        %parallel_loop3A_623 = arith.addi %parallel_loop3A_566, %parallel_loop3A_622 : i32
        %parallel_loop3A_624 = arith.index_cast %parallel_loop3A_562 : i32 to index
        %parallel_loop3A_625 = arith.index_cast %parallel_loop3A_623 : i32 to index
        %parallel_loop3A_626 = tpu.vector_load %arg8[%parallel_loop3A_624, %parallel_loop3A_625] {strides = array<i32>} : memref<8x2048xf32, #tpu.memory_space<vmem>>, vector<16xf32>,
        %parallel_loop3A_627 = arith.constant true
        %parallel_loop3A_628 = vector.broadcast %parallel_loop3A_627 : i1 to vector<16xi1>
        %parallel_loop3A_629 = tpu.scan <sum>, %parallel_loop3A_626 masked %parallel_loop3A_628 : vector<16xf32>, vector<16xi1> -> vector<16xf32>
        %parallel_loop3A_630 = arith.index_cast %parallel_loop3A_562 : i32 to index
        %parallel_loop3A_631 = arith.index_cast %parallel_loop3A_623 : i32 to index
        %parallel_loop3A_632 = tpu.vector_load %arg8[%parallel_loop3A_630, %parallel_loop3A_631] {strides = array<i32>} : memref<8x2048xf32, #tpu.memory_space<vmem>>, vector<16xf32>,
        tpu.vector_store %arg8[%parallel_loop3A_630, %parallel_loop3A_631], %parallel_loop3A_629 {strides = array<i32>} : memref<8x2048xf32, #tpu.memory_space<vmem>>, vector<16xf32>,
        %parallel_loop3A_633 = arith.constant 96 : i32
        %parallel_loop3A_634 = arith.addi %parallel_loop3A_566, %parallel_loop3A_633 : i32
        %parallel_loop3A_635 = arith.index_cast %parallel_loop3A_562 : i32 to index
        %parallel_loop3A_636 = arith.index_cast %parallel_loop3A_634 : i32 to index
        %parallel_loop3A_637 = tpu.vector_load %arg8[%parallel_loop3A_635, %parallel_loop3A_636] {strides = array<i32>} : memref<8x2048xf32, #tpu.memory_space<vmem>>, vector<16xf32>,
        %parallel_loop3A_638 = arith.constant true
        %parallel_loop3A_639 = vector.broadcast %parallel_loop3A_638 : i1 to vector<16xi1>
        %parallel_loop3A_640 = tpu.scan <sum>, %parallel_loop3A_637 masked %parallel_loop3A_639 : vector<16xf32>, vector<16xi1> -> vector<16xf32>
        %parallel_loop3A_641 = arith.index_cast %parallel_loop3A_562 : i32 to index
        %parallel_loop3A_642 = arith.index_cast %parallel_loop3A_634 : i32 to index
        %parallel_loop3A_643 = tpu.vector_load %arg8[%parallel_loop3A_641, %parallel_loop3A_642] {strides = array<i32>} : memref<8x2048xf32, #tpu.memory_space<vmem>>, vector<16xf32>,
        tpu.vector_store %arg8[%parallel_loop3A_641, %parallel_loop3A_642], %parallel_loop3A_640 {strides = array<i32>} : memref<8x2048xf32, #tpu.memory_space<vmem>>, vector<16xf32>,
        %parallel_loop3A_644 = arith.constant 112 : i32
        %parallel_loop3A_645 = arith.addi %parallel_loop3A_566, %parallel_loop3A_644 : i32
        %parallel_loop3A_646 = arith.index_cast %parallel_loop3A_562 : i32 to index
        %parallel_loop3A_647 = arith.index_cast %parallel_loop3A_645 : i32 to index
        %parallel_loop3A_648 = tpu.vector_load %arg8[%parallel_loop3A_646, %parallel_loop3A_647] {strides = array<i32>} : memref<8x2048xf32, #tpu.memory_space<vmem>>, vector<16xf32>,
        %parallel_loop3A_649 = arith.constant true
        %parallel_loop3A_650 = vector.broadcast %parallel_loop3A_649 : i1 to vector<16xi1>
        %parallel_loop3A_651 = tpu.scan <sum>, %parallel_loop3A_648 masked %parallel_loop3A_650 : vector<16xf32>, vector<16xi1> -> vector<16xf32>
        %parallel_loop3A_652 = arith.index_cast %parallel_loop3A_562 : i32 to index
        %parallel_loop3A_653 = arith.index_cast %parallel_loop3A_645 : i32 to index
        %parallel_loop3A_654 = tpu.vector_load %arg8[%parallel_loop3A_652, %parallel_loop3A_653] {strides = array<i32>} : memref<8x2048xf32, #tpu.memory_space<vmem>>, vector<16xf32>,
        tpu.vector_store %arg8[%parallel_loop3A_652, %parallel_loop3A_653], %parallel_loop3A_651 {strides = array<i32>} : memref<8x2048xf32, #tpu.memory_space<vmem>>, vector<16xf32>,
        %parallel_loop3A_655 = arith.constant 128 : i32
        %parallel_loop3A_656 = arith.addi %parallel_loop3A_566, %parallel_loop3A_655 : i32
        %parallel_loop3A_657 = arith.index_cast %parallel_loop3A_562 : i32 to index
        %parallel_loop3A_658 = arith.index_cast %parallel_loop3A_656 : i32 to index
        %parallel_loop3A_659 = tpu.vector_load %arg8[%parallel_loop3A_657, %parallel_loop3A_658] {strides = array<i32>} : memref<8x2048xf32, #tpu.memory_space<vmem>>, vector<16xf32>,
        %parallel_loop3A_660 = arith.constant true
        %parallel_loop3A_661 = vector.broadcast %parallel_loop3A_660 : i1 to vector<16xi1>
        %parallel_loop3A_662 = tpu.scan <sum>, %parallel_loop3A_659 masked %parallel_loop3A_661 : vector<16xf32>, vector<16xi1> -> vector<16xf32>
        %parallel_loop3A_663 = arith.index_cast %parallel_loop3A_562 : i32 to index
        %parallel_loop3A_664 = arith.index_cast %parallel_loop3A_656 : i32 to index
        %parallel_loop3A_665 = tpu.vector_load %arg8[%parallel_loop3A_663, %parallel_loop3A_664] {strides = array<i32>} : memref<8x2048xf32, #tpu.memory_space<vmem>>, vector<16xf32>,
        tpu.vector_store %arg8[%parallel_loop3A_663, %parallel_loop3A_664], %parallel_loop3A_662 {strides = array<i32>} : memref<8x2048xf32, #tpu.memory_space<vmem>>, vector<16xf32>,
        %parallel_loop3A_666 = arith.constant 144 : i32
        %parallel_loop3A_667 = arith.addi %parallel_loop3A_566, %parallel_loop3A_666 : i32
        %parallel_loop3A_668 = arith.index_cast %parallel_loop3A_562 : i32 to index
        %parallel_loop3A_669 = arith.index_cast %parallel_loop3A_667 : i32 to index
        %parallel_loop3A_670 = tpu.vector_load %arg8[%parallel_loop3A_668, %parallel_loop3A_669] {strides = array<i32>} : memref<8x2048xf32, #tpu.memory_space<vmem>>, vector<16xf32>,
        %parallel_loop3A_671 = arith.constant true
        %parallel_loop3A_672 = vector.broadcast %parallel_loop3A_671 : i1 to vector<16xi1>
        %parallel_loop3A_673 = tpu.scan <sum>, %parallel_loop3A_670 masked %parallel_loop3A_672 : vector<16xf32>, vector<16xi1> -> vector<16xf32>
        %parallel_loop3A_674 = arith.index_cast %parallel_loop3A_562 : i32 to index
        %parallel_loop3A_675 = arith.index_cast %parallel_loop3A_667 : i32 to index
        %parallel_loop3A_676 = tpu.vector_load %arg8[%parallel_loop3A_674, %parallel_loop3A_675] {strides = array<i32>} : memref<8x2048xf32, #tpu.memory_space<vmem>>, vector<16xf32>,
        tpu.vector_store %arg8[%parallel_loop3A_674, %parallel_loop3A_675], %parallel_loop3A_673 {strides = array<i32>} : memref<8x2048xf32, #tpu.memory_space<vmem>>, vector<16xf32>,
        %parallel_loop3A_677 = arith.constant 160 : i32
        %parallel_loop3A_678 = arith.addi %parallel_loop3A_566, %parallel_loop3A_677 : i32
        %parallel_loop3A_679 = arith.index_cast %parallel_loop3A_562 : i32 to index
        %parallel_loop3A_680 = arith.index_cast %parallel_loop3A_678 : i32 to index
        %parallel_loop3A_681 = tpu.vector_load %arg8[%parallel_loop3A_679, %parallel_loop3A_680] {strides = array<i32>} : memref<8x2048xf32, #tpu.memory_space<vmem>>, vector<16xf32>,
        %parallel_loop3A_682 = arith.constant true
        %parallel_loop3A_683 = vector.broadcast %parallel_loop3A_682 : i1 to vector<16xi1>
        %parallel_loop3A_684 = tpu.scan <sum>, %parallel_loop3A_681 masked %parallel_loop3A_683 : vector<16xf32>, vector<16xi1> -> vector<16xf32>
        %parallel_loop3A_685 = arith.index_cast %parallel_loop3A_562 : i32 to index
        %parallel_loop3A_686 = arith.index_cast %parallel_loop3A_678 : i32 to index
        %parallel_loop3A_687 = tpu.vector_load %arg8[%parallel_loop3A_685, %parallel_loop3A_686] {strides = array<i32>} : memref<8x2048xf32, #tpu.memory_space<vmem>>, vector<16xf32>,
        tpu.vector_store %arg8[%parallel_loop3A_685, %parallel_loop3A_686], %parallel_loop3A_684 {strides = array<i32>} : memref<8x2048xf32, #tpu.memory_space<vmem>>, vector<16xf32>,
        %parallel_loop3A_688 = arith.constant 176 : i32
        %parallel_loop3A_689 = arith.addi %parallel_loop3A_566, %parallel_loop3A_688 : i32
        %parallel_loop3A_690 = arith.index_cast %parallel_loop3A_562 : i32 to index
        %parallel_loop3A_691 = arith.index_cast %parallel_loop3A_689 : i32 to index
        %parallel_loop3A_692 = tpu.vector_load %arg8[%parallel_loop3A_690, %parallel_loop3A_691] {strides = array<i32>} : memref<8x2048xf32, #tpu.memory_space<vmem>>, vector<16xf32>,
        %parallel_loop3A_693 = arith.constant true
        %parallel_loop3A_694 = vector.broadcast %parallel_loop3A_693 : i1 to vector<16xi1>
        %parallel_loop3A_695 = tpu.scan <sum>, %parallel_loop3A_692 masked %parallel_loop3A_694 : vector<16xf32>, vector<16xi1> -> vector<16xf32>
        %parallel_loop3A_696 = arith.index_cast %parallel_loop3A_562 : i32 to index
        %parallel_loop3A_697 = arith.index_cast %parallel_loop3A_689 : i32 to index
        %parallel_loop3A_698 = tpu.vector_load %arg8[%parallel_loop3A_696, %parallel_loop3A_697] {strides = array<i32>} : memref<8x2048xf32, #tpu.memory_space<vmem>>, vector<16xf32>,
        tpu.vector_store %arg8[%parallel_loop3A_696, %parallel_loop3A_697], %parallel_loop3A_695 {strides = array<i32>} : memref<8x2048xf32, #tpu.memory_space<vmem>>, vector<16xf32>,
        %parallel_loop3A_699 = arith.constant 192 : i32
        %parallel_loop3A_700 = arith.addi %parallel_loop3A_566, %parallel_loop3A_699 : i32
        %parallel_loop3A_701 = arith.index_cast %parallel_loop3A_562 : i32 to index
        %parallel_loop3A_702 = arith.index_cast %parallel_loop3A_700 : i32 to index
        %parallel_loop3A_703 = tpu.vector_load %arg8[%parallel_loop3A_701, %parallel_loop3A_702] {strides = array<i32>} : memref<8x2048xf32, #tpu.memory_space<vmem>>, vector<16xf32>,
        %parallel_loop3A_704 = arith.constant true
        %parallel_loop3A_705 = vector.broadcast %parallel_loop3A_704 : i1 to vector<16xi1>
        %parallel_loop3A_706 = tpu.scan <sum>, %parallel_loop3A_703 masked %parallel_loop3A_705 : vector<16xf32>, vector<16xi1> -> vector<16xf32>
        %parallel_loop3A_707 = arith.index_cast %parallel_loop3A_562 : i32 to index
        %parallel_loop3A_708 = arith.index_cast %parallel_loop3A_700 : i32 to index
        %parallel_loop3A_709 = tpu.vector_load %arg8[%parallel_loop3A_707, %parallel_loop3A_708] {strides = array<i32>} : memref<8x2048xf32, #tpu.memory_space<vmem>>, vector<16xf32>,
        tpu.vector_store %arg8[%parallel_loop3A_707, %parallel_loop3A_708], %parallel_loop3A_706 {strides = array<i32>} : memref<8x2048xf32, #tpu.memory_space<vmem>>, vector<16xf32>,
        %parallel_loop3A_710 = arith.constant 208 : i32
        %parallel_loop3A_711 = arith.addi %parallel_loop3A_566, %parallel_loop3A_710 : i32
        %parallel_loop3A_712 = arith.index_cast %parallel_loop3A_562 : i32 to index
        %parallel_loop3A_713 = arith.index_cast %parallel_loop3A_711 : i32 to index
        %parallel_loop3A_714 = tpu.vector_load %arg8[%parallel_loop3A_712, %parallel_loop3A_713] {strides = array<i32>} : memref<8x2048xf32, #tpu.memory_space<vmem>>, vector<16xf32>,
        %parallel_loop3A_715 = arith.constant true
        %parallel_loop3A_716 = vector.broadcast %parallel_loop3A_715 : i1 to vector<16xi1>
        %parallel_loop3A_717 = tpu.scan <sum>, %parallel_loop3A_714 masked %parallel_loop3A_716 : vector<16xf32>, vector<16xi1> -> vector<16xf32>
        %parallel_loop3A_718 = arith.index_cast %parallel_loop3A_562 : i32 to index
        %parallel_loop3A_719 = arith.index_cast %parallel_loop3A_711 : i32 to index
        %parallel_loop3A_720 = tpu.vector_load %arg8[%parallel_loop3A_718, %parallel_loop3A_719] {strides = array<i32>} : memref<8x2048xf32, #tpu.memory_space<vmem>>, vector<16xf32>,
        tpu.vector_store %arg8[%parallel_loop3A_718, %parallel_loop3A_719], %parallel_loop3A_717 {strides = array<i32>} : memref<8x2048xf32, #tpu.memory_space<vmem>>, vector<16xf32>,
        %parallel_loop3A_721 = arith.constant 224 : i32
        %parallel_loop3A_722 = arith.addi %parallel_loop3A_566, %parallel_loop3A_721 : i32
        %parallel_loop3A_723 = arith.index_cast %parallel_loop3A_562 : i32 to index
        %parallel_loop3A_724 = arith.index_cast %parallel_loop3A_722 : i32 to index
        %parallel_loop3A_725 = tpu.vector_load %arg8[%parallel_loop3A_723, %parallel_loop3A_724] {strides = array<i32>} : memref<8x2048xf32, #tpu.memory_space<vmem>>, vector<16xf32>,
        %parallel_loop3A_726 = arith.constant true
        %parallel_loop3A_727 = vector.broadcast %parallel_loop3A_726 : i1 to vector<16xi1>
        %parallel_loop3A_728 = tpu.scan <sum>, %parallel_loop3A_725 masked %parallel_loop3A_727 : vector<16xf32>, vector<16xi1> -> vector<16xf32>
        %parallel_loop3A_729 = arith.index_cast %parallel_loop3A_562 : i32 to index
        %parallel_loop3A_730 = arith.index_cast %parallel_loop3A_722 : i32 to index
        %parallel_loop3A_731 = tpu.vector_load %arg8[%parallel_loop3A_729, %parallel_loop3A_730] {strides = array<i32>} : memref<8x2048xf32, #tpu.memory_space<vmem>>, vector<16xf32>,
        tpu.vector_store %arg8[%parallel_loop3A_729, %parallel_loop3A_730], %parallel_loop3A_728 {strides = array<i32>} : memref<8x2048xf32, #tpu.memory_space<vmem>>, vector<16xf32>,
        %parallel_loop3A_732 = arith.constant 240 : i32
        %parallel_loop3A_733 = arith.addi %parallel_loop3A_566, %parallel_loop3A_732 : i32
        %parallel_loop3A_734 = arith.index_cast %parallel_loop3A_562 : i32 to index
        %parallel_loop3A_735 = arith.index_cast %parallel_loop3A_733 : i32 to index
        %parallel_loop3A_736 = tpu.vector_load %arg8[%parallel_loop3A_734, %parallel_loop3A_735] {strides = array<i32>} : memref<8x2048xf32, #tpu.memory_space<vmem>>, vector<16xf32>,
        %parallel_loop3A_737 = arith.constant true
        %parallel_loop3A_738 = vector.broadcast %parallel_loop3A_737 : i1 to vector<16xi1>
        %parallel_loop3A_739 = tpu.scan <sum>, %parallel_loop3A_736 masked %parallel_loop3A_738 : vector<16xf32>, vector<16xi1> -> vector<16xf32>
        %parallel_loop3A_740 = arith.index_cast %parallel_loop3A_562 : i32 to index
        %parallel_loop3A_741 = arith.index_cast %parallel_loop3A_733 : i32 to index
        %parallel_loop3A_742 = tpu.vector_load %arg8[%parallel_loop3A_740, %parallel_loop3A_741] {strides = array<i32>} : memref<8x2048xf32, #tpu.memory_space<vmem>>, vector<16xf32>,
        tpu.vector_store %arg8[%parallel_loop3A_740, %parallel_loop3A_741], %parallel_loop3A_739 {strides = array<i32>} : memref<8x2048xf32, #tpu.memory_space<vmem>>, vector<16xf32>,
      } {sc.loop_unroll_factor = 4 : i64, sc.parallel_access}
      %parallel_loop3A_469 = arith.constant 0 : i32
      %parallel_loop3A_470 = arith.constant 64 : i32
      %parallel_loop3A_471 = arith.constant 1 : i32
      scf.for %parallel_loop3A_560 = %parallel_loop3A_469 to %parallel_loop3A_470 step %parallel_loop3A_471  : i32 {
        %parallel_loop3A_561 = arith.constant 3 : i32
        %parallel_loop3A_562 = arith.shrsi %parallel_loop3A_560, %parallel_loop3A_561 : i32
        %parallel_loop3A_563 = arith.constant 7 : i32
        %parallel_loop3A_564 = arith.andi %parallel_loop3A_560, %parallel_loop3A_563 : i32
        %parallel_loop3A_565 = arith.constant 256 : i32
        %parallel_loop3A_566 = arith.muli %parallel_loop3A_564, %parallel_loop3A_565 : i32
        %parallel_loop3A_567 = vector.broadcast %parallel_loop3A_562 : i32 to vector<16xi32>
        %parallel_loop3A_568 = arith.constant 16 : i32
        %parallel_loop3A_569 = vector.broadcast %parallel_loop3A_568 : i32 to vector<16xi32>
        %parallel_loop3A_570 = arith.muli %iota3A, %parallel_loop3A_569 : vector<16xi32>
        %parallel_loop3A_571 = vector.broadcast %parallel_loop3A_566 : i32 to vector<16xi32>
        %parallel_loop3A_572 = arith.addi %parallel_loop3A_571, %parallel_loop3A_570 : vector<16xi32>
        %parallel_loop3A_573 = arith.constant 15 : i32
        %parallel_loop3A_574 = vector.broadcast %parallel_loop3A_573 : i32 to vector<16xi32>
        %parallel_loop3A_575 = arith.addi %parallel_loop3A_572, %parallel_loop3A_574 : vector<16xi32>
        %parallel_loop3A_576 = tpu.vector_load_idx %arg8[%parallel_loop3A_567, %parallel_loop3A_575] : memref<8x2048xf32, #tpu.memory_space<vmem>>[vector<16xi32>, vector<16xi32>], vector<16xf32>,
        %parallel_loop3A_577 = arith.constant true
        %parallel_loop3A_578 = vector.broadcast %parallel_loop3A_577 : i1 to vector<16xi1>
        %parallel_loop3A_579 = tpu.scan <sum>, %parallel_loop3A_576 masked %parallel_loop3A_578 : vector<16xf32>, vector<16xi1> -> vector<16xf32>
        %parallel_loop3A_580 = arith.subf %parallel_loop3A_579, %parallel_loop3A_576 : vector<16xf32>
        %parallel_loop3A_581 = arith.constant 16 : i32
        %parallel_loop3A_582 = arith.muli %parallel_loop3A_560, %parallel_loop3A_581 : i32
        %parallel_loop3A_583 = arith.index_cast %parallel_loop3A_582 : i32 to index
        %parallel_loop3A_584 = tpu.vector_load %arg9[%parallel_loop3A_583] {strides = array<i32>} : memref<1024xf32, #tpu.memory_space<vmem>>, vector<16xf32>,
        tpu.vector_store %arg9[%parallel_loop3A_583], %parallel_loop3A_580 {strides = array<i32>} : memref<1024xf32, #tpu.memory_space<vmem>>, vector<16xf32>,
        %parallel_loop3A_585 = arith.constant 15 : i32
        %parallel_loop3A_586 = vector.broadcast %parallel_loop3A_585 : i32 to vector<16x1xi32>
        %parallel_loop3A_587 = vector.shape_cast %parallel_loop3A_586 : vector<16x1xi32> to vector<16xi32>
        %parallel_loop3A_588 = tpu.dynamic_gather %parallel_loop3A_579[%parallel_loop3A_587] in [0] : vector<16xf32>, vector<16xi32> -> vector<16xf32>
        %parallel_loop3A_589 = arith.constant 16 : i32
        %parallel_loop3A_590 = arith.muli %parallel_loop3A_560, %parallel_loop3A_589 : i32
        %parallel_loop3A_591 = arith.index_cast %parallel_loop3A_590 : i32 to index
        %parallel_loop3A_592 = tpu.vector_load %arg10[%parallel_loop3A_591] {strides = array<i32>} : memref<1024xf32, #tpu.memory_space<vmem>>, vector<16xf32>,
        tpu.vector_store %arg10[%parallel_loop3A_591], %parallel_loop3A_588 {strides = array<i32>} : memref<1024xf32, #tpu.memory_space<vmem>>, vector<16xf32>,
      } {sc.loop_unroll_factor = 4 : i64, sc.parallel_access}
      %add3A_472 = arith.constant 0 : i32
      %add3A_473 = vector.broadcast %add3A_472 : i32 to vector<16xi32>
      %add3A_474 = arith.addi %add3A_473, %iota3A : vector<16xi32>
      %mul3A_475 = arith.constant 16 : i32
      %mul3A_476 = vector.broadcast %mul3A_475 : i32 to vector<16xi32>
      %mul3A_477 = arith.muli %add3A_474, %mul3A_476 : vector<16xi32>
      %gather3A_478 = tpu.vector_load_idx %arg10[%mul3A_477] : memref<1024xf32, #tpu.memory_space<vmem>>[vector<16xi32>], vector<16xf32>,
      %broadcast_in_dim3A_479 = arith.constant true
      %broadcast_in_dim3A_480 = vector.broadcast %broadcast_in_dim3A_479 : i1 to vector<16xi1>
      %masked_cumsum3A_481 = tpu.scan <sum>, %gather3A_478 masked %broadcast_in_dim3A_480 : vector<16xf32>, vector<16xi1> -> vector<16xf32>
      %sub3A_482 = arith.subf %masked_cumsum3A_481, %gather3A_478 : vector<16xf32>
      %add3A_483 = arith.addf %sub3A_482, %add3A_429 : vector<16xf32>
      %swap3A_484 = arith.constant 0 : index
      %swap3A_485 = tpu.vector_load %arg11[%swap3A_484] {strides = array<i32>} : memref<64xf32, #tpu.memory_space<vmem>>, vector<16xf32>,
      tpu.vector_store %arg11[%swap3A_484], %add3A_483 {strides = array<i32>} : memref<64xf32, #tpu.memory_space<vmem>>, vector<16xf32>,
      %broadcast_in_dim3A_486 = arith.constant 15 : i32
      %broadcast_in_dim3A_487 = vector.broadcast %broadcast_in_dim3A_486 : i32 to vector<16x1xi32>
      %gather3A_488 = vector.shape_cast %broadcast_in_dim3A_487 : vector<16x1xi32> to vector<16xi32>
      %gather3A_489 = tpu.dynamic_gather %masked_cumsum3A_481[%gather3A_488] in [0] : vector<16xf32>, vector<16xi32> -> vector<16xf32>
      %add3A_490 = arith.addf %add3A_429, %gather3A_489 : vector<16xf32>
      %add3A_491 = arith.constant 16 : i32
      %add3A_492 = vector.broadcast %add3A_491 : i32 to vector<16xi32>
      %add3A_493 = arith.addi %add3A_492, %iota3A : vector<16xi32>
      %mul3A_494 = arith.constant 16 : i32
      %mul3A_495 = vector.broadcast %mul3A_494 : i32 to vector<16xi32>
      %mul3A_496 = arith.muli %add3A_493, %mul3A_495 : vector<16xi32>
      %gather3A_497 = tpu.vector_load_idx %arg10[%mul3A_496] : memref<1024xf32, #tpu.memory_space<vmem>>[vector<16xi32>], vector<16xf32>,
      %broadcast_in_dim3A_498 = arith.constant true
      %broadcast_in_dim3A_499 = vector.broadcast %broadcast_in_dim3A_498 : i1 to vector<16xi1>
      %masked_cumsum3A_500 = tpu.scan <sum>, %gather3A_497 masked %broadcast_in_dim3A_499 : vector<16xf32>, vector<16xi1> -> vector<16xf32>
      %sub3A_501 = arith.subf %masked_cumsum3A_500, %gather3A_497 : vector<16xf32>
      %add3A_502 = arith.addf %sub3A_501, %add3A_490 : vector<16xf32>
      %swap3A_503 = arith.constant 16 : index
      %swap3A_504 = tpu.vector_load %arg11[%swap3A_503] {strides = array<i32>} : memref<64xf32, #tpu.memory_space<vmem>>, vector<16xf32>,
      tpu.vector_store %arg11[%swap3A_503], %add3A_502 {strides = array<i32>} : memref<64xf32, #tpu.memory_space<vmem>>, vector<16xf32>,
      %broadcast_in_dim3A_505 = arith.constant 15 : i32
      %broadcast_in_dim3A_506 = vector.broadcast %broadcast_in_dim3A_505 : i32 to vector<16x1xi32>
      %gather3A_507 = vector.shape_cast %broadcast_in_dim3A_506 : vector<16x1xi32> to vector<16xi32>
      %gather3A_508 = tpu.dynamic_gather %masked_cumsum3A_500[%gather3A_507] in [0] : vector<16xf32>, vector<16xi32> -> vector<16xf32>
      %add3A_509 = arith.addf %add3A_490, %gather3A_508 : vector<16xf32>
      %add3A_510 = arith.constant 32 : i32
      %add3A_511 = vector.broadcast %add3A_510 : i32 to vector<16xi32>
      %add3A_512 = arith.addi %add3A_511, %iota3A : vector<16xi32>
      %mul3A_513 = arith.constant 16 : i32
      %mul3A_514 = vector.broadcast %mul3A_513 : i32 to vector<16xi32>
      %mul3A_515 = arith.muli %add3A_512, %mul3A_514 : vector<16xi32>
      %gather3A_516 = tpu.vector_load_idx %arg10[%mul3A_515] : memref<1024xf32, #tpu.memory_space<vmem>>[vector<16xi32>], vector<16xf32>,
      %broadcast_in_dim3A_517 = arith.constant true
      %broadcast_in_dim3A_518 = vector.broadcast %broadcast_in_dim3A_517 : i1 to vector<16xi1>
      %masked_cumsum3A_519 = tpu.scan <sum>, %gather3A_516 masked %broadcast_in_dim3A_518 : vector<16xf32>, vector<16xi1> -> vector<16xf32>
      %sub3A_520 = arith.subf %masked_cumsum3A_519, %gather3A_516 : vector<16xf32>
      %add3A_521 = arith.addf %sub3A_520, %add3A_509 : vector<16xf32>
      %swap3A_522 = arith.constant 32 : index
      %swap3A_523 = tpu.vector_load %arg11[%swap3A_522] {strides = array<i32>} : memref<64xf32, #tpu.memory_space<vmem>>, vector<16xf32>,
      tpu.vector_store %arg11[%swap3A_522], %add3A_521 {strides = array<i32>} : memref<64xf32, #tpu.memory_space<vmem>>, vector<16xf32>,
      %broadcast_in_dim3A_524 = arith.constant 15 : i32
      %broadcast_in_dim3A_525 = vector.broadcast %broadcast_in_dim3A_524 : i32 to vector<16x1xi32>
      %gather3A_526 = vector.shape_cast %broadcast_in_dim3A_525 : vector<16x1xi32> to vector<16xi32>
      %gather3A_527 = tpu.dynamic_gather %masked_cumsum3A_519[%gather3A_526] in [0] : vector<16xf32>, vector<16xi32> -> vector<16xf32>
      %add3A_528 = arith.addf %add3A_509, %gather3A_527 : vector<16xf32>
      %add3A_529 = arith.constant 48 : i32
      %add3A_530 = vector.broadcast %add3A_529 : i32 to vector<16xi32>
      %add3A_531 = arith.addi %add3A_530, %iota3A : vector<16xi32>
      %mul3A_532 = arith.constant 16 : i32
      %mul3A_533 = vector.broadcast %mul3A_532 : i32 to vector<16xi32>
      %mul3A_534 = arith.muli %add3A_531, %mul3A_533 : vector<16xi32>
      %gather3A_535 = tpu.vector_load_idx %arg10[%mul3A_534] : memref<1024xf32, #tpu.memory_space<vmem>>[vector<16xi32>], vector<16xf32>,
      %broadcast_in_dim3A_536 = arith.constant true
      %broadcast_in_dim3A_537 = vector.broadcast %broadcast_in_dim3A_536 : i1 to vector<16xi1>
      %masked_cumsum3A_538 = tpu.scan <sum>, %gather3A_535 masked %broadcast_in_dim3A_537 : vector<16xf32>, vector<16xi1> -> vector<16xf32>
      %sub3A_539 = arith.subf %masked_cumsum3A_538, %gather3A_535 : vector<16xf32>
      %add3A_540 = arith.addf %sub3A_539, %add3A_528 : vector<16xf32>
      %swap3A_541 = arith.constant 48 : index
      %swap3A_542 = tpu.vector_load %arg11[%swap3A_541] {strides = array<i32>} : memref<64xf32, #tpu.memory_space<vmem>>, vector<16xf32>,
      tpu.vector_store %arg11[%swap3A_541], %add3A_540 {strides = array<i32>} : memref<64xf32, #tpu.memory_space<vmem>>, vector<16xf32>,
      %broadcast_in_dim3A_543 = arith.constant 15 : i32
      %broadcast_in_dim3A_544 = vector.broadcast %broadcast_in_dim3A_543 : i32 to vector<16x1xi32>
      %gather3A_545 = vector.shape_cast %broadcast_in_dim3A_544 : vector<16x1xi32> to vector<16xi32>
      %gather3A_546 = tpu.dynamic_gather %masked_cumsum3A_538[%gather3A_545] in [0] : vector<16xf32>, vector<16xi32> -> vector<16xf32>
      %add3A_547 = arith.addf %add3A_528, %gather3A_546 : vector<16xf32>
      %parallel_loop3A_548 = arith.constant 0 : i32
      %parallel_loop3A_549 = arith.constant 64 : i32
      %parallel_loop3A_550 = arith.constant 1 : i32
      scf.for %parallel_loop3A_560 = %parallel_loop3A_548 to %parallel_loop3A_549 step %parallel_loop3A_550  : i32 {
        %parallel_loop3A_561 = arith.constant 3 : i32
        %parallel_loop3A_562 = arith.shrsi %parallel_loop3A_560, %parallel_loop3A_561 : i32
        %parallel_loop3A_563 = arith.constant 7 : i32
        %parallel_loop3A_564 = arith.andi %parallel_loop3A_560, %parallel_loop3A_563 : i32
        %parallel_loop3A_565 = arith.constant 256 : i32
        %parallel_loop3A_566 = arith.muli %parallel_loop3A_564, %parallel_loop3A_565 : i32
        %parallel_loop3A_567 = vector.broadcast %parallel_loop3A_560 : i32 to vector<16xi32>
        %parallel_loop3A_568 = tpu.vector_load_idx %arg11[%parallel_loop3A_567] : memref<64xf32, #tpu.memory_space<vmem>>[vector<16xi32>], vector<16xf32>,
        %parallel_loop3A_569 = arith.constant 16 : i32
        %parallel_loop3A_570 = arith.muli %parallel_loop3A_560, %parallel_loop3A_569 : i32
        %parallel_loop3A_571 = arith.index_cast %parallel_loop3A_570 : i32 to index
        %parallel_loop3A_572 = tpu.vector_load %arg9[%parallel_loop3A_571] {strides = array<i32>} : memref<1024xf32, #tpu.memory_space<vmem>>, vector<16xf32>,
        %parallel_loop3A_573 = arith.addf %parallel_loop3A_572, %parallel_loop3A_568 : vector<16xf32>
        %parallel_loop3A_574 = arith.constant 0 : i32
        %parallel_loop3A_575 = arith.addi %parallel_loop3A_566, %parallel_loop3A_574 : i32
        %parallel_loop3A_576 = arith.index_cast %parallel_loop3A_562 : i32 to index
        %parallel_loop3A_577 = arith.index_cast %parallel_loop3A_575 : i32 to index
        %parallel_loop3A_578 = tpu.vector_load %arg8[%parallel_loop3A_576, %parallel_loop3A_577] {strides = array<i32>} : memref<8x2048xf32, #tpu.memory_space<vmem>>, vector<16xf32>,
        %parallel_loop3A_579 = arith.constant 0 : i32
        %parallel_loop3A_580 = vector.broadcast %parallel_loop3A_579 : i32 to vector<16x1xi32>
        %parallel_loop3A_581 = vector.shape_cast %parallel_loop3A_580 : vector<16x1xi32> to vector<16xi32>
        %parallel_loop3A_582 = tpu.dynamic_gather %parallel_loop3A_573[%parallel_loop3A_581] in [0] : vector<16xf32>, vector<16xi32> -> vector<16xf32>
        %parallel_loop3A_583 = arith.addf %parallel_loop3A_578, %parallel_loop3A_582 : vector<16xf32>
        %parallel_loop3A_584 = arith.index_cast %parallel_loop3A_562 : i32 to index
        %parallel_loop3A_585 = arith.index_cast %parallel_loop3A_575 : i32 to index
        %parallel_loop3A_586 = tpu.vector_load %arg8[%parallel_loop3A_584, %parallel_loop3A_585] {strides = array<i32>} : memref<8x2048xf32, #tpu.memory_space<vmem>>, vector<16xf32>,
        tpu.vector_store %arg8[%parallel_loop3A_584, %parallel_loop3A_585], %parallel_loop3A_583 {strides = array<i32>} : memref<8x2048xf32, #tpu.memory_space<vmem>>, vector<16xf32>,
        %parallel_loop3A_587 = arith.constant 16 : i32
        %parallel_loop3A_588 = arith.addi %parallel_loop3A_566, %parallel_loop3A_587 : i32
        %parallel_loop3A_589 = arith.index_cast %parallel_loop3A_562 : i32 to index
        %parallel_loop3A_590 = arith.index_cast %parallel_loop3A_588 : i32 to index
        %parallel_loop3A_591 = tpu.vector_load %arg8[%parallel_loop3A_589, %parallel_loop3A_590] {strides = array<i32>} : memref<8x2048xf32, #tpu.memory_space<vmem>>, vector<16xf32>,
        %parallel_loop3A_592 = arith.constant 1 : i32
        %parallel_loop3A_593 = vector.broadcast %parallel_loop3A_592 : i32 to vector<16x1xi32>
        %parallel_loop3A_594 = vector.shape_cast %parallel_loop3A_593 : vector<16x1xi32> to vector<16xi32>
        %parallel_loop3A_595 = tpu.dynamic_gather %parallel_loop3A_573[%parallel_loop3A_594] in [0] : vector<16xf32>, vector<16xi32> -> vector<16xf32>
        %parallel_loop3A_596 = arith.addf %parallel_loop3A_591, %parallel_loop3A_595 : vector<16xf32>
        %parallel_loop3A_597 = arith.index_cast %parallel_loop3A_562 : i32 to index
        %parallel_loop3A_598 = arith.index_cast %parallel_loop3A_588 : i32 to index
        %parallel_loop3A_599 = tpu.vector_load %arg8[%parallel_loop3A_597, %parallel_loop3A_598] {strides = array<i32>} : memref<8x2048xf32, #tpu.memory_space<vmem>>, vector<16xf32>,
        tpu.vector_store %arg8[%parallel_loop3A_597, %parallel_loop3A_598], %parallel_loop3A_596 {strides = array<i32>} : memref<8x2048xf32, #tpu.memory_space<vmem>>, vector<16xf32>,
        %parallel_loop3A_600 = arith.constant 32 : i32
        %parallel_loop3A_601 = arith.addi %parallel_loop3A_566, %parallel_loop3A_600 : i32
        %parallel_loop3A_602 = arith.index_cast %parallel_loop3A_562 : i32 to index
        %parallel_loop3A_603 = arith.index_cast %parallel_loop3A_601 : i32 to index
        %parallel_loop3A_604 = tpu.vector_load %arg8[%parallel_loop3A_602, %parallel_loop3A_603] {strides = array<i32>} : memref<8x2048xf32, #tpu.memory_space<vmem>>, vector<16xf32>,
        %parallel_loop3A_605 = arith.constant 2 : i32
        %parallel_loop3A_606 = vector.broadcast %parallel_loop3A_605 : i32 to vector<16x1xi32>
        %parallel_loop3A_607 = vector.shape_cast %parallel_loop3A_606 : vector<16x1xi32> to vector<16xi32>
        %parallel_loop3A_608 = tpu.dynamic_gather %parallel_loop3A_573[%parallel_loop3A_607] in [0] : vector<16xf32>, vector<16xi32> -> vector<16xf32>
        %parallel_loop3A_609 = arith.addf %parallel_loop3A_604, %parallel_loop3A_608 : vector<16xf32>
        %parallel_loop3A_610 = arith.index_cast %parallel_loop3A_562 : i32 to index
        %parallel_loop3A_611 = arith.index_cast %parallel_loop3A_601 : i32 to index
        %parallel_loop3A_612 = tpu.vector_load %arg8[%parallel_loop3A_610, %parallel_loop3A_611] {strides = array<i32>} : memref<8x2048xf32, #tpu.memory_space<vmem>>, vector<16xf32>,
        tpu.vector_store %arg8[%parallel_loop3A_610, %parallel_loop3A_611], %parallel_loop3A_609 {strides = array<i32>} : memref<8x2048xf32, #tpu.memory_space<vmem>>, vector<16xf32>,
        %parallel_loop3A_613 = arith.constant 48 : i32
        %parallel_loop3A_614 = arith.addi %parallel_loop3A_566, %parallel_loop3A_613 : i32
        %parallel_loop3A_615 = arith.index_cast %parallel_loop3A_562 : i32 to index
        %parallel_loop3A_616 = arith.index_cast %parallel_loop3A_614 : i32 to index
        %parallel_loop3A_617 = tpu.vector_load %arg8[%parallel_loop3A_615, %parallel_loop3A_616] {strides = array<i32>} : memref<8x2048xf32, #tpu.memory_space<vmem>>, vector<16xf32>,
        %parallel_loop3A_618 = arith.constant 3 : i32
        %parallel_loop3A_619 = vector.broadcast %parallel_loop3A_618 : i32 to vector<16x1xi32>
        %parallel_loop3A_620 = vector.shape_cast %parallel_loop3A_619 : vector<16x1xi32> to vector<16xi32>
        %parallel_loop3A_621 = tpu.dynamic_gather %parallel_loop3A_573[%parallel_loop3A_620] in [0] : vector<16xf32>, vector<16xi32> -> vector<16xf32>
        %parallel_loop3A_622 = arith.addf %parallel_loop3A_617, %parallel_loop3A_621 : vector<16xf32>
        %parallel_loop3A_623 = arith.index_cast %parallel_loop3A_562 : i32 to index
        %parallel_loop3A_624 = arith.index_cast %parallel_loop3A_614 : i32 to index
        %parallel_loop3A_625 = tpu.vector_load %arg8[%parallel_loop3A_623, %parallel_loop3A_624] {strides = array<i32>} : memref<8x2048xf32, #tpu.memory_space<vmem>>, vector<16xf32>,
        tpu.vector_store %arg8[%parallel_loop3A_623, %parallel_loop3A_624], %parallel_loop3A_622 {strides = array<i32>} : memref<8x2048xf32, #tpu.memory_space<vmem>>, vector<16xf32>,
        %parallel_loop3A_626 = arith.constant 64 : i32
        %parallel_loop3A_627 = arith.addi %parallel_loop3A_566, %parallel_loop3A_626 : i32
        %parallel_loop3A_628 = arith.index_cast %parallel_loop3A_562 : i32 to index
        %parallel_loop3A_629 = arith.index_cast %parallel_loop3A_627 : i32 to index
        %parallel_loop3A_630 = tpu.vector_load %arg8[%parallel_loop3A_628, %parallel_loop3A_629] {strides = array<i32>} : memref<8x2048xf32, #tpu.memory_space<vmem>>, vector<16xf32>,
        %parallel_loop3A_631 = arith.constant 4 : i32
        %parallel_loop3A_632 = vector.broadcast %parallel_loop3A_631 : i32 to vector<16x1xi32>
        %parallel_loop3A_633 = vector.shape_cast %parallel_loop3A_632 : vector<16x1xi32> to vector<16xi32>
        %parallel_loop3A_634 = tpu.dynamic_gather %parallel_loop3A_573[%parallel_loop3A_633] in [0] : vector<16xf32>, vector<16xi32> -> vector<16xf32>
        %parallel_loop3A_635 = arith.addf %parallel_loop3A_630, %parallel_loop3A_634 : vector<16xf32>
        %parallel_loop3A_636 = arith.index_cast %parallel_loop3A_562 : i32 to index
        %parallel_loop3A_637 = arith.index_cast %parallel_loop3A_627 : i32 to index
        %parallel_loop3A_638 = tpu.vector_load %arg8[%parallel_loop3A_636, %parallel_loop3A_637] {strides = array<i32>} : memref<8x2048xf32, #tpu.memory_space<vmem>>, vector<16xf32>,
        tpu.vector_store %arg8[%parallel_loop3A_636, %parallel_loop3A_637], %parallel_loop3A_635 {strides = array<i32>} : memref<8x2048xf32, #tpu.memory_space<vmem>>, vector<16xf32>,
        %parallel_loop3A_639 = arith.constant 80 : i32
        %parallel_loop3A_640 = arith.addi %parallel_loop3A_566, %parallel_loop3A_639 : i32
        %parallel_loop3A_641 = arith.index_cast %parallel_loop3A_562 : i32 to index
        %parallel_loop3A_642 = arith.index_cast %parallel_loop3A_640 : i32 to index
        %parallel_loop3A_643 = tpu.vector_load %arg8[%parallel_loop3A_641, %parallel_loop3A_642] {strides = array<i32>} : memref<8x2048xf32, #tpu.memory_space<vmem>>, vector<16xf32>,
        %parallel_loop3A_644 = arith.constant 5 : i32
        %parallel_loop3A_645 = vector.broadcast %parallel_loop3A_644 : i32 to vector<16x1xi32>
        %parallel_loop3A_646 = vector.shape_cast %parallel_loop3A_645 : vector<16x1xi32> to vector<16xi32>
        %parallel_loop3A_647 = tpu.dynamic_gather %parallel_loop3A_573[%parallel_loop3A_646] in [0] : vector<16xf32>, vector<16xi32> -> vector<16xf32>
        %parallel_loop3A_648 = arith.addf %parallel_loop3A_643, %parallel_loop3A_647 : vector<16xf32>
        %parallel_loop3A_649 = arith.index_cast %parallel_loop3A_562 : i32 to index
        %parallel_loop3A_650 = arith.index_cast %parallel_loop3A_640 : i32 to index
        %parallel_loop3A_651 = tpu.vector_load %arg8[%parallel_loop3A_649, %parallel_loop3A_650] {strides = array<i32>} : memref<8x2048xf32, #tpu.memory_space<vmem>>, vector<16xf32>,
        tpu.vector_store %arg8[%parallel_loop3A_649, %parallel_loop3A_650], %parallel_loop3A_648 {strides = array<i32>} : memref<8x2048xf32, #tpu.memory_space<vmem>>, vector<16xf32>,
        %parallel_loop3A_652 = arith.constant 96 : i32
        %parallel_loop3A_653 = arith.addi %parallel_loop3A_566, %parallel_loop3A_652 : i32
        %parallel_loop3A_654 = arith.index_cast %parallel_loop3A_562 : i32 to index
        %parallel_loop3A_655 = arith.index_cast %parallel_loop3A_653 : i32 to index
        %parallel_loop3A_656 = tpu.vector_load %arg8[%parallel_loop3A_654, %parallel_loop3A_655] {strides = array<i32>} : memref<8x2048xf32, #tpu.memory_space<vmem>>, vector<16xf32>,
        %parallel_loop3A_657 = arith.constant 6 : i32
        %parallel_loop3A_658 = vector.broadcast %parallel_loop3A_657 : i32 to vector<16x1xi32>
        %parallel_loop3A_659 = vector.shape_cast %parallel_loop3A_658 : vector<16x1xi32> to vector<16xi32>
        %parallel_loop3A_660 = tpu.dynamic_gather %parallel_loop3A_573[%parallel_loop3A_659] in [0] : vector<16xf32>, vector<16xi32> -> vector<16xf32>
        %parallel_loop3A_661 = arith.addf %parallel_loop3A_656, %parallel_loop3A_660 : vector<16xf32>
        %parallel_loop3A_662 = arith.index_cast %parallel_loop3A_562 : i32 to index
        %parallel_loop3A_663 = arith.index_cast %parallel_loop3A_653 : i32 to index
        %parallel_loop3A_664 = tpu.vector_load %arg8[%parallel_loop3A_662, %parallel_loop3A_663] {strides = array<i32>} : memref<8x2048xf32, #tpu.memory_space<vmem>>, vector<16xf32>,
        tpu.vector_store %arg8[%parallel_loop3A_662, %parallel_loop3A_663], %parallel_loop3A_661 {strides = array<i32>} : memref<8x2048xf32, #tpu.memory_space<vmem>>, vector<16xf32>,
        %parallel_loop3A_665 = arith.constant 112 : i32
        %parallel_loop3A_666 = arith.addi %parallel_loop3A_566, %parallel_loop3A_665 : i32
        %parallel_loop3A_667 = arith.index_cast %parallel_loop3A_562 : i32 to index
        %parallel_loop3A_668 = arith.index_cast %parallel_loop3A_666 : i32 to index
        %parallel_loop3A_669 = tpu.vector_load %arg8[%parallel_loop3A_667, %parallel_loop3A_668] {strides = array<i32>} : memref<8x2048xf32, #tpu.memory_space<vmem>>, vector<16xf32>,
        %parallel_loop3A_670 = arith.constant 7 : i32
        %parallel_loop3A_671 = vector.broadcast %parallel_loop3A_670 : i32 to vector<16x1xi32>
        %parallel_loop3A_672 = vector.shape_cast %parallel_loop3A_671 : vector<16x1xi32> to vector<16xi32>
        %parallel_loop3A_673 = tpu.dynamic_gather %parallel_loop3A_573[%parallel_loop3A_672] in [0] : vector<16xf32>, vector<16xi32> -> vector<16xf32>
        %parallel_loop3A_674 = arith.addf %parallel_loop3A_669, %parallel_loop3A_673 : vector<16xf32>
        %parallel_loop3A_675 = arith.index_cast %parallel_loop3A_562 : i32 to index
        %parallel_loop3A_676 = arith.index_cast %parallel_loop3A_666 : i32 to index
        %parallel_loop3A_677 = tpu.vector_load %arg8[%parallel_loop3A_675, %parallel_loop3A_676] {strides = array<i32>} : memref<8x2048xf32, #tpu.memory_space<vmem>>, vector<16xf32>,
        tpu.vector_store %arg8[%parallel_loop3A_675, %parallel_loop3A_676], %parallel_loop3A_674 {strides = array<i32>} : memref<8x2048xf32, #tpu.memory_space<vmem>>, vector<16xf32>,
        %parallel_loop3A_678 = arith.constant 128 : i32
        %parallel_loop3A_679 = arith.addi %parallel_loop3A_566, %parallel_loop3A_678 : i32
        %parallel_loop3A_680 = arith.index_cast %parallel_loop3A_562 : i32 to index
        %parallel_loop3A_681 = arith.index_cast %parallel_loop3A_679 : i32 to index
        %parallel_loop3A_682 = tpu.vector_load %arg8[%parallel_loop3A_680, %parallel_loop3A_681] {strides = array<i32>} : memref<8x2048xf32, #tpu.memory_space<vmem>>, vector<16xf32>,
        %parallel_loop3A_683 = arith.constant 8 : i32
        %parallel_loop3A_684 = vector.broadcast %parallel_loop3A_683 : i32 to vector<16x1xi32>
        %parallel_loop3A_685 = vector.shape_cast %parallel_loop3A_684 : vector<16x1xi32> to vector<16xi32>
        %parallel_loop3A_686 = tpu.dynamic_gather %parallel_loop3A_573[%parallel_loop3A_685] in [0] : vector<16xf32>, vector<16xi32> -> vector<16xf32>
        %parallel_loop3A_687 = arith.addf %parallel_loop3A_682, %parallel_loop3A_686 : vector<16xf32>
        %parallel_loop3A_688 = arith.index_cast %parallel_loop3A_562 : i32 to index
        %parallel_loop3A_689 = arith.index_cast %parallel_loop3A_679 : i32 to index
        %parallel_loop3A_690 = tpu.vector_load %arg8[%parallel_loop3A_688, %parallel_loop3A_689] {strides = array<i32>} : memref<8x2048xf32, #tpu.memory_space<vmem>>, vector<16xf32>,
        tpu.vector_store %arg8[%parallel_loop3A_688, %parallel_loop3A_689], %parallel_loop3A_687 {strides = array<i32>} : memref<8x2048xf32, #tpu.memory_space<vmem>>, vector<16xf32>,
        %parallel_loop3A_691 = arith.constant 144 : i32
        %parallel_loop3A_692 = arith.addi %parallel_loop3A_566, %parallel_loop3A_691 : i32
        %parallel_loop3A_693 = arith.index_cast %parallel_loop3A_562 : i32 to index
        %parallel_loop3A_694 = arith.index_cast %parallel_loop3A_692 : i32 to index
        %parallel_loop3A_695 = tpu.vector_load %arg8[%parallel_loop3A_693, %parallel_loop3A_694] {strides = array<i32>} : memref<8x2048xf32, #tpu.memory_space<vmem>>, vector<16xf32>,
        %parallel_loop3A_696 = arith.constant 9 : i32
        %parallel_loop3A_697 = vector.broadcast %parallel_loop3A_696 : i32 to vector<16x1xi32>
        %parallel_loop3A_698 = vector.shape_cast %parallel_loop3A_697 : vector<16x1xi32> to vector<16xi32>
        %parallel_loop3A_699 = tpu.dynamic_gather %parallel_loop3A_573[%parallel_loop3A_698] in [0] : vector<16xf32>, vector<16xi32> -> vector<16xf32>
        %parallel_loop3A_700 = arith.addf %parallel_loop3A_695, %parallel_loop3A_699 : vector<16xf32>
        %parallel_loop3A_701 = arith.index_cast %parallel_loop3A_562 : i32 to index
        %parallel_loop3A_702 = arith.index_cast %parallel_loop3A_692 : i32 to index
        %parallel_loop3A_703 = tpu.vector_load %arg8[%parallel_loop3A_701, %parallel_loop3A_702] {strides = array<i32>} : memref<8x2048xf32, #tpu.memory_space<vmem>>, vector<16xf32>,
        tpu.vector_store %arg8[%parallel_loop3A_701, %parallel_loop3A_702], %parallel_loop3A_700 {strides = array<i32>} : memref<8x2048xf32, #tpu.memory_space<vmem>>, vector<16xf32>,
        %parallel_loop3A_704 = arith.constant 160 : i32
        %parallel_loop3A_705 = arith.addi %parallel_loop3A_566, %parallel_loop3A_704 : i32
        %parallel_loop3A_706 = arith.index_cast %parallel_loop3A_562 : i32 to index
        %parallel_loop3A_707 = arith.index_cast %parallel_loop3A_705 : i32 to index
        %parallel_loop3A_708 = tpu.vector_load %arg8[%parallel_loop3A_706, %parallel_loop3A_707] {strides = array<i32>} : memref<8x2048xf32, #tpu.memory_space<vmem>>, vector<16xf32>,
        %parallel_loop3A_709 = arith.constant 10 : i32
        %parallel_loop3A_710 = vector.broadcast %parallel_loop3A_709 : i32 to vector<16x1xi32>
        %parallel_loop3A_711 = vector.shape_cast %parallel_loop3A_710 : vector<16x1xi32> to vector<16xi32>
        %parallel_loop3A_712 = tpu.dynamic_gather %parallel_loop3A_573[%parallel_loop3A_711] in [0] : vector<16xf32>, vector<16xi32> -> vector<16xf32>
        %parallel_loop3A_713 = arith.addf %parallel_loop3A_708, %parallel_loop3A_712 : vector<16xf32>
        %parallel_loop3A_714 = arith.index_cast %parallel_loop3A_562 : i32 to index
        %parallel_loop3A_715 = arith.index_cast %parallel_loop3A_705 : i32 to index
        %parallel_loop3A_716 = tpu.vector_load %arg8[%parallel_loop3A_714, %parallel_loop3A_715] {strides = array<i32>} : memref<8x2048xf32, #tpu.memory_space<vmem>>, vector<16xf32>,
        tpu.vector_store %arg8[%parallel_loop3A_714, %parallel_loop3A_715], %parallel_loop3A_713 {strides = array<i32>} : memref<8x2048xf32, #tpu.memory_space<vmem>>, vector<16xf32>,
        %parallel_loop3A_717 = arith.constant 176 : i32
        %parallel_loop3A_718 = arith.addi %parallel_loop3A_566, %parallel_loop3A_717 : i32
        %parallel_loop3A_719 = arith.index_cast %parallel_loop3A_562 : i32 to index
        %parallel_loop3A_720 = arith.index_cast %parallel_loop3A_718 : i32 to index
        %parallel_loop3A_721 = tpu.vector_load %arg8[%parallel_loop3A_719, %parallel_loop3A_720] {strides = array<i32>} : memref<8x2048xf32, #tpu.memory_space<vmem>>, vector<16xf32>,
        %parallel_loop3A_722 = arith.constant 11 : i32
        %parallel_loop3A_723 = vector.broadcast %parallel_loop3A_722 : i32 to vector<16x1xi32>
        %parallel_loop3A_724 = vector.shape_cast %parallel_loop3A_723 : vector<16x1xi32> to vector<16xi32>
        %parallel_loop3A_725 = tpu.dynamic_gather %parallel_loop3A_573[%parallel_loop3A_724] in [0] : vector<16xf32>, vector<16xi32> -> vector<16xf32>
        %parallel_loop3A_726 = arith.addf %parallel_loop3A_721, %parallel_loop3A_725 : vector<16xf32>
        %parallel_loop3A_727 = arith.index_cast %parallel_loop3A_562 : i32 to index
        %parallel_loop3A_728 = arith.index_cast %parallel_loop3A_718 : i32 to index
        %parallel_loop3A_729 = tpu.vector_load %arg8[%parallel_loop3A_727, %parallel_loop3A_728] {strides = array<i32>} : memref<8x2048xf32, #tpu.memory_space<vmem>>, vector<16xf32>,
        tpu.vector_store %arg8[%parallel_loop3A_727, %parallel_loop3A_728], %parallel_loop3A_726 {strides = array<i32>} : memref<8x2048xf32, #tpu.memory_space<vmem>>, vector<16xf32>,
        %parallel_loop3A_730 = arith.constant 192 : i32
        %parallel_loop3A_731 = arith.addi %parallel_loop3A_566, %parallel_loop3A_730 : i32
        %parallel_loop3A_732 = arith.index_cast %parallel_loop3A_562 : i32 to index
        %parallel_loop3A_733 = arith.index_cast %parallel_loop3A_731 : i32 to index
        %parallel_loop3A_734 = tpu.vector_load %arg8[%parallel_loop3A_732, %parallel_loop3A_733] {strides = array<i32>} : memref<8x2048xf32, #tpu.memory_space<vmem>>, vector<16xf32>,
        %parallel_loop3A_735 = arith.constant 12 : i32
        %parallel_loop3A_736 = vector.broadcast %parallel_loop3A_735 : i32 to vector<16x1xi32>
        %parallel_loop3A_737 = vector.shape_cast %parallel_loop3A_736 : vector<16x1xi32> to vector<16xi32>
        %parallel_loop3A_738 = tpu.dynamic_gather %parallel_loop3A_573[%parallel_loop3A_737] in [0] : vector<16xf32>, vector<16xi32> -> vector<16xf32>
        %parallel_loop3A_739 = arith.addf %parallel_loop3A_734, %parallel_loop3A_738 : vector<16xf32>
        %parallel_loop3A_740 = arith.index_cast %parallel_loop3A_562 : i32 to index
        %parallel_loop3A_741 = arith.index_cast %parallel_loop3A_731 : i32 to index
        %parallel_loop3A_742 = tpu.vector_load %arg8[%parallel_loop3A_740, %parallel_loop3A_741] {strides = array<i32>} : memref<8x2048xf32, #tpu.memory_space<vmem>>, vector<16xf32>,
        tpu.vector_store %arg8[%parallel_loop3A_740, %parallel_loop3A_741], %parallel_loop3A_739 {strides = array<i32>} : memref<8x2048xf32, #tpu.memory_space<vmem>>, vector<16xf32>,
        %parallel_loop3A_743 = arith.constant 208 : i32
        %parallel_loop3A_744 = arith.addi %parallel_loop3A_566, %parallel_loop3A_743 : i32
        %parallel_loop3A_745 = arith.index_cast %parallel_loop3A_562 : i32 to index
        %parallel_loop3A_746 = arith.index_cast %parallel_loop3A_744 : i32 to index
        %parallel_loop3A_747 = tpu.vector_load %arg8[%parallel_loop3A_745, %parallel_loop3A_746] {strides = array<i32>} : memref<8x2048xf32, #tpu.memory_space<vmem>>, vector<16xf32>,
        %parallel_loop3A_748 = arith.constant 13 : i32
        %parallel_loop3A_749 = vector.broadcast %parallel_loop3A_748 : i32 to vector<16x1xi32>
        %parallel_loop3A_750 = vector.shape_cast %parallel_loop3A_749 : vector<16x1xi32> to vector<16xi32>
        %parallel_loop3A_751 = tpu.dynamic_gather %parallel_loop3A_573[%parallel_loop3A_750] in [0] : vector<16xf32>, vector<16xi32> -> vector<16xf32>
        %parallel_loop3A_752 = arith.addf %parallel_loop3A_747, %parallel_loop3A_751 : vector<16xf32>
        %parallel_loop3A_753 = arith.index_cast %parallel_loop3A_562 : i32 to index
        %parallel_loop3A_754 = arith.index_cast %parallel_loop3A_744 : i32 to index
        %parallel_loop3A_755 = tpu.vector_load %arg8[%parallel_loop3A_753, %parallel_loop3A_754] {strides = array<i32>} : memref<8x2048xf32, #tpu.memory_space<vmem>>, vector<16xf32>,
        tpu.vector_store %arg8[%parallel_loop3A_753, %parallel_loop3A_754], %parallel_loop3A_752 {strides = array<i32>} : memref<8x2048xf32, #tpu.memory_space<vmem>>, vector<16xf32>,
        %parallel_loop3A_756 = arith.constant 224 : i32
        %parallel_loop3A_757 = arith.addi %parallel_loop3A_566, %parallel_loop3A_756 : i32
        %parallel_loop3A_758 = arith.index_cast %parallel_loop3A_562 : i32 to index
        %parallel_loop3A_759 = arith.index_cast %parallel_loop3A_757 : i32 to index
        %parallel_loop3A_760 = tpu.vector_load %arg8[%parallel_loop3A_758, %parallel_loop3A_759] {strides = array<i32>} : memref<8x2048xf32, #tpu.memory_space<vmem>>, vector<16xf32>,
        %parallel_loop3A_761 = arith.constant 14 : i32
        %parallel_loop3A_762 = vector.broadcast %parallel_loop3A_761 : i32 to vector<16x1xi32>
        %parallel_loop3A_763 = vector.shape_cast %parallel_loop3A_762 : vector<16x1xi32> to vector<16xi32>
        %parallel_loop3A_764 = tpu.dynamic_gather %parallel_loop3A_573[%parallel_loop3A_763] in [0] : vector<16xf32>, vector<16xi32> -> vector<16xf32>
        %parallel_loop3A_765 = arith.addf %parallel_loop3A_760, %parallel_loop3A_764 : vector<16xf32>
        %parallel_loop3A_766 = arith.index_cast %parallel_loop3A_562 : i32 to index
        %parallel_loop3A_767 = arith.index_cast %parallel_loop3A_757 : i32 to index
        %parallel_loop3A_768 = tpu.vector_load %arg8[%parallel_loop3A_766, %parallel_loop3A_767] {strides = array<i32>} : memref<8x2048xf32, #tpu.memory_space<vmem>>, vector<16xf32>,
        tpu.vector_store %arg8[%parallel_loop3A_766, %parallel_loop3A_767], %parallel_loop3A_765 {strides = array<i32>} : memref<8x2048xf32, #tpu.memory_space<vmem>>, vector<16xf32>,
        %parallel_loop3A_769 = arith.constant 240 : i32
        %parallel_loop3A_770 = arith.addi %parallel_loop3A_566, %parallel_loop3A_769 : i32
        %parallel_loop3A_771 = arith.index_cast %parallel_loop3A_562 : i32 to index
        %parallel_loop3A_772 = arith.index_cast %parallel_loop3A_770 : i32 to index
        %parallel_loop3A_773 = tpu.vector_load %arg8[%parallel_loop3A_771, %parallel_loop3A_772] {strides = array<i32>} : memref<8x2048xf32, #tpu.memory_space<vmem>>, vector<16xf32>,
        %parallel_loop3A_774 = arith.constant 15 : i32
        %parallel_loop3A_775 = vector.broadcast %parallel_loop3A_774 : i32 to vector<16x1xi32>
        %parallel_loop3A_776 = vector.shape_cast %parallel_loop3A_775 : vector<16x1xi32> to vector<16xi32>
        %parallel_loop3A_777 = tpu.dynamic_gather %parallel_loop3A_573[%parallel_loop3A_776] in [0] : vector<16xf32>, vector<16xi32> -> vector<16xf32>
        %parallel_loop3A_778 = arith.addf %parallel_loop3A_773, %parallel_loop3A_777 : vector<16xf32>
        %parallel_loop3A_779 = arith.index_cast %parallel_loop3A_562 : i32 to index
        %parallel_loop3A_780 = arith.index_cast %parallel_loop3A_770 : i32 to index
        %parallel_loop3A_781 = tpu.vector_load %arg8[%parallel_loop3A_779, %parallel_loop3A_780] {strides = array<i32>} : memref<8x2048xf32, #tpu.memory_space<vmem>>, vector<16xf32>,
        tpu.vector_store %arg8[%parallel_loop3A_779, %parallel_loop3A_780], %parallel_loop3A_778 {strides = array<i32>} : memref<8x2048xf32, #tpu.memory_space<vmem>>, vector<16xf32>,
      } {sc.loop_unroll_factor = 2 : i64, sc.parallel_access}
      %mul3A_551 = arith.constant 8 : i32
      %mul3A_552 = arith.muli %add3A_445, %mul3A_551 : i32
      %add3A_553 = arith.addi %mul3A_32, %mul3A_552 : i32
      %dma_start3A_554 = arith.constant 0 : i32
      %dma_start3A_555 = tpu.memref_slice %arg4[%select_n3A, %add3A_553, %dma_start3A_554] : memref<2x8192x2048xf32, #tpu.memory_space<hbm>> -> memref<1x8x2048xf32, #tpu.memory_space<hbm>>
      %dma_start3A_556 = tpu.memref_squeeze %dma_start3A_555 : memref<1x8x2048xf32, #tpu.memory_space<hbm>> -> memref<8x2048xf32, #tpu.memory_space<hbm>>
      %dma_start3A_557 = arith.constant 0 : i32
      %dma_start3A_558 = tpu.memref_slice %arg4[%select_n3A, %add3A_553, %dma_start3A_557] : memref<2x8192x2048xf32, #tpu.memory_space<hbm>> -> memref<1x8x2048xf32, #tpu.memory_space<hbm>>
      %dma_start3A_559 = tpu.memref_squeeze %dma_start3A_558 : memref<1x8x2048xf32, #tpu.memory_space<hbm>> -> memref<8x2048xf32, #tpu.memory_space<hbm>>
      tpu.enqueue_dma source(%arg8 : memref<8x2048xf32, #tpu.memory_space<vmem>>) target(%dma_start3A_559 : memref<8x2048xf32, #tpu.memory_space<hbm>>) target_semaphore(%arg21 : memref<!tpu.dma_semaphore, #tpu.memory_space<semaphore_mem>>)
      scf.yield %add3A_547 : vector<16xf32>
    }
    %scan3A_74 = arith.constant 16 : i32
    %add3A_75 = arith.constant 0 : i32
    %add3A_76 = arith.addi %mul3A_32, %add3A_75 : i32
    %dma_wait3A = arith.constant 0 : i32
    %dma_wait3A_77 = tpu.memref_slice %arg4[%select_n3A, %add3A_76, %dma_wait3A] : memref<2x8192x2048xf32, #tpu.memory_space<hbm>> -> memref<1x8x2048xf32, #tpu.memory_space<hbm>>
    %dma_wait3A_78 = tpu.memref_squeeze %dma_wait3A_77 : memref<1x8x2048xf32, #tpu.memory_space<hbm>> -> memref<8x2048xf32, #tpu.memory_space<hbm>>
    %dma_wait3A_79 = arith.constant 0 : i32
    %dma_wait3A_80 = tpu.memref_slice %arg4[%select_n3A, %add3A_76, %dma_wait3A_79] : memref<2x8192x2048xf32, #tpu.memory_space<hbm>> -> memref<1x8x2048xf32, #tpu.memory_space<hbm>>
    %dma_wait3A_81 = tpu.memref_squeeze %dma_wait3A_80 : memref<1x8x2048xf32, #tpu.memory_space<hbm>> -> memref<8x2048xf32, #tpu.memory_space<hbm>>
    tpu.wait_dma2 semaphore(%arg20 : memref<!tpu.dma_semaphore, #tpu.memory_space<semaphore_mem>>) src(%arg7 : memref<8x2048xf32, #tpu.memory_space<vmem>>) dst(%dma_wait3A_81 : memref<8x2048xf32, #tpu.memory_space<hbm>>)
    %add3A_82 = arith.constant 0 : i32
    %add3A_83 = arith.addi %mul3A_32, %add3A_82 : i32
    %dma_wait3A_84 = arith.constant 0 : i32
    %dma_wait3A_85 = tpu.memref_slice %arg4[%select_n3A, %add3A_83, %dma_wait3A_84] : memref<2x8192x2048xf32, #tpu.memory_space<hbm>> -> memref<1x8x2048xf32, #tpu.memory_space<hbm>>
    %dma_wait3A_86 = tpu.memref_squeeze %dma_wait3A_85 : memref<1x8x2048xf32, #tpu.memory_space<hbm>> -> memref<8x2048xf32, #tpu.memory_space<hbm>>
    %dma_wait3A_87 = arith.constant 0 : i32
    %dma_wait3A_88 = tpu.memref_slice %arg4[%select_n3A, %add3A_83, %dma_wait3A_87] : memref<2x8192x2048xf32, #tpu.memory_space<hbm>> -> memref<1x8x2048xf32, #tpu.memory_space<hbm>>
    %dma_wait3A_89 = tpu.memref_squeeze %dma_wait3A_88 : memref<1x8x2048xf32, #tpu.memory_space<hbm>> -> memref<8x2048xf32, #tpu.memory_space<hbm>>
    tpu.wait_dma2 semaphore(%arg21 : memref<!tpu.dma_semaphore, #tpu.memory_space<semaphore_mem>>) src(%arg8 : memref<8x2048xf32, #tpu.memory_space<vmem>>) dst(%dma_wait3A_89 : memref<8x2048xf32, #tpu.memory_space<hbm>>)
    return
  }
}

</mosaic_0001>

<sc_bundles>
// kernel: kernel.4.cloned.1.call-start
scs
__scs_entry_jumppad:
0x0: {  	(pc) =	sbr.rel $0x88, $3  }
0x1: {  	(tag) =	ssettag $0x0;
	lr =	simm.s32 $0x1  }
0x2: {  	[smem:$0x3FA0] =	sst lr;
	_ =	strace $0xD0000000  }
0x3: {  	_ = 	snop  }
0x4: {  	_ = 	snop  }
0x5: {  	_ = 	snop  }
0x6: {  	_ = 	snop  }
0x7: {  	_ = 	snop  }
__scs_overlays_trampoline_lowered:
0x8: {  	[smem:$0x3FAF] =	sst s0  }
0x9: {  	[smem:$0x3FB0] =	sst s1  }
0xa: {  	[smem:$0x3FB1] =	sst s2  }
0xb: {  	[smem:$0x3FB2] =	sst s3  }
0xc: {  	[smem:$0x3FB3] =	sst s4  }
0xd: {  	[smem:$0x3FB4] =	sst s5  }
0xe: {  	[smem:$0x3FB5] =	sst s6  }
0xf: {  	[smem:$0x3FB6] =	sst s7  }
0x10: {  	[smem:$0x3FB7] =	sst s8  }
0x11: {  	[smem:$0x3FB8] =	sst s9;
	s0 =	simm.s32 @!p0 $0x0  }
0x12: {  	s1 =	sld [smem:$0x3F9E];
	s0 =	simm.s32 @p0 $0x1  }
0x13: {  	[smem:$0x3FB9] =	sst s0;
	s0 =	simm.s32 @!p1 $0x0  }
0x14: {  	s2 =	sld [smem:$0x3F9D];
	s0 =	simm.s32 @p1 $0x1  }
0x15: {  	[smem:$0x3FBA] =	sst s0;
	s0 =	simm.s32 @!p2 $0x0  }
0x16: {  	s3 =	sld [smem:$0x3FDB];
	s0 =	simm.s32 @p2 $0x1  }
0x17: {  	s4 =	simm.s32 $0x1BF5;
	[smem:$0x3FBC] =	sst s0  }
0x18: {  	s0 =	sld [smem:$0x3F9F];
	_ =	swait.ge [sflag:s4], $0x0  }
0x19: {  	s7 =	sld [smem:$0x3FA0]  }
0x1a: {  	s8 =	sadd.s32 $0xFFFFE003, lr  }
0x1b: {  	s9 =	sadd.s32 $0xFFFFFEF7, lr;
	s5 =	simm.s32 $0xFFFFFFFF;
	p2 =	slt.u32 s8, $0xFFFFF086  }
0x1c: {  	p1 =	slt.u32 s9, $0xF7A;
	s5 =	simm.s32 @!p2 $0x0  }
0x1d: {  	s5 =	simm.s32 @p1 $0x1;
	p0 =	seq.s32 s7, s2  }
0x1e: {  	s7 =	smul.u32 @!p0 $0xF7A, s2;
	p2 =	seq.s32 @!p0 s5, $0x0  }
0x1f: {  	s9 =	smul.u32 $0xF7A, s1;
	s8 =	simm.s32 @!p0 $0x1BF5;
	p2 =	por !p2, p0  }
0x20: {  	[sflag:s8] =	ssyncset.s32 @!p0 $0xFFFFF086;
	s6 =	sadd.s32 @!p0 s3, s7;
	s7 =	simm.s32 @!p0 $0x108  }
0x21: {  	s3 =	sadd.s32 s3, s9;
	s6 =	sadd.s32 @!p0 $0x88, s6;
	s7 =	simm.s32 @p2 $0x1082  }
0x22: {  	[simem:s7], [sflag:s8] =	dma.local @!p0 [hbm:s6], $0xF7A  }
0x23: {  	s9 =	sor.u32 $0xD0000000, s2;
	s6 =	simm.s32 $0x108;
	_ =	swait.ge @!p0 [sflag:s8], $0x0  }
0x24: {  	s3 =	sadd.s32 $0x88, s3;
	s6 =	simm.s32 @!p1 $0x1082;
	[sflag:s4] =	ssyncset.s32 $0xFFFFF086  }
0x25: {  	[simem:s6], [sflag:s4] =	dma.local [hbm:s3], $0xF7A  }
0x26: {  	[smem:$0x3FA0] =	sst s1;
	(tag) =	ssettag s2;
	_ =	strace s9  }
0x27: {  	s1 =	sld [smem:$0x3FB0]  }
0x28: {  	s2 =	sld [smem:$0x3FB1]  }
0x29: {  	s4 =	sld [smem:$0x3FB3]  }
0x2a: {  	p0 =	seq.s32 s5, $0x0;
	s5 =	sld [smem:$0x3FB4]  }
0x2b: {  	s6 =	sld [smem:$0x3FB5]  }
0x2c: {  	s7 =	sld [smem:$0x3FB6]  }
0x2d: {  	s3 =	simm.s32 $0x108;
	s8 =	sld [smem:$0x3FB7]  }
0x2e: {  	s3 =	simm.s32 @!p0 $0x1082;
	s9 =	sld [smem:$0x3FB8]  }
0x2f: {  	lr =	sadd.s32 s0, s3;
	s0 =	sld [smem:$0x3FAF]  }
0x30: {  	s3 =	sld [smem:$0x3FB2]  }
0x31: {  	[smem:$0x3FBB] =	sst s10  }
0x32: {  	s10 =	sld [smem:$0x3FB9];
	_ =	sdelay $0x3  }
0x33: {  	p0 =	seq.s32 s10, $0x1;
	s10 =	sld [smem:$0x3FBB];
	_ =	sdelay $0x3  }
0x34: {  	[smem:$0x3FBB] =	sst s10  }
0x35: {  	s10 =	sld [smem:$0x3FBA];
	_ =	sdelay $0x3  }
0x36: {  	p1 =	seq.s32 s10, $0x1;
	s10 =	sld [smem:$0x3FBB];
	_ =	sdelay $0x3  }
0x37: {  	[smem:$0x3FBB] =	sst s10  }
0x38: {  	s10 =	sld [smem:$0x3FBC]  }
0x39: {  	_ = 	snop;
	(pc) =	sbr.ind lr, $3  }
0x3a: {  	_ = 	snop  }
0x3b: {  	_ = 	snop  }
0x3c: {  	p2 =	seq.s32 s10, $0x1;
	s10 =	sld [smem:$0x3FBB]  }
0x3d: {  	_ =	shalt  }
0x3e: {  	_ =	shalt  }
0x3f: {  	_ =	shalt  }
0x40: {  	_ =	shalt  }
0x41: {  	_ =	shalt  }
0x42: {  	_ =	shalt  }
0x43: {  	_ =	shalt  }
0x44: {  	_ =	shalt  }
0x45: {  	_ =	shalt  }
0x46: {  	_ =	shalt  }
0x47: {  	_ =	shalt  }
0x48: {  	_ =	shalt  }
0x49: {  	_ =	shalt  }
0x4a: {  	_ =	shalt  }
0x4b: {  	_ =	shalt  }
0x4c: {  	_ =	shalt  }
0x4d: {  	_ =	shalt  }
0x4e: {  	_ =	shalt  }
0x4f: {  	_ =	shalt  }
0x50: {  	_ =	shalt  }
0x51: {  	_ =	shalt  }
0x52: {  	_ =	shalt  }
0x53: {  	_ =	shalt  }
0x54: {  	_ =	shalt  }
0x55: {  	_ =	shalt  }
0x56: {  	_ =	shalt  }
0x57: {  	_ =	shalt  }
0x58: {  	_ =	shalt  }
0x59: {  	_ =	shalt  }
0x5a: {  	_ =	shalt  }
0x5b: {  	_ =	shalt  }
0x5c: {  	_ =	shalt  }
0x5d: {  	_ =	shalt  }
0x5e: {  	_ =	shalt  }
0x5f: {  	_ =	shalt  }
0x60: {  	_ =	shalt  }
0x61: {  	_ =	shalt  }
0x62: {  	_ =	shalt  }
0x63: {  	_ =	shalt  }
0x64: {  	_ =	shalt  }
0x65: {  	_ =	shalt  }
0x66: {  	_ =	shalt  }
0x67: {  	_ =	shalt  }
0x68: {  	_ =	shalt  }
0x69: {  	_ =	shalt  }
0x6a: {  	_ =	shalt  }
0x6b: {  	_ =	shalt  }
0x6c: {  	_ =	shalt  }
0x6d: {  	_ =	shalt  }
0x6e: {  	_ =	shalt  }
0x6f: {  	_ =	shalt  }
0x70: {  	_ =	shalt  }
0x71: {  	_ =	shalt  }
0x72: {  	_ =	shalt  }
0x73: {  	_ =	shalt  }
0x74: {  	_ =	shalt  }
0x75: {  	_ =	shalt  }
0x76: {  	_ =	shalt  }
0x77: {  	_ =	shalt  }
0x78: {  	_ =	shalt  }
0x79: {  	_ =	shalt  }
0x7a: {  	_ =	shalt  }
0x7b: {  	_ =	shalt  }
0x7c: {  	_ =	shalt  }
0x7d: {  	_ =	shalt  }
0x7e: {  	_ =	shalt  }
0x7f: {  	_ =	shalt  }
0x80: {  	_ =	shalt  }
0x81: {  	_ =	shalt  }
0x82: {  	_ =	shalt  }
0x83: {  	_ =	shalt  }
0x84: {  	_ =	shalt  }
0x85: {  	_ =	shalt  }
0x86: {  	_ =	shalt  }
0x87: {  	_ =	shalt  }
.Lfunc_end0:
.L_simem_size_0:
called_computation_lowered:
.L_overlay_start_0:
0x88: {  	s2 =	sld [smem:$0x3FD9]  }
0x89: {  	s3 =	sld [smem:$0x3FFE];
	_ =	sdelay $0x1  }
0x8a: {  	s1 =	srdreg.scid  }
0x8b: {  	s0 =	sand.u32 $0x1, s1  }
0x8c: {  	s17 =	sshll.u32 s0, $0xA;
	s2 =	sadd.s32 s3, s2  }
0x8d: {  	s2 =	sadd.s32 s2, s17  }
0x8e: {  	[smem:$0x3FC7] =	sst s2  }
0x8f: {  	_ = 	snop  }
0x90: {  	s2 =	sld [smem:$0x3FC9];
	(tm) =	ssettm $0x1  }
0x91: {  	s18 =	sld [smem:$0x3FFB];
	_ =	sdelay $0x3  }
0x92: {  	_ =	strace s18  }
0x93: {  	s3 =	sld [smem:$0x3FFC];
	_ =	sdelay $0x3  }
0x94: {  	_ =	strace s3  }
0x95: {  	s3 =	sld [smem:$0x3FFD];
	_ =	sdelay $0x3  }
0x96: {  	_ =	strace s3  }
0x97: {  	_ =	strace $0x8FFFFFFF  }
0x98: {  	s19 =	sld [smem:$0x3FDB];
	_ =	sdelay $0x1  }
0x99: {  	s4 =	simm.s32 $_scs_section_size  }
0x9a: {  	s5 =	simm.s32 $_size__tile_overlayer_lowered;
	s6 =	simm.s32 $_tile_overlayer_lowered  }
0x9b: {  	s22 =	simm.s32 $0x1BFF;
	s21 =	sshll.u32 s6, $0x1;
	s3 =	sadd.s32 s4, s19  }
0x9c: {  	s7 =	simm.s32 $0x0;
	s20 =	sshll.u32 s5, $0x1;
	s5 =	sadd.s32 s21, s3  }
0x9d: {  	[timem:s7], [sflag:s22] =	dma.local [hbm:s5], s20  }
0x9e: {  	_ =	swait.ge [sflag:s22], s20  }
0x9f: {  	s4 =	ssub.s32 $0x0, s20;
	[sflag:s22] =	ssyncset.done $0x0  }
0xa0: {  	[sflag:s22] =	ssyncadd.s32 s4;
	_ =	sdelay $0x1  }
0xa1: {  	s23 =	simm.s32 $0x1B8B  }
0xa2: {  	_ =	swait.ge [sflag:s23], $0x1  }
0xa3: {  	[sflag:s23] =	ssyncset.done $0x0  }
0xa4: {  	s25 =	simm.s32 $0x1B8E;
	s24 =	sld [smem:$0x3FFE];
	[sflag:s23] =	ssyncadd.s32 $0xFFFFFFFF  }
0xa5: {  	s26 =	simm.s32 $execute0_lowered;
	[smem:$0x3FD2] =	sst s25  }
0xa6: {  	s5 =	sshll.u32 s26, $0x1;
	_ =	strace $0x80000046;
	[dreg:$0x1] =	wrdreg $0xFFFFFFFF  }
0xa7: {  	s28 =	simm.s32 $_size_execute0_lowered;
	s3 =	sadd.s32 s3, s5;
	[dreg:$0x0] =	wrdreg $0x0  }
0xa8: {  	s5 =	sshll.u32 s28, $0x1;
	[dreg:$0x2] =	wrdreg s3  }
0xa9: {  	[dreg:$0x3] =	wrdreg s5  }
0xaa: {  	[dreg:$0x4] =	wrdreg $0xC0  }
0xab: {  	_ =	task [dreg:s7], $0x5FFFF  }
0xac: {  	[dreg:$0x1] =	wrdreg $0xFFFFFFFF  }
0xad: {  	[dreg:$0x0] =	wrdreg $0x60  }
0xae: {  	[dreg:$0x2] =	wrdreg s2  }
0xaf: {  	[dreg:$0x3] =	wrdreg s24  }
0xb0: {  	[dreg:$0x4] =	wrdreg $0x9  }
0xb1: {  	_ =	task.clear_ibuf [dreg:s7], $0x5FFFF;
	_ =	strace $0x90000046  }
0xb2: {  	s29 =	simm.s32 $0x9;
	_ =	strace $0x80000048  }
0xb3: {  	_ =	swait.ge [sflag:s29], $0x1  }
0xb4: {  	[sflag:s29] =	ssyncadd.s32 $0xFFFFFFFF  }
0xb5: {  	_ =	strace $0x90000048  }
0xb6: {  	_ =	sfence  }
0xb7: {  	s30 =	sld [smem:$0x0];
	_ =	sdelay $0x2  }
0xb8: {  	s31 =	sshll.u32 s1, $0xD;
	s1 =	sshrl.u32 s1, $0x2  }
0xb9: {  	s3 =	sand.u32 $0x4000, s31;
	s1 =	sadd.s32 s1, s30  }
0xba: {  	s0 =	sor.u32 s3, s0;
	s1 =	sshll.u32 s1, $0x11  }
0xbb: {  	s0 =	sor.u32 s1, s0  }
0xbc: {  	s0 =	sadd.s32 $0x8F2B, s0  }
0xbd: {  	[sflag:s0] =	ssyncadd.remote.s32 $0x1  }
0xbe: {  	_ =	sfence.sel $0xFFFF  }
0xbf: {  	[dreg:$0x0] =	wrdreg $0xFFFFFFFF;
	(pc) =	sbr.abs _section_cstart, $3  }
0xc0: {  	[dreg:$0x1] =	wrdreg $0xFFFFFFFF  }
0xc1: {  	_ =	task.clear_ibuf [dreg:s7], $0x2FFFF;
	_ =	strace $0x9FFFFFFF  }
0xc2: {  	(tm) =	ssettm $0x7FFFFFFF  }
0xc3: {  	_ =	shalt  }
tec
execute0_lowered:
.L_overlay_start_1:
0x0: {  	(tag) =	ssettag $0x1  }
0x1: {  	s2 =	rddreg [dreg:$0x0]  }
0x2: {  	s4 =	rddreg [dreg:$0x1]  }
0x3: {  	s0 =	rddreg [dreg:$0x2]  }
0x4: {  	s3 =	simm.s32 $0x0;
	s1 =	stileid.u32;
	s6 =	srdreg.scid  }
0x5: {  	s12 =	simm.s32 $0x2;
	s13 =	simm.s32 $0x10000;
	s14 =	simm.s32 $0x3  }
0x6: {  	s15 =	simm.s32 $0x0;
	[smem:$0x7FF] =	sst s3;
	s5 =	sshll.u32 s1, $0x4  }
0x7: {  	s6 =	sand.u32 $0x1, s6;
	s9 =	sshll.u32 s1, $0x14;
	_ =	strace $0x80000047  }
0x8: {  	s7 =	sand.u32 $0x70, s5;
	s8 =	ssub.s32 $0x2, s6;
	s10 =	sshll.u32 s6, $0x18  }
0x9: {  	s6 =	sshll.u32 s6, $0x8;
	s5 =	sand.u32 $0x80, s5;
	s7 =	sadd.s32 s7, s4  }
.Ltmp0:
0xa: {  	s30 =	sshrl.u32 s8, $0x1;
	s9 =	sor.u32 s9, s10;
	(pc) =	sbr.rel .LBB2_1-.Ltmp0, $4  }
0xb: {  	s31 =	sor.u32 s5, s6;
	s10 =	sshrl.u32 s9, $0x3;
	s11 =	ssub.s32 s8, s30  }
0xc: {  	s6 =	sor.u32 $0x10000, s9;
	s8 =	sadd.s32 s31, s7;
	s7 =	sor.u32 $0x18000, s9  }
0xd: {  	s4 =	sadd.s32 s2, s10;
	s8 =	sadd.s32 $0x800, s8;
	s9 =	smax.u32 s11, $0x1  }
0xe: {  	s10 =	simm.s32 $0x8000;
	s11 =	simm.s32 $0x1;
	s5 =	sadd.s32 $0x1000, s4  }
.LBB2_8:
0xf: {  	v0 =	vadd.f32 v3, v9;
	_ =	sdelay $0x1  }
0x10: {  	v0 =	vadd.f32 v8, v0;
	_ =	sdelay $0x1  }
0x11: {  	v0 =	vadd.f32 v6, v0;
	_ =	sdelay $0x1  }
0x12: {  	(xrf2) =	vadd.scan.msk.f32 $0xffff, v0;
	_ =	sdelay $0x9  }
0x13: {  	v0, _, _ =	vpop (xrf2)  }
0x14: {  	s15 =	sadd.s32 $0x1, s15;
	v0 =	vbroadcast v0, $0xF  }
0x15: {  	p0 =	sne.s32 s15, s9  }
.Ltmp1:
0x16: {  	[tilespmem:$0x10000] =	vst v0;
	(pc) =	sbr.rel @!p0 .LBB2_9-.Ltmp1, $4  }
0x17: {  	[hbm4b:s8+s3] =	stream.linear.scatter [tilespmem:s13], [sflag:$0x3], $0x80, $0x38;
	[tilespmem:$0x10080] =	vst v63  }
0x18: {  	_ =	swait.ge [sflag:s14], $0x80  }
0x19: {  	[sflag:s14] =	ssyncset.done $0x0  }
0x1a: {  	[sflag:s14] =	ssyncadd.s32 $0xFFFFFF80  }
.LBB2_1:
0x1b: {  	[tilespmem:s3], [sflag:$0x1] =	stream.linear.gather [hbm4b:s4+s3], $0x8000, $0x38;
	[tilespmem:$0x10080] =	vst v63  }
0x1c: {  	v6 =	vimm.f32 $0.0e+00;
	s16 =	simm.s32 $0x0  }
0x1d: {  	v8 =	vimm.f32 $0.0e+00;
	v3 =	vimm.f32 $0.0e+00;
	v9 =	vimm.f32 $0.0e+00;
	[tilespmem:s10], [sflag:$0x2] =	stream.linear.gather [hbm4b:s5+s3], $0x8000, $0x38;
	[tilespmem:$0x10080] =	vst v63  }
.LBB2_2:
0x1e: {  	s17 =	simm.s32 $0x0  }
0x1f: {  	_ =	swait.ge [sflag:s11], $0x8000;
	s18 =	simm.s32 $0x0;
	s17 =	sand.u32 $0xF000, s17  }
0x20: {  	s19 =	simm.s32 $0x0;
	s18 =	sand.u32 $0x4000, s18;
	s17 =	sshrl.u32 s17, $0x2  }
0x21: {  	[sflag:s11] =	ssyncset.done $0x0;
	s19 =	sand.u32 $0x380, s19;
	s17 =	sor.u32 s17, s18  }
0x22: {  	[sflag:s11] =	ssyncadd.s32 $0xFFFF8000;
	s19 =	sor.u32 s19, s17  }
0x23: {  	v2 =	vld [tilespmem:s19+$0x40]  }
0x24: {  	v4 =	vld [tilespmem:s19+$0x50]  }
0x25: {  	v10 =	vld [tilespmem:s19+$0x0]  }
0x26: {  	s17 =	simm.s32 $0x1000;
	v12 =	vld [tilespmem:s19+$0x10]  }
0x27: {  	s20 =	simm.s32 $0x80;
	s31 =	sand.u32 $0xF000, s17;
	v13 =	vld [tilespmem:s19+$0x20]  }
0x28: {  	s21 =	simm.s32 $0x8;
	s20 =	sand.u32 $0x4000, s20;
	v14 =	vld [tilespmem:s19+$0x30];
	s18 =	sshrl.u32 s31, $0x2  }
0x29: {  	s21 =	sand.u32 $0x380, s21;
	v5 =	vld [tilespmem:s19+$0x60];
	s18 =	sor.u32 s18, s20  }
0x2a: {  	v7 =	vld [tilespmem:s19+$0x70];
	s18 =	sor.u32 s21, s18  }
0x2b: {  	v1 =	vld [tilespmem:s18+$0x40]  }
0x2c: {  	v0 =	vld [tilespmem:s18+$0x50];
	v11 =	vadd.f32 v10, v9;
	v12 =	vadd.f32 v12, v3  }
0x2d: {  	s19 =	simm.s32 $0x2;
	v3 =	vld [tilespmem:s18+$0x0];
	v9 =	vadd.f32 v13, v8;
	v10 =	vadd.f32 v14, v6  }
.LBB2_3:
0x2e: {  	s19 =	sadd.s32 $0x2, s19;
	v6 =	vld [tilespmem:s18+$0x10];
	s17 =	sadd.s32 $0x1000, s17;
	v8 =	vadd.f32 v2, v11;
	v12 =	vadd.f32 v4, v12  }
0x2f: {  	s20 =	sand.u32 $0xF000, s17;
	s21 =	sshll.u32 s19, $0x6;
	v13 =	vld [tilespmem:s18+$0x20];
	v9 =	vadd.f32 v5, v9;
	v10 =	vadd.f32 v7, v10;
	s22 =	sshll.u32 s19, $0x2  }
0x30: {  	p0 =	slt.u32 s19, $0x1FE;
	s21 =	sand.u32 $0x4000, s21;
	s20 =	sshrl.u32 s20, $0x2;
	v14 =	vld [tilespmem:s18+$0x30];
	v2 =	vmov v1  }
.Ltmp2:
0x31: {  	s22 =	sand.u32 $0x380, s22;
	s20 =	sor.u32 s20, s21;
	v5 =	vld [tilespmem:s18+$0x60];
	v4 =	vmov v0;
	(pc) =	sbr.rel @p0 .LBB2_3-.Ltmp2, $4  }
0x32: {  	v7 =	vld [tilespmem:s18+$0x70];
	s18 =	sor.u32 s22, s20  }
0x33: {  	v1 =	vld [tilespmem:s18+$0x40]  }
0x34: {  	v11 =	vadd.f32 v3, v8;
	v12 =	vadd.f32 v6, v12;
	v0 =	vld [tilespmem:s18+$0x50]  }
0x35: {  	v9 =	vadd.f32 v13, v9;
	v3 =	vld [tilespmem:s18+$0x0];
	v10 =	vadd.f32 v14, v10  }
0x36: {  	v13 =	vld [tilespmem:s18+$0x10]  }
0x37: {  	v14 =	vld [tilespmem:s18+$0x20];
	s17 =	sshll.u32 s16, $0x10;
	p0 =	seq.s32 s16, $0xF  }
0x38: {  	v15 =	vld [tilespmem:s18+$0x30];
	s19 =	sadd.s32 @!p0 s17, s6  }
0x39: {  	v16 =	vld [tilespmem:s18+$0x60];
	s19 =	sshrl.u32 @!p0 s19, $0x3  }
0x3a: {  	v17 =	vld [tilespmem:s18+$0x70];
	s29 =	simm.s32 $0x0;
	s18 =	sadd.s32 @!p0 s2, s19;
	s19 =	simm.s32 @!p0 $0x0  }
0x3b: {  	[tilespmem:s19], [sflag:$0x1] =	stream.linear.gather @!p0 [hbm4b:s18+s19], $0x8000, $0x38;
	[tilespmem:$0x10080] =	vst v63  }
0x3c: {  	s30 =	simm.s32 $0x0;
	s20 =	simm.s32 $0x0;
	s18 =	sand.u32 $0xF000, s29  }
0x3d: {  	s19 =	sand.u32 $0x4000, s30;
	_ =	swait.ge [sflag:s12], $0x8000;
	s18 =	sshrl.u32 s18, $0x2  }
0x3e: {  	s20 =	sand.u32 $0x380, s20;
	[sflag:s12] =	ssyncset.done $0x0;
	s18 =	sor.u32 s18, s19  }
0x3f: {  	[sflag:s12] =	ssyncadd.s32 $0xFFFF8000;
	s20 =	sor.u32 s20, s18  }
0x40: {  	v6 =	vld [tilespmem:s20+$0x8040]  }
0x41: {  	v8 =	vld [tilespmem:s20+$0x8050]  }
0x42: {  	v18 =	vld [tilespmem:s20+$0x8000]  }
0x43: {  	v2 =	vadd.f32 v2, v11;
	v4 =	vadd.f32 v4, v12;
	s18 =	simm.s32 $0x1000;
	v11 =	vld [tilespmem:s20+$0x8010]  }
0x44: {  	s21 =	simm.s32 $0x80;
	v5 =	vadd.f32 v5, v9;
	v7 =	vadd.f32 v7, v10;
	s31 =	sand.u32 $0xF000, s18;
	v62 =	vld [tilespmem:s20+$0x8020]  }
0x45: {  	s22 =	simm.s32 $0x8;
	s21 =	sand.u32 $0x4000, s21;
	v3 =	vadd.f32 v3, v2;
	v4 =	vadd.f32 v13, v4;
	v63 =	vld [tilespmem:s20+$0x8030];
	s19 =	sshrl.u32 s31, $0x2  }
0x46: {  	s22 =	sand.u32 $0x380, s22;
	v5 =	vadd.f32 v14, v5;
	v7 =	vadd.f32 v15, v7;
	v2 =	vld [tilespmem:s20+$0x8060];
	s19 =	sor.u32 s19, s21  }
0x47: {  	v3 =	vadd.f32 v1, v3;
	v10 =	vadd.f32 v0, v4;
	v4 =	vld [tilespmem:s20+$0x8070];
	s19 =	sor.u32 s22, s19  }
0x48: {  	v5 =	vadd.f32 v16, v5;
	v7 =	vadd.f32 v17, v7;
	v1 =	vld [tilespmem:s19+$0x8040]  }
0x49: {  	v0 =	vld [tilespmem:s19+$0x8050];
	v9 =	vadd.f32 v18, v3;
	v10 =	vadd.f32 v11, v10  }
0x4a: {  	s20 =	simm.s32 $0x2;
	v3 =	vld [tilespmem:s19+$0x8000];
	v5 =	vadd.f32 v62, v5;
	v7 =	vadd.f32 v63, v7  }
.LBB2_5:
0x4b: {  	s20 =	sadd.s32 $0x2, s20;
	v11 =	vld [tilespmem:s19+$0x8010];
	s18 =	sadd.s32 $0x1000, s18;
	v9 =	vadd.f32 v6, v9;
	v10 =	vadd.f32 v8, v10  }
0x4c: {  	s21 =	sand.u32 $0xF000, s18;
	s22 =	sshll.u32 s20, $0x6;
	v12 =	vld [tilespmem:s19+$0x8020];
	v5 =	vadd.f32 v2, v5;
	v7 =	vadd.f32 v4, v7;
	s23 =	sshll.u32 s20, $0x2  }
0x4d: {  	p1 =	slt.u32 s20, $0x1FE;
	s22 =	sand.u32 $0x4000, s22;
	s21 =	sshrl.u32 s21, $0x2;
	v13 =	vld [tilespmem:s19+$0x8030];
	v6 =	vmov v1  }
.Ltmp3:
0x4e: {  	s23 =	sand.u32 $0x380, s23;
	s21 =	sor.u32 s21, s22;
	v2 =	vld [tilespmem:s19+$0x8060];
	v8 =	vmov v0;
	(pc) =	sbr.rel @p1 .LBB2_5-.Ltmp3, $4  }
0x4f: {  	v4 =	vld [tilespmem:s19+$0x8070];
	s19 =	sor.u32 s23, s21  }
0x50: {  	v1 =	vld [tilespmem:s19+$0x8040]  }
0x51: {  	v9 =	vadd.f32 v3, v9;
	v10 =	vadd.f32 v11, v10;
	v0 =	vld [tilespmem:s19+$0x8050]  }
0x52: {  	v5 =	vadd.f32 v12, v5;
	v3 =	vld [tilespmem:s19+$0x8000];
	v7 =	vadd.f32 v13, v7  }
0x53: {  	v11 =	vld [tilespmem:s19+$0x8010]  }
0x54: {  	v12 =	vld [tilespmem:s19+$0x8020]  }
0x55: {  	v13 =	vld [tilespmem:s19+$0x8030]  }
0x56: {  	v14 =	vld [tilespmem:s19+$0x8060]  }
0x57: {  	v6 =	vadd.f32 v6, v9;
	v8 =	vadd.f32 v8, v10;
	v10 =	vld [tilespmem:s19+$0x8070]  }
.Ltmp4:
0x58: {  	v2 =	vadd.f32 v2, v5;
	v4 =	vadd.f32 v4, v7;
	(pc) =	sbr.rel @p0 .LBB2_8-.Ltmp4, $4  }
0x59: {  	v3 =	vadd.f32 v3, v6;
	v5 =	vadd.f32 v11, v8  }
0x5a: {  	v2 =	vadd.f32 v12, v2;
	v4 =	vadd.f32 v13, v4  }
0x5b: {  	v9 =	vadd.f32 v1, v3;
	v3 =	vadd.f32 v0, v5  }
0x5c: {  	v8 =	vadd.f32 v14, v2;
	v6 =	vadd.f32 v10, v4  }
.Ltmp5:
0x5d: {  	(pc) =	sbr.rel .LBB2_2-.Ltmp5, $4  }
0x5e: {  	s17 =	sadd.s32 s17, s7  }
0x5f: {  	s17 =	sshrl.u32 s17, $0x3  }
0x60: {  	s16 =	sadd.s32 $0x1, s16;
	s17 =	sadd.s32 s2, s17  }
0x61: {  	[tilespmem:s10], [sflag:$0x2] =	stream.linear.gather [hbm4b:s17+s3], $0x8000, $0x38;
	[tilespmem:$0x10080] =	vst v63  }
.LBB2_9:
0x62: {  	_ =	sfence.sel $0x180000  }
0x63: {  	[bflag:$0x0] =	sbarrier.arrive $0xFFFF  }
0x64: {  	p0 =	sne.s32 s1, $0x0;
	_ =	strace $0x90000047  }
0x65: {  	s0 =	sadd.s32 @!p0 $0x100000, s0;
	[bflag:$0x2] =	sbarrier.arrive $0xFFFF  }
0x66: {  	[sflag:s0] =	ssyncadd.tile.s32 @!p0 $0x1;
	_ =	shalt  }
.Lfunc_end2:
_tile_overlayer_lowered:
.L_overlay_start_2:
0x67: {  	(tag) =	ssettag $0x2  }
0x68: {  	s0 =	rddreg [dreg:$0x0];
	s2 =	stileid.u32  }
0x69: {  	s1 =	rddreg [dreg:$0x1];
	p0 =	sne.s32 s2, $0x0  }
0x6a: {  	s3 =	rddreg [dreg:$0x2];
	[bflag:$0x3] =	sbarrier.arrive $0xFFFF;
	s2 =	simm.s32 @!p0 $0x1C03  }
0x6b: {  	[timem:s3], [sflag:s2] =	dma.local @!p0 [hbm:s0], s1  }
0x6c: {  	s0 =	simm.s32 @!p0 $0x3  }
0x6d: {  	_ =	swait.ge @!p0 [sflag:s0], s1  }
0x6e: {  	s1 =	ssub.s32 @!p0 $0x0, s1;
	[sflag:s0] =	ssyncset.done @!p0 $0x0  }
0x6f: {  	[sflag:s0] =	ssyncadd.s32 @!p0 s1  }
0x70: {  	[bflag:$0x3] =	sbarrier.arrive $0xFFFF  }
0x71: {  	_ =	shalt  }

// kernel: kernel.7.cloned.1.call-start
scs
__scs_entry_jumppad:
0x0: {  	(pc) =	sbr.rel $0x88, $3  }
0x1: {  	(tag) =	ssettag $0x0;
	lr =	simm.s32 $0x1  }
0x2: {  	[smem:$0x3FA0] =	sst lr;
	_ =	strace $0xD0000000  }
0x3: {  	_ = 	snop  }
0x4: {  	_ = 	snop  }
0x5: {  	_ = 	snop  }
0x6: {  	_ = 	snop  }
0x7: {  	_ = 	snop  }
__scs_overlays_trampoline_lowered:
0x8: {  	[smem:$0x3FAF] =	sst s0  }
0x9: {  	[smem:$0x3FB0] =	sst s1  }
0xa: {  	[smem:$0x3FB1] =	sst s2  }
0xb: {  	[smem:$0x3FB2] =	sst s3  }
0xc: {  	[smem:$0x3FB3] =	sst s4  }
0xd: {  	[smem:$0x3FB4] =	sst s5  }
0xe: {  	[smem:$0x3FB5] =	sst s6  }
0xf: {  	[smem:$0x3FB6] =	sst s7  }
0x10: {  	[smem:$0x3FB7] =	sst s8  }
0x11: {  	[smem:$0x3FB8] =	sst s9;
	s0 =	simm.s32 @!p0 $0x0  }
0x12: {  	s1 =	sld [smem:$0x3F9E];
	s0 =	simm.s32 @p0 $0x1  }
0x13: {  	[smem:$0x3FB9] =	sst s0;
	s0 =	simm.s32 @!p1 $0x0  }
0x14: {  	s2 =	sld [smem:$0x3F9D];
	s0 =	simm.s32 @p1 $0x1  }
0x15: {  	[smem:$0x3FBA] =	sst s0;
	s0 =	simm.s32 @!p2 $0x0  }
0x16: {  	s3 =	sld [smem:$0x3FDB];
	s0 =	simm.s32 @p2 $0x1  }
0x17: {  	s4 =	simm.s32 $0x1BF5;
	[smem:$0x3FBC] =	sst s0  }
0x18: {  	s0 =	sld [smem:$0x3F9F];
	_ =	swait.ge [sflag:s4], $0x0  }
0x19: {  	s7 =	sld [smem:$0x3FA0]  }
0x1a: {  	s8 =	sadd.s32 $0xFFFFE003, lr  }
0x1b: {  	s9 =	sadd.s32 $0xFFFFFEF7, lr;
	s5 =	simm.s32 $0xFFFFFFFF;
	p2 =	slt.u32 s8, $0xFFFFF086  }
0x1c: {  	p1 =	slt.u32 s9, $0xF7A;
	s5 =	simm.s32 @!p2 $0x0  }
0x1d: {  	s5 =	simm.s32 @p1 $0x1;
	p0 =	seq.s32 s7, s2  }
0x1e: {  	s7 =	smul.u32 @!p0 $0xF7A, s2;
	p2 =	seq.s32 @!p0 s5, $0x0  }
0x1f: {  	s9 =	smul.u32 $0xF7A, s1;
	s8 =	simm.s32 @!p0 $0x1BF5;
	p2 =	por !p2, p0  }
0x20: {  	[sflag:s8] =	ssyncset.s32 @!p0 $0xFFFFF086;
	s6 =	sadd.s32 @!p0 s3, s7;
	s7 =	simm.s32 @!p0 $0x108  }
0x21: {  	s3 =	sadd.s32 s3, s9;
	s6 =	sadd.s32 @!p0 $0x88, s6;
	s7 =	simm.s32 @p2 $0x1082  }
0x22: {  	[simem:s7], [sflag:s8] =	dma.local @!p0 [hbm:s6], $0xF7A  }
0x23: {  	s9 =	sor.u32 $0xD0000000, s2;
	s6 =	simm.s32 $0x108;
	_ =	swait.ge @!p0 [sflag:s8], $0x0  }
0x24: {  	s3 =	sadd.s32 $0x88, s3;
	s6 =	simm.s32 @!p1 $0x1082;
	[sflag:s4] =	ssyncset.s32 $0xFFFFF086  }
0x25: {  	[simem:s6], [sflag:s4] =	dma.local [hbm:s3], $0xF7A  }
0x26: {  	[smem:$0x3FA0] =	sst s1;
	(tag) =	ssettag s2;
	_ =	strace s9  }
0x27: {  	s1 =	sld [smem:$0x3FB0]  }
0x28: {  	s2 =	sld [smem:$0x3FB1]  }
0x29: {  	s4 =	sld [smem:$0x3FB3]  }
0x2a: {  	p0 =	seq.s32 s5, $0x0;
	s5 =	sld [smem:$0x3FB4]  }
0x2b: {  	s6 =	sld [smem:$0x3FB5]  }
0x2c: {  	s7 =	sld [smem:$0x3FB6]  }
0x2d: {  	s3 =	simm.s32 $0x108;
	s8 =	sld [smem:$0x3FB7]  }
0x2e: {  	s3 =	simm.s32 @!p0 $0x1082;
	s9 =	sld [smem:$0x3FB8]  }
0x2f: {  	lr =	sadd.s32 s0, s3;
	s0 =	sld [smem:$0x3FAF]  }
0x30: {  	s3 =	sld [smem:$0x3FB2]  }
0x31: {  	[smem:$0x3FBB] =	sst s10  }
0x32: {  	s10 =	sld [smem:$0x3FB9];
	_ =	sdelay $0x3  }
0x33: {  	p0 =	seq.s32 s10, $0x1;
	s10 =	sld [smem:$0x3FBB];
	_ =	sdelay $0x3  }
0x34: {  	[smem:$0x3FBB] =	sst s10  }
0x35: {  	s10 =	sld [smem:$0x3FBA];
	_ =	sdelay $0x3  }
0x36: {  	p1 =	seq.s32 s10, $0x1;
	s10 =	sld [smem:$0x3FBB];
	_ =	sdelay $0x3  }
0x37: {  	[smem:$0x3FBB] =	sst s10  }
0x38: {  	s10 =	sld [smem:$0x3FBC]  }
0x39: {  	_ = 	snop;
	(pc) =	sbr.ind lr, $3  }
0x3a: {  	_ = 	snop  }
0x3b: {  	_ = 	snop  }
0x3c: {  	p2 =	seq.s32 s10, $0x1;
	s10 =	sld [smem:$0x3FBB]  }
0x3d: {  	_ =	shalt  }
0x3e: {  	_ =	shalt  }
0x3f: {  	_ =	shalt  }
0x40: {  	_ =	shalt  }
0x41: {  	_ =	shalt  }
0x42: {  	_ =	shalt  }
0x43: {  	_ =	shalt  }
0x44: {  	_ =	shalt  }
0x45: {  	_ =	shalt  }
0x46: {  	_ =	shalt  }
0x47: {  	_ =	shalt  }
0x48: {  	_ =	shalt  }
0x49: {  	_ =	shalt  }
0x4a: {  	_ =	shalt  }
0x4b: {  	_ =	shalt  }
0x4c: {  	_ =	shalt  }
0x4d: {  	_ =	shalt  }
0x4e: {  	_ =	shalt  }
0x4f: {  	_ =	shalt  }
0x50: {  	_ =	shalt  }
0x51: {  	_ =	shalt  }
0x52: {  	_ =	shalt  }
0x53: {  	_ =	shalt  }
0x54: {  	_ =	shalt  }
0x55: {  	_ =	shalt  }
0x56: {  	_ =	shalt  }
0x57: {  	_ =	shalt  }
0x58: {  	_ =	shalt  }
0x59: {  	_ =	shalt  }
0x5a: {  	_ =	shalt  }
0x5b: {  	_ =	shalt  }
0x5c: {  	_ =	shalt  }
0x5d: {  	_ =	shalt  }
0x5e: {  	_ =	shalt  }
0x5f: {  	_ =	shalt  }
0x60: {  	_ =	shalt  }
0x61: {  	_ =	shalt  }
0x62: {  	_ =	shalt  }
0x63: {  	_ =	shalt  }
0x64: {  	_ =	shalt  }
0x65: {  	_ =	shalt  }
0x66: {  	_ =	shalt  }
0x67: {  	_ =	shalt  }
0x68: {  	_ =	shalt  }
0x69: {  	_ =	shalt  }
0x6a: {  	_ =	shalt  }
0x6b: {  	_ =	shalt  }
0x6c: {  	_ =	shalt  }
0x6d: {  	_ =	shalt  }
0x6e: {  	_ =	shalt  }
0x6f: {  	_ =	shalt  }
0x70: {  	_ =	shalt  }
0x71: {  	_ =	shalt  }
0x72: {  	_ =	shalt  }
0x73: {  	_ =	shalt  }
0x74: {  	_ =	shalt  }
0x75: {  	_ =	shalt  }
0x76: {  	_ =	shalt  }
0x77: {  	_ =	shalt  }
0x78: {  	_ =	shalt  }
0x79: {  	_ =	shalt  }
0x7a: {  	_ =	shalt  }
0x7b: {  	_ =	shalt  }
0x7c: {  	_ =	shalt  }
0x7d: {  	_ =	shalt  }
0x7e: {  	_ =	shalt  }
0x7f: {  	_ =	shalt  }
0x80: {  	_ =	shalt  }
0x81: {  	_ =	shalt  }
0x82: {  	_ =	shalt  }
0x83: {  	_ =	shalt  }
0x84: {  	_ =	shalt  }
0x85: {  	_ =	shalt  }
0x86: {  	_ =	shalt  }
0x87: {  	_ =	shalt  }
.Lfunc_end0:
.L_simem_size_0:
called_computation.1_lowered:
.L_overlay_start_0:
0x88: {  	s2 =	sld [smem:$0x3FD9]  }
0x89: {  	s3 =	sld [smem:$0x3FFE];
	_ =	sdelay $0x1  }
0x8a: {  	s1 =	srdreg.scid  }
0x8b: {  	s0 =	sand.u32 $0x1, s1  }
0x8c: {  	s17 =	sshll.u32 s0, $0xA;
	s2 =	sadd.s32 s3, s2  }
0x8d: {  	s2 =	sadd.s32 s2, s17  }
0x8e: {  	[smem:$0x3FC7] =	sst s2  }
0x8f: {  	_ = 	snop  }
0x90: {  	s2 =	sld [smem:$0x3FC9]  }
0x91: {  	s18 =	sld [smem:$0x3FD0];
	(tm) =	ssettm $0x1  }
0x92: {  	s4 =	sld [smem:$0x3FFB];
	_ =	sdelay $0x3  }
0x93: {  	_ =	strace s4  }
0x94: {  	s4 =	sld [smem:$0x3FFC];
	_ =	sdelay $0x3  }
0x95: {  	_ =	strace s4  }
0x96: {  	s4 =	sld [smem:$0x3FFD];
	_ =	sdelay $0x3  }
0x97: {  	_ =	strace s4  }
0x98: {  	_ =	strace $0x8FFFFFFF  }
0x99: {  	s19 =	sld [smem:$0x3FDB];
	_ =	sdelay $0x1  }
0x9a: {  	s5 =	simm.s32 $_scs_section_size  }
0x9b: {  	s6 =	simm.s32 $_size__tile_overlayer_lowered;
	s7 =	simm.s32 $_tile_overlayer_lowered  }
0x9c: {  	s22 =	simm.s32 $0x1BFF;
	s21 =	sshll.u32 s7, $0x1;
	s4 =	sadd.s32 s5, s19  }
0x9d: {  	s8 =	simm.s32 $0x0;
	s20 =	sshll.u32 s6, $0x1;
	s6 =	sadd.s32 s21, s4  }
0x9e: {  	[timem:s8], [sflag:s22] =	dma.local [hbm:s6], s20  }
0x9f: {  	_ =	swait.ge [sflag:s22], s20  }
0xa0: {  	s5 =	ssub.s32 $0x0, s20;
	[sflag:s22] =	ssyncset.done $0x0  }
0xa1: {  	[sflag:s22] =	ssyncadd.s32 s5;
	_ =	sdelay $0x1  }
0xa2: {  	s23 =	simm.s32 $0x1B8B  }
0xa3: {  	_ =	swait.ge [sflag:s23], $0x1  }
0xa4: {  	[sflag:s23] =	ssyncset.done $0x0  }
0xa5: {  	s25 =	simm.s32 $0x1B8E;
	s24 =	sld [smem:$0x3FFE];
	[sflag:s23] =	ssyncadd.s32 $0xFFFFFFFF  }
0xa6: {  	s26 =	simm.s32 $execute0_lowered;
	[smem:$0x3FD2] =	sst s25  }
0xa7: {  	s6 =	sshll.u32 s26, $0x1;
	_ =	strace $0x80000049;
	[dreg:$0x1] =	wrdreg $0xFFFFFFFF  }
0xa8: {  	s28 =	simm.s32 $_size_execute0_lowered;
	s4 =	sadd.s32 s4, s6;
	[dreg:$0x0] =	wrdreg $0x0  }
0xa9: {  	s6 =	sshll.u32 s28, $0x1;
	[dreg:$0x2] =	wrdreg s4  }
0xaa: {  	[dreg:$0x3] =	wrdreg s6  }
0xab: {  	[dreg:$0x4] =	wrdreg $0xC0  }
0xac: {  	_ =	task [dreg:s8], $0x5FFFF  }
0xad: {  	[dreg:$0x1] =	wrdreg $0xFFFFFFFF  }
0xae: {  	[dreg:$0x0] =	wrdreg $0x60  }
0xaf: {  	[dreg:$0x2] =	wrdreg s2  }
0xb0: {  	[dreg:$0x3] =	wrdreg s24  }
0xb1: {  	[dreg:$0x4] =	wrdreg s18  }
0xb2: {  	[dreg:$0x5] =	wrdreg $0x9  }
0xb3: {  	_ =	task.clear_ibuf [dreg:s8], $0x6FFFF;
	_ =	strace $0x90000049  }
0xb4: {  	s29 =	simm.s32 $0x9;
	_ =	strace $0x8000004B  }
0xb5: {  	_ =	swait.ge [sflag:s29], $0x1  }
0xb6: {  	[sflag:s29] =	ssyncadd.s32 $0xFFFFFFFF  }
0xb7: {  	_ =	strace $0x9000004B  }
0xb8: {  	_ =	sfence  }
0xb9: {  	s30 =	sld [smem:$0x0];
	_ =	sdelay $0x2  }
0xba: {  	s31 =	sshll.u32 s1, $0xD;
	s1 =	sshrl.u32 s1, $0x2  }
0xbb: {  	s3 =	sand.u32 $0x4000, s31;
	s1 =	sadd.s32 s1, s30  }
0xbc: {  	s0 =	sor.u32 s3, s0;
	s1 =	sshll.u32 s1, $0x11  }
0xbd: {  	s0 =	sor.u32 s1, s0  }
0xbe: {  	s0 =	sadd.s32 $0x8F2B, s0  }
0xbf: {  	[sflag:s0] =	ssyncadd.remote.s32 $0x1  }
0xc0: {  	_ =	sfence.sel $0xFFFF  }
0xc1: {  	[dreg:$0x0] =	wrdreg $0xFFFFFFFF;
	(pc) =	sbr.abs _section_cstart, $3  }
0xc2: {  	[dreg:$0x1] =	wrdreg $0xFFFFFFFF  }
0xc3: {  	_ =	task.clear_ibuf [dreg:s8], $0x2FFFF;
	_ =	strace $0x9FFFFFFF  }
0xc4: {  	(tm) =	ssettm $0x7FFFFFFF  }
0xc5: {  	_ =	shalt  }
tec
execute0_lowered:
.L_overlay_start_1:
0x0: {  	(tag) =	ssettag $0x1  }
0x1: {  	s1 =	rddreg [dreg:$0x0]  }
0x2: {  	s0 =	rddreg [dreg:$0x1]  }
0x3: {  	s2 =	rddreg [dreg:$0x2]  }
0x4: {  	s4 =	simm.s32 $0x0;
	s3 =	srdreg.scid;
	s8 =	stileid.u32  }
0x5: {  	s18 =	simm.s32 $0x4000;
	s19 =	simm.s32 $0x8000;
	s20 =	simm.s32 $0x1  }
0x6: {  	s21 =	simm.s32 $0x10400;
	s22 =	simm.s32 $0x10800;
	s23 =	simm.s32 $0xC000  }
0x7: {  	s28 =	simm.s32 $0x6;
	s29 =	simm.s32 $0x4;
	[smem:$0x7FF] =	sst s4  }
0x8: {  	s3 =	sand.u32 $0x1, s3;
	s5 =	sshll.u32 s8, $0x14;
	s0 =	sadd.s32 $0x800, s0  }
0x9: {  	_ =	strace $0x8000004A;
	s6 =	sshll.u32 s3, $0x18;
	[dreg:$0x4] =	wrdreg s0  }
0xa: {  	s24 =	ssub.s32 $0x2, s3;
	s3 =	sshll.u32 s3, $0x4;
	s6 =	sor.u32 s5, s6  }
0xb: {  	v0 =	vlaneseq.u32;
	v4 =	vimm.s32 $0xF;
	s25 =	sshrl.u32 s24, $0x1;
	s3 =	sor.u32 s8, s3;
	s7 =	sshrl.u32 s6, $0x3  }
0xc: {  	v5 =	vimm.s32 $0x0;
	v6 =	vimm.s32 $0x1;
	v7 =	vimm.s32 $0x2;
	s0 =	ssub.s32 s24, s25;
	s30 =	sor.u32 $0x8000, s6;
	s31 =	sor.u32 $0xC000, s6  }
0xd: {  	v8 =	vimm.s32 $0x3;
	v9 =	vimm.s32 $0x4;
	v10 =	vimm.s32 $0x5;
	s11 =	sor.u32 $0x4000, s6;
	s12 =	sor.u32 $0x10000, s6;
	[dreg:$0x7] =	wrdreg s30  }
0xe: {  	v11 =	vimm.s32 $0x6;
	v12 =	vimm.s32 $0x7;
	v13 =	vimm.s32 $0x8;
	s13 =	sor.u32 $0x14000, s6;
	s26 =	sadd.s32 s1, s7;
	[dreg:$0x8] =	wrdreg s31  }
0xf: {  	v14 =	vimm.s32 $0x9;
	v15 =	vimm.s32 $0xA;
	v1 =	vmul.u32 $0x80, v0;
	s24 =	simm.s32 $0x2;
	s0 =	smax.u32 s0, $0x1;
	[dreg:$0x5] =	wrdreg s26  }
0x10: {  	v16 =	vimm.s32 $0xB;
	v17 =	vimm.s32 $0xC;
	v18 =	vimm.s32 $0xD;
	s25 =	simm.s32 $0x5;
	s5 =	sadd.s32 $0x800, s26;
	[dreg:$0x9] =	wrdreg s0  }
0x11: {  	v19 =	vimm.s32 $0xE;
	v3 =	vor.u32 $0x800, v1;
	v2 =	vmov s3;
	s26 =	simm.s32 $0x3;
	[dreg:$0x6] =	wrdreg s5;
	s5 =	simm.s32 $0x0  }
.LBB2_1:
0x12: {  	[dreg:$0xa] =	wrdreg s5  }
0x13: {  	s0 =	rddreg [dreg:$0x4];
	s3 =	simm.s32 $0x10880;
	s16 =	simm.s32 $0x9  }
0x14: {  	[tilespmem:s3], [sflag:$0x9] =	stream.linear.gather [hbm4b:s0+s4], $0x1000, $0x38;
	[tilespmem:$0x11900] =	vst v63  }
0x15: {  	_ =	swait.ge [sflag:s16], $0x1000  }
0x16: {  	[sflag:s16] =	ssyncset.done $0x0  }
0x17: {  	[sflag:s16] =	ssyncadd.s32 $0xFFFFF000  }
0x18: {  	v20 =	vld.idx.msk [tilespmem:v1+s3+$0x0], $0xffff;
	_ =	sdelay $0x1  }
0x19: {  	v21 =	vld.idx.msk [tilespmem:v3+s3+$0x0], $0xffff;
	_ =	sdelay $0x2  }
0x1a: {  	(xrf2) =	vadd.scan.msk.f32 $0xffff, v20;
	_ =	sdelay $0x1  }
0x1b: {  	(xrf2) =	vadd.scan.msk.f32 $0xffff, v21;
	_ =	sdelay $0x7  }
0x1c: {  	v22, _, _ =	vpop (xrf2)  }
0x1d: {  	v23 =	vperm.xlane v22, v4  }
0x1e: {  	v24, _, _ =	vpop (xrf2)  }
0x1f: {  	v23 =	vadd.f32 v24, v23  }
0x20: {  	v20 =	vsub.f32 v22, v20  }
0x21: {  	v21 =	vsub.f32 v23, v21  }
0x22: {  	[tilespmem:$0x11880] =	vst v20  }
0x23: {  	s17 =	simm.s32 $0x11880;
	s30 =	rddreg [dreg:$0x5];
	[tilespmem:$0x11890] =	vst v21  }
0x24: {  	v23 =	vld.idx.msk [tilespmem:v2+s17+$0x0], $0xffff;
	[tilespmem:s4], [sflag:$0x1] =	stream.linear.gather [hbm4b:s30+s4], $0x4000, $0x38  }
0x25: {  	s31 =	rddreg [dreg:$0x6];
	s3 =	simm.s32 $0x0  }
0x26: {  	[tilespmem:s18], [sflag:$0x2] =	stream.linear.gather [hbm4b:s31+s4], $0x4000, $0x38;
	[tilespmem:$0x11900] =	vst v63  }
.LBB2_2:
0x27: {  	p0 =	seq.s32 s3, $0x0  }
0x28: {  	s7 =	simm.s32 @!p0 $0x7  }
0x29: {  	_ =	swait.ge @!p0 [sflag:s7], $0x4000  }
0x2a: {  	s17 =	sshll.u32 s3, $0x10;
	s0 =	rddreg [dreg:$0x7]  }
0x2b: {  	s5 =	sadd.s32 s0, s17  }
0x2c: {  	[sflag:s7] =	ssyncset.done @!p0 $0x0;
	s5 =	sshrl.u32 s5, $0x3  }
0x2d: {  	[sflag:s7] =	ssyncadd.s32 @!p0 $0xFFFFC000;
	s7 =	simm.s32 $0x0;
	s8 =	sadd.s32 s1, s5  }
0x2e: {  	[tilespmem:s19], [sflag:$0x3] =	stream.linear.gather [hbm4b:s8+s7], $0x4000, $0x38;
	[tilespmem:$0x11900] =	vst v63  }
0x2f: {  	_ =	swait.ge [sflag:s20], $0x4000  }
0x30: {  	s14 =	simm.s32 $0x0;
	[sflag:s20] =	ssyncset.done $0x0  }
0x31: {  	s15 =	simm.s32 $0x0;
	s8 =	simm.s32 $0xFFFFFFFC;
	[sflag:s20] =	ssyncadd.s32 $0xFFFFC000  }
.LBB2_3:
0x32: {  	s16 =	sshrl.u32 s15, $0x2  }
0x33: {  	s30 =	sand.u32 $0x380, s14;
	s16 =	sand.u32 $0x2000, s16  }
0x34: {  	s16 =	sor.u32 s30, s16  }
0x35: {  	v20 =	vld [tilespmem:s16+$0x0]  }
0x36: {  	v21 =	vld [tilespmem:s16+$0x10]  }
0x37: {  	v22 =	vld [tilespmem:s16+$0x20]  }
0x38: {  	v24 =	vld [tilespmem:s16+$0x30]  }
0x39: {  	v25 =	vld [tilespmem:s16+$0x40]  }
0x3a: {  	(xrf2) =	vadd.scan.msk.f32 $0xffff, v20;
	v20 =	vld [tilespmem:s16+$0x50]  }
0x3b: {  	(xrf2) =	vadd.scan.msk.f32 $0xffff, v21;
	v21 =	vld [tilespmem:s16+$0x60]  }
0x3c: {  	(xrf2) =	vadd.scan.msk.f32 $0xffff, v22;
	v22 =	vld [tilespmem:s16+$0x70]  }
0x3d: {  	v63 =	vld [tilespmem:s16+$0x400];
	(xrf2) =	vadd.scan.msk.f32 $0xffff, v24  }
0x3e: {  	v28 =	vld [tilespmem:s16+$0x410];
	(xrf2) =	vadd.scan.msk.f32 $0xffff, v25  }
0x3f: {  	(xrf2) =	vadd.scan.msk.f32 $0xffff, v20;
	v20 =	vld [tilespmem:s16+$0x420]  }
0x40: {  	(xrf2) =	vadd.scan.msk.f32 $0xffff, v21;
	v21 =	vld [tilespmem:s16+$0x430]  }
0x41: {  	(xrf2) =	vadd.scan.msk.f32 $0xffff, v22;
	v22 =	vld [tilespmem:s16+$0x440]  }
0x42: {  	v29 =	vld [tilespmem:s16+$0x450];
	(xrf2) =	vadd.scan.msk.f32 $0xffff, v63  }
0x43: {  	v30 =	vld [tilespmem:s16+$0x460];
	(xrf2) =	vadd.scan.msk.f32 $0xffff, v28  }
0x44: {  	v26, _, _ =	vpop (xrf2);
	(xrf2) =	vadd.scan.msk.f32 $0xffff, v20;
	v20 =	vld [tilespmem:s16+$0x470]  }
0x45: {  	[tilespmem:s16+$0x0] =	vst v26;
	v31, _, _ =	vpop (xrf2);
	(xrf2) =	vadd.scan.msk.f32 $0xffff, v21;
	v21 =	vld [tilespmem:s16+$0x800]  }
0x46: {  	[tilespmem:s16+$0x10] =	vst v31;
	v32, _, _ =	vpop (xrf2);
	(xrf2) =	vadd.scan.msk.f32 $0xffff, v22;
	v22 =	vld [tilespmem:s16+$0x810]  }
0x47: {  	v34 =	vld [tilespmem:s16+$0x820];
	[tilespmem:s16+$0x20] =	vst v32;
	v33, _, _ =	vpop (xrf2);
	(xrf2) =	vadd.scan.msk.f32 $0xffff, v29  }
0x48: {  	v36 =	vld [tilespmem:s16+$0x830];
	[tilespmem:s16+$0x30] =	vst v33;
	v35, _, _ =	vpop (xrf2);
	(xrf2) =	vadd.scan.msk.f32 $0xffff, v30  }
0x49: {  	[tilespmem:s16+$0x40] =	vst v35;
	v37, _, _ =	vpop (xrf2);
	(xrf2) =	vadd.scan.msk.f32 $0xffff, v20;
	v20 =	vld [tilespmem:s16+$0x840]  }
0x4a: {  	[tilespmem:s16+$0x50] =	vst v37;
	v38, _, _ =	vpop (xrf2);
	(xrf2) =	vadd.scan.msk.f32 $0xffff, v21;
	v21 =	vld [tilespmem:s16+$0x850]  }
0x4b: {  	[tilespmem:s16+$0x60] =	vst v38;
	v39, _, _ =	vpop (xrf2);
	(xrf2) =	vadd.scan.msk.f32 $0xffff, v22;
	v22 =	vld [tilespmem:s16+$0x860]  }
0x4c: {  	v41 =	vld [tilespmem:s16+$0x870];
	[tilespmem:s16+$0x70] =	vst v39;
	v40, _, _ =	vpop (xrf2);
	(xrf2) =	vadd.scan.msk.f32 $0xffff, v34  }
0x4d: {  	v43 =	vld [tilespmem:s16+$0xC00];
	[tilespmem:s16+$0x400] =	vst v40;
	v42, _, _ =	vpop (xrf2);
	(xrf2) =	vadd.scan.msk.f32 $0xffff, v36  }
0x4e: {  	[tilespmem:s16+$0x410] =	vst v42;
	v44, _, _ =	vpop (xrf2);
	(xrf2) =	vadd.scan.msk.f32 $0xffff, v20;
	v20 =	vld [tilespmem:s16+$0xC10]  }
0x4f: {  	[tilespmem:s16+$0x420] =	vst v44;
	v45, _, _ =	vpop (xrf2);
	(xrf2) =	vadd.scan.msk.f32 $0xffff, v21;
	v21 =	vld [tilespmem:s16+$0xC20]  }
0x50: {  	[tilespmem:s16+$0x430] =	vst v45;
	v46, _, _ =	vpop (xrf2);
	(xrf2) =	vadd.scan.msk.f32 $0xffff, v22;
	v22 =	vld [tilespmem:s16+$0xC30]  }
0x51: {  	v48 =	vld [tilespmem:s16+$0xC40];
	[tilespmem:s16+$0x440] =	vst v46;
	v47, _, _ =	vpop (xrf2);
	(xrf2) =	vadd.scan.msk.f32 $0xffff, v41  }
0x52: {  	v50 =	vld [tilespmem:s16+$0xC50];
	[tilespmem:s16+$0x450] =	vst v47;
	v49, _, _ =	vpop (xrf2);
	(xrf2) =	vadd.scan.msk.f32 $0xffff, v43  }
0x53: {  	[tilespmem:s16+$0x460] =	vst v49;
	v51, _, _ =	vpop (xrf2);
	(xrf2) =	vadd.scan.msk.f32 $0xffff, v20;
	v20 =	vld [tilespmem:s16+$0xC60]  }
0x54: {  	[tilespmem:s16+$0x470] =	vst v51;
	v52, _, _ =	vpop (xrf2);
	(xrf2) =	vadd.scan.msk.f32 $0xffff, v21;
	v21 =	vld [tilespmem:s16+$0xC70]  }
0x55: {  	[tilespmem:s16+$0x800] =	vst v52;
	v53, _, _ =	vpop (xrf2);
	(xrf2) =	vadd.scan.msk.f32 $0xffff, v22;
	v22 =	vld [tilespmem:s16+$0x1000]  }
0x56: {  	v55 =	vld [tilespmem:s16+$0x1010];
	[tilespmem:s16+$0x810] =	vst v53;
	v54, _, _ =	vpop (xrf2);
	(xrf2) =	vadd.scan.msk.f32 $0xffff, v48  }
0x57: {  	v57 =	vld [tilespmem:s16+$0x1020];
	[tilespmem:s16+$0x820] =	vst v54;
	v56, _, _ =	vpop (xrf2);
	(xrf2) =	vadd.scan.msk.f32 $0xffff, v50  }
0x58: {  	[tilespmem:s16+$0x830] =	vst v56;
	v58, _, _ =	vpop (xrf2);
	(xrf2) =	vadd.scan.msk.f32 $0xffff, v20;
	v20 =	vld [tilespmem:s16+$0x1030]  }
0x59: {  	[tilespmem:s16+$0x840] =	vst v58;
	v59, _, _ =	vpop (xrf2);
	(xrf2) =	vadd.scan.msk.f32 $0xffff, v21;
	v21 =	vld [tilespmem:s16+$0x1040]  }
0x5a: {  	[tilespmem:s16+$0x850] =	vst v59;
	v60, _, _ =	vpop (xrf2);
	(xrf2) =	vadd.scan.msk.f32 $0xffff, v22;
	v22 =	vld [tilespmem:s16+$0x1050]  }
0x5b: {  	v62 =	vld [tilespmem:s16+$0x1060];
	[tilespmem:s16+$0x860] =	vst v60;
	v61, _, _ =	vpop (xrf2);
	(xrf2) =	vadd.scan.msk.f32 $0xffff, v55  }
0x5c: {  	v28 =	vld [tilespmem:s16+$0x1070];
	[tilespmem:s16+$0x870] =	vst v61;
	v63, _, _ =	vpop (xrf2);
	(xrf2) =	vadd.scan.msk.f32 $0xffff, v57  }
0x5d: {  	[tilespmem:s16+$0xC00] =	vst v63;
	v29, _, _ =	vpop (xrf2);
	(xrf2) =	vadd.scan.msk.f32 $0xffff, v20;
	v20 =	vld [tilespmem:s16+$0x1400]  }
0x5e: {  	[tilespmem:s16+$0xC10] =	vst v29;
	v30, _, _ =	vpop (xrf2);
	(xrf2) =	vadd.scan.msk.f32 $0xffff, v21;
	v21 =	vld [tilespmem:s16+$0x1410]  }
0x5f: {  	[tilespmem:s16+$0xC20] =	vst v30;
	v31, _, _ =	vpop (xrf2);
	(xrf2) =	vadd.scan.msk.f32 $0xffff, v22;
	v22 =	vld [tilespmem:s16+$0x1420]  }
0x60: {  	v33 =	vld [tilespmem:s16+$0x1430];
	[tilespmem:s16+$0xC30] =	vst v31;
	v32, _, _ =	vpop (xrf2);
	(xrf2) =	vadd.scan.msk.f32 $0xffff, v62  }
0x61: {  	v35 =	vld [tilespmem:s16+$0x1440];
	[tilespmem:s16+$0xC40] =	vst v32;
	v34, _, _ =	vpop (xrf2);
	(xrf2) =	vadd.scan.msk.f32 $0xffff, v28  }
0x62: {  	[tilespmem:s16+$0xC50] =	vst v34;
	v36, _, _ =	vpop (xrf2);
	(xrf2) =	vadd.scan.msk.f32 $0xffff, v20;
	v20 =	vld [tilespmem:s16+$0x1450]  }
0x63: {  	[tilespmem:s16+$0xC60] =	vst v36;
	v37, _, _ =	vpop (xrf2);
	(xrf2) =	vadd.scan.msk.f32 $0xffff, v21;
	v21 =	vld [tilespmem:s16+$0x1460]  }
0x64: {  	[tilespmem:s16+$0xC70] =	vst v37;
	v38, _, _ =	vpop (xrf2);
	(xrf2) =	vadd.scan.msk.f32 $0xffff, v22;
	v22 =	vld [tilespmem:s16+$0x1470]  }
0x65: {  	v40 =	vld [tilespmem:s16+$0x1800];
	[tilespmem:s16+$0x1000] =	vst v38;
	v39, _, _ =	vpop (xrf2);
	(xrf2) =	vadd.scan.msk.f32 $0xffff, v33  }
0x66: {  	v42 =	vld [tilespmem:s16+$0x1810];
	[tilespmem:s16+$0x1010] =	vst v39;
	v41, _, _ =	vpop (xrf2);
	(xrf2) =	vadd.scan.msk.f32 $0xffff, v35  }
0x67: {  	[tilespmem:s16+$0x1020] =	vst v41;
	v43, _, _ =	vpop (xrf2);
	(xrf2) =	vadd.scan.msk.f32 $0xffff, v20;
	v20 =	vld [tilespmem:s16+$0x1820]  }
0x68: {  	[tilespmem:s16+$0x1030] =	vst v43;
	v44, _, _ =	vpop (xrf2);
	(xrf2) =	vadd.scan.msk.f32 $0xffff, v21;
	v21 =	vld [tilespmem:s16+$0x1830]  }
0x69: {  	[tilespmem:s16+$0x1040] =	vst v44;
	v45, _, _ =	vpop (xrf2);
	(xrf2) =	vadd.scan.msk.f32 $0xffff, v22;
	v22 =	vld [tilespmem:s16+$0x1840]  }
0x6a: {  	v47 =	vld [tilespmem:s16+$0x1850];
	[tilespmem:s16+$0x1050] =	vst v45;
	v46, _, _ =	vpop (xrf2);
	(xrf2) =	vadd.scan.msk.f32 $0xffff, v40  }
0x6b: {  	v49 =	vld [tilespmem:s16+$0x1860];
	[tilespmem:s16+$0x1060] =	vst v46;
	v48, _, _ =	vpop (xrf2);
	(xrf2) =	vadd.scan.msk.f32 $0xffff, v42  }
0x6c: {  	[tilespmem:s16+$0x1070] =	vst v48;
	v50, _, _ =	vpop (xrf2);
	(xrf2) =	vadd.scan.msk.f32 $0xffff, v20;
	v20 =	vld [tilespmem:s16+$0x1870]  }
0x6d: {  	[tilespmem:s16+$0x1400] =	vst v50;
	v51, _, _ =	vpop (xrf2);
	(xrf2) =	vadd.scan.msk.f32 $0xffff, v21;
	v21 =	vld [tilespmem:s16+$0x1C00]  }
0x6e: {  	[tilespmem:s16+$0x1410] =	vst v51;
	v52, _, _ =	vpop (xrf2);
	(xrf2) =	vadd.scan.msk.f32 $0xffff, v22;
	v22 =	vld [tilespmem:s16+$0x1C10]  }
0x6f: {  	v54 =	vld [tilespmem:s16+$0x1C20];
	[tilespmem:s16+$0x1420] =	vst v52;
	v53, _, _ =	vpop (xrf2);
	(xrf2) =	vadd.scan.msk.f32 $0xffff, v47  }
0x70: {  	v56 =	vld [tilespmem:s16+$0x1C30];
	[tilespmem:s16+$0x1430] =	vst v53;
	v55, _, _ =	vpop (xrf2);
	(xrf2) =	vadd.scan.msk.f32 $0xffff, v49  }
0x71: {  	[tilespmem:s16+$0x1440] =	vst v55;
	v57, _, _ =	vpop (xrf2);
	(xrf2) =	vadd.scan.msk.f32 $0xffff, v20;
	v20 =	vld [tilespmem:s16+$0x1C40]  }
0x72: {  	[tilespmem:s16+$0x1450] =	vst v57;
	v58, _, _ =	vpop (xrf2);
	(xrf2) =	vadd.scan.msk.f32 $0xffff, v21;
	v21 =	vld [tilespmem:s16+$0x1C50]  }
0x73: {  	[tilespmem:s16+$0x1460] =	vst v58;
	v59, _, _ =	vpop (xrf2);
	(xrf2) =	vadd.scan.msk.f32 $0xffff, v22;
	v22 =	vld [tilespmem:s16+$0x1C60]  }
0x74: {  	v61 =	vld [tilespmem:s16+$0x1C70];
	[tilespmem:s16+$0x1470] =	vst v59;
	v60, _, _ =	vpop (xrf2);
	(xrf2) =	vadd.scan.msk.f32 $0xffff, v54  }
0x75: {  	[tilespmem:s16+$0x1800] =	vst v60;
	v62, _, _ =	vpop (xrf2);
	(xrf2) =	vadd.scan.msk.f32 $0xffff, v56  }
0x76: {  	[tilespmem:s16+$0x1810] =	vst v62;
	v63, _, _ =	vpop (xrf2);
	(xrf2) =	vadd.scan.msk.f32 $0xffff, v20  }
0x77: {  	[tilespmem:s16+$0x1820] =	vst v63;
	v20, _, _ =	vpop (xrf2);
	(xrf2) =	vadd.scan.msk.f32 $0xffff, v21  }
0x78: {  	[tilespmem:s16+$0x1830] =	vst v20;
	v20, _, _ =	vpop (xrf2);
	(xrf2) =	vadd.scan.msk.f32 $0xffff, v22  }
0x79: {  	[tilespmem:s16+$0x1840] =	vst v20;
	v20, _, _ =	vpop (xrf2);
	(xrf2) =	vadd.scan.msk.f32 $0xffff, v61  }
0x7a: {  	v21, _, _ =	vpop (xrf2);
	[tilespmem:s16+$0x1850] =	vst v20  }
0x7b: {  	v20, _, _ =	vpop (xrf2);
	[tilespmem:s16+$0x1860] =	vst v21  }
0x7c: {  	v21, _, _ =	vpop (xrf2);
	[tilespmem:s16+$0x1870] =	vst v20  }
0x7d: {  	v20, _, _ =	vpop (xrf2);
	[tilespmem:s16+$0x1C00] =	vst v21  }
0x7e: {  	s8 =	sadd.s32 $0x4, s8;
	v21, _, _ =	vpop (xrf2);
	[tilespmem:s16+$0x1C10] =	vst v20  }
0x7f: {  	p1 =	slt.u32 s8, $0x3C;
	v20, _, _ =	vpop (xrf2);
	[tilespmem:s16+$0x1C20] =	vst v21  }
.Ltmp0:
0x80: {  	v21, _, _ =	vpop (xrf2);
	[tilespmem:s16+$0x1C30] =	vst v20;
	(pc) =	sbr.rel @p1 .LBB2_3-.Ltmp0, $4  }
0x81: {  	v20, _, _ =	vpop (xrf2);
	[tilespmem:s16+$0x1C40] =	vst v21  }
0x82: {  	v21, _, _ =	vpop (xrf2);
	[tilespmem:s16+$0x1C50] =	vst v20  }
0x83: {  	s15 =	sadd.s32 $0x8000, s15;
	[tilespmem:s16+$0x1C60] =	vst v21;
	v20, _, _ =	vpop (xrf2)  }
0x84: {  	s14 =	sadd.s32 $0x40, s14;
	s30 =	simm.s32 $0x10020;
	[tilespmem:s16+$0x1C70] =	vst v20;
	s16 =	simm.s32 $0x10420  }
0x85: {  	s8 =	simm.s32 $0x0;
	s7 =	sand.u32 $0x400, s7  }
0x86: {  	s0 =	simm.s32 $0x100;
	v21 =	vand.u32 $0x7, v0;
	s14 =	simm.s32 $0x0;
	v20 =	vmov s8;
	v22 =	vmov s7  }
0x87: {  	s10 =	simm.s32 $0x300;
	s8 =	sand.u32 $0x500, s0;
	v21 =	vmul.u32 $0x10, v21;
	v27 =	vmov s14;
	v20 =	vshll.u32 v20, $0x7  }
0x88: {  	v24 =	vmov s8;
	v22 =	vshll.u32 v22, $0x3;
	s8 =	sand.u32 $0x700, s10;
	v20 =	vand.u32 $0x380, v20  }
0x89: {  	s9 =	simm.s32 $0x200;
	v22 =	vor.u32 v1, v22;
	v26 =	vmov s8;
	v25 =	vbroadcast v20, $0x0  }
0x8a: {  	s7 =	sand.u32 $0x600, s9;
	v20 =	vor.u32 $0xF, v21;
	v21 =	vshll.u32 v24, $0x3;
	v22 =	vand.u32 $0x2400, v22  }
0x8b: {  	v21 =	vor.u32 v1, v21;
	v24 =	vor.u32 v20, v25;
	v25 =	vmov s7  }
0x8c: {  	v21 =	vand.u32 $0x2C00, v21;
	v22 =	vor.u32 v22, v24;
	v25 =	vshll.u32 v25, $0x3  }
0x8d: {  	s15 =	simm.s32 $0x400;
	v26 =	vshll.u32 v26, $0x3;
	v21 =	vor.u32 v21, v24;
	v25 =	vor.u32 v1, v25  }
0x8e: {  	s14 =	simm.s32 $0x600;
	v27 =	vshll.u32 v27, $0x7;
	v26 =	vor.u32 v1, v26;
	s7 =	sand.u32 $0x400, s15;
	v25 =	vand.u32 $0x3400, v25  }
0x8f: {  	s14 =	sand.u32 $0x600, s14;
	v26 =	vand.u32 $0x3C00, v26;
	v28 =	vmov s7;
	v25 =	vor.u32 v25, v24  }
0x90: {  	s0 =	simm.s32 $0x500;
	s9 =	simm.s32 $0x700;
	v30 =	vmov s14;
	v28 =	vshll.u32 v28, $0x3;
	v24 =	vor.u32 v26, v24  }
0x91: {  	s10 =	sand.u32 $0x700, s9;
	v27 =	vand.u32 $0x380, v27;
	s8 =	sand.u32 $0x500, s0;
	v30 =	vshll.u32 v30, $0x3;
	v28 =	vor.u32 v1, v28;
	v26 =	vld.idx.msk [tilespmem:v22+s4+$0x0], $0xffff  }
0x92: {  	v22 =	vbroadcast v27, $0x0;
	v27 =	vmov s8;
	v29 =	vld.idx.msk [tilespmem:v21+s4+$0x0], $0xffff;
	v21 =	vmov s10  }
0x93: {  	v28 =	vand.u32 $0x2400, v28;
	v27 =	vshll.u32 v27, $0x3;
	v21 =	vshll.u32 v21, $0x3  }
0x94: {  	v22 =	vor.u32 v20, v22;
	v27 =	vor.u32 v1, v27;
	v21 =	vor.u32 v1, v21;
	v31 =	vld.idx.msk [tilespmem:v25+s4+$0x0], $0xffff  }
0x95: {  	s0 =	simm.s32 $0x800;
	s15 =	simm.s32 $0x1;
	v32 =	vld.idx.msk [tilespmem:v24+s4+$0x0], $0xffff;
	v24 =	vand.u32 $0x2C00, v27;
	v25 =	vor.u32 v1, v30;
	v27 =	vor.u32 v28, v22  }
0x96: {  	s9 =	sand.u32 $0x400, s0;
	v21 =	vand.u32 $0x3C00, v21;
	v28 =	vor.u32 v24, v22;
	v24 =	vmov s15;
	(xrf2) =	vadd.scan.msk.f32 $0xffff, v26  }
0x97: {  	s10 =	simm.s32 $0x900;
	v30 =	vmov s9;
	v25 =	vand.u32 $0x3400, v25;
	v24 =	vshll.u32 v24, $0x7  }
0x98: {  	s14 =	sand.u32 $0x500, s10;
	v33 =	vor.u32 v21, v22;
	v25 =	vor.u32 v25, v22;
	(xrf2) =	vadd.scan.msk.f32 $0xffff, v29;
	v24 =	vand.u32 $0x380, v24  }
0x99: {  	s0 =	simm.s32 $0xA00;
	v21 =	vmov s14;
	v30 =	vshll.u32 v30, $0x3;
	v22 =	vbroadcast v24, $0x0;
	(xrf2) =	vadd.scan.msk.f32 $0xffff, v31  }
0x9a: {  	s10 =	sand.u32 $0x600, s0;
	s14 =	simm.s32 $0xC00;
	v34 =	vshll.u32 v21, $0x3;
	v30 =	vor.u32 v1, v30;
	v24 =	vld.idx.msk [tilespmem:v27+s4+$0x0], $0xffff  }
0x9b: {  	s15 =	simm.s32 $0xB00;
	s7 =	sand.u32 $0x400, s14;
	v34 =	vor.u32 v1, v34;
	(xrf2) =	vadd.scan.msk.f32 $0xffff, v32;
	v21 =	vld.idx.msk [tilespmem:v28+s4+$0x0], $0xffff;
	v28 =	vor.u32 v20, v22;
	v22 =	vmov s10  }
0x9c: {  	s9 =	sand.u32 $0x700, s15;
	v30 =	vand.u32 $0x2400, v30;
	v38 =	vmov s7;
	v22 =	vshll.u32 v22, $0x3  }
0x9d: {  	v38 =	vshll.u32 v38, $0x3;
	v27 =	vmov s9;
	v35 =	vor.u32 v1, v22;
	v22 =	vld.idx.msk [tilespmem:v25+s4+$0x0], $0xffff  }
0x9e: {  	s15 =	simm.s32 $0xD00;
	s14 =	simm.s32 $0xE00;
	v34 =	vand.u32 $0x2C00, v34;
	v61 =	vor.u32 v1, v38;
	v27 =	vshll.u32 v27, $0x3  }
0x9f: {  	s9 =	sand.u32 $0x500, s15;
	s15 =	sand.u32 $0x600, s14;
	v30 =	vor.u32 v30, v28;
	v25 =	vor.u32 v1, v27;
	v27 =	vand.u32 $0x3400, v35;
	(xrf2) =	vadd.scan.msk.f32 $0xffff, v24  }
0xa0: {  	v39 =	vmov s9;
	v60 =	vmov s15;
	v34 =	vor.u32 v34, v28;
	(xrf2) =	vadd.scan.msk.f32 $0xffff, v21;
	v56, _, _ =	vpop (xrf2)  }
0xa1: {  	s0 =	simm.s32 $0x1;
	v36 =	vand.u32 $0x3C00, v25;
	v25 =	vld.idx.msk [tilespmem:v33+s4+$0x0], $0xffff;
	v37 =	vor.u32 v27, v28;
	v26 =	vsub.f32 v56, v26  }
0xa2: {  	s10 =	simm.s32 $0xF00;
	v57 =	vor.u32 v36, v28;
	v28 =	vmov s0;
	v27, _, _ =	vpop (xrf2);
	v35 =	vperm.xlane v56, v4;
	(xrf2) =	vadd.scan.msk.f32 $0xffff, v22  }
0xa3: {  	s7 =	sand.u32 $0x700, s10;
	v58 =	vperm.xlane v27, v4;
	[tilespmem:s30+$0xFFFFFFE0] =	vst v26;
	v26 =	vsub.f32 v27, v29;
	v27 =	vshll.u32 v28, $0x7;
	v29, _, _ =	vpop (xrf2)  }
0xa4: {  	v59 =	vmov s7;
	v28 =	vld.idx.msk [tilespmem:v30+s4+$0x0], $0xffff;
	[tilespmem:s16+$0xFFFFFFE0] =	vst v35;
	v27 =	vand.u32 $0x380, v27;
	v40 =	vperm.xlane v29, v4  }
0xa5: {  	v41, _, _ =	vpop (xrf2);
	v35 =	vshll.u32 v59, $0x3;
	v27 =	vbroadcast v27, $0x0;
	[tilespmem:s30+$0xFFFFFFF0] =	vst v26;
	v26 =	vsub.f32 v29, v31  }
0xa6: {  	(xrf2) =	vadd.scan.msk.f32 $0xffff, v25;
	v29 =	vshll.u32 v39, $0x3;
	v31 =	vsub.f32 v41, v32;
	v32 =	vshll.u32 v60, $0x3  }
0xa7: {  	v63 =	vor.u32 v1, v35;
	[tilespmem:s16+$0xFFFFFFF0] =	vst v58;
	v30 =	vor.u32 v20, v27;
	v27 =	vld.idx.msk [tilespmem:v34+s4+$0x0], $0xffff;
	v34 =	vand.u32 $0x2400, v61  }
0xa8: {  	v35 =	vperm.xlane v41, v4;
	v29 =	vor.u32 v1, v29;
	v62 =	vor.u32 v1, v32;
	[tilespmem:s30+$0x0] =	vst v26  }
0xa9: {  	s31 =	simm.s32 $0x1000;
	s8 =	simm.s32 $0x100A0;
	s14 =	simm.s32 $0x10060;
	v36 =	vand.u32 $0x3C00, v63;
	v26 =	vld.idx.msk [tilespmem:v57+s4+$0x0], $0xffff;
	v29 =	vand.u32 $0x2C00, v29;
	[tilespmem:s30+$0x10] =	vst v31;
	v33, _, _ =	vpop (xrf2);
	(xrf2) =	vadd.scan.msk.f32 $0xffff, v28  }
0xaa: {  	s15 =	simm.s32 $0x10460;
	s7 =	simm.s32 $0x104A0;
	s30 =	simm.s32 $0xC;
	v31 =	vor.u32 v29, v30;
	v29 =	vld.idx.msk [tilespmem:v37+s4+$0x0], $0xffff;
	v32 =	vor.u32 v34, v30;
	v37 =	vand.u32 $0x3400, v62;
	[tilespmem:s16+$0x0] =	vst v40;
	v34, _, _ =	vpop (xrf2)  }
.LBB2_5:
0xab: {  	s30 =	sadd.s32 $0x4, s30;
	s0 =	sand.u32 $0x400, s31;
	s9 =	sadd.s32 $0x100, s31;
	v37 =	vor.u32 v37, v30;
	v40 =	vsub.f32 v33, v24;
	v33 =	vperm.xlane v33, v4;
	[tilespmem:s16+$0x10] =	vst v35  }
0xac: {  	v36 =	vor.u32 v36, v30;
	v30 =	vperm.xlane v34, v4;
	v24 =	vmovc v28;
	s16 =	sshrl.u32 s30, $0x3;
	v35 =	vmov s0;
	s0 =	sand.u32 $0x500, s9;
	s9 =	sadd.s32 $0x200, s31;
	(xrf2) =	vadd.scan.msk.f32 $0xffff, v27  }
0xad: {  	v41 =	vsub.f32 v34, v21;
	p1 =	slt.u32 s30, $0x3C;
	v28 =	vmov s16;
	v39 =	vmov s0;
	s0 =	sand.u32 $0x600, s9;
	[tilespmem:s14+$0xFFFFFFE0] =	vst v40;
	v38, _, _ =	vpop (xrf2);
	s16 =	smov.u32 s15  }
0xae: {  	v21 =	vmov v27;
	v35 =	vshll.u32 v35, $0x3;
	s9 =	sadd.s32 $0x300, s31;
	s15 =	smov.u32 s7;
	v28 =	vshll.u32 v28, $0x7;
	[tilespmem:s16+$0xFFFFFFE0] =	vst v33  }
0xaf: {  	s9 =	sand.u32 $0x700, s9;
	v40 =	vperm.xlane v38, v4;
	v27 =	vand.u32 $0x380, v28;
	v28 =	vld.idx.msk [tilespmem:v32+s4+$0x0], $0xffff;
	(xrf2) =	vadd.scan.msk.f32 $0xffff, v29  }
0xb0: {  	v33 =	vmov s9;
	v32 =	vbroadcast v27, $0x0;
	v27 =	vld.idx.msk [tilespmem:v31+s4+$0x0], $0xffff;
	[tilespmem:s14+$0xFFFFFFF0] =	vst v41;
	v31 =	vsub.f32 v38, v22;
	v34, _, _ =	vpop (xrf2)  }
0xb1: {  	v38 =	vshll.u32 v39, $0x3;
	v22 =	vmovc v29;
	[tilespmem:s16+$0xFFFFFFF0] =	vst v30;
	v39 =	vsub.f32 v34, v25;
	v25 =	vmov v26  }
.Ltmp1:
0xb2: {  	v26 =	vmov s0;
	v30 =	vor.u32 v20, v32;
	v32 =	vshll.u32 v33, $0x3;
	(xrf2) =	vadd.scan.msk.f32 $0xffff, v25;
	(pc) =	sbr.rel @p1 .LBB2_5-.Ltmp1, $4  }
0xb3: {  	v29 =	vor.u32 v1, v35;
	v35 =	vor.u32 v1, v38;
	v38 =	vshll.u32 v26, $0x3;
	v26 =	vld.idx.msk [tilespmem:v36+s4+$0x0], $0xffff;
	v33, _, _ =	vpop (xrf2);
	[tilespmem:s14+$0x0] =	vst v31  }
0xb4: {  	v36 =	vand.u32 $0x2400, v29;
	v31 =	vand.u32 $0x2C00, v35;
	v38 =	vor.u32 v1, v38;
	v29 =	vld.idx.msk [tilespmem:v37+s4+$0x0], $0xffff;
	[tilespmem:s14+$0x10] =	vst v39;
	s14 =	smov.u32 s8  }
0xb5: {  	v35 =	vperm.xlane v34, v4;
	v31 =	vor.u32 v31, v30;
	v39 =	vor.u32 v1, v32;
	(xrf2) =	vadd.scan.msk.f32 $0xffff, v28  }
0xb6: {  	s31 =	sadd.s32 $0x400, s31;
	s7 =	sadd.s32 $0x40, s7;
	v32 =	vor.u32 v36, v30;
	v37 =	vand.u32 $0x3400, v38;
	s8 =	sadd.s32 $0x40, s8;
	v36 =	vand.u32 $0x3C00, v39;
	v34, _, _ =	vpop (xrf2);
	[tilespmem:s16+$0x0] =	vst v40  }
0xb7: {  	_ =	sdelay $0x1  }
0xb8: {  	(xrf2) =	vadd.scan.msk.f32 $0xffff, v27  }
0xb9: {  	v21 =	vsub.f32 v34, v21  }
0xba: {  	v37 =	vor.u32 v37, v30;
	v32 =	vld.idx.msk [tilespmem:v32+s4+$0x0], $0xffff;
	(xrf2) =	vadd.scan.msk.f32 $0xffff, v29;
	v43, _, _ =	vpop (xrf2)  }
0xbb: {  	v24 =	vsub.f32 v33, v24;
	v30 =	vor.u32 v36, v30;
	[tilespmem:s14+$0xFFFFFFF0] =	vst v21;
	v21 =	vsub.f32 v43, v22;
	_ =	sdelay $0x1  }
0xbc: {  	[tilespmem:s14+$0xFFFFFFE0] =	vst v24;
	v24 =	vld.idx.msk [tilespmem:v31+s4+$0x0], $0xffff;
	(xrf2) =	vadd.scan.msk.f32 $0xffff, v26;
	v22, _, _ =	vpop (xrf2)  }
0xbd: {  	[tilespmem:s16+$0x10] =	vst v35;
	v25 =	vsub.f32 v22, v25  }
0xbe: {  	v42 =	vperm.xlane v33, v4;
	v44 =	vld.idx.msk [tilespmem:v37+s4+$0x0], $0xffff;
	(xrf2) =	vadd.scan.msk.f32 $0xffff, v32;
	[tilespmem:s14+$0x0] =	vst v21;
	v21, _, _ =	vpop (xrf2)  }
0xbf: {  	v31 =	vperm.xlane v34, v4;
	v30 =	vld.idx.msk [tilespmem:v30+s4+$0x0], $0xffff;
	[tilespmem:s14+$0x10] =	vst v25;
	v25 =	vsub.f32 v21, v28  }
0xc0: {  	[tilespmem:s15+$0xFFFFFFE0] =	vst v42;
	v22 =	vperm.xlane v22, v4  }
0xc1: {  	[tilespmem:s15+$0xFFFFFFF0] =	vst v31;
	(xrf2) =	vadd.scan.msk.f32 $0xffff, v24;
	v28, _, _ =	vpop (xrf2)  }
0xc2: {  	v21 =	vperm.xlane v21, v4;
	[tilespmem:s15+$0x10] =	vst v22;
	v22 =	vsub.f32 v28, v27  }
0xc3: {  	v31 =	vperm.xlane v43, v4;
	(xrf2) =	vadd.scan.msk.f32 $0xffff, v44;
	[tilespmem:s8+$0xFFFFFFE0] =	vst v25;
	v25, _, _ =	vpop (xrf2)  }
0xc4: {  	(xrf2) =	vadd.scan.msk.f32 $0xffff, v30;
	[tilespmem:s8+$0xFFFFFFF0] =	vst v22;
	v22 =	vsub.f32 v25, v29  }
0xc5: {  	[tilespmem:s15+$0x0] =	vst v31;
	v27 =	vperm.xlane v28, v4  }
0xc6: {  	[tilespmem:s7+$0xFFFFFFE0] =	vst v21;
	v21, _, _ =	vpop (xrf2)  }
0xc7: {  	[tilespmem:s7+$0xFFFFFFF0] =	vst v27;
	v25 =	vperm.xlane v25, v4;
	v26 =	vsub.f32 v21, v26  }
0xc8: {  	[tilespmem:s8+$0x0] =	vst v22;
	v22, _, _ =	vpop (xrf2)  }
0xc9: {  	v21 =	vperm.xlane v21, v4;
	[tilespmem:s7+$0x0] =	vst v25;
	v25 =	vsub.f32 v22, v32  }
0xca: {  	[tilespmem:s8+$0x10] =	vst v26  }
0xcb: {  	s0 =	sadd.s32 $0x40, s8;
	[tilespmem:s7+$0x10] =	vst v21;
	v26, _, _ =	vpop (xrf2);
	v22 =	vperm.xlane v22, v4  }
0xcc: {  	s30 =	sadd.s32 $0x40, s7;
	v21 =	vsub.f32 v26, v24;
	[tilespmem:s0+$0xFFFFFFE0] =	vst v25  }
0xcd: {  	v24 =	vperm.xlane v26, v4;
	[tilespmem:s30+$0xFFFFFFE0] =	vst v22;
	v25, _, _ =	vpop (xrf2)  }
0xce: {  	[tilespmem:s0+$0xFFFFFFF0] =	vst v21;
	v21 =	vmul.u32 $0x10, v0;
	v22 =	vsub.f32 v25, v44;
	v26, _, _ =	vpop (xrf2)  }
0xcf: {  	[tilespmem:s30+$0xFFFFFFF0] =	vst v24;
	v24 =	vsub.f32 v26, v30  }
0xd0: {  	v25 =	vperm.xlane v25, v4;
	[tilespmem:s0+$0x0] =	vst v22  }
0xd1: {  	v22 =	vperm.xlane v26, v4;
	[tilespmem:s0+$0x10] =	vst v24  }
0xd2: {  	[tilespmem:s30+$0x0] =	vst v25  }
0xd3: {  	[tilespmem:s30+$0x10] =	vst v22  }
0xd4: {  	v22 =	vld.idx.msk [tilespmem:v21+s21+$0x0], $0xffff;
	_ =	sdelay $0x4  }
0xd5: {  	(xrf2) =	vadd.scan.msk.f32 $0xffff, v22;
	_ =	sdelay $0x9  }
0xd6: {  	v24, _, _ =	vpop (xrf2)  }
0xd7: {  	v25 =	vsub.f32 v24, v22;
	v22 =	vor.u32 $0x100, v21;
	_ =	sdelay $0x1  }
0xd8: {  	v25 =	vadd.f32 v25, v23;
	_ =	sdelay $0x1  }
0xd9: {  	[tilespmem:$0x10800] =	vst v25  }
0xda: {  	v25 =	vld.idx.msk [tilespmem:v22+s21+$0x0], $0xffff;
	_ =	sdelay $0x4  }
0xdb: {  	(xrf2) =	vadd.scan.msk.f32 $0xffff, v25;
	_ =	sdelay $0x8  }
0xdc: {  	v24 =	vperm.xlane v24, v4  }
0xdd: {  	v26, _, _ =	vpop (xrf2)  }
0xde: {  	v24 =	vadd.f32 v24, v23;
	v23 =	vor.u32 $0x200, v21;
	v25 =	vsub.f32 v26, v25;
	_ =	sdelay $0x1  }
0xdf: {  	v25 =	vadd.f32 v25, v24;
	_ =	sdelay $0x1  }
0xe0: {  	[tilespmem:$0x10810] =	vst v25  }
0xe1: {  	v25 =	vld.idx.msk [tilespmem:v23+s21+$0x0], $0xffff;
	_ =	sdelay $0x4  }
0xe2: {  	(xrf2) =	vadd.scan.msk.f32 $0xffff, v25;
	_ =	sdelay $0x8  }
0xe3: {  	v26 =	vperm.xlane v26, v4  }
0xe4: {  	v27, _, _ =	vpop (xrf2)  }
0xe5: {  	v26 =	vadd.f32 v26, v24;
	v24 =	vor.u32 $0x300, v21;
	v25 =	vsub.f32 v27, v25;
	_ =	sdelay $0x1  }
0xe6: {  	v25 =	vadd.f32 v25, v26;
	_ =	sdelay $0x1  }
0xe7: {  	[tilespmem:$0x10820] =	vst v25  }
0xe8: {  	v28 =	vld.idx.msk [tilespmem:v24+s21+$0x0], $0xffff;
	_ =	sdelay $0x4  }
0xe9: {  	(xrf2) =	vadd.scan.msk.f32 $0xffff, v28;
	_ =	sdelay $0x6  }
0xea: {  	s8 =	simm.s32 $0x0  }
0xeb: {  	v25 =	vmov s8  }
0xec: {  	v27 =	vperm.xlane v27, v4;
	v25 =	vand.u32 $0xFFFFFFFE, v25  }
0xed: {  	v30 =	vbroadcast v25, $0x0;
	v29, _, _ =	vpop (xrf2)  }
0xee: {  	v25 =	vadd.f32 v27, v26;
	v26 =	vsub.f32 v29, v28  }
0xef: {  	s31 =	simm.s32 $0x1  }
0xf0: {  	v27 =	vmov s31;
	v26 =	vadd.f32 v26, v25;
	_ =	sdelay $0x1  }
0xf1: {  	[tilespmem:$0x10830] =	vst v26  }
0xf2: {  	s14 =	simm.s32 $0x10010;
	s7 =	simm.s32 $0x0;
	v26 =	vld.idx.msk [tilespmem:v30+s22+$0x0], $0xffff  }
0xf3: {  	s0 =	sand.u32 $0xC000, s7;
	v28 =	vld [tilespmem:s14+$0xFFFFFFF0]  }
0xf4: {  	s9 =	sand.u32 $0x380, s8;
	s0 =	sshrl.u32 s0, $0x2;
	v27 =	vld.idx.msk [tilespmem:v27+s22+$0x0], $0xffff  }
0xf5: {  	s10 =	sor.u32 s9, s0;
	v30 =	vld [tilespmem:s14+$0x0]  }
0xf6: {  	v31 =	vld [tilespmem:s10+$0x470]  }
0xf7: {  	v45 =	vld [tilespmem:s10+$0x0]  }
0xf8: {  	v46 =	vld [tilespmem:s10+$0x20];
	v28 =	vadd.f32 v28, v26  }
0xf9: {  	v35 =	vld [tilespmem:s10+$0x30]  }
0xfa: {  	v49 =	vld [tilespmem:s10+$0x40];
	v47 =	vperm.xlane v28, v4;
	v48 =	vperm.xlane v28, v5  }
0xfb: {  	v50 =	vld [tilespmem:s10+$0x50];
	v38 =	vperm.xlane v28, v6;
	v39 =	vperm.xlane v28, v7  }
0xfc: {  	v26 =	vld [tilespmem:s10+$0x10];
	v40 =	vperm.xlane v28, v8;
	v54 =	vperm.xlane v28, v10;
	v31 =	vadd.f32 v47, v31  }
0xfd: {  	v51 =	vld [tilespmem:s10+$0x60];
	v56 =	vperm.xlane v28, v12;
	v57 =	vperm.xlane v28, v13;
	v32 =	vadd.f32 v48, v45  }
0xfe: {  	s30 =	simm.s32 $0x800;
	v53 =	vld [tilespmem:s10+$0x400];
	v59 =	vperm.xlane v28, v14;
	v60 =	vperm.xlane v28, v15;
	v52 =	vadd.f32 v39, v46;
	[tilespmem:s10+$0x470] =	vst v31  }
0xff: {  	s0 =	sand.u32 $0x3800, s30;
	v44 =	vld [tilespmem:s10+$0x460];
	v61 =	vperm.xlane v28, v16;
	v41 =	vperm.xlane v28, v17;
	v35 =	vadd.f32 v40, v35;
	[tilespmem:s10+$0x0] =	vst v32  }
0x100: {  	s7 =	sor.u32 s9, s0;
	v58 =	vld [tilespmem:s10+$0x430];
	v46 =	vadd.f32 v30, v27;
	v27 =	vperm.xlane v28, v11;
	v34 =	vadd.f32 v54, v50;
	[tilespmem:s10+$0x20] =	vst v52  }
0x101: {  	v48 =	vld [tilespmem:s7+$0x0];
	v38 =	vadd.f32 v38, v26;
	v26 =	vperm.xlane v29, v4;
	v29 =	vperm.xlane v28, v9;
	[tilespmem:s10+$0x30] =	vst v35  }
0x102: {  	v63 =	vperm.xlane v28, v18;
	v30 =	vld [tilespmem:s10+$0x420];
	v28 =	vperm.xlane v28, v19;
	v27 =	vadd.f32 v27, v51;
	[tilespmem:s10+$0x50] =	vst v34  }
0x103: {  	v62 =	vld [tilespmem:s10+$0x450];
	[tilespmem:s10+$0x10] =	vst v38;
	v29 =	vadd.f32 v29, v49  }
0x104: {  	s15 =	simm.s32 $0x3;
	v31 =	vld [tilespmem:s10+$0x70];
	v43 =	vperm.xlane v46, v5;
	v52 =	vadd.f32 v28, v44;
	[tilespmem:s10+$0x60] =	vst v27  }
0x105: {  	v45 =	vmov s15;
	v27 =	vadd.f32 v57, v53;
	[tilespmem:s10+$0x40] =	vst v29;
	v29 =	vld [tilespmem:s10+$0x440]  }
0x106: {  	v55 =	vld [tilespmem:s10+$0x410];
	v47 =	vperm.xlane v46, v6;
	v39 =	vperm.xlane v46, v8;
	v48 =	vadd.f32 v43, v48;
	[tilespmem:s10+$0x460] =	vst v52  }
0x107: {  	v50 =	vld [tilespmem:s7+$0x10];
	v40 =	vperm.xlane v46, v9;
	v37 =	vperm.xlane v46, v10;
	[tilespmem:s10+$0x400] =	vst v27;
	v27 =	vadd.f32 v60, v30  }
0x108: {  	v51 =	vld [tilespmem:s7+$0x20];
	v35 =	vperm.xlane v46, v12;
	v36 =	vperm.xlane v46, v13;
	v30 =	vadd.f32 v61, v58;
	[tilespmem:s7+$0x0] =	vst v48  }
0x109: {  	v42 =	vld [tilespmem:s7+$0x40];
	v33 =	vperm.xlane v46, v14;
	v34 =	vperm.xlane v46, v15;
	v31 =	vadd.f32 v56, v31;
	[tilespmem:s10+$0x420] =	vst v27  }
0x10a: {  	v32 =	vperm.xlane v46, v16;
	[tilespmem:s10+$0x430] =	vst v30;
	v30 =	vadd.f32 v63, v62;
	v27 =	vadd.f32 v41, v29;
	v41 =	vld [tilespmem:s7+$0x30]  }
0x10b: {  	v49 =	vperm.xlane v46, v7;
	v38 =	vperm.xlane v46, v11;
	v44 =	vld [tilespmem:s7+$0x60];
	[tilespmem:s10+$0x70] =	vst v31  }
0x10c: {  	v28 =	vperm.xlane v46, v4;
	v43 =	vld [tilespmem:s7+$0x50];
	v47 =	vadd.f32 v47, v50;
	v31 =	vadd.f32 v59, v55;
	[tilespmem:s10+$0x450] =	vst v30  }
0x10d: {  	s31 =	simm.s32 $0x2;
	v48 =	vadd.f32 v49, v51;
	v29 =	vperm.xlane v46, v18;
	[tilespmem:s10+$0x440] =	vst v27;
	v27 =	vld.idx.msk [tilespmem:v45+s22+$0x0], $0xffff  }
0x10e: {  	s16 =	simm.s32 $0x4;
	s15 =	simm.s32 $0x2000;
	v30 =	vperm.xlane v46, v19;
	[tilespmem:s10+$0x410] =	vst v31;
	v31 =	vperm.xlane v46, v17;
	v46 =	vmov s31;
	v45 =	vld [tilespmem:s7+$0x70]  }
.LBB2_7:
0x10f: {  	p1 =	slt.u32 s16, $0x3E;
	v46 =	vand.u32 $0xFFFFFFFE, v46;
	[tilespmem:s7+$0x10] =	vst v47;
	v39 =	vadd.f32 v39, v41;
	v41 =	vld [tilespmem:s7+$0x400]  }
0x110: {  	v46 =	vbroadcast v46, $0x0;
	[tilespmem:s7+$0x20] =	vst v48;
	v40 =	vadd.f32 v40, v42;
	v42 =	vld [tilespmem:s7+$0x410]  }
0x111: {  	[tilespmem:s7+$0x30] =	vst v39;
	v37 =	vadd.f32 v37, v43;
	v39 =	vld [tilespmem:s7+$0x420]  }
0x112: {  	[tilespmem:s7+$0x40] =	vst v40;
	v38 =	vadd.f32 v38, v44;
	v40 =	vld [tilespmem:s7+$0x430]  }
0x113: {  	[tilespmem:s7+$0x50] =	vst v37;
	v35 =	vadd.f32 v35, v45;
	v37 =	vld [tilespmem:s7+$0x440]  }
0x114: {  	s0 =	sadd.s32 $0x1, s16;
	[tilespmem:s7+$0x60] =	vst v38;
	v36 =	vadd.f32 v36, v41;
	v38 =	vld [tilespmem:s7+$0x450]  }
0x115: {  	v41 =	vmov s0;
	[tilespmem:s7+$0x70] =	vst v35;
	v33 =	vadd.f32 v33, v42;
	v35 =	vld [tilespmem:s7+$0x460]  }
0x116: {  	s14 =	sadd.s32 $0x20, s14;
	s15 =	sadd.s32 $0x4000, s15;
	v42 =	vld.idx.msk [tilespmem:v46+s22+$0x0], $0xffff;
	[tilespmem:s7+$0x400] =	vst v36;
	v34 =	vadd.f32 v34, v39  }
0x117: {  	s9 =	sshrl.u32 s15, $0x2;
	s0 =	sadd.s32 $0xFFFFE000, s15;
	v36 =	vld [tilespmem:s14+$0xFFFFFFF0];
	[tilespmem:s7+$0x410] =	vst v33;
	v32 =	vadd.f32 v32, v40  }
0x118: {  	s8 =	sadd.s32 $0x20, s8;
	s9 =	sand.u32 $0x3800, s9;
	s0 =	sand.u32 $0xC000, s0;
	v33 =	vld [tilespmem:s14+$0x0];
	[tilespmem:s7+$0x420] =	vst v34;
	v31 =	vadd.f32 v31, v37  }
0x119: {  	s31 =	sand.u32 $0x380, s8;
	s0 =	sshrl.u32 s0, $0x2;
	[tilespmem:s7+$0x430] =	vst v32;
	v29 =	vadd.f32 v29, v38;
	v32 =	vld [tilespmem:s7+$0x470]  }
0x11a: {  	s30 =	sor.u32 s31, s0;
	s0 =	sor.u32 s31, s9;
	v34 =	vld.idx.msk [tilespmem:v41+s22+$0x0], $0xffff;
	[tilespmem:s7+$0x440] =	vst v31;
	v30 =	vadd.f32 v30, v35  }
0x11b: {  	v31 =	vld [tilespmem:s30+$0x470];
	[tilespmem:s7+$0x450] =	vst v29  }
0x11c: {  	v29 =	vadd.f32 v36, v42;
	v35 =	vld [tilespmem:s30+$0x0];
	[tilespmem:s7+$0x460] =	vst v30  }
0x11d: {  	v30 =	vld [tilespmem:s30+$0x10];
	v41 =	vadd.f32 v33, v27  }
0x11e: {  	v44 =	vperm.xlane v29, v5;
	v33 =	vld [tilespmem:s30+$0x20];
	v36 =	vperm.xlane v29, v4;
	v28 =	vadd.f32 v28, v32  }
0x11f: {  	v32 =	vperm.xlane v29, v6;
	v37 =	vperm.xlane v29, v7;
	v38 =	vld [tilespmem:s30+$0x30]  }
0x120: {  	v39 =	vperm.xlane v29, v8;
	v42 =	vperm.xlane v29, v9;
	v40 =	vld [tilespmem:s30+$0x40];
	v31 =	vadd.f32 v36, v31;
	[tilespmem:s7+$0x470] =	vst v28;
	s7 =	smov.u32 s0  }
0x121: {  	v43 =	vperm.xlane v29, v11;
	v27 =	vmovc v34;
	v36 =	vperm.xlane v29, v10;
	v28 =	vadd.f32 v44, v35;
	v35 =	vld [tilespmem:s30+$0x50]  }
0x122: {  	v34 =	vperm.xlane v29, v12;
	v44 =	vperm.xlane v29, v13;
	v30 =	vadd.f32 v32, v30;
	v32 =	vld [tilespmem:s30+$0x60];
	[tilespmem:s30+$0x470] =	vst v31  }
0x123: {  	v45 =	vperm.xlane v29, v15;
	[tilespmem:s30+$0x0] =	vst v28;
	v28 =	vadd.f32 v37, v33;
	v31 =	vld [tilespmem:s30+$0x70];
	v33 =	vperm.xlane v29, v14  }
0x124: {  	v46 =	vperm.xlane v29, v16;
	v47 =	vperm.xlane v29, v17;
	[tilespmem:s30+$0x10] =	vst v30;
	v30 =	vadd.f32 v39, v38;
	v38 =	vld [tilespmem:s30+$0x400]  }
0x125: {  	v48 =	vperm.xlane v29, v18;
	v49 =	vperm.xlane v29, v19;
	[tilespmem:s30+$0x20] =	vst v28;
	v28 =	vadd.f32 v42, v40;
	v42 =	vld [tilespmem:s30+$0x410]  }
0x126: {  	v50 =	vperm.xlane v41, v5;
	v51 =	vperm.xlane v41, v6;
	[tilespmem:s30+$0x30] =	vst v30;
	v29 =	vadd.f32 v36, v35;
	v30 =	vld [tilespmem:s30+$0x420]  }
0x127: {  	v52 =	vperm.xlane v41, v7;
	v39 =	vperm.xlane v41, v8;
	[tilespmem:s30+$0x40] =	vst v28;
	v28 =	vadd.f32 v43, v32;
	v43 =	vld [tilespmem:s30+$0x430]  }
0x128: {  	v37 =	vperm.xlane v41, v10;
	v40 =	vperm.xlane v41, v9;
	[tilespmem:s30+$0x50] =	vst v29;
	v29 =	vadd.f32 v34, v31;
	v53 =	vld [tilespmem:s30+$0x440]  }
0x129: {  	v35 =	vperm.xlane v41, v12;
	[tilespmem:s30+$0x60] =	vst v28;
	v28 =	vadd.f32 v44, v38;
	v44 =	vld [tilespmem:s30+$0x450];
	v38 =	vperm.xlane v41, v11  }
0x12a: {  	v36 =	vperm.xlane v41, v13;
	[tilespmem:s30+$0x70] =	vst v29;
	v29 =	vadd.f32 v33, v42;
	v42 =	vld [tilespmem:s30+$0x460];
	v33 =	vperm.xlane v41, v14  }
0x12b: {  	v32 =	vperm.xlane v41, v16;
	v34 =	vperm.xlane v41, v15;
	[tilespmem:s30+$0x400] =	vst v28;
	v28 =	vadd.f32 v45, v30;
	v45 =	vld [tilespmem:s7+$0x0]  }
0x12c: {  	v31 =	vperm.xlane v41, v17;
	[tilespmem:s30+$0x410] =	vst v29;
	v43 =	vadd.f32 v46, v43;
	v46 =	vld [tilespmem:s7+$0x10];
	v29 =	vperm.xlane v41, v18  }
0x12d: {  	v30 =	vperm.xlane v41, v19;
	[tilespmem:s30+$0x420] =	vst v28;
	v47 =	vadd.f32 v47, v53;
	v53 =	vld [tilespmem:s7+$0x20];
	v28 =	vperm.xlane v41, v4  }
.Ltmp2:
0x12e: {  	[tilespmem:s30+$0x430] =	vst v43;
	v43 =	vadd.f32 v48, v44;
	v41 =	vld [tilespmem:s7+$0x30];
	(pc) =	sbr.rel @p1 .LBB2_7-.Ltmp2, $4  }
0x12f: {  	[tilespmem:s30+$0x440] =	vst v47;
	v44 =	vadd.f32 v49, v42;
	v42 =	vld [tilespmem:s7+$0x40]  }
0x130: {  	[tilespmem:s30+$0x450] =	vst v43;
	v45 =	vadd.f32 v50, v45;
	v43 =	vld [tilespmem:s7+$0x50]  }
0x131: {  	[tilespmem:s30+$0x460] =	vst v44;
	v47 =	vadd.f32 v51, v46;
	v44 =	vld [tilespmem:s7+$0x60]  }
0x132: {  	v46 =	vmov s16;
	s16 =	sadd.s32 $0x2, s16;
	[tilespmem:s7+$0x0] =	vst v45;
	v48 =	vadd.f32 v52, v53;
	v45 =	vld [tilespmem:s7+$0x70]  }
0x133: {  	_ = 	snop  }
0x134: {  	v40 =	vadd.f32 v40, v42  }
0x135: {  	v56 =	vld [tilespmem:s7+$0x400];
	v59 =	vand.u32 $0xFFFFFFFE, v46  }
0x136: {  	v57 =	vld [tilespmem:s7+$0x410];
	[tilespmem:s7+$0x40] =	vst v40;
	v40 =	vbroadcast v59, $0x0  }
0x137: {  	v58 =	vld [tilespmem:s7+$0x420]  }
0x138: {  	v60 =	vld [tilespmem:s7+$0x430]  }
0x139: {  	[tilespmem:s7+$0x10] =	vst v47;
	v39 =	vadd.f32 v39, v41;
	v61 =	vld [tilespmem:s7+$0x440]  }
0x13a: {  	v62 =	vld [tilespmem:s7+$0x450];
	s0 =	sadd.s32 $0x20, s14;
	s9 =	sadd.s32 $0x4000, s15;
	[tilespmem:s7+$0x20] =	vst v48;
	v37 =	vadd.f32 v37, v43  }
0x13b: {  	s31 =	sadd.s32 $0xFFFFE000, s9;
	v41 =	vld [tilespmem:s0+$0xFFFFFFF0];
	[tilespmem:s7+$0x30] =	vst v39;
	v38 =	vadd.f32 v38, v44  }
0x13c: {  	s8 =	sadd.s32 $0x20, s8;
	s14 =	sand.u32 $0xC000, s31;
	[tilespmem:s7+$0x50] =	vst v37;
	v35 =	vadd.f32 v35, v45;
	v40 =	vld.idx.msk [tilespmem:v40+s22+$0x0], $0xffff  }
0x13d: {  	v63 =	vld [tilespmem:s7+$0x460];
	s10 =	sand.u32 $0x380, s8;
	s14 =	sshrl.u32 s14, $0x2;
	[tilespmem:s7+$0x60] =	vst v38;
	v36 =	vadd.f32 v36, v56  }
0x13e: {  	v43 =	vld [tilespmem:s7+$0x470];
	s8 =	sor.u32 s10, s14;
	v33 =	vadd.f32 v33, v57;
	[tilespmem:s7+$0x70] =	vst v35  }
0x13f: {  	v34 =	vadd.f32 v34, v58;
	v44 =	vld [tilespmem:s8+$0x470];
	[tilespmem:s7+$0x400] =	vst v36  }
0x140: {  	v32 =	vadd.f32 v32, v60;
	v45 =	vld [tilespmem:s8+$0x0];
	[tilespmem:s7+$0x410] =	vst v33  }
0x141: {  	v31 =	vadd.f32 v31, v61;
	v46 =	vld [tilespmem:s8+$0x10];
	[tilespmem:s7+$0x420] =	vst v34;
	v36 =	vadd.f32 v41, v40  }
0x142: {  	v29 =	vadd.f32 v29, v62;
	v47 =	vld [tilespmem:s8+$0x20];
	[tilespmem:s7+$0x430] =	vst v32  }
0x143: {  	v30 =	vadd.f32 v30, v63;
	v50 =	vld [tilespmem:s8+$0x30];
	[tilespmem:s7+$0x440] =	vst v31;
	v48 =	vperm.xlane v36, v4  }
0x144: {  	v52 =	vld [tilespmem:s8+$0x40];
	[tilespmem:s7+$0x450] =	vst v29;
	v28 =	vadd.f32 v28, v43;
	v49 =	vperm.xlane v36, v5  }
0x145: {  	v55 =	vld [tilespmem:s8+$0x50];
	[tilespmem:s7+$0x460] =	vst v30;
	v51 =	vperm.xlane v36, v6;
	v34 =	vadd.f32 v48, v44  }
0x146: {  	v57 =	vld [tilespmem:s8+$0x60];
	[tilespmem:s7+$0x470] =	vst v28;
	v53 =	vperm.xlane v36, v7;
	v54 =	vadd.f32 v49, v45  }
0x147: {  	v60 =	vld [tilespmem:s8+$0x70];
	v56 =	vperm.xlane v36, v8;
	v30 =	vadd.f32 v51, v46;
	[tilespmem:s8+$0x470] =	vst v34  }
0x148: {  	v63 =	vld [tilespmem:s8+$0x400];
	v58 =	vperm.xlane v36, v9;
	v59 =	vadd.f32 v53, v47;
	[tilespmem:s8+$0x0] =	vst v54  }
0x149: {  	v33 =	vld [tilespmem:s0+$0x0];
	v61 =	vperm.xlane v36, v10;
	v62 =	vadd.f32 v56, v50;
	[tilespmem:s8+$0x10] =	vst v30  }
0x14a: {  	v42 =	vperm.xlane v36, v11;
	v43 =	vadd.f32 v58, v52;
	v44 =	vld [tilespmem:s8+$0x410];
	[tilespmem:s8+$0x20] =	vst v59  }
0x14b: {  	v45 =	vperm.xlane v36, v12;
	v29 =	vadd.f32 v61, v55;
	v46 =	vld [tilespmem:s8+$0x420];
	[tilespmem:s8+$0x30] =	vst v62  }
0x14c: {  	v47 =	vperm.xlane v36, v13;
	v48 =	vadd.f32 v42, v57;
	v49 =	vld [tilespmem:s8+$0x430];
	[tilespmem:s8+$0x40] =	vst v43  }
0x14d: {  	s15 =	sshrl.u32 s9, $0x2;
	v50 =	vperm.xlane v36, v14;
	v52 =	vld [tilespmem:s8+$0x440];
	[tilespmem:s8+$0x50] =	vst v29;
	v51 =	vadd.f32 v45, v60  }
0x14e: {  	s7 =	sand.u32 $0x3800, s15;
	v53 =	vperm.xlane v36, v15;
	v55 =	vld [tilespmem:s8+$0x450];
	[tilespmem:s8+$0x60] =	vst v48;
	v54 =	vadd.f32 v47, v63  }
0x14f: {  	s7 =	sor.u32 s10, s7;
	v56 =	vperm.xlane v36, v16;
	v58 =	vld [tilespmem:s8+$0x460];
	[tilespmem:s8+$0x70] =	vst v51;
	v57 =	vadd.f32 v50, v44  }
0x150: {  	v61 =	vld [tilespmem:s7+$0x0];
	v59 =	vperm.xlane v36, v17;
	[tilespmem:s8+$0x400] =	vst v54;
	v60 =	vadd.f32 v53, v46  }
0x151: {  	v27 =	vadd.f32 v33, v27;
	v40 =	vld [tilespmem:s7+$0x10];
	v62 =	vperm.xlane v36, v18;
	v63 =	vadd.f32 v56, v49;
	[tilespmem:s8+$0x410] =	vst v57  }
0x152: {  	v42 =	vld [tilespmem:s7+$0x20];
	v36 =	vperm.xlane v36, v19;
	v41 =	vadd.f32 v59, v52;
	[tilespmem:s8+$0x420] =	vst v60  }
0x153: {  	v43 =	vperm.xlane v27, v5;
	v45 =	vld [tilespmem:s7+$0x30];
	v44 =	vadd.f32 v62, v55;
	[tilespmem:s8+$0x430] =	vst v63  }
0x154: {  	v48 =	vld [tilespmem:s7+$0x40];
	v46 =	vperm.xlane v27, v6;
	v47 =	vadd.f32 v36, v58;
	[tilespmem:s8+$0x440] =	vst v41  }
0x155: {  	v51 =	vld [tilespmem:s7+$0x50];
	v49 =	vperm.xlane v27, v7;
	v50 =	vadd.f32 v43, v61;
	[tilespmem:s8+$0x450] =	vst v44  }
0x156: {  	v54 =	vld [tilespmem:s7+$0x60];
	v52 =	vperm.xlane v27, v8;
	[tilespmem:s8+$0x460] =	vst v47;
	v53 =	vadd.f32 v46, v40  }
0x157: {  	v55 =	vperm.xlane v27, v9;
	[tilespmem:s7+$0x0] =	vst v50;
	v56 =	vadd.f32 v49, v42;
	v57 =	vld [tilespmem:s7+$0x70]  }
0x158: {  	v58 =	vperm.xlane v27, v10;
	v59 =	vadd.f32 v52, v45;
	v60 =	vld [tilespmem:s7+$0x400];
	[tilespmem:s7+$0x10] =	vst v53  }
0x159: {  	v61 =	vperm.xlane v27, v11;
	v62 =	vadd.f32 v55, v48;
	v63 =	vld [tilespmem:s7+$0x410];
	[tilespmem:s7+$0x20] =	vst v56  }
0x15a: {  	v40 =	vperm.xlane v27, v12;
	v42 =	vld [tilespmem:s7+$0x420];
	[tilespmem:s7+$0x30] =	vst v59;
	v41 =	vadd.f32 v58, v51  }
0x15b: {  	v43 =	vperm.xlane v27, v13;
	v45 =	vld [tilespmem:s7+$0x430];
	[tilespmem:s7+$0x40] =	vst v62;
	v44 =	vadd.f32 v61, v54  }
0x15c: {  	v46 =	vperm.xlane v27, v14;
	v48 =	vld [tilespmem:s7+$0x440];
	[tilespmem:s7+$0x50] =	vst v41;
	v47 =	vadd.f32 v40, v57  }
0x15d: {  	v49 =	vperm.xlane v27, v15;
	v51 =	vld [tilespmem:s7+$0x450];
	[tilespmem:s7+$0x60] =	vst v44;
	v50 =	vadd.f32 v43, v60  }
0x15e: {  	v52 =	vperm.xlane v27, v16;
	v54 =	vld [tilespmem:s7+$0x460];
	v53 =	vadd.f32 v46, v63;
	[tilespmem:s7+$0x70] =	vst v47  }
0x15f: {  	v55 =	vperm.xlane v27, v17;
	v56 =	vadd.f32 v49, v42;
	v57 =	vld [tilespmem:s7+$0x470];
	[tilespmem:s7+$0x400] =	vst v50  }
0x160: {  	v58 =	vperm.xlane v27, v18;
	v59 =	vadd.f32 v52, v45;
	[tilespmem:s7+$0x410] =	vst v53  }
0x161: {  	v60 =	vperm.xlane v27, v19;
	v61 =	vadd.f32 v55, v48;
	[tilespmem:s7+$0x420] =	vst v56  }
0x162: {  	v27 =	vperm.xlane v27, v4;
	[tilespmem:s7+$0x430] =	vst v59;
	v62 =	vadd.f32 v58, v51  }
0x163: {  	[tilespmem:s7+$0x440] =	vst v61;
	v63 =	vadd.f32 v60, v54  }
0x164: {  	s16 =	sor.u32 s17, s6;
	[tilespmem:s7+$0x450] =	vst v62;
	v27 =	vadd.f32 v27, v57  }
0x165: {  	s0 =	sshrl.u32 s16, $0x3;
	[tilespmem:s7+$0x460] =	vst v63  }
0x166: {  	s0 =	sadd.s32 s2, s0;
	[tilespmem:s7+$0x470] =	vst v27  }
0x167: {  	[hbm4b:s0+s4] =	stream.linear.scatter [tilespmem:s4], [sflag:$0x5], $0x4000, $0x38;
	[tilespmem:$0x11900] =	vst v63  }
0x168: {  	s0 =	simm.s32 @!p0 $0x8  }
0x169: {  	_ =	swait.ge @!p0 [sflag:s0], $0x4000  }
0x16a: {  	s30 =	rddreg [dreg:$0x8]  }
0x16b: {  	s7 =	sadd.s32 s30, s17  }
0x16c: {  	[sflag:s0] =	ssyncset.done @!p0 $0x0;
	s8 =	sshrl.u32 s7, $0x3  }
0x16d: {  	[sflag:s0] =	ssyncadd.s32 @!p0 $0xFFFFC000;
	s7 =	simm.s32 $0x0;
	s31 =	sadd.s32 s1, s8  }
0x16e: {  	[tilespmem:s23], [sflag:$0x4] =	stream.linear.gather [hbm4b:s31+s7], $0x4000, $0x38;
	[tilespmem:$0x11900] =	vst v63  }
0x16f: {  	_ =	swait.ge [sflag:s24], $0x4000  }
0x170: {  	s14 =	simm.s32 $0xFFFFFFFC;
	[sflag:s24] =	ssyncset.done $0x0  }
0x171: {  	v25 =	vadd.f32 v26, v25;
	s16 =	simm.s32 $0x0;
	s15 =	simm.s32 $0x0;
	[sflag:s24] =	ssyncadd.s32 $0xFFFFC000  }
.LBB2_9:
0x172: {  	s0 =	sshrl.u32 s16, $0x2  }
0x173: {  	s9 =	sand.u32 $0x380, s15;
	s0 =	sand.u32 $0x2000, s0  }
0x174: {  	s30 =	sor.u32 s9, s0  }
0x175: {  	v26 =	vld [tilespmem:s30+$0x4000]  }
0x176: {  	v27 =	vld [tilespmem:s30+$0x4010]  }
0x177: {  	v28 =	vld [tilespmem:s30+$0x4020]  }
0x178: {  	v29 =	vld [tilespmem:s30+$0x4030]  }
0x179: {  	v30 =	vld [tilespmem:s30+$0x4040]  }
0x17a: {  	(xrf2) =	vadd.scan.msk.f32 $0xffff, v26;
	v26 =	vld [tilespmem:s30+$0x4050]  }
0x17b: {  	(xrf2) =	vadd.scan.msk.f32 $0xffff, v27;
	v27 =	vld [tilespmem:s30+$0x4060]  }
0x17c: {  	v41 =	vld [tilespmem:s30+$0x4070];
	(xrf2) =	vadd.scan.msk.f32 $0xffff, v28  }
0x17d: {  	v42 =	vld [tilespmem:s30+$0x4400];
	(xrf2) =	vadd.scan.msk.f32 $0xffff, v29  }
0x17e: {  	v43 =	vld [tilespmem:s30+$0x4410];
	(xrf2) =	vadd.scan.msk.f32 $0xffff, v30  }
0x17f: {  	(xrf2) =	vadd.scan.msk.f32 $0xffff, v26;
	v26 =	vld [tilespmem:s30+$0x4420]  }
0x180: {  	(xrf2) =	vadd.scan.msk.f32 $0xffff, v27;
	v27 =	vld [tilespmem:s30+$0x4430]  }
0x181: {  	v44 =	vld [tilespmem:s30+$0x4440];
	(xrf2) =	vadd.scan.msk.f32 $0xffff, v41  }
0x182: {  	v45 =	vld [tilespmem:s30+$0x4450];
	(xrf2) =	vadd.scan.msk.f32 $0xffff, v42  }
0x183: {  	v46 =	vld [tilespmem:s30+$0x4460];
	(xrf2) =	vadd.scan.msk.f32 $0xffff, v43  }
0x184: {  	v31, _, _ =	vpop (xrf2);
	(xrf2) =	vadd.scan.msk.f32 $0xffff, v26;
	v26 =	vld [tilespmem:s30+$0x4470]  }
0x185: {  	[tilespmem:s30+$0x4000] =	vst v31;
	v47, _, _ =	vpop (xrf2);
	(xrf2) =	vadd.scan.msk.f32 $0xffff, v27;
	v27 =	vld [tilespmem:s30+$0x4800]  }
0x186: {  	v49 =	vld [tilespmem:s30+$0x4810];
	[tilespmem:s30+$0x4010] =	vst v47;
	v48, _, _ =	vpop (xrf2);
	(xrf2) =	vadd.scan.msk.f32 $0xffff, v44  }
0x187: {  	v51 =	vld [tilespmem:s30+$0x4820];
	[tilespmem:s30+$0x4020] =	vst v48;
	v50, _, _ =	vpop (xrf2);
	(xrf2) =	vadd.scan.msk.f32 $0xffff, v45  }
0x188: {  	v53 =	vld [tilespmem:s30+$0x4830];
	[tilespmem:s30+$0x4030] =	vst v50;
	v52, _, _ =	vpop (xrf2);
	(xrf2) =	vadd.scan.msk.f32 $0xffff, v46  }
0x189: {  	[tilespmem:s30+$0x4040] =	vst v52;
	v54, _, _ =	vpop (xrf2);
	(xrf2) =	vadd.scan.msk.f32 $0xffff, v26;
	v26 =	vld [tilespmem:s30+$0x4840]  }
0x18a: {  	[tilespmem:s30+$0x4050] =	vst v54;
	v55, _, _ =	vpop (xrf2);
	(xrf2) =	vadd.scan.msk.f32 $0xffff, v27;
	v27 =	vld [tilespmem:s30+$0x4850]  }
0x18b: {  	v57 =	vld [tilespmem:s30+$0x4860];
	[tilespmem:s30+$0x4060] =	vst v55;
	v56, _, _ =	vpop (xrf2);
	(xrf2) =	vadd.scan.msk.f32 $0xffff, v49  }
0x18c: {  	v59 =	vld [tilespmem:s30+$0x4870];
	[tilespmem:s30+$0x4070] =	vst v56;
	v58, _, _ =	vpop (xrf2);
	(xrf2) =	vadd.scan.msk.f32 $0xffff, v51  }
0x18d: {  	v61 =	vld [tilespmem:s30+$0x4C00];
	[tilespmem:s30+$0x4400] =	vst v58;
	v60, _, _ =	vpop (xrf2);
	(xrf2) =	vadd.scan.msk.f32 $0xffff, v53  }
0x18e: {  	[tilespmem:s30+$0x4410] =	vst v60;
	v62, _, _ =	vpop (xrf2);
	(xrf2) =	vadd.scan.msk.f32 $0xffff, v26;
	v26 =	vld [tilespmem:s30+$0x4C10]  }
0x18f: {  	[tilespmem:s30+$0x4420] =	vst v62;
	v63, _, _ =	vpop (xrf2);
	(xrf2) =	vadd.scan.msk.f32 $0xffff, v27;
	v27 =	vld [tilespmem:s30+$0x4C20]  }
0x190: {  	v34 =	vld [tilespmem:s30+$0x4C30];
	[tilespmem:s30+$0x4430] =	vst v63;
	v33, _, _ =	vpop (xrf2);
	(xrf2) =	vadd.scan.msk.f32 $0xffff, v57  }
0x191: {  	v36 =	vld [tilespmem:s30+$0x4C40];
	[tilespmem:s30+$0x4440] =	vst v33;
	v35, _, _ =	vpop (xrf2);
	(xrf2) =	vadd.scan.msk.f32 $0xffff, v59  }
0x192: {  	v38 =	vld [tilespmem:s30+$0x4C50];
	[tilespmem:s30+$0x4450] =	vst v35;
	v37, _, _ =	vpop (xrf2);
	(xrf2) =	vadd.scan.msk.f32 $0xffff, v61  }
0x193: {  	[tilespmem:s30+$0x4460] =	vst v37;
	v39, _, _ =	vpop (xrf2);
	(xrf2) =	vadd.scan.msk.f32 $0xffff, v26;
	v26 =	vld [tilespmem:s30+$0x4C60]  }
0x194: {  	[tilespmem:s30+$0x4470] =	vst v39;
	v40, _, _ =	vpop (xrf2);
	(xrf2) =	vadd.scan.msk.f32 $0xffff, v27;
	v27 =	vld [tilespmem:s30+$0x4C70]  }
0x195: {  	v42 =	vld [tilespmem:s30+$0x5000];
	[tilespmem:s30+$0x4800] =	vst v40;
	v41, _, _ =	vpop (xrf2);
	(xrf2) =	vadd.scan.msk.f32 $0xffff, v34  }
0x196: {  	v44 =	vld [tilespmem:s30+$0x5010];
	[tilespmem:s30+$0x4810] =	vst v41;
	v43, _, _ =	vpop (xrf2);
	(xrf2) =	vadd.scan.msk.f32 $0xffff, v36  }
0x197: {  	v46 =	vld [tilespmem:s30+$0x5020];
	[tilespmem:s30+$0x4820] =	vst v43;
	v45, _, _ =	vpop (xrf2);
	(xrf2) =	vadd.scan.msk.f32 $0xffff, v38  }
0x198: {  	[tilespmem:s30+$0x4830] =	vst v45;
	v47, _, _ =	vpop (xrf2);
	(xrf2) =	vadd.scan.msk.f32 $0xffff, v26;
	v26 =	vld [tilespmem:s30+$0x5030]  }
0x199: {  	[tilespmem:s30+$0x4840] =	vst v47;
	v48, _, _ =	vpop (xrf2);
	(xrf2) =	vadd.scan.msk.f32 $0xffff, v27;
	v27 =	vld [tilespmem:s30+$0x5040]  }
0x19a: {  	v50 =	vld [tilespmem:s30+$0x5050];
	[tilespmem:s30+$0x4850] =	vst v48;
	v49, _, _ =	vpop (xrf2);
	(xrf2) =	vadd.scan.msk.f32 $0xffff, v42  }
0x19b: {  	v52 =	vld [tilespmem:s30+$0x5060];
	[tilespmem:s30+$0x4860] =	vst v49;
	v51, _, _ =	vpop (xrf2);
	(xrf2) =	vadd.scan.msk.f32 $0xffff, v44  }
0x19c: {  	v54 =	vld [tilespmem:s30+$0x5070];
	[tilespmem:s30+$0x4870] =	vst v51;
	v53, _, _ =	vpop (xrf2);
	(xrf2) =	vadd.scan.msk.f32 $0xffff, v46  }
0x19d: {  	[tilespmem:s30+$0x4C00] =	vst v53;
	v55, _, _ =	vpop (xrf2);
	(xrf2) =	vadd.scan.msk.f32 $0xffff, v26;
	v26 =	vld [tilespmem:s30+$0x5400]  }
0x19e: {  	[tilespmem:s30+$0x4C10] =	vst v55;
	v56, _, _ =	vpop (xrf2);
	(xrf2) =	vadd.scan.msk.f32 $0xffff, v27;
	v27 =	vld [tilespmem:s30+$0x5410]  }
0x19f: {  	v58 =	vld [tilespmem:s30+$0x5420];
	[tilespmem:s30+$0x4C20] =	vst v56;
	v57, _, _ =	vpop (xrf2);
	(xrf2) =	vadd.scan.msk.f32 $0xffff, v50  }
0x1a0: {  	v60 =	vld [tilespmem:s30+$0x5430];
	[tilespmem:s30+$0x4C30] =	vst v57;
	v59, _, _ =	vpop (xrf2);
	(xrf2) =	vadd.scan.msk.f32 $0xffff, v52  }
0x1a1: {  	v62 =	vld [tilespmem:s30+$0x5440];
	[tilespmem:s30+$0x4C40] =	vst v59;
	v61, _, _ =	vpop (xrf2);
	(xrf2) =	vadd.scan.msk.f32 $0xffff, v54  }
0x1a2: {  	[tilespmem:s30+$0x4C50] =	vst v61;
	v63, _, _ =	vpop (xrf2);
	(xrf2) =	vadd.scan.msk.f32 $0xffff, v26;
	v26 =	vld [tilespmem:s30+$0x5450]  }
0x1a3: {  	[tilespmem:s30+$0x4C60] =	vst v63;
	v33, _, _ =	vpop (xrf2);
	(xrf2) =	vadd.scan.msk.f32 $0xffff, v27;
	v27 =	vld [tilespmem:s30+$0x5460]  }
0x1a4: {  	v35 =	vld [tilespmem:s30+$0x5470];
	[tilespmem:s30+$0x4C70] =	vst v33;
	v34, _, _ =	vpop (xrf2);
	(xrf2) =	vadd.scan.msk.f32 $0xffff, v58  }
0x1a5: {  	v37 =	vld [tilespmem:s30+$0x5800];
	[tilespmem:s30+$0x5000] =	vst v34;
	v36, _, _ =	vpop (xrf2);
	(xrf2) =	vadd.scan.msk.f32 $0xffff, v60  }
0x1a6: {  	v39 =	vld [tilespmem:s30+$0x5810];
	[tilespmem:s30+$0x5010] =	vst v36;
	v38, _, _ =	vpop (xrf2);
	(xrf2) =	vadd.scan.msk.f32 $0xffff, v62  }
0x1a7: {  	[tilespmem:s30+$0x5020] =	vst v38;
	v40, _, _ =	vpop (xrf2);
	(xrf2) =	vadd.scan.msk.f32 $0xffff, v26;
	v26 =	vld [tilespmem:s30+$0x5820]  }
0x1a8: {  	[tilespmem:s30+$0x5030] =	vst v40;
	v41, _, _ =	vpop (xrf2);
	(xrf2) =	vadd.scan.msk.f32 $0xffff, v27;
	v27 =	vld [tilespmem:s30+$0x5830]  }
0x1a9: {  	v43 =	vld [tilespmem:s30+$0x5840];
	[tilespmem:s30+$0x5040] =	vst v41;
	v42, _, _ =	vpop (xrf2);
	(xrf2) =	vadd.scan.msk.f32 $0xffff, v35  }
0x1aa: {  	v45 =	vld [tilespmem:s30+$0x5850];
	[tilespmem:s30+$0x5050] =	vst v42;
	v44, _, _ =	vpop (xrf2);
	(xrf2) =	vadd.scan.msk.f32 $0xffff, v37  }
0x1ab: {  	v47 =	vld [tilespmem:s30+$0x5860];
	[tilespmem:s30+$0x5060] =	vst v44;
	v46, _, _ =	vpop (xrf2);
	(xrf2) =	vadd.scan.msk.f32 $0xffff, v39  }
0x1ac: {  	[tilespmem:s30+$0x5070] =	vst v46;
	v48, _, _ =	vpop (xrf2);
	(xrf2) =	vadd.scan.msk.f32 $0xffff, v26;
	v26 =	vld [tilespmem:s30+$0x5870]  }
0x1ad: {  	[tilespmem:s30+$0x5400] =	vst v48;
	v49, _, _ =	vpop (xrf2);
	(xrf2) =	vadd.scan.msk.f32 $0xffff, v27;
	v27 =	vld [tilespmem:s30+$0x5C00]  }
0x1ae: {  	v51 =	vld [tilespmem:s30+$0x5C10];
	[tilespmem:s30+$0x5410] =	vst v49;
	v50, _, _ =	vpop (xrf2);
	(xrf2) =	vadd.scan.msk.f32 $0xffff, v43  }
0x1af: {  	v53 =	vld [tilespmem:s30+$0x5C20];
	[tilespmem:s30+$0x5420] =	vst v50;
	v52, _, _ =	vpop (xrf2);
	(xrf2) =	vadd.scan.msk.f32 $0xffff, v45  }
0x1b0: {  	v55 =	vld [tilespmem:s30+$0x5C30];
	[tilespmem:s30+$0x5430] =	vst v52;
	v54, _, _ =	vpop (xrf2);
	(xrf2) =	vadd.scan.msk.f32 $0xffff, v47  }
0x1b1: {  	[tilespmem:s30+$0x5440] =	vst v54;
	v56, _, _ =	vpop (xrf2);
	(xrf2) =	vadd.scan.msk.f32 $0xffff, v26;
	v26 =	vld [tilespmem:s30+$0x5C40]  }
0x1b2: {  	[tilespmem:s30+$0x5450] =	vst v56;
	v57, _, _ =	vpop (xrf2);
	(xrf2) =	vadd.scan.msk.f32 $0xffff, v27;
	v27 =	vld [tilespmem:s30+$0x5C50]  }
0x1b3: {  	v59 =	vld [tilespmem:s30+$0x5C60];
	[tilespmem:s30+$0x5460] =	vst v57;
	v58, _, _ =	vpop (xrf2);
	(xrf2) =	vadd.scan.msk.f32 $0xffff, v51  }
0x1b4: {  	v61 =	vld [tilespmem:s30+$0x5C70];
	[tilespmem:s30+$0x5470] =	vst v58;
	v60, _, _ =	vpop (xrf2);
	(xrf2) =	vadd.scan.msk.f32 $0xffff, v53  }
0x1b5: {  	[tilespmem:s30+$0x5800] =	vst v60;
	v62, _, _ =	vpop (xrf2);
	(xrf2) =	vadd.scan.msk.f32 $0xffff, v55  }
0x1b6: {  	[tilespmem:s30+$0x5810] =	vst v62;
	v63, _, _ =	vpop (xrf2);
	(xrf2) =	vadd.scan.msk.f32 $0xffff, v26  }
0x1b7: {  	[tilespmem:s30+$0x5820] =	vst v63;
	v26, _, _ =	vpop (xrf2);
	(xrf2) =	vadd.scan.msk.f32 $0xffff, v27  }
0x1b8: {  	[tilespmem:s30+$0x5830] =	vst v26;
	v26, _, _ =	vpop (xrf2);
	(xrf2) =	vadd.scan.msk.f32 $0xffff, v59  }
0x1b9: {  	[tilespmem:s30+$0x5840] =	vst v26;
	v26, _, _ =	vpop (xrf2);
	(xrf2) =	vadd.scan.msk.f32 $0xffff, v61  }
0x1ba: {  	v27, _, _ =	vpop (xrf2);
	[tilespmem:s30+$0x5850] =	vst v26  }
0x1bb: {  	v26, _, _ =	vpop (xrf2);
	[tilespmem:s30+$0x5860] =	vst v27  }
0x1bc: {  	v27, _, _ =	vpop (xrf2);
	[tilespmem:s30+$0x5870] =	vst v26  }
0x1bd: {  	v26, _, _ =	vpop (xrf2);
	[tilespmem:s30+$0x5C00] =	vst v27  }
0x1be: {  	s14 =	sadd.s32 $0x4, s14;
	v27, _, _ =	vpop (xrf2);
	[tilespmem:s30+$0x5C10] =	vst v26  }
0x1bf: {  	p0 =	slt.u32 s14, $0x3C;
	v26, _, _ =	vpop (xrf2);
	[tilespmem:s30+$0x5C20] =	vst v27  }
.Ltmp3:
0x1c0: {  	v27, _, _ =	vpop (xrf2);
	[tilespmem:s30+$0x5C30] =	vst v26;
	(pc) =	sbr.rel @p0 .LBB2_9-.Ltmp3, $4  }
0x1c1: {  	v26, _, _ =	vpop (xrf2);
	[tilespmem:s30+$0x5C40] =	vst v27  }
0x1c2: {  	v27, _, _ =	vpop (xrf2);
	[tilespmem:s30+$0x5C50] =	vst v26  }
0x1c3: {  	s16 =	sadd.s32 $0x8000, s16;
	[tilespmem:s30+$0x5C60] =	vst v27;
	v26, _, _ =	vpop (xrf2)  }
0x1c4: {  	s15 =	sadd.s32 $0x40, s15;
	s31 =	simm.s32 $0x10020;
	[tilespmem:s30+$0x5C70] =	vst v26;
	s30 =	simm.s32 $0x10420  }
0x1c5: {  	s0 =	simm.s32 $0x0  }
0x1c6: {  	v26 =	vmov s0  }
0x1c7: {  	s14 =	sand.u32 $0x400, s7;
	v26 =	vshll.u32 v26, $0x7  }
0x1c8: {  	v27 =	vmov s14;
	v26 =	vand.u32 $0x380, v26  }
0x1c9: {  	v27 =	vshll.u32 v27, $0x3;
	v26 =	vbroadcast v26, $0x0  }
0x1ca: {  	s16 =	simm.s32 $0x100;
	v27 =	vor.u32 v1, v27  }
0x1cb: {  	s15 =	simm.s32 $0x200;
	s7 =	sand.u32 $0x500, s16;
	v27 =	vand.u32 $0x2400, v27;
	v26 =	vor.u32 v20, v26  }
0x1cc: {  	s0 =	sand.u32 $0x600, s15;
	v29 =	vmov s7;
	v27 =	vor.u32 v27, v26  }
0x1cd: {  	v28 =	vmov s0;
	s7 =	simm.s32 $0x300;
	v29 =	vshll.u32 v29, $0x3  }
0x1ce: {  	v28 =	vshll.u32 v28, $0x3;
	s0 =	sand.u32 $0x700, s7;
	v29 =	vor.u32 v1, v29  }
0x1cf: {  	v28 =	vor.u32 v1, v28;
	v30 =	vmov s0;
	v29 =	vand.u32 $0x2C00, v29  }
0x1d0: {  	v28 =	vand.u32 $0x3400, v28;
	v30 =	vshll.u32 v30, $0x3;
	v29 =	vor.u32 v29, v26  }
0x1d1: {  	s9 =	simm.s32 $0x400;
	s10 =	simm.s32 $0x0;
	v28 =	vor.u32 v28, v26;
	v33 =	vld.idx.msk [tilespmem:v27+s18+$0x0], $0xffff;
	v27 =	vor.u32 v1, v30  }
0x1d2: {  	s0 =	sand.u32 $0x400, s9;
	v30 =	vmov s10;
	v27 =	vand.u32 $0x3C00, v27  }
0x1d3: {  	v31 =	vmov s0;
	v27 =	vor.u32 v27, v26;
	v26 =	vshll.u32 v30, $0x7  }
0x1d4: {  	s9 =	simm.s32 $0x500;
	v31 =	vshll.u32 v31, $0x3;
	v32 =	vand.u32 $0x380, v26  }
0x1d5: {  	s15 =	simm.s32 $0x600;
	s14 =	sand.u32 $0x500, s9;
	v31 =	vor.u32 v1, v31;
	v26 =	vld.idx.msk [tilespmem:v29+s18+$0x0], $0xffff;
	v29 =	vbroadcast v32, $0x0  }
0x1d6: {  	s7 =	sand.u32 $0x600, s15;
	v31 =	vand.u32 $0x2400, v31;
	v37 =	vld.idx.msk [tilespmem:v28+s18+$0x0], $0xffff;
	v30 =	vmov s14  }
0x1d7: {  	s16 =	simm.s32 $0x700;
	v28 =	vshll.u32 v30, $0x3;
	v30 =	vmov s7;
	v29 =	vor.u32 v20, v29  }
0x1d8: {  	s0 =	sand.u32 $0x700, s16;
	v30 =	vshll.u32 v30, $0x3;
	(xrf2) =	vadd.scan.msk.f32 $0xffff, v33;
	v31 =	vor.u32 v31, v29  }
0x1d9: {  	v58 =	vmov s0;
	v30 =	vor.u32 v1, v30  }
0x1da: {  	v32 =	vshll.u32 v58, $0x3;
	v30 =	vand.u32 $0x3400, v30;
	v27 =	vld.idx.msk [tilespmem:v27+s18+$0x0], $0xffff  }
0x1db: {  	s10 =	simm.s32 $0x1;
	v28 =	vor.u32 v1, v28;
	v32 =	vor.u32 v1, v32;
	(xrf2) =	vadd.scan.msk.f32 $0xffff, v37;
	v30 =	vor.u32 v30, v29  }
0x1dc: {  	v35 =	vmov s10;
	s7 =	simm.s32 $0x800;
	v28 =	vand.u32 $0x2C00, v28;
	v32 =	vand.u32 $0x3C00, v32;
	(xrf2) =	vadd.scan.msk.f32 $0xffff, v26  }
0x1dd: {  	s9 =	simm.s32 $0x900;
	v35 =	vshll.u32 v35, $0x7;
	s0 =	sand.u32 $0x400, s7;
	v28 =	vor.u32 v28, v29;
	v38 =	vor.u32 v32, v29;
	v29 =	vld.idx.msk [tilespmem:v31+s18+$0x0], $0xffff  }
0x1de: {  	s16 =	simm.s32 $0xA00;
	s14 =	sand.u32 $0x500, s9;
	v35 =	vand.u32 $0x380, v35;
	v34 =	vmov s0  }
0x1df: {  	v59 =	vmov s14;
	s7 =	sand.u32 $0x600, s16;
	v60 =	vbroadcast v35, $0x0;
	v34 =	vshll.u32 v34, $0x3;
	(xrf2) =	vadd.scan.msk.f32 $0xffff, v27  }
0x1e0: {  	s15 =	simm.s32 $0xB00;
	v61 =	vmov s7;
	v32 =	vshll.u32 v59, $0x3;
	v31 =	vld.idx.msk [tilespmem:v30+s18+$0x0], $0xffff;
	v30 =	vor.u32 v1, v34  }
0x1e1: {  	s0 =	sand.u32 $0x700, s15;
	v40 =	vor.u32 v1, v32;
	v32 =	vor.u32 v20, v60;
	v30 =	vand.u32 $0x2400, v30  }
0x1e2: {  	v36 =	vmov s0;
	v34 =	vor.u32 v30, v32;
	v30 =	vand.u32 $0x2C00, v40;
	v39, _, _ =	vpop (xrf2);
	(xrf2) =	vadd.scan.msk.f32 $0xffff, v29  }
0x1e3: {  	v35 =	vshll.u32 v61, $0x3;
	v42 =	vsub.f32 v39, v33;
	v33 =	vor.u32 v30, v32;
	v30 =	vld.idx.msk [tilespmem:v28+s18+$0x0], $0xffff  }
0x1e4: {  	v41 =	vshll.u32 v36, $0x3;
	v35 =	vor.u32 v1, v35;
	v62 =	vperm.xlane v39, v4  }
0x1e5: {  	s14 =	simm.s32 $0x10060;
	v35 =	vand.u32 $0x3400, v35;
	v63 =	vor.u32 v1, v41;
	v36, _, _ =	vpop (xrf2);
	(xrf2) =	vadd.scan.msk.f32 $0xffff, v31;
	[tilespmem:s31+$0xFFFFFFE0] =	vst v42  }
0x1e6: {  	s16 =	simm.s32 $0xC00;
	s15 =	simm.s32 $0x8;
	s7 =	simm.s32 $0x10460;
	v35 =	vor.u32 v35, v32;
	v28 =	vld.idx.msk [tilespmem:v38+s18+$0x0], $0xffff;
	v39 =	vand.u32 $0x3C00, v63;
	v37 =	vsub.f32 v36, v37;
	v38, _, _ =	vpop (xrf2);
	[tilespmem:s30+$0xFFFFFFE0] =	vst v62  }
.LBB2_11:
0x1e7: {  	s15 =	sadd.s32 $0x4, s15;
	s0 =	sand.u32 $0x400, s16;
	s9 =	sadd.s32 $0x100, s16;
	v36 =	vperm.xlane v36, v4;
	v40 =	vmov v31  }
0x1e8: {  	s10 =	sshrl.u32 s15, $0x3;
	v31 =	vmov s0;
	s0 =	sand.u32 $0x500, s9;
	s9 =	sadd.s32 $0x200, s16;
	v41 =	vld.idx.msk [tilespmem:v34+s18+$0x0], $0xffff;
	v34 =	vor.u32 v39, v32;
	(xrf2) =	vadd.scan.msk.f32 $0xffff, v30;
	v32 =	vsub.f32 v38, v26;
	v26 =	vmovc v30  }
0x1e9: {  	p0 =	slt.u32 s15, $0x3C;
	v39 =	vmov s10;
	v42 =	vmov s0;
	s0 =	sadd.s32 $0x300, s16;
	v30 =	vld.idx.msk [tilespmem:v33+s18+$0x0], $0xffff;
	v33 =	vperm.xlane v38, v4;
	[tilespmem:s31+$0x0] =	vst v37;
	v37, _, _ =	vpop (xrf2)  }
0x1ea: {  	v38 =	vshll.u32 v31, $0x3;
	s9 =	sand.u32 $0x600, s9;
	v31 =	vshll.u32 v39, $0x7;
	s0 =	sand.u32 $0x700, s0;
	[tilespmem:s31+$0xFFFFFFF0] =	vst v32;
	v39 =	vperm.xlane v37, v4  }
0x1eb: {  	v42 =	vshll.u32 v42, $0x3;
	v32 =	vand.u32 $0x380, v31;
	v43 =	vmov s0;
	v31 =	vld.idx.msk [tilespmem:v35+s18+$0x0], $0xffff;
	(xrf2) =	vadd.scan.msk.f32 $0xffff, v28  }
0x1ec: {  	v35 =	vor.u32 v1, v38;
	v38 =	vmov s9;
	v32 =	vbroadcast v32, $0x0;
	v44, _, _ =	vpop (xrf2);
	[tilespmem:s30+$0xFFFFFFF0] =	vst v33  }
0x1ed: {  	v37 =	vsub.f32 v37, v27;
	v27 =	vmovc v28;
	v33 =	vor.u32 v1, v42;
	v42 =	vshll.u32 v43, $0x3;
	[tilespmem:s30+$0x0] =	vst v36  }
.Ltmp4:
0x1ee: {  	v35 =	vand.u32 $0x2400, v35;
	v43 =	vsub.f32 v44, v29;
	v32 =	vor.u32 v20, v32;
	v28 =	vld.idx.msk [tilespmem:v34+s18+$0x0], $0xffff;
	(xrf2) =	vadd.scan.msk.f32 $0xffff, v41;
	(pc) =	sbr.rel @p0 .LBB2_11-.Ltmp4, $4  }
0x1ef: {  	v33 =	vand.u32 $0x2C00, v33;
	v34 =	vor.u32 v35, v32;
	v35 =	vshll.u32 v38, $0x3;
	v36, _, _ =	vpop (xrf2);
	[tilespmem:s31+$0x10] =	vst v37;
	s31 =	smov.u32 s14  }
0x1f0: {  	v33 =	vor.u32 v33, v32;
	v37 =	vperm.xlane v44, v4;
	v35 =	vor.u32 v1, v35;
	[tilespmem:s30+$0x10] =	vst v39;
	s30 =	smov.u32 s7  }
0x1f1: {  	v42 =	vor.u32 v1, v42;
	v29 =	vmovc v41;
	v35 =	vand.u32 $0x3400, v35;
	(xrf2) =	vadd.scan.msk.f32 $0xffff, v31;
	[tilespmem:s14+$0xFFFFFFE0] =	vst v43  }
0x1f2: {  	s16 =	sadd.s32 $0x400, s16;
	v39 =	vand.u32 $0x3C00, v42;
	s7 =	sadd.s32 $0x40, s7;
	s14 =	sadd.s32 $0x40, s14;
	v35 =	vor.u32 v35, v32;
	[tilespmem:s30+$0xFFFFFFE0] =	vst v37;
	v37 =	vsub.f32 v36, v40;
	v38, _, _ =	vpop (xrf2)  }
0x1f3: {  	_ =	sdelay $0x3  }
0x1f4: {  	v34 =	vld.idx.msk [tilespmem:v34+s18+$0x0], $0xffff;
	(xrf2) =	vadd.scan.msk.f32 $0xffff, v30  }
0x1f5: {  	v32 =	vor.u32 v39, v32;
	v26 =	vsub.f32 v38, v26  }
0x1f6: {  	v35 =	vld.idx.msk [tilespmem:v35+s18+$0x0], $0xffff;
	(xrf2) =	vadd.scan.msk.f32 $0xffff, v28;
	v55, _, _ =	vpop (xrf2)  }
0x1f7: {  	v33 =	vld.idx.msk [tilespmem:v33+s18+$0x0], $0xffff;
	[tilespmem:s31+$0xFFFFFFF0] =	vst v26;
	v26 =	vsub.f32 v55, v27  }
0x1f8: {  	v36 =	vperm.xlane v36, v4  }
0x1f9: {  	[tilespmem:s31+$0x0] =	vst v37;
	(xrf2) =	vadd.scan.msk.f32 $0xffff, v34;
	v57, _, _ =	vpop (xrf2)  }
0x1fa: {  	[tilespmem:s30+$0x0] =	vst v36;
	v27 =	vld.idx.msk [tilespmem:v32+s18+$0x0], $0xffff;
	v29 =	vsub.f32 v57, v29  }
0x1fb: {  	v54 =	vperm.xlane v38, v4;
	[tilespmem:s31+$0x10] =	vst v26;
	(xrf2) =	vadd.scan.msk.f32 $0xffff, v35;
	v26, _, _ =	vpop (xrf2)  }
0x1fc: {  	v56 =	vperm.xlane v55, v4;
	(xrf2) =	vadd.scan.msk.f32 $0xffff, v33;
	[tilespmem:s14+$0xFFFFFFE0] =	vst v29;
	v29 =	vsub.f32 v26, v31  }
0x1fd: {  	[tilespmem:s30+$0xFFFFFFF0] =	vst v54;
	v58 =	vperm.xlane v57, v4  }
0x1fe: {  	[tilespmem:s30+$0x10] =	vst v56;
	v31, _, _ =	vpop (xrf2)  }
0x1ff: {  	[tilespmem:s7+$0xFFFFFFE0] =	vst v58;
	v26 =	vperm.xlane v26, v4;
	(xrf2) =	vadd.scan.msk.f32 $0xffff, v27;
	v30 =	vsub.f32 v31, v30  }
0x200: {  	[tilespmem:s14+$0x0] =	vst v29;
	v29, _, _ =	vpop (xrf2)  }
0x201: {  	v31 =	vperm.xlane v31, v4;
	[tilespmem:s7+$0x0] =	vst v26;
	v28 =	vsub.f32 v29, v28  }
0x202: {  	[tilespmem:s14+$0xFFFFFFF0] =	vst v30;
	v29 =	vperm.xlane v29, v4  }
0x203: {  	[tilespmem:s7+$0xFFFFFFF0] =	vst v31;
	v30, _, _ =	vpop (xrf2)  }
0x204: {  	v26 =	vsub.f32 v30, v34;
	[tilespmem:s14+$0x10] =	vst v28  }
0x205: {  	s0 =	sadd.s32 $0x40, s14;
	v30 =	vperm.xlane v30, v4;
	[tilespmem:s7+$0x10] =	vst v29;
	v28, _, _ =	vpop (xrf2)  }
0x206: {  	s31 =	sadd.s32 $0x40, s7;
	[tilespmem:s0+$0xFFFFFFE0] =	vst v26;
	v26 =	vsub.f32 v28, v35;
	v29, _, _ =	vpop (xrf2)  }
0x207: {  	[tilespmem:s31+$0xFFFFFFE0] =	vst v30;
	v30 =	vsub.f32 v29, v33  }
0x208: {  	v29 =	vperm.xlane v29, v4;
	[tilespmem:s0+$0x0] =	vst v26  }
0x209: {  	v26 =	vperm.xlane v28, v4;
	v28, _, _ =	vpop (xrf2);
	[tilespmem:s0+$0xFFFFFFF0] =	vst v30  }
0x20a: {  	v27 =	vsub.f32 v28, v27;
	[tilespmem:s31+$0xFFFFFFF0] =	vst v29  }
0x20b: {  	v28 =	vperm.xlane v28, v4;
	[tilespmem:s31+$0x0] =	vst v26  }
0x20c: {  	[tilespmem:s0+$0x10] =	vst v27  }
0x20d: {  	[tilespmem:s31+$0x10] =	vst v28  }
0x20e: {  	v26 =	vld.idx.msk [tilespmem:v21+s21+$0x0], $0xffff;
	_ =	sdelay $0x4  }
0x20f: {  	(xrf2) =	vadd.scan.msk.f32 $0xffff, v26;
	_ =	sdelay $0x9  }
0x210: {  	v27, _, _ =	vpop (xrf2)  }
0x211: {  	v26 =	vsub.f32 v27, v26;
	_ =	sdelay $0x1  }
0x212: {  	v26 =	vadd.f32 v26, v25;
	_ =	sdelay $0x1  }
0x213: {  	[tilespmem:$0x10800] =	vst v26  }
0x214: {  	v26 =	vld.idx.msk [tilespmem:v22+s21+$0x0], $0xffff;
	_ =	sdelay $0x4  }
0x215: {  	(xrf2) =	vadd.scan.msk.f32 $0xffff, v26;
	_ =	sdelay $0x8  }
0x216: {  	v27 =	vperm.xlane v27, v4  }
0x217: {  	v28, _, _ =	vpop (xrf2)  }
0x218: {  	v25 =	vadd.f32 v27, v25;
	v26 =	vsub.f32 v28, v26;
	_ =	sdelay $0x1  }
0x219: {  	v26 =	vadd.f32 v26, v25;
	_ =	sdelay $0x1  }
0x21a: {  	[tilespmem:$0x10810] =	vst v26  }
0x21b: {  	v26 =	vld.idx.msk [tilespmem:v23+s21+$0x0], $0xffff;
	_ =	sdelay $0x4  }
0x21c: {  	(xrf2) =	vadd.scan.msk.f32 $0xffff, v26;
	_ =	sdelay $0x8  }
0x21d: {  	v27 =	vperm.xlane v28, v4  }
0x21e: {  	v28, _, _ =	vpop (xrf2)  }
0x21f: {  	v25 =	vadd.f32 v27, v25;
	v26 =	vsub.f32 v28, v26;
	_ =	sdelay $0x1  }
0x220: {  	v26 =	vadd.f32 v26, v25;
	_ =	sdelay $0x1  }
0x221: {  	[tilespmem:$0x10820] =	vst v26  }
0x222: {  	v26 =	vld.idx.msk [tilespmem:v24+s21+$0x0], $0xffff;
	_ =	sdelay $0x4  }
0x223: {  	(xrf2) =	vadd.scan.msk.f32 $0xffff, v26;
	_ =	sdelay $0x6  }
0x224: {  	s14 =	simm.s32 $0x0  }
0x225: {  	v27 =	vmov s14  }
0x226: {  	v27 =	vand.u32 $0xFFFFFFFE, v27;
	v28 =	vperm.xlane v28, v4  }
0x227: {  	v27 =	vbroadcast v27, $0x0;
	v29, _, _ =	vpop (xrf2)  }
0x228: {  	v25 =	vadd.f32 v28, v25;
	v26 =	vsub.f32 v29, v26;
	_ =	sdelay $0x1  }
0x229: {  	s9 =	simm.s32 $0x1;
	v26 =	vadd.f32 v26, v25  }
0x22a: {  	v28 =	vmov s9  }
0x22b: {  	[tilespmem:$0x10830] =	vst v26  }
0x22c: {  	s7 =	simm.s32 $0x10010;
	v26 =	vld.idx.msk [tilespmem:v27+s22+$0x0], $0xffff  }
0x22d: {  	s10 =	simm.s32 $0x0;
	v27 =	vld [tilespmem:s7+$0xFFFFFFF0]  }
0x22e: {  	s0 =	sand.u32 $0xC000, s10  }
0x22f: {  	s0 =	sshrl.u32 s0, $0x2;
	s9 =	sand.u32 $0x380, s14;
	v28 =	vld.idx.msk [tilespmem:v28+s22+$0x0], $0xffff  }
0x230: {  	s30 =	sor.u32 s9, s0;
	v30 =	vld [tilespmem:s7+$0x0]  }
0x231: {  	v31 =	vld [tilespmem:s30+$0x4470]  }
0x232: {  	v32 =	vld [tilespmem:s30+$0x4000];
	v27 =	vadd.f32 v27, v26  }
0x233: {  	v59 =	vld [tilespmem:s30+$0x4020]  }
0x234: {  	s15 =	simm.s32 $0x3;
	v61 =	vld [tilespmem:s30+$0x4030];
	v60 =	vperm.xlane v27, v4;
	v62 =	vperm.xlane v27, v5  }
0x235: {  	v45 =	vmov s15;
	v49 =	vld [tilespmem:s30+$0x4050];
	v48 =	vperm.xlane v27, v6;
	v50 =	vperm.xlane v27, v7  }
0x236: {  	v26 =	vld [tilespmem:s30+$0x4010];
	v28 =	vadd.f32 v30, v28;
	v40 =	vperm.xlane v27, v8;
	v54 =	vperm.xlane v27, v10  }
0x237: {  	v63 =	vld [tilespmem:s30+$0x4040];
	v30 =	vperm.xlane v27, v11;
	v57 =	vperm.xlane v27, v12;
	v31 =	vadd.f32 v60, v31  }
0x238: {  	s16 =	simm.s32 $0x800;
	v51 =	vld [tilespmem:s30+$0x4060];
	v58 =	vperm.xlane v27, v13;
	v41 =	vperm.xlane v27, v15;
	v32 =	vadd.f32 v62, v32  }
0x239: {  	s0 =	sand.u32 $0x3800, s16;
	v44 =	vld [tilespmem:s30+$0x4460];
	v42 =	vperm.xlane v27, v17;
	v43 =	vperm.xlane v27, v18;
	v52 =	vadd.f32 v50, v59;
	[tilespmem:s30+$0x4470] =	vst v31  }
0x23a: {  	s15 =	sor.u32 s9, s0;
	v53 =	vld [tilespmem:s30+$0x4400];
	v35 =	vadd.f32 v40, v61;
	v34 =	vadd.f32 v54, v49;
	v60 =	vperm.xlane v27, v14;
	[tilespmem:s30+$0x4000] =	vst v32  }
0x23b: {  	v38 =	vadd.f32 v48, v26;
	v26 =	vperm.xlane v29, v4;
	v29 =	vperm.xlane v27, v9;
	v48 =	vld [tilespmem:s15+$0x4000];
	[tilespmem:s30+$0x4020] =	vst v52  }
0x23c: {  	v61 =	vperm.xlane v27, v16;
	v27 =	vperm.xlane v27, v19;
	v31 =	vld [tilespmem:s30+$0x4070];
	[tilespmem:s30+$0x4030] =	vst v35  }
0x23d: {  	v55 =	vld [tilespmem:s30+$0x4410];
	[tilespmem:s30+$0x4050] =	vst v34;
	v29 =	vadd.f32 v29, v63  }
0x23e: {  	v56 =	vld [tilespmem:s30+$0x4420];
	v46 =	vperm.xlane v28, v5;
	[tilespmem:s30+$0x4010] =	vst v38;
	v63 =	vadd.f32 v27, v44  }
0x23f: {  	v59 =	vld [tilespmem:s30+$0x4430];
	[tilespmem:s30+$0x4040] =	vst v29;
	v29 =	vadd.f32 v30, v51  }
0x240: {  	v62 =	vld [tilespmem:s30+$0x4450];
	[tilespmem:s30+$0x4460] =	vst v63;
	v46 =	vadd.f32 v46, v48  }
0x241: {  	v30 =	vld [tilespmem:s30+$0x4440];
	v31 =	vadd.f32 v57, v31;
	[tilespmem:s30+$0x4060] =	vst v29  }
0x242: {  	v47 =	vperm.xlane v28, v6;
	v39 =	vperm.xlane v28, v8;
	v50 =	vld [tilespmem:s15+$0x4010];
	v29 =	vadd.f32 v58, v53;
	[tilespmem:s15+$0x4000] =	vst v46  }
0x243: {  	v37 =	vperm.xlane v28, v10;
	v36 =	vperm.xlane v28, v13;
	v44 =	vld [tilespmem:s15+$0x4060];
	[tilespmem:s30+$0x4070] =	vst v31;
	v31 =	vadd.f32 v60, v55  }
0x244: {  	v33 =	vperm.xlane v28, v14;
	v49 =	vperm.xlane v28, v7;
	v51 =	vld [tilespmem:s15+$0x4020];
	[tilespmem:s30+$0x4400] =	vst v29;
	v29 =	vadd.f32 v41, v56  }
0x245: {  	v40 =	vperm.xlane v28, v9;
	v35 =	vperm.xlane v28, v12;
	v41 =	vld [tilespmem:s15+$0x4030];
	[tilespmem:s30+$0x4410] =	vst v31;
	v31 =	vadd.f32 v61, v59  }
0x246: {  	v34 =	vperm.xlane v28, v15;
	v32 =	vperm.xlane v28, v16;
	[tilespmem:s30+$0x4420] =	vst v29;
	v29 =	vadd.f32 v42, v30;
	v42 =	vld [tilespmem:s15+$0x4040]  }
0x247: {  	s31 =	simm.s32 $0x2;
	v38 =	vperm.xlane v28, v11;
	v47 =	vadd.f32 v47, v50;
	v30 =	vadd.f32 v43, v62;
	v43 =	vld [tilespmem:s15+$0x4050];
	[tilespmem:s30+$0x4430] =	vst v31  }
0x248: {  	v27 =	vld.idx.msk [tilespmem:v45+s22+$0x0], $0xffff;
	v46 =	vmov s31;
	[tilespmem:s30+$0x4440] =	vst v29;
	v31 =	vperm.xlane v28, v17;
	v29 =	vperm.xlane v28, v18  }
0x249: {  	s16 =	simm.s32 $0x2000;
	v45 =	vld [tilespmem:s15+$0x4070];
	v48 =	vadd.f32 v49, v51;
	[tilespmem:s30+$0x4450] =	vst v30;
	v30 =	vperm.xlane v28, v19;
	v28 =	vperm.xlane v28, v4;
	s30 =	simm.s32 $0x4  }
.LBB2_13:
0x24a: {  	p0 =	slt.u32 s30, $0x3E;
	v46 =	vand.u32 $0xFFFFFFFE, v46;
	[tilespmem:s15+$0x4010] =	vst v47;
	v39 =	vadd.f32 v39, v41;
	v41 =	vld [tilespmem:s15+$0x4400]  }
0x24b: {  	v46 =	vbroadcast v46, $0x0;
	[tilespmem:s15+$0x4020] =	vst v48;
	v40 =	vadd.f32 v40, v42;
	v42 =	vld [tilespmem:s15+$0x4410]  }
0x24c: {  	[tilespmem:s15+$0x4030] =	vst v39;
	v37 =	vadd.f32 v37, v43;
	v39 =	vld [tilespmem:s15+$0x4420]  }
0x24d: {  	[tilespmem:s15+$0x4040] =	vst v40;
	v38 =	vadd.f32 v38, v44;
	v40 =	vld [tilespmem:s15+$0x4430]  }
0x24e: {  	[tilespmem:s15+$0x4050] =	vst v37;
	v35 =	vadd.f32 v35, v45;
	v37 =	vld [tilespmem:s15+$0x4440]  }
0x24f: {  	s0 =	sadd.s32 $0x1, s30;
	[tilespmem:s15+$0x4060] =	vst v38;
	v36 =	vadd.f32 v36, v41;
	v38 =	vld [tilespmem:s15+$0x4450]  }
0x250: {  	v41 =	vmov s0;
	[tilespmem:s15+$0x4070] =	vst v35;
	v33 =	vadd.f32 v33, v42;
	v35 =	vld [tilespmem:s15+$0x4460]  }
0x251: {  	s7 =	sadd.s32 $0x20, s7;
	s16 =	sadd.s32 $0x4000, s16;
	v42 =	vld.idx.msk [tilespmem:v46+s22+$0x0], $0xffff;
	[tilespmem:s15+$0x4400] =	vst v36;
	v34 =	vadd.f32 v34, v39  }
0x252: {  	s9 =	sshrl.u32 s16, $0x2;
	s0 =	sadd.s32 $0xFFFFE000, s16;
	v36 =	vld [tilespmem:s7+$0xFFFFFFF0];
	[tilespmem:s15+$0x4410] =	vst v33;
	v32 =	vadd.f32 v32, v40  }
0x253: {  	s14 =	sadd.s32 $0x20, s14;
	s9 =	sand.u32 $0x3800, s9;
	s0 =	sand.u32 $0xC000, s0;
	v33 =	vld [tilespmem:s7+$0x0];
	[tilespmem:s15+$0x4420] =	vst v34;
	v31 =	vadd.f32 v31, v37  }
0x254: {  	s10 =	sand.u32 $0x380, s14;
	s0 =	sshrl.u32 s0, $0x2;
	[tilespmem:s15+$0x4430] =	vst v32;
	v29 =	vadd.f32 v29, v38;
	v32 =	vld [tilespmem:s15+$0x4470]  }
0x255: {  	s31 =	sor.u32 s10, s0;
	s0 =	sor.u32 s10, s9;
	v34 =	vld.idx.msk [tilespmem:v41+s22+$0x0], $0xffff;
	[tilespmem:s15+$0x4440] =	vst v31;
	v30 =	vadd.f32 v30, v35  }
0x256: {  	v31 =	vld [tilespmem:s31+$0x4470];
	[tilespmem:s15+$0x4450] =	vst v29  }
0x257: {  	v29 =	vadd.f32 v36, v42;
	v35 =	vld [tilespmem:s31+$0x4000];
	[tilespmem:s15+$0x4460] =	vst v30  }
0x258: {  	v30 =	vld [tilespmem:s31+$0x4010];
	v41 =	vadd.f32 v33, v27  }
0x259: {  	v44 =	vperm.xlane v29, v5;
	v33 =	vld [tilespmem:s31+$0x4020];
	v36 =	vperm.xlane v29, v4;
	v28 =	vadd.f32 v28, v32  }
0x25a: {  	v32 =	vperm.xlane v29, v6;
	v37 =	vperm.xlane v29, v7;
	v38 =	vld [tilespmem:s31+$0x4030]  }
0x25b: {  	v39 =	vperm.xlane v29, v8;
	v42 =	vperm.xlane v29, v9;
	v40 =	vld [tilespmem:s31+$0x4040];
	v31 =	vadd.f32 v36, v31;
	[tilespmem:s15+$0x4470] =	vst v28;
	s15 =	smov.u32 s0  }
0x25c: {  	v43 =	vperm.xlane v29, v11;
	v27 =	vmovc v34;
	v36 =	vperm.xlane v29, v10;
	v28 =	vadd.f32 v44, v35;
	v35 =	vld [tilespmem:s31+$0x4050]  }
0x25d: {  	v34 =	vperm.xlane v29, v12;
	v44 =	vperm.xlane v29, v13;
	v30 =	vadd.f32 v32, v30;
	v32 =	vld [tilespmem:s31+$0x4060];
	[tilespmem:s31+$0x4470] =	vst v31  }
0x25e: {  	v45 =	vperm.xlane v29, v15;
	[tilespmem:s31+$0x4000] =	vst v28;
	v28 =	vadd.f32 v37, v33;
	v31 =	vld [tilespmem:s31+$0x4070];
	v33 =	vperm.xlane v29, v14  }
0x25f: {  	v46 =	vperm.xlane v29, v16;
	v47 =	vperm.xlane v29, v17;
	[tilespmem:s31+$0x4010] =	vst v30;
	v30 =	vadd.f32 v39, v38;
	v38 =	vld [tilespmem:s31+$0x4400]  }
0x260: {  	v48 =	vperm.xlane v29, v18;
	v49 =	vperm.xlane v29, v19;
	[tilespmem:s31+$0x4020] =	vst v28;
	v28 =	vadd.f32 v42, v40;
	v42 =	vld [tilespmem:s31+$0x4410]  }
0x261: {  	v50 =	vperm.xlane v41, v5;
	v51 =	vperm.xlane v41, v6;
	[tilespmem:s31+$0x4030] =	vst v30;
	v29 =	vadd.f32 v36, v35;
	v30 =	vld [tilespmem:s31+$0x4420]  }
0x262: {  	v52 =	vperm.xlane v41, v7;
	v39 =	vperm.xlane v41, v8;
	[tilespmem:s31+$0x4040] =	vst v28;
	v28 =	vadd.f32 v43, v32;
	v43 =	vld [tilespmem:s31+$0x4430]  }
0x263: {  	v37 =	vperm.xlane v41, v10;
	v40 =	vperm.xlane v41, v9;
	[tilespmem:s31+$0x4050] =	vst v29;
	v29 =	vadd.f32 v34, v31;
	v53 =	vld [tilespmem:s31+$0x4440]  }
0x264: {  	v35 =	vperm.xlane v41, v12;
	[tilespmem:s31+$0x4060] =	vst v28;
	v28 =	vadd.f32 v44, v38;
	v44 =	vld [tilespmem:s31+$0x4450];
	v38 =	vperm.xlane v41, v11  }
0x265: {  	v36 =	vperm.xlane v41, v13;
	[tilespmem:s31+$0x4070] =	vst v29;
	v29 =	vadd.f32 v33, v42;
	v42 =	vld [tilespmem:s31+$0x4460];
	v33 =	vperm.xlane v41, v14  }
0x266: {  	v32 =	vperm.xlane v41, v16;
	v34 =	vperm.xlane v41, v15;
	[tilespmem:s31+$0x4400] =	vst v28;
	v28 =	vadd.f32 v45, v30;
	v45 =	vld [tilespmem:s15+$0x4000]  }
0x267: {  	v31 =	vperm.xlane v41, v17;
	[tilespmem:s31+$0x4410] =	vst v29;
	v43 =	vadd.f32 v46, v43;
	v46 =	vld [tilespmem:s15+$0x4010];
	v29 =	vperm.xlane v41, v18  }
0x268: {  	v30 =	vperm.xlane v41, v19;
	[tilespmem:s31+$0x4420] =	vst v28;
	v47 =	vadd.f32 v47, v53;
	v53 =	vld [tilespmem:s15+$0x4020];
	v28 =	vperm.xlane v41, v4  }
.Ltmp5:
0x269: {  	[tilespmem:s31+$0x4430] =	vst v43;
	v43 =	vadd.f32 v48, v44;
	v41 =	vld [tilespmem:s15+$0x4030];
	(pc) =	sbr.rel @p0 .LBB2_13-.Ltmp5, $4  }
0x26a: {  	[tilespmem:s31+$0x4440] =	vst v47;
	v44 =	vadd.f32 v49, v42;
	v42 =	vld [tilespmem:s15+$0x4040]  }
0x26b: {  	[tilespmem:s31+$0x4450] =	vst v43;
	v45 =	vadd.f32 v50, v45;
	v43 =	vld [tilespmem:s15+$0x4050]  }
0x26c: {  	[tilespmem:s31+$0x4460] =	vst v44;
	v47 =	vadd.f32 v51, v46;
	v44 =	vld [tilespmem:s15+$0x4060]  }
0x26d: {  	v46 =	vmov s30;
	s30 =	sadd.s32 $0x2, s30;
	[tilespmem:s15+$0x4000] =	vst v45;
	v48 =	vadd.f32 v52, v53;
	v45 =	vld [tilespmem:s15+$0x4070]  }
0x26e: {  	_ = 	snop  }
0x26f: {  	v40 =	vadd.f32 v40, v42  }
0x270: {  	v56 =	vld [tilespmem:s15+$0x4400];
	v59 =	vand.u32 $0xFFFFFFFE, v46  }
0x271: {  	v57 =	vld [tilespmem:s15+$0x4410];
	[tilespmem:s15+$0x4040] =	vst v40;
	v40 =	vbroadcast v59, $0x0  }
0x272: {  	v58 =	vld [tilespmem:s15+$0x4420]  }
0x273: {  	v60 =	vld [tilespmem:s15+$0x4430]  }
0x274: {  	[tilespmem:s15+$0x4010] =	vst v47;
	v39 =	vadd.f32 v39, v41;
	v61 =	vld [tilespmem:s15+$0x4440]  }
0x275: {  	v62 =	vld [tilespmem:s15+$0x4450];
	s0 =	sadd.s32 $0x20, s7;
	s9 =	sadd.s32 $0x4000, s16;
	[tilespmem:s15+$0x4020] =	vst v48;
	v37 =	vadd.f32 v37, v43  }
0x276: {  	s10 =	sadd.s32 $0xFFFFE000, s9;
	v41 =	vld [tilespmem:s0+$0xFFFFFFF0];
	[tilespmem:s15+$0x4030] =	vst v39;
	v38 =	vadd.f32 v38, v44  }
0x277: {  	s7 =	sand.u32 $0xC000, s10;
	s10 =	sadd.s32 $0x20, s14;
	[tilespmem:s15+$0x4050] =	vst v37;
	v35 =	vadd.f32 v35, v45;
	v40 =	vld.idx.msk [tilespmem:v40+s22+$0x0], $0xffff  }
0x278: {  	v63 =	vld [tilespmem:s15+$0x4460];
	s16 =	sand.u32 $0x380, s10;
	s7 =	sshrl.u32 s7, $0x2;
	[tilespmem:s15+$0x4060] =	vst v38;
	v36 =	vadd.f32 v36, v56  }
0x279: {  	v43 =	vld [tilespmem:s15+$0x4470];
	s7 =	sor.u32 s16, s7;
	v33 =	vadd.f32 v33, v57;
	[tilespmem:s15+$0x4070] =	vst v35  }
0x27a: {  	v34 =	vadd.f32 v34, v58;
	v44 =	vld [tilespmem:s7+$0x4470];
	[tilespmem:s15+$0x4400] =	vst v36  }
0x27b: {  	v32 =	vadd.f32 v32, v60;
	v45 =	vld [tilespmem:s7+$0x4000];
	[tilespmem:s15+$0x4410] =	vst v33  }
0x27c: {  	v31 =	vadd.f32 v31, v61;
	v46 =	vld [tilespmem:s7+$0x4010];
	[tilespmem:s15+$0x4420] =	vst v34;
	v36 =	vadd.f32 v41, v40  }
0x27d: {  	v29 =	vadd.f32 v29, v62;
	v47 =	vld [tilespmem:s7+$0x4020];
	[tilespmem:s15+$0x4430] =	vst v32  }
0x27e: {  	v30 =	vadd.f32 v30, v63;
	v50 =	vld [tilespmem:s7+$0x4030];
	[tilespmem:s15+$0x4440] =	vst v31;
	v48 =	vperm.xlane v36, v4  }
0x27f: {  	v52 =	vld [tilespmem:s7+$0x4040];
	[tilespmem:s15+$0x4450] =	vst v29;
	v28 =	vadd.f32 v28, v43;
	v49 =	vperm.xlane v36, v5  }
0x280: {  	v55 =	vld [tilespmem:s7+$0x4050];
	[tilespmem:s15+$0x4460] =	vst v30;
	v51 =	vperm.xlane v36, v6;
	v34 =	vadd.f32 v48, v44  }
0x281: {  	v57 =	vld [tilespmem:s7+$0x4060];
	[tilespmem:s15+$0x4470] =	vst v28;
	v53 =	vperm.xlane v36, v7;
	v54 =	vadd.f32 v49, v45  }
0x282: {  	v60 =	vld [tilespmem:s7+$0x4070];
	v56 =	vperm.xlane v36, v8;
	v30 =	vadd.f32 v51, v46;
	[tilespmem:s7+$0x4470] =	vst v34  }
0x283: {  	v63 =	vld [tilespmem:s7+$0x4400];
	v58 =	vperm.xlane v36, v9;
	v59 =	vadd.f32 v53, v47;
	[tilespmem:s7+$0x4000] =	vst v54  }
0x284: {  	v33 =	vld [tilespmem:s0+$0x0];
	v61 =	vperm.xlane v36, v10;
	v62 =	vadd.f32 v56, v50;
	[tilespmem:s7+$0x4010] =	vst v30  }
0x285: {  	v42 =	vperm.xlane v36, v11;
	v43 =	vadd.f32 v58, v52;
	v44 =	vld [tilespmem:s7+$0x4410];
	[tilespmem:s7+$0x4020] =	vst v59  }
0x286: {  	v45 =	vperm.xlane v36, v12;
	v29 =	vadd.f32 v61, v55;
	v46 =	vld [tilespmem:s7+$0x4420];
	[tilespmem:s7+$0x4030] =	vst v62  }
0x287: {  	v47 =	vperm.xlane v36, v13;
	v48 =	vadd.f32 v42, v57;
	v49 =	vld [tilespmem:s7+$0x4430];
	[tilespmem:s7+$0x4040] =	vst v43  }
0x288: {  	s9 =	sshrl.u32 s9, $0x2;
	v50 =	vperm.xlane v36, v14;
	v52 =	vld [tilespmem:s7+$0x4440];
	[tilespmem:s7+$0x4050] =	vst v29;
	v51 =	vadd.f32 v45, v60  }
0x289: {  	s9 =	sand.u32 $0x3800, s9;
	v53 =	vperm.xlane v36, v15;
	v55 =	vld [tilespmem:s7+$0x4450];
	[tilespmem:s7+$0x4060] =	vst v48;
	v54 =	vadd.f32 v47, v63  }
0x28a: {  	s30 =	sor.u32 s16, s9;
	v56 =	vperm.xlane v36, v16;
	v58 =	vld [tilespmem:s7+$0x4460];
	[tilespmem:s7+$0x4070] =	vst v51;
	v57 =	vadd.f32 v50, v44  }
0x28b: {  	v61 =	vld [tilespmem:s30+$0x4000];
	v59 =	vperm.xlane v36, v17;
	[tilespmem:s7+$0x4400] =	vst v54;
	v60 =	vadd.f32 v53, v46  }
0x28c: {  	v27 =	vadd.f32 v33, v27;
	v40 =	vld [tilespmem:s30+$0x4010];
	v62 =	vperm.xlane v36, v18;
	v63 =	vadd.f32 v56, v49;
	[tilespmem:s7+$0x4410] =	vst v57  }
0x28d: {  	v42 =	vld [tilespmem:s30+$0x4020];
	v36 =	vperm.xlane v36, v19;
	v41 =	vadd.f32 v59, v52;
	[tilespmem:s7+$0x4420] =	vst v60  }
0x28e: {  	v43 =	vperm.xlane v27, v5;
	v45 =	vld [tilespmem:s30+$0x4030];
	v44 =	vadd.f32 v62, v55;
	[tilespmem:s7+$0x4430] =	vst v63  }
0x28f: {  	v48 =	vld [tilespmem:s30+$0x4040];
	v46 =	vperm.xlane v27, v6;
	v47 =	vadd.f32 v36, v58;
	[tilespmem:s7+$0x4440] =	vst v41  }
0x290: {  	v51 =	vld [tilespmem:s30+$0x4050];
	v49 =	vperm.xlane v27, v7;
	v50 =	vadd.f32 v43, v61;
	[tilespmem:s7+$0x4450] =	vst v44  }
0x291: {  	v54 =	vld [tilespmem:s30+$0x4060];
	v52 =	vperm.xlane v27, v8;
	[tilespmem:s7+$0x4460] =	vst v47;
	v53 =	vadd.f32 v46, v40  }
0x292: {  	v55 =	vperm.xlane v27, v9;
	[tilespmem:s30+$0x4000] =	vst v50;
	v56 =	vadd.f32 v49, v42;
	v57 =	vld [tilespmem:s30+$0x4070]  }
0x293: {  	v58 =	vperm.xlane v27, v10;
	v59 =	vadd.f32 v52, v45;
	v60 =	vld [tilespmem:s30+$0x4400];
	[tilespmem:s30+$0x4010] =	vst v53  }
0x294: {  	v61 =	vperm.xlane v27, v11;
	v62 =	vadd.f32 v55, v48;
	v63 =	vld [tilespmem:s30+$0x4410];
	[tilespmem:s30+$0x4020] =	vst v56  }
0x295: {  	v40 =	vperm.xlane v27, v12;
	v42 =	vld [tilespmem:s30+$0x4420];
	[tilespmem:s30+$0x4030] =	vst v59;
	v41 =	vadd.f32 v58, v51  }
0x296: {  	v43 =	vperm.xlane v27, v13;
	v45 =	vld [tilespmem:s30+$0x4430];
	[tilespmem:s30+$0x4040] =	vst v62;
	v44 =	vadd.f32 v61, v54  }
0x297: {  	v46 =	vperm.xlane v27, v14;
	v48 =	vld [tilespmem:s30+$0x4440];
	[tilespmem:s30+$0x4050] =	vst v41;
	v47 =	vadd.f32 v40, v57  }
0x298: {  	v49 =	vperm.xlane v27, v15;
	v51 =	vld [tilespmem:s30+$0x4450];
	[tilespmem:s30+$0x4060] =	vst v44;
	v50 =	vadd.f32 v43, v60  }
0x299: {  	v52 =	vperm.xlane v27, v16;
	v54 =	vld [tilespmem:s30+$0x4460];
	v53 =	vadd.f32 v46, v63;
	[tilespmem:s30+$0x4070] =	vst v47  }
0x29a: {  	v55 =	vperm.xlane v27, v17;
	v56 =	vadd.f32 v49, v42;
	v57 =	vld [tilespmem:s30+$0x4470];
	[tilespmem:s30+$0x4400] =	vst v50  }
0x29b: {  	v58 =	vperm.xlane v27, v18;
	v59 =	vadd.f32 v52, v45;
	[tilespmem:s30+$0x4410] =	vst v53  }
0x29c: {  	v60 =	vperm.xlane v27, v19;
	v61 =	vadd.f32 v55, v48;
	[tilespmem:s30+$0x4420] =	vst v56  }
0x29d: {  	v27 =	vperm.xlane v27, v4;
	[tilespmem:s30+$0x4430] =	vst v59;
	v62 =	vadd.f32 v58, v51  }
0x29e: {  	[tilespmem:s30+$0x4440] =	vst v61;
	v63 =	vadd.f32 v60, v54  }
0x29f: {  	s31 =	sadd.s32 s11, s17;
	[tilespmem:s30+$0x4450] =	vst v62;
	v27 =	vadd.f32 v27, v57  }
0x2a0: {  	s0 =	sshrl.u32 s31, $0x3;
	[tilespmem:s30+$0x4460] =	vst v63  }
0x2a1: {  	p0 =	seq.s32 s3, $0xF;
	s0 =	sadd.s32 s2, s0;
	[tilespmem:s30+$0x4470] =	vst v27  }
0x2a2: {  	[hbm4b:s0+s4] =	stream.linear.scatter [tilespmem:s18], [sflag:$0x6], $0x4000, $0x38;
	[tilespmem:$0x11900] =	vst v63  }
0x2a3: {  	s0 =	sadd.s32 @!p0 s17, s12;
	_ =	swait.ge [sflag:s25], $0x4000  }
0x2a4: {  	s0 =	sshrl.u32 @!p0 s0, $0x3;
	[sflag:s25] =	ssyncset.done $0x0  }
0x2a5: {  	s7 =	simm.s32 @!p0 $0x0;
	s0 =	sadd.s32 @!p0 s1, s0;
	[sflag:s25] =	ssyncadd.s32 $0xFFFFC000  }
0x2a6: {  	[tilespmem:s7], [sflag:$0x1] =	stream.linear.gather @!p0 [hbm4b:s0+s7], $0x4000, $0x38;
	[tilespmem:$0x11900] =	vst v63  }
0x2a7: {  	_ =	swait.ge [sflag:s26], $0x4000  }
0x2a8: {  	s14 =	simm.s32 $0xFFFFFFFC;
	s16 =	simm.s32 $0x0;
	[sflag:s26] =	ssyncset.done $0x0  }
0x2a9: {  	v25 =	vadd.f32 v26, v25;
	s15 =	simm.s32 $0x0;
	s7 =	simm.s32 $0x0;
	[sflag:s26] =	ssyncadd.s32 $0xFFFFC000  }
.LBB2_15:
0x2aa: {  	s0 =	sshrl.u32 s16, $0x2  }
0x2ab: {  	s9 =	sand.u32 $0x380, s15;
	s0 =	sand.u32 $0x2000, s0  }
0x2ac: {  	s30 =	sor.u32 s9, s0  }
0x2ad: {  	v26 =	vld [tilespmem:s30+$0x8000]  }
0x2ae: {  	v27 =	vld [tilespmem:s30+$0x8010]  }
0x2af: {  	v28 =	vld [tilespmem:s30+$0x8020]  }
0x2b0: {  	v29 =	vld [tilespmem:s30+$0x8030]  }
0x2b1: {  	v30 =	vld [tilespmem:s30+$0x8040]  }
0x2b2: {  	(xrf2) =	vadd.scan.msk.f32 $0xffff, v26;
	v26 =	vld [tilespmem:s30+$0x8050]  }
0x2b3: {  	(xrf2) =	vadd.scan.msk.f32 $0xffff, v27;
	v27 =	vld [tilespmem:s30+$0x8060]  }
0x2b4: {  	v41 =	vld [tilespmem:s30+$0x8070];
	(xrf2) =	vadd.scan.msk.f32 $0xffff, v28  }
0x2b5: {  	v42 =	vld [tilespmem:s30+$0x8400];
	(xrf2) =	vadd.scan.msk.f32 $0xffff, v29  }
0x2b6: {  	v43 =	vld [tilespmem:s30+$0x8410];
	(xrf2) =	vadd.scan.msk.f32 $0xffff, v30  }
0x2b7: {  	(xrf2) =	vadd.scan.msk.f32 $0xffff, v26;
	v26 =	vld [tilespmem:s30+$0x8420]  }
0x2b8: {  	(xrf2) =	vadd.scan.msk.f32 $0xffff, v27;
	v27 =	vld [tilespmem:s30+$0x8430]  }
0x2b9: {  	v44 =	vld [tilespmem:s30+$0x8440];
	(xrf2) =	vadd.scan.msk.f32 $0xffff, v41  }
0x2ba: {  	v45 =	vld [tilespmem:s30+$0x8450];
	(xrf2) =	vadd.scan.msk.f32 $0xffff, v42  }
0x2bb: {  	v46 =	vld [tilespmem:s30+$0x8460];
	(xrf2) =	vadd.scan.msk.f32 $0xffff, v43  }
0x2bc: {  	v31, _, _ =	vpop (xrf2);
	(xrf2) =	vadd.scan.msk.f32 $0xffff, v26;
	v26 =	vld [tilespmem:s30+$0x8470]  }
0x2bd: {  	[tilespmem:s30+$0x8000] =	vst v31;
	v47, _, _ =	vpop (xrf2);
	(xrf2) =	vadd.scan.msk.f32 $0xffff, v27;
	v27 =	vld [tilespmem:s30+$0x8800]  }
0x2be: {  	v49 =	vld [tilespmem:s30+$0x8810];
	[tilespmem:s30+$0x8010] =	vst v47;
	v48, _, _ =	vpop (xrf2);
	(xrf2) =	vadd.scan.msk.f32 $0xffff, v44  }
0x2bf: {  	v51 =	vld [tilespmem:s30+$0x8820];
	[tilespmem:s30+$0x8020] =	vst v48;
	v50, _, _ =	vpop (xrf2);
	(xrf2) =	vadd.scan.msk.f32 $0xffff, v45  }
0x2c0: {  	v53 =	vld [tilespmem:s30+$0x8830];
	[tilespmem:s30+$0x8030] =	vst v50;
	v52, _, _ =	vpop (xrf2);
	(xrf2) =	vadd.scan.msk.f32 $0xffff, v46  }
0x2c1: {  	[tilespmem:s30+$0x8040] =	vst v52;
	v54, _, _ =	vpop (xrf2);
	(xrf2) =	vadd.scan.msk.f32 $0xffff, v26;
	v26 =	vld [tilespmem:s30+$0x8840]  }
0x2c2: {  	[tilespmem:s30+$0x8050] =	vst v54;
	v55, _, _ =	vpop (xrf2);
	(xrf2) =	vadd.scan.msk.f32 $0xffff, v27;
	v27 =	vld [tilespmem:s30+$0x8850]  }
0x2c3: {  	v57 =	vld [tilespmem:s30+$0x8860];
	[tilespmem:s30+$0x8060] =	vst v55;
	v56, _, _ =	vpop (xrf2);
	(xrf2) =	vadd.scan.msk.f32 $0xffff, v49  }
0x2c4: {  	v59 =	vld [tilespmem:s30+$0x8870];
	[tilespmem:s30+$0x8070] =	vst v56;
	v58, _, _ =	vpop (xrf2);
	(xrf2) =	vadd.scan.msk.f32 $0xffff, v51  }
0x2c5: {  	v61 =	vld [tilespmem:s30+$0x8C00];
	[tilespmem:s30+$0x8400] =	vst v58;
	v60, _, _ =	vpop (xrf2);
	(xrf2) =	vadd.scan.msk.f32 $0xffff, v53  }
0x2c6: {  	[tilespmem:s30+$0x8410] =	vst v60;
	v62, _, _ =	vpop (xrf2);
	(xrf2) =	vadd.scan.msk.f32 $0xffff, v26;
	v26 =	vld [tilespmem:s30+$0x8C10]  }
0x2c7: {  	[tilespmem:s30+$0x8420] =	vst v62;
	v63, _, _ =	vpop (xrf2);
	(xrf2) =	vadd.scan.msk.f32 $0xffff, v27;
	v27 =	vld [tilespmem:s30+$0x8C20]  }
0x2c8: {  	v34 =	vld [tilespmem:s30+$0x8C30];
	[tilespmem:s30+$0x8430] =	vst v63;
	v33, _, _ =	vpop (xrf2);
	(xrf2) =	vadd.scan.msk.f32 $0xffff, v57  }
0x2c9: {  	v36 =	vld [tilespmem:s30+$0x8C40];
	[tilespmem:s30+$0x8440] =	vst v33;
	v35, _, _ =	vpop (xrf2);
	(xrf2) =	vadd.scan.msk.f32 $0xffff, v59  }
0x2ca: {  	v38 =	vld [tilespmem:s30+$0x8C50];
	[tilespmem:s30+$0x8450] =	vst v35;
	v37, _, _ =	vpop (xrf2);
	(xrf2) =	vadd.scan.msk.f32 $0xffff, v61  }
0x2cb: {  	[tilespmem:s30+$0x8460] =	vst v37;
	v39, _, _ =	vpop (xrf2);
	(xrf2) =	vadd.scan.msk.f32 $0xffff, v26;
	v26 =	vld [tilespmem:s30+$0x8C60]  }
0x2cc: {  	[tilespmem:s30+$0x8470] =	vst v39;
	v40, _, _ =	vpop (xrf2);
	(xrf2) =	vadd.scan.msk.f32 $0xffff, v27;
	v27 =	vld [tilespmem:s30+$0x8C70]  }
0x2cd: {  	v42 =	vld [tilespmem:s30+$0x9000];
	[tilespmem:s30+$0x8800] =	vst v40;
	v41, _, _ =	vpop (xrf2);
	(xrf2) =	vadd.scan.msk.f32 $0xffff, v34  }
0x2ce: {  	v44 =	vld [tilespmem:s30+$0x9010];
	[tilespmem:s30+$0x8810] =	vst v41;
	v43, _, _ =	vpop (xrf2);
	(xrf2) =	vadd.scan.msk.f32 $0xffff, v36  }
0x2cf: {  	v46 =	vld [tilespmem:s30+$0x9020];
	[tilespmem:s30+$0x8820] =	vst v43;
	v45, _, _ =	vpop (xrf2);
	(xrf2) =	vadd.scan.msk.f32 $0xffff, v38  }
0x2d0: {  	[tilespmem:s30+$0x8830] =	vst v45;
	v47, _, _ =	vpop (xrf2);
	(xrf2) =	vadd.scan.msk.f32 $0xffff, v26;
	v26 =	vld [tilespmem:s30+$0x9030]  }
0x2d1: {  	[tilespmem:s30+$0x8840] =	vst v47;
	v48, _, _ =	vpop (xrf2);
	(xrf2) =	vadd.scan.msk.f32 $0xffff, v27;
	v27 =	vld [tilespmem:s30+$0x9040]  }
0x2d2: {  	v50 =	vld [tilespmem:s30+$0x9050];
	[tilespmem:s30+$0x8850] =	vst v48;
	v49, _, _ =	vpop (xrf2);
	(xrf2) =	vadd.scan.msk.f32 $0xffff, v42  }
0x2d3: {  	v52 =	vld [tilespmem:s30+$0x9060];
	[tilespmem:s30+$0x8860] =	vst v49;
	v51, _, _ =	vpop (xrf2);
	(xrf2) =	vadd.scan.msk.f32 $0xffff, v44  }
0x2d4: {  	v54 =	vld [tilespmem:s30+$0x9070];
	[tilespmem:s30+$0x8870] =	vst v51;
	v53, _, _ =	vpop (xrf2);
	(xrf2) =	vadd.scan.msk.f32 $0xffff, v46  }
0x2d5: {  	[tilespmem:s30+$0x8C00] =	vst v53;
	v55, _, _ =	vpop (xrf2);
	(xrf2) =	vadd.scan.msk.f32 $0xffff, v26;
	v26 =	vld [tilespmem:s30+$0x9400]  }
0x2d6: {  	[tilespmem:s30+$0x8C10] =	vst v55;
	v56, _, _ =	vpop (xrf2);
	(xrf2) =	vadd.scan.msk.f32 $0xffff, v27;
	v27 =	vld [tilespmem:s30+$0x9410]  }
0x2d7: {  	v58 =	vld [tilespmem:s30+$0x9420];
	[tilespmem:s30+$0x8C20] =	vst v56;
	v57, _, _ =	vpop (xrf2);
	(xrf2) =	vadd.scan.msk.f32 $0xffff, v50  }
0x2d8: {  	v60 =	vld [tilespmem:s30+$0x9430];
	[tilespmem:s30+$0x8C30] =	vst v57;
	v59, _, _ =	vpop (xrf2);
	(xrf2) =	vadd.scan.msk.f32 $0xffff, v52  }
0x2d9: {  	v62 =	vld [tilespmem:s30+$0x9440];
	[tilespmem:s30+$0x8C40] =	vst v59;
	v61, _, _ =	vpop (xrf2);
	(xrf2) =	vadd.scan.msk.f32 $0xffff, v54  }
0x2da: {  	[tilespmem:s30+$0x8C50] =	vst v61;
	v63, _, _ =	vpop (xrf2);
	(xrf2) =	vadd.scan.msk.f32 $0xffff, v26;
	v26 =	vld [tilespmem:s30+$0x9450]  }
0x2db: {  	[tilespmem:s30+$0x8C60] =	vst v63;
	v33, _, _ =	vpop (xrf2);
	(xrf2) =	vadd.scan.msk.f32 $0xffff, v27;
	v27 =	vld [tilespmem:s30+$0x9460]  }
0x2dc: {  	v35 =	vld [tilespmem:s30+$0x9470];
	[tilespmem:s30+$0x8C70] =	vst v33;
	v34, _, _ =	vpop (xrf2);
	(xrf2) =	vadd.scan.msk.f32 $0xffff, v58  }
0x2dd: {  	v37 =	vld [tilespmem:s30+$0x9800];
	[tilespmem:s30+$0x9000] =	vst v34;
	v36, _, _ =	vpop (xrf2);
	(xrf2) =	vadd.scan.msk.f32 $0xffff, v60  }
0x2de: {  	v39 =	vld [tilespmem:s30+$0x9810];
	[tilespmem:s30+$0x9010] =	vst v36;
	v38, _, _ =	vpop (xrf2);
	(xrf2) =	vadd.scan.msk.f32 $0xffff, v62  }
0x2df: {  	[tilespmem:s30+$0x9020] =	vst v38;
	v40, _, _ =	vpop (xrf2);
	(xrf2) =	vadd.scan.msk.f32 $0xffff, v26;
	v26 =	vld [tilespmem:s30+$0x9820]  }
0x2e0: {  	[tilespmem:s30+$0x9030] =	vst v40;
	v41, _, _ =	vpop (xrf2);
	(xrf2) =	vadd.scan.msk.f32 $0xffff, v27;
	v27 =	vld [tilespmem:s30+$0x9830]  }
0x2e1: {  	v43 =	vld [tilespmem:s30+$0x9840];
	[tilespmem:s30+$0x9040] =	vst v41;
	v42, _, _ =	vpop (xrf2);
	(xrf2) =	vadd.scan.msk.f32 $0xffff, v35  }
0x2e2: {  	v45 =	vld [tilespmem:s30+$0x9850];
	[tilespmem:s30+$0x9050] =	vst v42;
	v44, _, _ =	vpop (xrf2);
	(xrf2) =	vadd.scan.msk.f32 $0xffff, v37  }
0x2e3: {  	v47 =	vld [tilespmem:s30+$0x9860];
	[tilespmem:s30+$0x9060] =	vst v44;
	v46, _, _ =	vpop (xrf2);
	(xrf2) =	vadd.scan.msk.f32 $0xffff, v39  }
0x2e4: {  	[tilespmem:s30+$0x9070] =	vst v46;
	v48, _, _ =	vpop (xrf2);
	(xrf2) =	vadd.scan.msk.f32 $0xffff, v26;
	v26 =	vld [tilespmem:s30+$0x9870]  }
0x2e5: {  	[tilespmem:s30+$0x9400] =	vst v48;
	v49, _, _ =	vpop (xrf2);
	(xrf2) =	vadd.scan.msk.f32 $0xffff, v27;
	v27 =	vld [tilespmem:s30+$0x9C00]  }
0x2e6: {  	v51 =	vld [tilespmem:s30+$0x9C10];
	[tilespmem:s30+$0x9410] =	vst v49;
	v50, _, _ =	vpop (xrf2);
	(xrf2) =	vadd.scan.msk.f32 $0xffff, v43  }
0x2e7: {  	v53 =	vld [tilespmem:s30+$0x9C20];
	[tilespmem:s30+$0x9420] =	vst v50;
	v52, _, _ =	vpop (xrf2);
	(xrf2) =	vadd.scan.msk.f32 $0xffff, v45  }
0x2e8: {  	v55 =	vld [tilespmem:s30+$0x9C30];
	[tilespmem:s30+$0x9430] =	vst v52;
	v54, _, _ =	vpop (xrf2);
	(xrf2) =	vadd.scan.msk.f32 $0xffff, v47  }
0x2e9: {  	[tilespmem:s30+$0x9440] =	vst v54;
	v56, _, _ =	vpop (xrf2);
	(xrf2) =	vadd.scan.msk.f32 $0xffff, v26;
	v26 =	vld [tilespmem:s30+$0x9C40]  }
0x2ea: {  	[tilespmem:s30+$0x9450] =	vst v56;
	v57, _, _ =	vpop (xrf2);
	(xrf2) =	vadd.scan.msk.f32 $0xffff, v27;
	v27 =	vld [tilespmem:s30+$0x9C50]  }
0x2eb: {  	v59 =	vld [tilespmem:s30+$0x9C60];
	[tilespmem:s30+$0x9460] =	vst v57;
	v58, _, _ =	vpop (xrf2);
	(xrf2) =	vadd.scan.msk.f32 $0xffff, v51  }
0x2ec: {  	v61 =	vld [tilespmem:s30+$0x9C70];
	[tilespmem:s30+$0x9470] =	vst v58;
	v60, _, _ =	vpop (xrf2);
	(xrf2) =	vadd.scan.msk.f32 $0xffff, v53  }
0x2ed: {  	[tilespmem:s30+$0x9800] =	vst v60;
	v62, _, _ =	vpop (xrf2);
	(xrf2) =	vadd.scan.msk.f32 $0xffff, v55  }
0x2ee: {  	[tilespmem:s30+$0x9810] =	vst v62;
	v63, _, _ =	vpop (xrf2);
	(xrf2) =	vadd.scan.msk.f32 $0xffff, v26  }
0x2ef: {  	[tilespmem:s30+$0x9820] =	vst v63;
	v26, _, _ =	vpop (xrf2);
	(xrf2) =	vadd.scan.msk.f32 $0xffff, v27  }
0x2f0: {  	[tilespmem:s30+$0x9830] =	vst v26;
	v26, _, _ =	vpop (xrf2);
	(xrf2) =	vadd.scan.msk.f32 $0xffff, v59  }
0x2f1: {  	[tilespmem:s30+$0x9840] =	vst v26;
	v26, _, _ =	vpop (xrf2);
	(xrf2) =	vadd.scan.msk.f32 $0xffff, v61  }
0x2f2: {  	v27, _, _ =	vpop (xrf2);
	[tilespmem:s30+$0x9850] =	vst v26  }
0x2f3: {  	v26, _, _ =	vpop (xrf2);
	[tilespmem:s30+$0x9860] =	vst v27  }
0x2f4: {  	v27, _, _ =	vpop (xrf2);
	[tilespmem:s30+$0x9870] =	vst v26  }
0x2f5: {  	v26, _, _ =	vpop (xrf2);
	[tilespmem:s30+$0x9C00] =	vst v27  }
0x2f6: {  	s14 =	sadd.s32 $0x4, s14;
	v27, _, _ =	vpop (xrf2);
	[tilespmem:s30+$0x9C10] =	vst v26  }
0x2f7: {  	p1 =	slt.u32 s14, $0x3C;
	v26, _, _ =	vpop (xrf2);
	[tilespmem:s30+$0x9C20] =	vst v27  }
.Ltmp6:
0x2f8: {  	v27, _, _ =	vpop (xrf2);
	[tilespmem:s30+$0x9C30] =	vst v26;
	(pc) =	sbr.rel @p1 .LBB2_15-.Ltmp6, $4  }
0x2f9: {  	v26, _, _ =	vpop (xrf2);
	[tilespmem:s30+$0x9C40] =	vst v27  }
0x2fa: {  	v27, _, _ =	vpop (xrf2);
	[tilespmem:s30+$0x9C50] =	vst v26  }
0x2fb: {  	s16 =	sadd.s32 $0x8000, s16;
	[tilespmem:s30+$0x9C60] =	vst v27;
	v26, _, _ =	vpop (xrf2)  }
0x2fc: {  	s15 =	sadd.s32 $0x40, s15;
	s31 =	simm.s32 $0x10020;
	[tilespmem:s30+$0x9C70] =	vst v26;
	s30 =	simm.s32 $0x10420  }
0x2fd: {  	s0 =	simm.s32 $0x0  }
0x2fe: {  	v26 =	vmov s0  }
0x2ff: {  	s14 =	sand.u32 $0x400, s7;
	v26 =	vshll.u32 v26, $0x7  }
0x300: {  	v27 =	vmov s14;
	v26 =	vand.u32 $0x380, v26  }
0x301: {  	v27 =	vshll.u32 v27, $0x3;
	v26 =	vbroadcast v26, $0x0  }
0x302: {  	s16 =	simm.s32 $0x100;
	v27 =	vor.u32 v1, v27  }
0x303: {  	s15 =	simm.s32 $0x200;
	s7 =	sand.u32 $0x500, s16;
	v27 =	vand.u32 $0x2400, v27;
	v26 =	vor.u32 v20, v26  }
0x304: {  	s0 =	sand.u32 $0x600, s15;
	v29 =	vmov s7;
	v27 =	vor.u32 v27, v26  }
0x305: {  	v28 =	vmov s0;
	s7 =	simm.s32 $0x300;
	v29 =	vshll.u32 v29, $0x3  }
0x306: {  	v28 =	vshll.u32 v28, $0x3;
	s0 =	sand.u32 $0x700, s7;
	v29 =	vor.u32 v1, v29  }
0x307: {  	v28 =	vor.u32 v1, v28;
	v30 =	vmov s0;
	v29 =	vand.u32 $0x2C00, v29  }
0x308: {  	v28 =	vand.u32 $0x3400, v28;
	v30 =	vshll.u32 v30, $0x3;
	v29 =	vor.u32 v29, v26  }
0x309: {  	s9 =	simm.s32 $0x400;
	s10 =	simm.s32 $0x0;
	v28 =	vor.u32 v28, v26;
	v33 =	vld.idx.msk [tilespmem:v27+s19+$0x0], $0xffff;
	v27 =	vor.u32 v1, v30  }
0x30a: {  	s0 =	sand.u32 $0x400, s9;
	v30 =	vmov s10;
	v27 =	vand.u32 $0x3C00, v27  }
0x30b: {  	v31 =	vmov s0;
	v27 =	vor.u32 v27, v26;
	v26 =	vshll.u32 v30, $0x7  }
0x30c: {  	s9 =	simm.s32 $0x500;
	v31 =	vshll.u32 v31, $0x3;
	v32 =	vand.u32 $0x380, v26  }
0x30d: {  	s15 =	simm.s32 $0x600;
	s14 =	sand.u32 $0x500, s9;
	v31 =	vor.u32 v1, v31;
	v26 =	vld.idx.msk [tilespmem:v29+s19+$0x0], $0xffff;
	v29 =	vbroadcast v32, $0x0  }
0x30e: {  	s7 =	sand.u32 $0x600, s15;
	v31 =	vand.u32 $0x2400, v31;
	v37 =	vld.idx.msk [tilespmem:v28+s19+$0x0], $0xffff;
	v30 =	vmov s14  }
0x30f: {  	s16 =	simm.s32 $0x700;
	v28 =	vshll.u32 v30, $0x3;
	v30 =	vmov s7;
	v29 =	vor.u32 v20, v29  }
0x310: {  	s0 =	sand.u32 $0x700, s16;
	v30 =	vshll.u32 v30, $0x3;
	(xrf2) =	vadd.scan.msk.f32 $0xffff, v33;
	v31 =	vor.u32 v31, v29  }
0x311: {  	v58 =	vmov s0;
	v30 =	vor.u32 v1, v30  }
0x312: {  	v32 =	vshll.u32 v58, $0x3;
	v30 =	vand.u32 $0x3400, v30;
	v27 =	vld.idx.msk [tilespmem:v27+s19+$0x0], $0xffff  }
0x313: {  	s10 =	simm.s32 $0x1;
	v28 =	vor.u32 v1, v28;
	v32 =	vor.u32 v1, v32;
	(xrf2) =	vadd.scan.msk.f32 $0xffff, v37;
	v30 =	vor.u32 v30, v29  }
0x314: {  	v35 =	vmov s10;
	s7 =	simm.s32 $0x800;
	v28 =	vand.u32 $0x2C00, v28;
	v32 =	vand.u32 $0x3C00, v32;
	(xrf2) =	vadd.scan.msk.f32 $0xffff, v26  }
0x315: {  	s9 =	simm.s32 $0x900;
	v35 =	vshll.u32 v35, $0x7;
	s0 =	sand.u32 $0x400, s7;
	v28 =	vor.u32 v28, v29;
	v38 =	vor.u32 v32, v29;
	v29 =	vld.idx.msk [tilespmem:v31+s19+$0x0], $0xffff  }
0x316: {  	s16 =	simm.s32 $0xA00;
	s14 =	sand.u32 $0x500, s9;
	v35 =	vand.u32 $0x380, v35;
	v34 =	vmov s0  }
0x317: {  	v59 =	vmov s14;
	s7 =	sand.u32 $0x600, s16;
	v60 =	vbroadcast v35, $0x0;
	v34 =	vshll.u32 v34, $0x3;
	(xrf2) =	vadd.scan.msk.f32 $0xffff, v27  }
0x318: {  	s15 =	simm.s32 $0xB00;
	v61 =	vmov s7;
	v32 =	vshll.u32 v59, $0x3;
	v31 =	vld.idx.msk [tilespmem:v30+s19+$0x0], $0xffff;
	v30 =	vor.u32 v1, v34  }
0x319: {  	s0 =	sand.u32 $0x700, s15;
	v40 =	vor.u32 v1, v32;
	v32 =	vor.u32 v20, v60;
	v30 =	vand.u32 $0x2400, v30  }
0x31a: {  	v36 =	vmov s0;
	v34 =	vor.u32 v30, v32;
	v30 =	vand.u32 $0x2C00, v40;
	v39, _, _ =	vpop (xrf2);
	(xrf2) =	vadd.scan.msk.f32 $0xffff, v29  }
0x31b: {  	v35 =	vshll.u32 v61, $0x3;
	v42 =	vsub.f32 v39, v33;
	v33 =	vor.u32 v30, v32;
	v30 =	vld.idx.msk [tilespmem:v28+s19+$0x0], $0xffff  }
0x31c: {  	v41 =	vshll.u32 v36, $0x3;
	v35 =	vor.u32 v1, v35;
	v62 =	vperm.xlane v39, v4  }
0x31d: {  	s14 =	simm.s32 $0x10060;
	v35 =	vand.u32 $0x3400, v35;
	v63 =	vor.u32 v1, v41;
	v36, _, _ =	vpop (xrf2);
	(xrf2) =	vadd.scan.msk.f32 $0xffff, v31;
	[tilespmem:s31+$0xFFFFFFE0] =	vst v42  }
0x31e: {  	s16 =	simm.s32 $0xC00;
	s15 =	simm.s32 $0x8;
	s7 =	simm.s32 $0x10460;
	v35 =	vor.u32 v35, v32;
	v28 =	vld.idx.msk [tilespmem:v38+s19+$0x0], $0xffff;
	v39 =	vand.u32 $0x3C00, v63;
	v37 =	vsub.f32 v36, v37;
	v38, _, _ =	vpop (xrf2);
	[tilespmem:s30+$0xFFFFFFE0] =	vst v62  }
.LBB2_17:
0x31f: {  	s15 =	sadd.s32 $0x4, s15;
	s0 =	sand.u32 $0x400, s16;
	s9 =	sadd.s32 $0x100, s16;
	v36 =	vperm.xlane v36, v4;
	v40 =	vmov v31  }
0x320: {  	s10 =	sshrl.u32 s15, $0x3;
	v31 =	vmov s0;
	s0 =	sand.u32 $0x500, s9;
	s9 =	sadd.s32 $0x200, s16;
	v41 =	vld.idx.msk [tilespmem:v34+s19+$0x0], $0xffff;
	v34 =	vor.u32 v39, v32;
	(xrf2) =	vadd.scan.msk.f32 $0xffff, v30;
	v32 =	vsub.f32 v38, v26;
	v26 =	vmovc v30  }
0x321: {  	p1 =	slt.u32 s15, $0x3C;
	v39 =	vmov s10;
	v42 =	vmov s0;
	s0 =	sadd.s32 $0x300, s16;
	v30 =	vld.idx.msk [tilespmem:v33+s19+$0x0], $0xffff;
	v33 =	vperm.xlane v38, v4;
	[tilespmem:s31+$0x0] =	vst v37;
	v37, _, _ =	vpop (xrf2)  }
0x322: {  	v38 =	vshll.u32 v31, $0x3;
	s9 =	sand.u32 $0x600, s9;
	v31 =	vshll.u32 v39, $0x7;
	s0 =	sand.u32 $0x700, s0;
	[tilespmem:s31+$0xFFFFFFF0] =	vst v32;
	v39 =	vperm.xlane v37, v4  }
0x323: {  	v42 =	vshll.u32 v42, $0x3;
	v32 =	vand.u32 $0x380, v31;
	v43 =	vmov s0;
	v31 =	vld.idx.msk [tilespmem:v35+s19+$0x0], $0xffff;
	(xrf2) =	vadd.scan.msk.f32 $0xffff, v28  }
0x324: {  	v35 =	vor.u32 v1, v38;
	v38 =	vmov s9;
	v32 =	vbroadcast v32, $0x0;
	v44, _, _ =	vpop (xrf2);
	[tilespmem:s30+$0xFFFFFFF0] =	vst v33  }
0x325: {  	v37 =	vsub.f32 v37, v27;
	v27 =	vmovc v28;
	v33 =	vor.u32 v1, v42;
	v42 =	vshll.u32 v43, $0x3;
	[tilespmem:s30+$0x0] =	vst v36  }
.Ltmp7:
0x326: {  	v35 =	vand.u32 $0x2400, v35;
	v43 =	vsub.f32 v44, v29;
	v32 =	vor.u32 v20, v32;
	v28 =	vld.idx.msk [tilespmem:v34+s19+$0x0], $0xffff;
	(xrf2) =	vadd.scan.msk.f32 $0xffff, v41;
	(pc) =	sbr.rel @p1 .LBB2_17-.Ltmp7, $4  }
0x327: {  	v33 =	vand.u32 $0x2C00, v33;
	v34 =	vor.u32 v35, v32;
	v35 =	vshll.u32 v38, $0x3;
	v36, _, _ =	vpop (xrf2);
	[tilespmem:s31+$0x10] =	vst v37;
	s31 =	smov.u32 s14  }
0x328: {  	v33 =	vor.u32 v33, v32;
	v37 =	vperm.xlane v44, v4;
	v35 =	vor.u32 v1, v35;
	[tilespmem:s30+$0x10] =	vst v39;
	s30 =	smov.u32 s7  }
0x329: {  	v42 =	vor.u32 v1, v42;
	v29 =	vmovc v41;
	v35 =	vand.u32 $0x3400, v35;
	(xrf2) =	vadd.scan.msk.f32 $0xffff, v31;
	[tilespmem:s14+$0xFFFFFFE0] =	vst v43  }
0x32a: {  	s16 =	sadd.s32 $0x400, s16;
	v39 =	vand.u32 $0x3C00, v42;
	s7 =	sadd.s32 $0x40, s7;
	s14 =	sadd.s32 $0x40, s14;
	v35 =	vor.u32 v35, v32;
	[tilespmem:s30+$0xFFFFFFE0] =	vst v37;
	v37 =	vsub.f32 v36, v40;
	v38, _, _ =	vpop (xrf2)  }
0x32b: {  	_ =	sdelay $0x3  }
0x32c: {  	v34 =	vld.idx.msk [tilespmem:v34+s19+$0x0], $0xffff;
	(xrf2) =	vadd.scan.msk.f32 $0xffff, v30  }
0x32d: {  	v32 =	vor.u32 v39, v32;
	v26 =	vsub.f32 v38, v26  }
0x32e: {  	v35 =	vld.idx.msk [tilespmem:v35+s19+$0x0], $0xffff;
	(xrf2) =	vadd.scan.msk.f32 $0xffff, v28;
	v55, _, _ =	vpop (xrf2)  }
0x32f: {  	v33 =	vld.idx.msk [tilespmem:v33+s19+$0x0], $0xffff;
	[tilespmem:s31+$0xFFFFFFF0] =	vst v26;
	v26 =	vsub.f32 v55, v27  }
0x330: {  	v36 =	vperm.xlane v36, v4  }
0x331: {  	[tilespmem:s31+$0x0] =	vst v37;
	(xrf2) =	vadd.scan.msk.f32 $0xffff, v34;
	v57, _, _ =	vpop (xrf2)  }
0x332: {  	[tilespmem:s30+$0x0] =	vst v36;
	v27 =	vld.idx.msk [tilespmem:v32+s19+$0x0], $0xffff;
	v29 =	vsub.f32 v57, v29  }
0x333: {  	v54 =	vperm.xlane v38, v4;
	[tilespmem:s31+$0x10] =	vst v26;
	(xrf2) =	vadd.scan.msk.f32 $0xffff, v35;
	v26, _, _ =	vpop (xrf2)  }
0x334: {  	v56 =	vperm.xlane v55, v4;
	(xrf2) =	vadd.scan.msk.f32 $0xffff, v33;
	[tilespmem:s14+$0xFFFFFFE0] =	vst v29;
	v29 =	vsub.f32 v26, v31  }
0x335: {  	[tilespmem:s30+$0xFFFFFFF0] =	vst v54;
	v58 =	vperm.xlane v57, v4  }
0x336: {  	[tilespmem:s30+$0x10] =	vst v56;
	v31, _, _ =	vpop (xrf2)  }
0x337: {  	[tilespmem:s7+$0xFFFFFFE0] =	vst v58;
	v26 =	vperm.xlane v26, v4;
	(xrf2) =	vadd.scan.msk.f32 $0xffff, v27;
	v30 =	vsub.f32 v31, v30  }
0x338: {  	[tilespmem:s14+$0x0] =	vst v29;
	v29, _, _ =	vpop (xrf2)  }
0x339: {  	v31 =	vperm.xlane v31, v4;
	[tilespmem:s7+$0x0] =	vst v26;
	v28 =	vsub.f32 v29, v28  }
0x33a: {  	[tilespmem:s14+$0xFFFFFFF0] =	vst v30;
	v29 =	vperm.xlane v29, v4  }
0x33b: {  	[tilespmem:s7+$0xFFFFFFF0] =	vst v31;
	v30, _, _ =	vpop (xrf2)  }
0x33c: {  	v26 =	vsub.f32 v30, v34;
	[tilespmem:s14+$0x10] =	vst v28  }
0x33d: {  	s0 =	sadd.s32 $0x40, s14;
	v30 =	vperm.xlane v30, v4;
	[tilespmem:s7+$0x10] =	vst v29;
	v28, _, _ =	vpop (xrf2)  }
0x33e: {  	s31 =	sadd.s32 $0x40, s7;
	[tilespmem:s0+$0xFFFFFFE0] =	vst v26;
	v26 =	vsub.f32 v28, v35;
	v29, _, _ =	vpop (xrf2)  }
0x33f: {  	[tilespmem:s31+$0xFFFFFFE0] =	vst v30;
	v30 =	vsub.f32 v29, v33  }
0x340: {  	v29 =	vperm.xlane v29, v4;
	[tilespmem:s0+$0x0] =	vst v26  }
0x341: {  	v26 =	vperm.xlane v28, v4;
	v28, _, _ =	vpop (xrf2);
	[tilespmem:s0+$0xFFFFFFF0] =	vst v30  }
0x342: {  	v27 =	vsub.f32 v28, v27;
	[tilespmem:s31+$0xFFFFFFF0] =	vst v29  }
0x343: {  	v28 =	vperm.xlane v28, v4;
	[tilespmem:s31+$0x0] =	vst v26  }
0x344: {  	[tilespmem:s0+$0x10] =	vst v27  }
0x345: {  	[tilespmem:s31+$0x10] =	vst v28  }
0x346: {  	v26 =	vld.idx.msk [tilespmem:v21+s21+$0x0], $0xffff;
	_ =	sdelay $0x4  }
0x347: {  	(xrf2) =	vadd.scan.msk.f32 $0xffff, v26;
	_ =	sdelay $0x9  }
0x348: {  	v27, _, _ =	vpop (xrf2)  }
0x349: {  	v26 =	vsub.f32 v27, v26;
	_ =	sdelay $0x1  }
0x34a: {  	v26 =	vadd.f32 v26, v25;
	_ =	sdelay $0x1  }
0x34b: {  	[tilespmem:$0x10800] =	vst v26  }
0x34c: {  	v26 =	vld.idx.msk [tilespmem:v22+s21+$0x0], $0xffff;
	_ =	sdelay $0x4  }
0x34d: {  	(xrf2) =	vadd.scan.msk.f32 $0xffff, v26;
	_ =	sdelay $0x8  }
0x34e: {  	v27 =	vperm.xlane v27, v4  }
0x34f: {  	v28, _, _ =	vpop (xrf2)  }
0x350: {  	v25 =	vadd.f32 v27, v25;
	v26 =	vsub.f32 v28, v26;
	_ =	sdelay $0x1  }
0x351: {  	v26 =	vadd.f32 v26, v25;
	_ =	sdelay $0x1  }
0x352: {  	[tilespmem:$0x10810] =	vst v26  }
0x353: {  	v26 =	vld.idx.msk [tilespmem:v23+s21+$0x0], $0xffff;
	_ =	sdelay $0x4  }
0x354: {  	(xrf2) =	vadd.scan.msk.f32 $0xffff, v26;
	_ =	sdelay $0x8  }
0x355: {  	v27 =	vperm.xlane v28, v4  }
0x356: {  	v28, _, _ =	vpop (xrf2)  }
0x357: {  	v25 =	vadd.f32 v27, v25;
	v26 =	vsub.f32 v28, v26;
	_ =	sdelay $0x1  }
0x358: {  	v26 =	vadd.f32 v26, v25;
	_ =	sdelay $0x1  }
0x359: {  	[tilespmem:$0x10820] =	vst v26  }
0x35a: {  	v26 =	vld.idx.msk [tilespmem:v24+s21+$0x0], $0xffff;
	_ =	sdelay $0x4  }
0x35b: {  	(xrf2) =	vadd.scan.msk.f32 $0xffff, v26;
	_ =	sdelay $0x6  }
0x35c: {  	s14 =	simm.s32 $0x0  }
0x35d: {  	v27 =	vmov s14  }
0x35e: {  	v27 =	vand.u32 $0xFFFFFFFE, v27;
	v28 =	vperm.xlane v28, v4  }
0x35f: {  	v27 =	vbroadcast v27, $0x0;
	v29, _, _ =	vpop (xrf2)  }
0x360: {  	v25 =	vadd.f32 v28, v25;
	v26 =	vsub.f32 v29, v26;
	_ =	sdelay $0x1  }
0x361: {  	s9 =	simm.s32 $0x1;
	v26 =	vadd.f32 v26, v25  }
0x362: {  	v28 =	vmov s9  }
0x363: {  	[tilespmem:$0x10830] =	vst v26  }
0x364: {  	s7 =	simm.s32 $0x10010;
	v26 =	vld.idx.msk [tilespmem:v27+s22+$0x0], $0xffff  }
0x365: {  	s10 =	simm.s32 $0x0;
	v27 =	vld [tilespmem:s7+$0xFFFFFFF0]  }
0x366: {  	s0 =	sand.u32 $0xC000, s10  }
0x367: {  	s0 =	sshrl.u32 s0, $0x2;
	s9 =	sand.u32 $0x380, s14;
	v28 =	vld.idx.msk [tilespmem:v28+s22+$0x0], $0xffff  }
0x368: {  	s30 =	sor.u32 s9, s0;
	v30 =	vld [tilespmem:s7+$0x0]  }
0x369: {  	v31 =	vld [tilespmem:s30+$0x8470]  }
0x36a: {  	v32 =	vld [tilespmem:s30+$0x8000];
	v27 =	vadd.f32 v27, v26  }
0x36b: {  	v59 =	vld [tilespmem:s30+$0x8020]  }
0x36c: {  	s15 =	simm.s32 $0x3;
	v61 =	vld [tilespmem:s30+$0x8030];
	v60 =	vperm.xlane v27, v4;
	v62 =	vperm.xlane v27, v5  }
0x36d: {  	v45 =	vmov s15;
	v49 =	vld [tilespmem:s30+$0x8050];
	v48 =	vperm.xlane v27, v6;
	v50 =	vperm.xlane v27, v7  }
0x36e: {  	v26 =	vld [tilespmem:s30+$0x8010];
	v28 =	vadd.f32 v30, v28;
	v40 =	vperm.xlane v27, v8;
	v54 =	vperm.xlane v27, v10  }
0x36f: {  	v63 =	vld [tilespmem:s30+$0x8040];
	v30 =	vperm.xlane v27, v11;
	v57 =	vperm.xlane v27, v12;
	v31 =	vadd.f32 v60, v31  }
0x370: {  	s16 =	simm.s32 $0x800;
	v51 =	vld [tilespmem:s30+$0x8060];
	v58 =	vperm.xlane v27, v13;
	v41 =	vperm.xlane v27, v15;
	v32 =	vadd.f32 v62, v32  }
0x371: {  	s0 =	sand.u32 $0x3800, s16;
	v44 =	vld [tilespmem:s30+$0x8460];
	v42 =	vperm.xlane v27, v17;
	v43 =	vperm.xlane v27, v18;
	v52 =	vadd.f32 v50, v59;
	[tilespmem:s30+$0x8470] =	vst v31  }
0x372: {  	s15 =	sor.u32 s9, s0;
	v53 =	vld [tilespmem:s30+$0x8400];
	v35 =	vadd.f32 v40, v61;
	v34 =	vadd.f32 v54, v49;
	v60 =	vperm.xlane v27, v14;
	[tilespmem:s30+$0x8000] =	vst v32  }
0x373: {  	v38 =	vadd.f32 v48, v26;
	v26 =	vperm.xlane v29, v4;
	v29 =	vperm.xlane v27, v9;
	v48 =	vld [tilespmem:s15+$0x8000];
	[tilespmem:s30+$0x8020] =	vst v52  }
0x374: {  	v61 =	vperm.xlane v27, v16;
	v27 =	vperm.xlane v27, v19;
	v31 =	vld [tilespmem:s30+$0x8070];
	[tilespmem:s30+$0x8030] =	vst v35  }
0x375: {  	v55 =	vld [tilespmem:s30+$0x8410];
	[tilespmem:s30+$0x8050] =	vst v34;
	v29 =	vadd.f32 v29, v63  }
0x376: {  	v56 =	vld [tilespmem:s30+$0x8420];
	v46 =	vperm.xlane v28, v5;
	[tilespmem:s30+$0x8010] =	vst v38;
	v63 =	vadd.f32 v27, v44  }
0x377: {  	v59 =	vld [tilespmem:s30+$0x8430];
	[tilespmem:s30+$0x8040] =	vst v29;
	v29 =	vadd.f32 v30, v51  }
0x378: {  	v62 =	vld [tilespmem:s30+$0x8450];
	[tilespmem:s30+$0x8460] =	vst v63;
	v46 =	vadd.f32 v46, v48  }
0x379: {  	v30 =	vld [tilespmem:s30+$0x8440];
	v31 =	vadd.f32 v57, v31;
	[tilespmem:s30+$0x8060] =	vst v29  }
0x37a: {  	v47 =	vperm.xlane v28, v6;
	v39 =	vperm.xlane v28, v8;
	v50 =	vld [tilespmem:s15+$0x8010];
	v29 =	vadd.f32 v58, v53;
	[tilespmem:s15+$0x8000] =	vst v46  }
0x37b: {  	v37 =	vperm.xlane v28, v10;
	v36 =	vperm.xlane v28, v13;
	v44 =	vld [tilespmem:s15+$0x8060];
	[tilespmem:s30+$0x8070] =	vst v31;
	v31 =	vadd.f32 v60, v55  }
0x37c: {  	v33 =	vperm.xlane v28, v14;
	v49 =	vperm.xlane v28, v7;
	v51 =	vld [tilespmem:s15+$0x8020];
	[tilespmem:s30+$0x8400] =	vst v29;
	v29 =	vadd.f32 v41, v56  }
0x37d: {  	v40 =	vperm.xlane v28, v9;
	v35 =	vperm.xlane v28, v12;
	v41 =	vld [tilespmem:s15+$0x8030];
	[tilespmem:s30+$0x8410] =	vst v31;
	v31 =	vadd.f32 v61, v59  }
0x37e: {  	v34 =	vperm.xlane v28, v15;
	v32 =	vperm.xlane v28, v16;
	[tilespmem:s30+$0x8420] =	vst v29;
	v29 =	vadd.f32 v42, v30;
	v42 =	vld [tilespmem:s15+$0x8040]  }
0x37f: {  	s31 =	simm.s32 $0x2;
	v38 =	vperm.xlane v28, v11;
	v47 =	vadd.f32 v47, v50;
	v30 =	vadd.f32 v43, v62;
	v43 =	vld [tilespmem:s15+$0x8050];
	[tilespmem:s30+$0x8430] =	vst v31  }
0x380: {  	v27 =	vld.idx.msk [tilespmem:v45+s22+$0x0], $0xffff;
	v46 =	vmov s31;
	[tilespmem:s30+$0x8440] =	vst v29;
	v31 =	vperm.xlane v28, v17;
	v29 =	vperm.xlane v28, v18  }
0x381: {  	s16 =	simm.s32 $0x2000;
	v45 =	vld [tilespmem:s15+$0x8070];
	v48 =	vadd.f32 v49, v51;
	[tilespmem:s30+$0x8450] =	vst v30;
	v30 =	vperm.xlane v28, v19;
	v28 =	vperm.xlane v28, v4;
	s30 =	simm.s32 $0x4  }
.LBB2_19:
0x382: {  	p1 =	slt.u32 s30, $0x3E;
	v46 =	vand.u32 $0xFFFFFFFE, v46;
	[tilespmem:s15+$0x8010] =	vst v47;
	v39 =	vadd.f32 v39, v41;
	v41 =	vld [tilespmem:s15+$0x8400]  }
0x383: {  	v46 =	vbroadcast v46, $0x0;
	[tilespmem:s15+$0x8020] =	vst v48;
	v40 =	vadd.f32 v40, v42;
	v42 =	vld [tilespmem:s15+$0x8410]  }
0x384: {  	[tilespmem:s15+$0x8030] =	vst v39;
	v37 =	vadd.f32 v37, v43;
	v39 =	vld [tilespmem:s15+$0x8420]  }
0x385: {  	[tilespmem:s15+$0x8040] =	vst v40;
	v38 =	vadd.f32 v38, v44;
	v40 =	vld [tilespmem:s15+$0x8430]  }
0x386: {  	[tilespmem:s15+$0x8050] =	vst v37;
	v35 =	vadd.f32 v35, v45;
	v37 =	vld [tilespmem:s15+$0x8440]  }
0x387: {  	s0 =	sadd.s32 $0x1, s30;
	[tilespmem:s15+$0x8060] =	vst v38;
	v36 =	vadd.f32 v36, v41;
	v38 =	vld [tilespmem:s15+$0x8450]  }
0x388: {  	v41 =	vmov s0;
	[tilespmem:s15+$0x8070] =	vst v35;
	v33 =	vadd.f32 v33, v42;
	v35 =	vld [tilespmem:s15+$0x8460]  }
0x389: {  	s7 =	sadd.s32 $0x20, s7;
	s16 =	sadd.s32 $0x4000, s16;
	v42 =	vld.idx.msk [tilespmem:v46+s22+$0x0], $0xffff;
	[tilespmem:s15+$0x8400] =	vst v36;
	v34 =	vadd.f32 v34, v39  }
0x38a: {  	s9 =	sshrl.u32 s16, $0x2;
	s0 =	sadd.s32 $0xFFFFE000, s16;
	v36 =	vld [tilespmem:s7+$0xFFFFFFF0];
	[tilespmem:s15+$0x8410] =	vst v33;
	v32 =	vadd.f32 v32, v40  }
0x38b: {  	s14 =	sadd.s32 $0x20, s14;
	s9 =	sand.u32 $0x3800, s9;
	s0 =	sand.u32 $0xC000, s0;
	v33 =	vld [tilespmem:s7+$0x0];
	[tilespmem:s15+$0x8420] =	vst v34;
	v31 =	vadd.f32 v31, v37  }
0x38c: {  	s10 =	sand.u32 $0x380, s14;
	s0 =	sshrl.u32 s0, $0x2;
	[tilespmem:s15+$0x8430] =	vst v32;
	v29 =	vadd.f32 v29, v38;
	v32 =	vld [tilespmem:s15+$0x8470]  }
0x38d: {  	s31 =	sor.u32 s10, s0;
	s0 =	sor.u32 s10, s9;
	v34 =	vld.idx.msk [tilespmem:v41+s22+$0x0], $0xffff;
	[tilespmem:s15+$0x8440] =	vst v31;
	v30 =	vadd.f32 v30, v35  }
0x38e: {  	v31 =	vld [tilespmem:s31+$0x8470];
	[tilespmem:s15+$0x8450] =	vst v29  }
0x38f: {  	v29 =	vadd.f32 v36, v42;
	v35 =	vld [tilespmem:s31+$0x8000];
	[tilespmem:s15+$0x8460] =	vst v30  }
0x390: {  	v30 =	vld [tilespmem:s31+$0x8010];
	v41 =	vadd.f32 v33, v27  }
0x391: {  	v44 =	vperm.xlane v29, v5;
	v33 =	vld [tilespmem:s31+$0x8020];
	v36 =	vperm.xlane v29, v4;
	v28 =	vadd.f32 v28, v32  }
0x392: {  	v32 =	vperm.xlane v29, v6;
	v37 =	vperm.xlane v29, v7;
	v38 =	vld [tilespmem:s31+$0x8030]  }
0x393: {  	v39 =	vperm.xlane v29, v8;
	v42 =	vperm.xlane v29, v9;
	v40 =	vld [tilespmem:s31+$0x8040];
	v31 =	vadd.f32 v36, v31;
	[tilespmem:s15+$0x8470] =	vst v28;
	s15 =	smov.u32 s0  }
0x394: {  	v43 =	vperm.xlane v29, v11;
	v27 =	vmovc v34;
	v36 =	vperm.xlane v29, v10;
	v28 =	vadd.f32 v44, v35;
	v35 =	vld [tilespmem:s31+$0x8050]  }
0x395: {  	v34 =	vperm.xlane v29, v12;
	v44 =	vperm.xlane v29, v13;
	v30 =	vadd.f32 v32, v30;
	v32 =	vld [tilespmem:s31+$0x8060];
	[tilespmem:s31+$0x8470] =	vst v31  }
0x396: {  	v45 =	vperm.xlane v29, v15;
	[tilespmem:s31+$0x8000] =	vst v28;
	v28 =	vadd.f32 v37, v33;
	v31 =	vld [tilespmem:s31+$0x8070];
	v33 =	vperm.xlane v29, v14  }
0x397: {  	v46 =	vperm.xlane v29, v16;
	v47 =	vperm.xlane v29, v17;
	[tilespmem:s31+$0x8010] =	vst v30;
	v30 =	vadd.f32 v39, v38;
	v38 =	vld [tilespmem:s31+$0x8400]  }
0x398: {  	v48 =	vperm.xlane v29, v18;
	v49 =	vperm.xlane v29, v19;
	[tilespmem:s31+$0x8020] =	vst v28;
	v28 =	vadd.f32 v42, v40;
	v42 =	vld [tilespmem:s31+$0x8410]  }
0x399: {  	v50 =	vperm.xlane v41, v5;
	v51 =	vperm.xlane v41, v6;
	[tilespmem:s31+$0x8030] =	vst v30;
	v29 =	vadd.f32 v36, v35;
	v30 =	vld [tilespmem:s31+$0x8420]  }
0x39a: {  	v52 =	vperm.xlane v41, v7;
	v39 =	vperm.xlane v41, v8;
	[tilespmem:s31+$0x8040] =	vst v28;
	v28 =	vadd.f32 v43, v32;
	v43 =	vld [tilespmem:s31+$0x8430]  }
0x39b: {  	v37 =	vperm.xlane v41, v10;
	v40 =	vperm.xlane v41, v9;
	[tilespmem:s31+$0x8050] =	vst v29;
	v29 =	vadd.f32 v34, v31;
	v53 =	vld [tilespmem:s31+$0x8440]  }
0x39c: {  	v35 =	vperm.xlane v41, v12;
	[tilespmem:s31+$0x8060] =	vst v28;
	v28 =	vadd.f32 v44, v38;
	v44 =	vld [tilespmem:s31+$0x8450];
	v38 =	vperm.xlane v41, v11  }
0x39d: {  	v36 =	vperm.xlane v41, v13;
	[tilespmem:s31+$0x8070] =	vst v29;
	v29 =	vadd.f32 v33, v42;
	v42 =	vld [tilespmem:s31+$0x8460];
	v33 =	vperm.xlane v41, v14  }
0x39e: {  	v32 =	vperm.xlane v41, v16;
	v34 =	vperm.xlane v41, v15;
	[tilespmem:s31+$0x8400] =	vst v28;
	v28 =	vadd.f32 v45, v30;
	v45 =	vld [tilespmem:s15+$0x8000]  }
0x39f: {  	v31 =	vperm.xlane v41, v17;
	[tilespmem:s31+$0x8410] =	vst v29;
	v43 =	vadd.f32 v46, v43;
	v46 =	vld [tilespmem:s15+$0x8010];
	v29 =	vperm.xlane v41, v18  }
0x3a0: {  	v30 =	vperm.xlane v41, v19;
	[tilespmem:s31+$0x8420] =	vst v28;
	v47 =	vadd.f32 v47, v53;
	v53 =	vld [tilespmem:s15+$0x8020];
	v28 =	vperm.xlane v41, v4  }
.Ltmp8:
0x3a1: {  	[tilespmem:s31+$0x8430] =	vst v43;
	v43 =	vadd.f32 v48, v44;
	v41 =	vld [tilespmem:s15+$0x8030];
	(pc) =	sbr.rel @p1 .LBB2_19-.Ltmp8, $4  }
0x3a2: {  	[tilespmem:s31+$0x8440] =	vst v47;
	v44 =	vadd.f32 v49, v42;
	v42 =	vld [tilespmem:s15+$0x8040]  }
0x3a3: {  	[tilespmem:s31+$0x8450] =	vst v43;
	v45 =	vadd.f32 v50, v45;
	v43 =	vld [tilespmem:s15+$0x8050]  }
0x3a4: {  	[tilespmem:s31+$0x8460] =	vst v44;
	v47 =	vadd.f32 v51, v46;
	v44 =	vld [tilespmem:s15+$0x8060]  }
0x3a5: {  	v46 =	vmov s30;
	s30 =	sadd.s32 $0x2, s30;
	[tilespmem:s15+$0x8000] =	vst v45;
	v48 =	vadd.f32 v52, v53;
	v45 =	vld [tilespmem:s15+$0x8070]  }
0x3a6: {  	_ = 	snop  }
0x3a7: {  	v40 =	vadd.f32 v40, v42  }
0x3a8: {  	v56 =	vld [tilespmem:s15+$0x8400];
	v59 =	vand.u32 $0xFFFFFFFE, v46  }
0x3a9: {  	v57 =	vld [tilespmem:s15+$0x8410];
	[tilespmem:s15+$0x8040] =	vst v40;
	v40 =	vbroadcast v59, $0x0  }
0x3aa: {  	v58 =	vld [tilespmem:s15+$0x8420]  }
0x3ab: {  	v60 =	vld [tilespmem:s15+$0x8430]  }
0x3ac: {  	[tilespmem:s15+$0x8010] =	vst v47;
	v39 =	vadd.f32 v39, v41;
	v61 =	vld [tilespmem:s15+$0x8440]  }
0x3ad: {  	v62 =	vld [tilespmem:s15+$0x8450];
	s0 =	sadd.s32 $0x20, s7;
	s9 =	sadd.s32 $0x4000, s16;
	[tilespmem:s15+$0x8020] =	vst v48;
	v37 =	vadd.f32 v37, v43  }
0x3ae: {  	s10 =	sadd.s32 $0xFFFFE000, s9;
	v41 =	vld [tilespmem:s0+$0xFFFFFFF0];
	[tilespmem:s15+$0x8030] =	vst v39;
	v38 =	vadd.f32 v38, v44  }
0x3af: {  	s7 =	sand.u32 $0xC000, s10;
	s10 =	sadd.s32 $0x20, s14;
	[tilespmem:s15+$0x8050] =	vst v37;
	v35 =	vadd.f32 v35, v45;
	v40 =	vld.idx.msk [tilespmem:v40+s22+$0x0], $0xffff  }
0x3b0: {  	v63 =	vld [tilespmem:s15+$0x8460];
	s16 =	sand.u32 $0x380, s10;
	s7 =	sshrl.u32 s7, $0x2;
	[tilespmem:s15+$0x8060] =	vst v38;
	v36 =	vadd.f32 v36, v56  }
0x3b1: {  	v43 =	vld [tilespmem:s15+$0x8470];
	s7 =	sor.u32 s16, s7;
	v33 =	vadd.f32 v33, v57;
	[tilespmem:s15+$0x8070] =	vst v35  }
0x3b2: {  	v34 =	vadd.f32 v34, v58;
	v44 =	vld [tilespmem:s7+$0x8470];
	[tilespmem:s15+$0x8400] =	vst v36  }
0x3b3: {  	v32 =	vadd.f32 v32, v60;
	v45 =	vld [tilespmem:s7+$0x8000];
	[tilespmem:s15+$0x8410] =	vst v33  }
0x3b4: {  	v31 =	vadd.f32 v31, v61;
	v46 =	vld [tilespmem:s7+$0x8010];
	[tilespmem:s15+$0x8420] =	vst v34;
	v36 =	vadd.f32 v41, v40  }
0x3b5: {  	v29 =	vadd.f32 v29, v62;
	v47 =	vld [tilespmem:s7+$0x8020];
	[tilespmem:s15+$0x8430] =	vst v32  }
0x3b6: {  	v30 =	vadd.f32 v30, v63;
	v50 =	vld [tilespmem:s7+$0x8030];
	[tilespmem:s15+$0x8440] =	vst v31;
	v48 =	vperm.xlane v36, v4  }
0x3b7: {  	v52 =	vld [tilespmem:s7+$0x8040];
	[tilespmem:s15+$0x8450] =	vst v29;
	v28 =	vadd.f32 v28, v43;
	v49 =	vperm.xlane v36, v5  }
0x3b8: {  	v55 =	vld [tilespmem:s7+$0x8050];
	[tilespmem:s15+$0x8460] =	vst v30;
	v51 =	vperm.xlane v36, v6;
	v34 =	vadd.f32 v48, v44  }
0x3b9: {  	v57 =	vld [tilespmem:s7+$0x8060];
	[tilespmem:s15+$0x8470] =	vst v28;
	v53 =	vperm.xlane v36, v7;
	v54 =	vadd.f32 v49, v45  }
0x3ba: {  	v60 =	vld [tilespmem:s7+$0x8070];
	v56 =	vperm.xlane v36, v8;
	v30 =	vadd.f32 v51, v46;
	[tilespmem:s7+$0x8470] =	vst v34  }
0x3bb: {  	v63 =	vld [tilespmem:s7+$0x8400];
	v58 =	vperm.xlane v36, v9;
	v59 =	vadd.f32 v53, v47;
	[tilespmem:s7+$0x8000] =	vst v54  }
0x3bc: {  	v33 =	vld [tilespmem:s0+$0x0];
	v61 =	vperm.xlane v36, v10;
	v62 =	vadd.f32 v56, v50;
	[tilespmem:s7+$0x8010] =	vst v30  }
0x3bd: {  	v42 =	vperm.xlane v36, v11;
	v43 =	vadd.f32 v58, v52;
	v44 =	vld [tilespmem:s7+$0x8410];
	[tilespmem:s7+$0x8020] =	vst v59  }
0x3be: {  	v45 =	vperm.xlane v36, v12;
	v29 =	vadd.f32 v61, v55;
	v46 =	vld [tilespmem:s7+$0x8420];
	[tilespmem:s7+$0x8030] =	vst v62  }
0x3bf: {  	v47 =	vperm.xlane v36, v13;
	v48 =	vadd.f32 v42, v57;
	v49 =	vld [tilespmem:s7+$0x8430];
	[tilespmem:s7+$0x8040] =	vst v43  }
0x3c0: {  	s9 =	sshrl.u32 s9, $0x2;
	v50 =	vperm.xlane v36, v14;
	v52 =	vld [tilespmem:s7+$0x8440];
	[tilespmem:s7+$0x8050] =	vst v29;
	v51 =	vadd.f32 v45, v60  }
0x3c1: {  	s9 =	sand.u32 $0x3800, s9;
	v53 =	vperm.xlane v36, v15;
	v55 =	vld [tilespmem:s7+$0x8450];
	[tilespmem:s7+$0x8060] =	vst v48;
	v54 =	vadd.f32 v47, v63  }
0x3c2: {  	s30 =	sor.u32 s16, s9;
	v56 =	vperm.xlane v36, v16;
	v58 =	vld [tilespmem:s7+$0x8460];
	[tilespmem:s7+$0x8070] =	vst v51;
	v57 =	vadd.f32 v50, v44  }
0x3c3: {  	v61 =	vld [tilespmem:s30+$0x8000];
	v59 =	vperm.xlane v36, v17;
	[tilespmem:s7+$0x8400] =	vst v54;
	v60 =	vadd.f32 v53, v46  }
0x3c4: {  	v27 =	vadd.f32 v33, v27;
	v40 =	vld [tilespmem:s30+$0x8010];
	v62 =	vperm.xlane v36, v18;
	v63 =	vadd.f32 v56, v49;
	[tilespmem:s7+$0x8410] =	vst v57  }
0x3c5: {  	v42 =	vld [tilespmem:s30+$0x8020];
	v36 =	vperm.xlane v36, v19;
	v41 =	vadd.f32 v59, v52;
	[tilespmem:s7+$0x8420] =	vst v60  }
0x3c6: {  	v43 =	vperm.xlane v27, v5;
	v45 =	vld [tilespmem:s30+$0x8030];
	v44 =	vadd.f32 v62, v55;
	[tilespmem:s7+$0x8430] =	vst v63  }
0x3c7: {  	v48 =	vld [tilespmem:s30+$0x8040];
	v46 =	vperm.xlane v27, v6;
	v47 =	vadd.f32 v36, v58;
	[tilespmem:s7+$0x8440] =	vst v41  }
0x3c8: {  	v51 =	vld [tilespmem:s30+$0x8050];
	v49 =	vperm.xlane v27, v7;
	v50 =	vadd.f32 v43, v61;
	[tilespmem:s7+$0x8450] =	vst v44  }
0x3c9: {  	v54 =	vld [tilespmem:s30+$0x8060];
	v52 =	vperm.xlane v27, v8;
	[tilespmem:s7+$0x8460] =	vst v47;
	v53 =	vadd.f32 v46, v40  }
0x3ca: {  	v55 =	vperm.xlane v27, v9;
	[tilespmem:s30+$0x8000] =	vst v50;
	v56 =	vadd.f32 v49, v42;
	v57 =	vld [tilespmem:s30+$0x8070]  }
0x3cb: {  	v58 =	vperm.xlane v27, v10;
	v59 =	vadd.f32 v52, v45;
	v60 =	vld [tilespmem:s30+$0x8400];
	[tilespmem:s30+$0x8010] =	vst v53  }
0x3cc: {  	v61 =	vperm.xlane v27, v11;
	v62 =	vadd.f32 v55, v48;
	v63 =	vld [tilespmem:s30+$0x8410];
	[tilespmem:s30+$0x8020] =	vst v56  }
0x3cd: {  	v40 =	vperm.xlane v27, v12;
	v42 =	vld [tilespmem:s30+$0x8420];
	[tilespmem:s30+$0x8030] =	vst v59;
	v41 =	vadd.f32 v58, v51  }
0x3ce: {  	v43 =	vperm.xlane v27, v13;
	v45 =	vld [tilespmem:s30+$0x8430];
	[tilespmem:s30+$0x8040] =	vst v62;
	v44 =	vadd.f32 v61, v54  }
0x3cf: {  	v46 =	vperm.xlane v27, v14;
	v48 =	vld [tilespmem:s30+$0x8440];
	[tilespmem:s30+$0x8050] =	vst v41;
	v47 =	vadd.f32 v40, v57  }
0x3d0: {  	v49 =	vperm.xlane v27, v15;
	v51 =	vld [tilespmem:s30+$0x8450];
	[tilespmem:s30+$0x8060] =	vst v44;
	v50 =	vadd.f32 v43, v60  }
0x3d1: {  	v52 =	vperm.xlane v27, v16;
	v54 =	vld [tilespmem:s30+$0x8460];
	v53 =	vadd.f32 v46, v63;
	[tilespmem:s30+$0x8070] =	vst v47  }
0x3d2: {  	v55 =	vperm.xlane v27, v17;
	v56 =	vadd.f32 v49, v42;
	v57 =	vld [tilespmem:s30+$0x8470];
	[tilespmem:s30+$0x8400] =	vst v50  }
0x3d3: {  	v58 =	vperm.xlane v27, v18;
	v59 =	vadd.f32 v52, v45;
	[tilespmem:s30+$0x8410] =	vst v53  }
0x3d4: {  	v60 =	vperm.xlane v27, v19;
	v61 =	vadd.f32 v55, v48;
	[tilespmem:s30+$0x8420] =	vst v56  }
0x3d5: {  	v27 =	vperm.xlane v27, v4;
	[tilespmem:s30+$0x8430] =	vst v59;
	v62 =	vadd.f32 v58, v51  }
0x3d6: {  	[tilespmem:s30+$0x8440] =	vst v61;
	v63 =	vadd.f32 v60, v54  }
0x3d7: {  	[tilespmem:s30+$0x8450] =	vst v62;
	v27 =	vadd.f32 v27, v57  }
0x3d8: {  	[tilespmem:s30+$0x8460] =	vst v63  }
0x3d9: {  	s31 =	sadd.s32 s2, s5;
	[tilespmem:s30+$0x8470] =	vst v27  }
0x3da: {  	[hbm4b:s31+s4] =	stream.linear.scatter [tilespmem:s19], [sflag:$0x7], $0x4000, $0x38;
	[tilespmem:$0x11900] =	vst v63  }
0x3db: {  	s0 =	sadd.s32 @!p0 s17, s13;
	_ =	swait.ge [sflag:s28], $0x4000  }
0x3dc: {  	s5 =	simm.s32 @!p0 $0x0;
	s0 =	sshrl.u32 @!p0 s0, $0x3;
	[sflag:s28] =	ssyncset.done $0x0  }
0x3dd: {  	s0 =	sadd.s32 @!p0 s1, s0;
	s7 =	simm.s32 @!p0 $0x4000;
	[sflag:s28] =	ssyncadd.s32 $0xFFFFC000  }
0x3de: {  	[tilespmem:s7], [sflag:$0x2] =	stream.linear.gather @!p0 [hbm4b:s0+s5], $0x4000, $0x38;
	[tilespmem:$0x11900] =	vst v63  }
0x3df: {  	_ =	swait.ge [sflag:s29], $0x4000  }
0x3e0: {  	s14 =	simm.s32 $0x0;
	s15 =	simm.s32 $0x0;
	[sflag:s29] =	ssyncset.done $0x0  }
0x3e1: {  	v25 =	vadd.f32 v26, v25;
	s7 =	simm.s32 $0xFFFFFFFC;
	s5 =	simm.s32 $0x0;
	[sflag:s29] =	ssyncadd.s32 $0xFFFFC000  }
.LBB2_21:
0x3e2: {  	s0 =	sshrl.u32 s15, $0x2  }
0x3e3: {  	s9 =	sand.u32 $0x380, s14;
	s0 =	sand.u32 $0x2000, s0  }
0x3e4: {  	s16 =	sor.u32 s9, s0  }
0x3e5: {  	v26 =	vld [tilespmem:s16+$0xC000]  }
0x3e6: {  	v27 =	vld [tilespmem:s16+$0xC010]  }
0x3e7: {  	v28 =	vld [tilespmem:s16+$0xC020]  }
0x3e8: {  	v29 =	vld [tilespmem:s16+$0xC030]  }
0x3e9: {  	v30 =	vld [tilespmem:s16+$0xC040]  }
0x3ea: {  	(xrf2) =	vadd.scan.msk.f32 $0xffff, v26;
	v26 =	vld [tilespmem:s16+$0xC050]  }
0x3eb: {  	(xrf2) =	vadd.scan.msk.f32 $0xffff, v27;
	v27 =	vld [tilespmem:s16+$0xC060]  }
0x3ec: {  	v41 =	vld [tilespmem:s16+$0xC070];
	(xrf2) =	vadd.scan.msk.f32 $0xffff, v28  }
0x3ed: {  	v42 =	vld [tilespmem:s16+$0xC400];
	(xrf2) =	vadd.scan.msk.f32 $0xffff, v29  }
0x3ee: {  	v43 =	vld [tilespmem:s16+$0xC410];
	(xrf2) =	vadd.scan.msk.f32 $0xffff, v30  }
0x3ef: {  	(xrf2) =	vadd.scan.msk.f32 $0xffff, v26;
	v26 =	vld [tilespmem:s16+$0xC420]  }
0x3f0: {  	(xrf2) =	vadd.scan.msk.f32 $0xffff, v27;
	v27 =	vld [tilespmem:s16+$0xC430]  }
0x3f1: {  	v44 =	vld [tilespmem:s16+$0xC440];
	(xrf2) =	vadd.scan.msk.f32 $0xffff, v41  }
0x3f2: {  	v45 =	vld [tilespmem:s16+$0xC450];
	(xrf2) =	vadd.scan.msk.f32 $0xffff, v42  }
0x3f3: {  	v46 =	vld [tilespmem:s16+$0xC460];
	(xrf2) =	vadd.scan.msk.f32 $0xffff, v43  }
0x3f4: {  	v31, _, _ =	vpop (xrf2);
	(xrf2) =	vadd.scan.msk.f32 $0xffff, v26;
	v26 =	vld [tilespmem:s16+$0xC470]  }
0x3f5: {  	[tilespmem:s16+$0xC000] =	vst v31;
	v47, _, _ =	vpop (xrf2);
	(xrf2) =	vadd.scan.msk.f32 $0xffff, v27;
	v27 =	vld [tilespmem:s16+$0xC800]  }
0x3f6: {  	v49 =	vld [tilespmem:s16+$0xC810];
	[tilespmem:s16+$0xC010] =	vst v47;
	v48, _, _ =	vpop (xrf2);
	(xrf2) =	vadd.scan.msk.f32 $0xffff, v44  }
0x3f7: {  	v51 =	vld [tilespmem:s16+$0xC820];
	[tilespmem:s16+$0xC020] =	vst v48;
	v50, _, _ =	vpop (xrf2);
	(xrf2) =	vadd.scan.msk.f32 $0xffff, v45  }
0x3f8: {  	v53 =	vld [tilespmem:s16+$0xC830];
	[tilespmem:s16+$0xC030] =	vst v50;
	v52, _, _ =	vpop (xrf2);
	(xrf2) =	vadd.scan.msk.f32 $0xffff, v46  }
0x3f9: {  	[tilespmem:s16+$0xC040] =	vst v52;
	v54, _, _ =	vpop (xrf2);
	(xrf2) =	vadd.scan.msk.f32 $0xffff, v26;
	v26 =	vld [tilespmem:s16+$0xC840]  }
0x3fa: {  	[tilespmem:s16+$0xC050] =	vst v54;
	v55, _, _ =	vpop (xrf2);
	(xrf2) =	vadd.scan.msk.f32 $0xffff, v27;
	v27 =	vld [tilespmem:s16+$0xC850]  }
0x3fb: {  	v57 =	vld [tilespmem:s16+$0xC860];
	[tilespmem:s16+$0xC060] =	vst v55;
	v56, _, _ =	vpop (xrf2);
	(xrf2) =	vadd.scan.msk.f32 $0xffff, v49  }
0x3fc: {  	v59 =	vld [tilespmem:s16+$0xC870];
	[tilespmem:s16+$0xC070] =	vst v56;
	v58, _, _ =	vpop (xrf2);
	(xrf2) =	vadd.scan.msk.f32 $0xffff, v51  }
0x3fd: {  	v61 =	vld [tilespmem:s16+$0xCC00];
	[tilespmem:s16+$0xC400] =	vst v58;
	v60, _, _ =	vpop (xrf2);
	(xrf2) =	vadd.scan.msk.f32 $0xffff, v53  }
0x3fe: {  	[tilespmem:s16+$0xC410] =	vst v60;
	v62, _, _ =	vpop (xrf2);
	(xrf2) =	vadd.scan.msk.f32 $0xffff, v26;
	v26 =	vld [tilespmem:s16+$0xCC10]  }
0x3ff: {  	[tilespmem:s16+$0xC420] =	vst v62;
	v63, _, _ =	vpop (xrf2);
	(xrf2) =	vadd.scan.msk.f32 $0xffff, v27;
	v27 =	vld [tilespmem:s16+$0xCC20]  }
0x400: {  	v34 =	vld [tilespmem:s16+$0xCC30];
	[tilespmem:s16+$0xC430] =	vst v63;
	v33, _, _ =	vpop (xrf2);
	(xrf2) =	vadd.scan.msk.f32 $0xffff, v57  }
0x401: {  	v36 =	vld [tilespmem:s16+$0xCC40];
	[tilespmem:s16+$0xC440] =	vst v33;
	v35, _, _ =	vpop (xrf2);
	(xrf2) =	vadd.scan.msk.f32 $0xffff, v59  }
0x402: {  	v38 =	vld [tilespmem:s16+$0xCC50];
	[tilespmem:s16+$0xC450] =	vst v35;
	v37, _, _ =	vpop (xrf2);
	(xrf2) =	vadd.scan.msk.f32 $0xffff, v61  }
0x403: {  	[tilespmem:s16+$0xC460] =	vst v37;
	v39, _, _ =	vpop (xrf2);
	(xrf2) =	vadd.scan.msk.f32 $0xffff, v26;
	v26 =	vld [tilespmem:s16+$0xCC60]  }
0x404: {  	[tilespmem:s16+$0xC470] =	vst v39;
	v40, _, _ =	vpop (xrf2);
	(xrf2) =	vadd.scan.msk.f32 $0xffff, v27;
	v27 =	vld [tilespmem:s16+$0xCC70]  }
0x405: {  	v42 =	vld [tilespmem:s16+$0xD000];
	[tilespmem:s16+$0xC800] =	vst v40;
	v41, _, _ =	vpop (xrf2);
	(xrf2) =	vadd.scan.msk.f32 $0xffff, v34  }
0x406: {  	v44 =	vld [tilespmem:s16+$0xD010];
	[tilespmem:s16+$0xC810] =	vst v41;
	v43, _, _ =	vpop (xrf2);
	(xrf2) =	vadd.scan.msk.f32 $0xffff, v36  }
0x407: {  	v46 =	vld [tilespmem:s16+$0xD020];
	[tilespmem:s16+$0xC820] =	vst v43;
	v45, _, _ =	vpop (xrf2);
	(xrf2) =	vadd.scan.msk.f32 $0xffff, v38  }
0x408: {  	[tilespmem:s16+$0xC830] =	vst v45;
	v47, _, _ =	vpop (xrf2);
	(xrf2) =	vadd.scan.msk.f32 $0xffff, v26;
	v26 =	vld [tilespmem:s16+$0xD030]  }
0x409: {  	[tilespmem:s16+$0xC840] =	vst v47;
	v48, _, _ =	vpop (xrf2);
	(xrf2) =	vadd.scan.msk.f32 $0xffff, v27;
	v27 =	vld [tilespmem:s16+$0xD040]  }
0x40a: {  	v50 =	vld [tilespmem:s16+$0xD050];
	[tilespmem:s16+$0xC850] =	vst v48;
	v49, _, _ =	vpop (xrf2);
	(xrf2) =	vadd.scan.msk.f32 $0xffff, v42  }
0x40b: {  	v52 =	vld [tilespmem:s16+$0xD060];
	[tilespmem:s16+$0xC860] =	vst v49;
	v51, _, _ =	vpop (xrf2);
	(xrf2) =	vadd.scan.msk.f32 $0xffff, v44  }
0x40c: {  	v54 =	vld [tilespmem:s16+$0xD070];
	[tilespmem:s16+$0xC870] =	vst v51;
	v53, _, _ =	vpop (xrf2);
	(xrf2) =	vadd.scan.msk.f32 $0xffff, v46  }
0x40d: {  	[tilespmem:s16+$0xCC00] =	vst v53;
	v55, _, _ =	vpop (xrf2);
	(xrf2) =	vadd.scan.msk.f32 $0xffff, v26;
	v26 =	vld [tilespmem:s16+$0xD400]  }
0x40e: {  	[tilespmem:s16+$0xCC10] =	vst v55;
	v56, _, _ =	vpop (xrf2);
	(xrf2) =	vadd.scan.msk.f32 $0xffff, v27;
	v27 =	vld [tilespmem:s16+$0xD410]  }
0x40f: {  	v58 =	vld [tilespmem:s16+$0xD420];
	[tilespmem:s16+$0xCC20] =	vst v56;
	v57, _, _ =	vpop (xrf2);
	(xrf2) =	vadd.scan.msk.f32 $0xffff, v50  }
0x410: {  	v60 =	vld [tilespmem:s16+$0xD430];
	[tilespmem:s16+$0xCC30] =	vst v57;
	v59, _, _ =	vpop (xrf2);
	(xrf2) =	vadd.scan.msk.f32 $0xffff, v52  }
0x411: {  	v62 =	vld [tilespmem:s16+$0xD440];
	[tilespmem:s16+$0xCC40] =	vst v59;
	v61, _, _ =	vpop (xrf2);
	(xrf2) =	vadd.scan.msk.f32 $0xffff, v54  }
0x412: {  	[tilespmem:s16+$0xCC50] =	vst v61;
	v63, _, _ =	vpop (xrf2);
	(xrf2) =	vadd.scan.msk.f32 $0xffff, v26;
	v26 =	vld [tilespmem:s16+$0xD450]  }
0x413: {  	[tilespmem:s16+$0xCC60] =	vst v63;
	v33, _, _ =	vpop (xrf2);
	(xrf2) =	vadd.scan.msk.f32 $0xffff, v27;
	v27 =	vld [tilespmem:s16+$0xD460]  }
0x414: {  	v35 =	vld [tilespmem:s16+$0xD470];
	[tilespmem:s16+$0xCC70] =	vst v33;
	v34, _, _ =	vpop (xrf2);
	(xrf2) =	vadd.scan.msk.f32 $0xffff, v58  }
0x415: {  	v37 =	vld [tilespmem:s16+$0xD800];
	[tilespmem:s16+$0xD000] =	vst v34;
	v36, _, _ =	vpop (xrf2);
	(xrf2) =	vadd.scan.msk.f32 $0xffff, v60  }
0x416: {  	v39 =	vld [tilespmem:s16+$0xD810];
	[tilespmem:s16+$0xD010] =	vst v36;
	v38, _, _ =	vpop (xrf2);
	(xrf2) =	vadd.scan.msk.f32 $0xffff, v62  }
0x417: {  	[tilespmem:s16+$0xD020] =	vst v38;
	v40, _, _ =	vpop (xrf2);
	(xrf2) =	vadd.scan.msk.f32 $0xffff, v26;
	v26 =	vld [tilespmem:s16+$0xD820]  }
0x418: {  	[tilespmem:s16+$0xD030] =	vst v40;
	v41, _, _ =	vpop (xrf2);
	(xrf2) =	vadd.scan.msk.f32 $0xffff, v27;
	v27 =	vld [tilespmem:s16+$0xD830]  }
0x419: {  	v43 =	vld [tilespmem:s16+$0xD840];
	[tilespmem:s16+$0xD040] =	vst v41;
	v42, _, _ =	vpop (xrf2);
	(xrf2) =	vadd.scan.msk.f32 $0xffff, v35  }
0x41a: {  	v45 =	vld [tilespmem:s16+$0xD850];
	[tilespmem:s16+$0xD050] =	vst v42;
	v44, _, _ =	vpop (xrf2);
	(xrf2) =	vadd.scan.msk.f32 $0xffff, v37  }
0x41b: {  	v47 =	vld [tilespmem:s16+$0xD860];
	[tilespmem:s16+$0xD060] =	vst v44;
	v46, _, _ =	vpop (xrf2);
	(xrf2) =	vadd.scan.msk.f32 $0xffff, v39  }
0x41c: {  	[tilespmem:s16+$0xD070] =	vst v46;
	v48, _, _ =	vpop (xrf2);
	(xrf2) =	vadd.scan.msk.f32 $0xffff, v26;
	v26 =	vld [tilespmem:s16+$0xD870]  }
0x41d: {  	[tilespmem:s16+$0xD400] =	vst v48;
	v49, _, _ =	vpop (xrf2);
	(xrf2) =	vadd.scan.msk.f32 $0xffff, v27;
	v27 =	vld [tilespmem:s16+$0xDC00]  }
0x41e: {  	v51 =	vld [tilespmem:s16+$0xDC10];
	[tilespmem:s16+$0xD410] =	vst v49;
	v50, _, _ =	vpop (xrf2);
	(xrf2) =	vadd.scan.msk.f32 $0xffff, v43  }
0x41f: {  	v53 =	vld [tilespmem:s16+$0xDC20];
	[tilespmem:s16+$0xD420] =	vst v50;
	v52, _, _ =	vpop (xrf2);
	(xrf2) =	vadd.scan.msk.f32 $0xffff, v45  }
0x420: {  	v55 =	vld [tilespmem:s16+$0xDC30];
	[tilespmem:s16+$0xD430] =	vst v52;
	v54, _, _ =	vpop (xrf2);
	(xrf2) =	vadd.scan.msk.f32 $0xffff, v47  }
0x421: {  	[tilespmem:s16+$0xD440] =	vst v54;
	v56, _, _ =	vpop (xrf2);
	(xrf2) =	vadd.scan.msk.f32 $0xffff, v26;
	v26 =	vld [tilespmem:s16+$0xDC40]  }
0x422: {  	[tilespmem:s16+$0xD450] =	vst v56;
	v57, _, _ =	vpop (xrf2);
	(xrf2) =	vadd.scan.msk.f32 $0xffff, v27;
	v27 =	vld [tilespmem:s16+$0xDC50]  }
0x423: {  	v59 =	vld [tilespmem:s16+$0xDC60];
	[tilespmem:s16+$0xD460] =	vst v57;
	v58, _, _ =	vpop (xrf2);
	(xrf2) =	vadd.scan.msk.f32 $0xffff, v51  }
0x424: {  	v61 =	vld [tilespmem:s16+$0xDC70];
	[tilespmem:s16+$0xD470] =	vst v58;
	v60, _, _ =	vpop (xrf2);
	(xrf2) =	vadd.scan.msk.f32 $0xffff, v53  }
0x425: {  	[tilespmem:s16+$0xD800] =	vst v60;
	v62, _, _ =	vpop (xrf2);
	(xrf2) =	vadd.scan.msk.f32 $0xffff, v55  }
0x426: {  	[tilespmem:s16+$0xD810] =	vst v62;
	v63, _, _ =	vpop (xrf2);
	(xrf2) =	vadd.scan.msk.f32 $0xffff, v26  }
0x427: {  	[tilespmem:s16+$0xD820] =	vst v63;
	v26, _, _ =	vpop (xrf2);
	(xrf2) =	vadd.scan.msk.f32 $0xffff, v27  }
0x428: {  	[tilespmem:s16+$0xD830] =	vst v26;
	v26, _, _ =	vpop (xrf2);
	(xrf2) =	vadd.scan.msk.f32 $0xffff, v59  }
0x429: {  	[tilespmem:s16+$0xD840] =	vst v26;
	v26, _, _ =	vpop (xrf2);
	(xrf2) =	vadd.scan.msk.f32 $0xffff, v61  }
0x42a: {  	v27, _, _ =	vpop (xrf2);
	[tilespmem:s16+$0xD850] =	vst v26  }
0x42b: {  	v26, _, _ =	vpop (xrf2);
	[tilespmem:s16+$0xD860] =	vst v27  }
0x42c: {  	v27, _, _ =	vpop (xrf2);
	[tilespmem:s16+$0xD870] =	vst v26  }
0x42d: {  	v26, _, _ =	vpop (xrf2);
	[tilespmem:s16+$0xDC00] =	vst v27  }
0x42e: {  	s7 =	sadd.s32 $0x4, s7;
	v27, _, _ =	vpop (xrf2);
	[tilespmem:s16+$0xDC10] =	vst v26  }
0x42f: {  	p0 =	slt.u32 s7, $0x3C;
	v26, _, _ =	vpop (xrf2);
	[tilespmem:s16+$0xDC20] =	vst v27  }
.Ltmp9:
0x430: {  	v27, _, _ =	vpop (xrf2);
	[tilespmem:s16+$0xDC30] =	vst v26;
	(pc) =	sbr.rel @p0 .LBB2_21-.Ltmp9, $4  }
0x431: {  	v26, _, _ =	vpop (xrf2);
	[tilespmem:s16+$0xDC40] =	vst v27  }
0x432: {  	v27, _, _ =	vpop (xrf2);
	[tilespmem:s16+$0xDC50] =	vst v26  }
0x433: {  	s15 =	sadd.s32 $0x8000, s15;
	[tilespmem:s16+$0xDC60] =	vst v27;
	v26, _, _ =	vpop (xrf2)  }
0x434: {  	s14 =	sadd.s32 $0x40, s14;
	s17 =	simm.s32 $0x10020;
	[tilespmem:s16+$0xDC70] =	vst v26;
	s16 =	simm.s32 $0x10420  }
0x435: {  	s0 =	simm.s32 $0x0  }
0x436: {  	v26 =	vmov s0  }
0x437: {  	s5 =	sand.u32 $0x400, s5;
	v26 =	vshll.u32 v26, $0x7  }
0x438: {  	v27 =	vmov s5;
	v26 =	vand.u32 $0x380, v26  }
0x439: {  	v27 =	vshll.u32 v27, $0x3;
	v26 =	vbroadcast v26, $0x0  }
0x43a: {  	s9 =	simm.s32 $0x100;
	v27 =	vor.u32 v1, v27  }
0x43b: {  	s7 =	simm.s32 $0x200;
	s5 =	sand.u32 $0x500, s9;
	v27 =	vand.u32 $0x2400, v27;
	v26 =	vor.u32 v20, v26  }
0x43c: {  	s0 =	sand.u32 $0x600, s7;
	v29 =	vmov s5;
	v27 =	vor.u32 v27, v26  }
0x43d: {  	s10 =	simm.s32 $0x300;
	v28 =	vmov s0;
	v29 =	vshll.u32 v29, $0x3  }
0x43e: {  	s0 =	sand.u32 $0x700, s10;
	v28 =	vshll.u32 v28, $0x3;
	v29 =	vor.u32 v1, v29  }
0x43f: {  	v30 =	vmov s0;
	v28 =	vor.u32 v1, v28;
	v29 =	vand.u32 $0x2C00, v29  }
0x440: {  	v30 =	vshll.u32 v30, $0x3;
	v28 =	vand.u32 $0x3400, v28;
	v29 =	vor.u32 v29, v26  }
0x441: {  	s14 =	simm.s32 $0x400;
	s15 =	simm.s32 $0x0;
	v28 =	vor.u32 v28, v26;
	v33 =	vld.idx.msk [tilespmem:v27+s23+$0x0], $0xffff;
	v27 =	vor.u32 v1, v30  }
0x442: {  	s0 =	sand.u32 $0x400, s14;
	v30 =	vmov s15;
	v27 =	vand.u32 $0x3C00, v27  }
0x443: {  	v31 =	vmov s0;
	v27 =	vor.u32 v27, v26;
	v26 =	vshll.u32 v30, $0x7  }
0x444: {  	s7 =	simm.s32 $0x500;
	v31 =	vshll.u32 v31, $0x3;
	v32 =	vand.u32 $0x380, v26  }
0x445: {  	s31 =	simm.s32 $0x600;
	s30 =	sand.u32 $0x500, s7;
	v31 =	vor.u32 v1, v31;
	v26 =	vld.idx.msk [tilespmem:v29+s23+$0x0], $0xffff;
	v29 =	vbroadcast v32, $0x0  }
0x446: {  	s5 =	sand.u32 $0x600, s31;
	v31 =	vand.u32 $0x2400, v31;
	v37 =	vld.idx.msk [tilespmem:v28+s23+$0x0], $0xffff;
	v30 =	vmov s30  }
0x447: {  	s7 =	simm.s32 $0x700;
	v28 =	vshll.u32 v30, $0x3;
	v30 =	vmov s5;
	v29 =	vor.u32 v20, v29  }
0x448: {  	s0 =	sand.u32 $0x700, s7;
	v30 =	vshll.u32 v30, $0x3;
	(xrf2) =	vadd.scan.msk.f32 $0xffff, v33;
	v31 =	vor.u32 v31, v29  }
0x449: {  	v58 =	vmov s0;
	v30 =	vor.u32 v1, v30  }
0x44a: {  	v32 =	vshll.u32 v58, $0x3;
	v30 =	vand.u32 $0x3400, v30;
	v27 =	vld.idx.msk [tilespmem:v27+s23+$0x0], $0xffff  }
0x44b: {  	s14 =	simm.s32 $0x1;
	v28 =	vor.u32 v1, v28;
	v32 =	vor.u32 v1, v32;
	(xrf2) =	vadd.scan.msk.f32 $0xffff, v37;
	v30 =	vor.u32 v30, v29  }
0x44c: {  	s9 =	simm.s32 $0x800;
	v35 =	vmov s14;
	v28 =	vand.u32 $0x2C00, v28;
	v32 =	vand.u32 $0x3C00, v32;
	(xrf2) =	vadd.scan.msk.f32 $0xffff, v26  }
0x44d: {  	s10 =	simm.s32 $0x900;
	s0 =	sand.u32 $0x400, s9;
	v35 =	vshll.u32 v35, $0x7;
	v28 =	vor.u32 v28, v29;
	v38 =	vor.u32 v32, v29;
	v29 =	vld.idx.msk [tilespmem:v31+s23+$0x0], $0xffff  }
0x44e: {  	v34 =	vmov s0;
	v35 =	vand.u32 $0x380, v35;
	s15 =	sand.u32 $0x500, s10;
	s30 =	simm.s32 $0xB00  }
0x44f: {  	v34 =	vshll.u32 v34, $0x3;
	v60 =	vbroadcast v35, $0x0;
	v59 =	vmov s15;
	s0 =	sand.u32 $0x700, s30;
	(xrf2) =	vadd.scan.msk.f32 $0xffff, v27  }
0x450: {  	s31 =	simm.s32 $0xA00;
	v36 =	vmov s0;
	v32 =	vshll.u32 v59, $0x3;
	v31 =	vld.idx.msk [tilespmem:v30+s23+$0x0], $0xffff;
	v30 =	vor.u32 v1, v34  }
0x451: {  	s5 =	sand.u32 $0x600, s31;
	v40 =	vor.u32 v1, v32;
	v32 =	vor.u32 v20, v60;
	v30 =	vand.u32 $0x2400, v30  }
0x452: {  	v61 =	vmov s5;
	v34 =	vor.u32 v30, v32;
	v30 =	vand.u32 $0x2C00, v40;
	v39, _, _ =	vpop (xrf2);
	(xrf2) =	vadd.scan.msk.f32 $0xffff, v29  }
0x453: {  	v35 =	vshll.u32 v61, $0x3;
	v42 =	vsub.f32 v39, v33;
	v33 =	vor.u32 v30, v32;
	v30 =	vld.idx.msk [tilespmem:v28+s23+$0x0], $0xffff  }
0x454: {  	v41 =	vshll.u32 v36, $0x3;
	v35 =	vor.u32 v1, v35;
	v62 =	vperm.xlane v39, v4  }
0x455: {  	s14 =	simm.s32 $0x8;
	v63 =	vor.u32 v1, v41;
	v35 =	vand.u32 $0x3400, v35;
	v36, _, _ =	vpop (xrf2);
	(xrf2) =	vadd.scan.msk.f32 $0xffff, v31;
	[tilespmem:s17+$0xFFFFFFE0] =	vst v42  }
0x456: {  	s7 =	simm.s32 $0x10060;
	s15 =	simm.s32 $0xC00;
	s5 =	simm.s32 $0x10460;
	v35 =	vor.u32 v35, v32;
	v28 =	vld.idx.msk [tilespmem:v38+s23+$0x0], $0xffff;
	v39 =	vand.u32 $0x3C00, v63;
	v37 =	vsub.f32 v36, v37;
	v38, _, _ =	vpop (xrf2);
	[tilespmem:s16+$0xFFFFFFE0] =	vst v62  }
.LBB2_23:
0x457: {  	s14 =	sadd.s32 $0x4, s14;
	s0 =	sand.u32 $0x400, s15;
	s9 =	sadd.s32 $0x100, s15;
	v36 =	vperm.xlane v36, v4;
	v40 =	vmov v31  }
0x458: {  	s10 =	sshrl.u32 s14, $0x3;
	v31 =	vmov s0;
	s0 =	sand.u32 $0x500, s9;
	s9 =	sadd.s32 $0x200, s15;
	v41 =	vld.idx.msk [tilespmem:v34+s23+$0x0], $0xffff;
	v34 =	vor.u32 v39, v32;
	(xrf2) =	vadd.scan.msk.f32 $0xffff, v30;
	v32 =	vsub.f32 v38, v26;
	v26 =	vmovc v30  }
0x459: {  	p0 =	slt.u32 s14, $0x3C;
	v39 =	vmov s10;
	v42 =	vmov s0;
	s0 =	sadd.s32 $0x300, s15;
	v30 =	vld.idx.msk [tilespmem:v33+s23+$0x0], $0xffff;
	v33 =	vperm.xlane v38, v4;
	[tilespmem:s17+$0x0] =	vst v37;
	v37, _, _ =	vpop (xrf2)  }
0x45a: {  	v38 =	vshll.u32 v31, $0x3;
	s9 =	sand.u32 $0x600, s9;
	v31 =	vshll.u32 v39, $0x7;
	s0 =	sand.u32 $0x700, s0;
	[tilespmem:s17+$0xFFFFFFF0] =	vst v32;
	v39 =	vperm.xlane v37, v4  }
0x45b: {  	v42 =	vshll.u32 v42, $0x3;
	v32 =	vand.u32 $0x380, v31;
	v43 =	vmov s0;
	v31 =	vld.idx.msk [tilespmem:v35+s23+$0x0], $0xffff;
	(xrf2) =	vadd.scan.msk.f32 $0xffff, v28  }
0x45c: {  	v35 =	vor.u32 v1, v38;
	v38 =	vmov s9;
	v32 =	vbroadcast v32, $0x0;
	v44, _, _ =	vpop (xrf2);
	[tilespmem:s16+$0xFFFFFFF0] =	vst v33  }
0x45d: {  	v37 =	vsub.f32 v37, v27;
	v27 =	vmovc v28;
	v33 =	vor.u32 v1, v42;
	v42 =	vshll.u32 v43, $0x3;
	[tilespmem:s16+$0x0] =	vst v36  }
.Ltmp10:
0x45e: {  	v35 =	vand.u32 $0x2400, v35;
	v43 =	vsub.f32 v44, v29;
	v32 =	vor.u32 v20, v32;
	v28 =	vld.idx.msk [tilespmem:v34+s23+$0x0], $0xffff;
	(xrf2) =	vadd.scan.msk.f32 $0xffff, v41;
	(pc) =	sbr.rel @p0 .LBB2_23-.Ltmp10, $4  }
0x45f: {  	v33 =	vand.u32 $0x2C00, v33;
	v34 =	vor.u32 v35, v32;
	v35 =	vshll.u32 v38, $0x3;
	v36, _, _ =	vpop (xrf2);
	[tilespmem:s17+$0x10] =	vst v37;
	s17 =	smov.u32 s7  }
0x460: {  	v33 =	vor.u32 v33, v32;
	v37 =	vperm.xlane v44, v4;
	v35 =	vor.u32 v1, v35;
	[tilespmem:s16+$0x10] =	vst v39;
	s16 =	smov.u32 s5  }
0x461: {  	v42 =	vor.u32 v1, v42;
	v29 =	vmovc v41;
	v35 =	vand.u32 $0x3400, v35;
	(xrf2) =	vadd.scan.msk.f32 $0xffff, v31;
	[tilespmem:s7+$0xFFFFFFE0] =	vst v43  }
0x462: {  	s15 =	sadd.s32 $0x400, s15;
	v39 =	vand.u32 $0x3C00, v42;
	s5 =	sadd.s32 $0x40, s5;
	s7 =	sadd.s32 $0x40, s7;
	v35 =	vor.u32 v35, v32;
	[tilespmem:s16+$0xFFFFFFE0] =	vst v37;
	v37 =	vsub.f32 v36, v40;
	v38, _, _ =	vpop (xrf2)  }
0x463: {  	_ =	sdelay $0x3  }
0x464: {  	v20 =	vld.idx.msk [tilespmem:v34+s23+$0x0], $0xffff;
	(xrf2) =	vadd.scan.msk.f32 $0xffff, v30  }
0x465: {  	v32 =	vor.u32 v39, v32  }
0x466: {  	v48 =	vld.idx.msk [tilespmem:v35+s23+$0x0], $0xffff;
	v26 =	vsub.f32 v38, v26  }
0x467: {  	v33 =	vld.idx.msk [tilespmem:v33+s23+$0x0], $0xffff;
	(xrf2) =	vadd.scan.msk.f32 $0xffff, v28;
	v50, _, _ =	vpop (xrf2)  }
0x468: {  	v36 =	vperm.xlane v36, v4;
	[tilespmem:s17+$0xFFFFFFF0] =	vst v26;
	v26 =	vsub.f32 v50, v27  }
0x469: {  	v49 =	vperm.xlane v38, v4;
	[tilespmem:s17+$0x0] =	vst v37;
	(xrf2) =	vadd.scan.msk.f32 $0xffff, v20  }
0x46a: {  	[tilespmem:s16+$0x0] =	vst v36;
	v27 =	vld.idx.msk [tilespmem:v32+s23+$0x0], $0xffff;
	v52, _, _ =	vpop (xrf2)  }
0x46b: {  	[tilespmem:s16+$0xFFFFFFF0] =	vst v49;
	(xrf2) =	vadd.scan.msk.f32 $0xffff, v48;
	v29 =	vsub.f32 v52, v29  }
0x46c: {  	v51 =	vperm.xlane v50, v4;
	[tilespmem:s17+$0x10] =	vst v26;
	(xrf2) =	vadd.scan.msk.f32 $0xffff, v33;
	v26, _, _ =	vpop (xrf2)  }
0x46d: {  	v35 =	vperm.xlane v52, v4;
	[tilespmem:s7+$0xFFFFFFE0] =	vst v29;
	v29 =	vsub.f32 v26, v31  }
0x46e: {  	[tilespmem:s16+$0x10] =	vst v51;
	v31, _, _ =	vpop (xrf2)  }
0x46f: {  	[tilespmem:s5+$0xFFFFFFE0] =	vst v35;
	v26 =	vperm.xlane v26, v4;
	(xrf2) =	vadd.scan.msk.f32 $0xffff, v27;
	v30 =	vsub.f32 v31, v30  }
0x470: {  	[tilespmem:s7+$0x0] =	vst v29  }
0x471: {  	v31 =	vperm.xlane v31, v4;
	[tilespmem:s5+$0x0] =	vst v26;
	v29, _, _ =	vpop (xrf2)  }
0x472: {  	[tilespmem:s7+$0xFFFFFFF0] =	vst v30;
	v28 =	vsub.f32 v29, v28;
	v29 =	vperm.xlane v29, v4  }
0x473: {  	[tilespmem:s5+$0xFFFFFFF0] =	vst v31;
	v30, _, _ =	vpop (xrf2)  }
0x474: {  	v20 =	vsub.f32 v30, v20;
	[tilespmem:s7+$0x10] =	vst v28  }
0x475: {  	s0 =	sadd.s32 $0x40, s7;
	v26, _, _ =	vpop (xrf2);
	v28 =	vperm.xlane v30, v4;
	[tilespmem:s5+$0x10] =	vst v29  }
0x476: {  	s31 =	sadd.s32 $0x40, s5;
	[tilespmem:s0+$0xFFFFFFE0] =	vst v20;
	v20 =	vsub.f32 v26, v48;
	v29, _, _ =	vpop (xrf2)  }
0x477: {  	[tilespmem:s31+$0xFFFFFFE0] =	vst v28;
	v28 =	vsub.f32 v29, v33  }
0x478: {  	v29 =	vperm.xlane v29, v4;
	[tilespmem:s0+$0x0] =	vst v20  }
0x479: {  	v20 =	vperm.xlane v26, v4;
	v26, _, _ =	vpop (xrf2);
	[tilespmem:s0+$0xFFFFFFF0] =	vst v28  }
0x47a: {  	v27 =	vsub.f32 v26, v27;
	[tilespmem:s31+$0xFFFFFFF0] =	vst v29  }
0x47b: {  	v26 =	vperm.xlane v26, v4;
	[tilespmem:s31+$0x0] =	vst v20  }
0x47c: {  	[tilespmem:s0+$0x10] =	vst v27  }
0x47d: {  	[tilespmem:s31+$0x10] =	vst v26  }
0x47e: {  	v20 =	vld.idx.msk [tilespmem:v21+s21+$0x0], $0xffff;
	_ =	sdelay $0x4  }
0x47f: {  	(xrf2) =	vadd.scan.msk.f32 $0xffff, v20;
	_ =	sdelay $0x9  }
0x480: {  	v21, _, _ =	vpop (xrf2)  }
0x481: {  	v20 =	vsub.f32 v21, v20;
	_ =	sdelay $0x1  }
0x482: {  	v20 =	vadd.f32 v20, v25;
	_ =	sdelay $0x1  }
0x483: {  	[tilespmem:$0x10800] =	vst v20  }
0x484: {  	v20 =	vld.idx.msk [tilespmem:v22+s21+$0x0], $0xffff;
	_ =	sdelay $0x4  }
0x485: {  	(xrf2) =	vadd.scan.msk.f32 $0xffff, v20;
	_ =	sdelay $0x8  }
0x486: {  	v21 =	vperm.xlane v21, v4  }
0x487: {  	v22, _, _ =	vpop (xrf2)  }
0x488: {  	v21 =	vadd.f32 v21, v25;
	v20 =	vsub.f32 v22, v20;
	_ =	sdelay $0x1  }
0x489: {  	v20 =	vadd.f32 v20, v21;
	_ =	sdelay $0x1  }
0x48a: {  	[tilespmem:$0x10810] =	vst v20  }
0x48b: {  	v20 =	vld.idx.msk [tilespmem:v23+s21+$0x0], $0xffff;
	_ =	sdelay $0x4  }
0x48c: {  	(xrf2) =	vadd.scan.msk.f32 $0xffff, v20;
	_ =	sdelay $0x8  }
0x48d: {  	v22 =	vperm.xlane v22, v4  }
0x48e: {  	v23, _, _ =	vpop (xrf2)  }
0x48f: {  	v21 =	vadd.f32 v22, v21;
	v20 =	vsub.f32 v23, v20;
	_ =	sdelay $0x1  }
0x490: {  	v20 =	vadd.f32 v20, v21;
	_ =	sdelay $0x1  }
0x491: {  	[tilespmem:$0x10820] =	vst v20  }
0x492: {  	v22 =	vld.idx.msk [tilespmem:v24+s21+$0x0], $0xffff;
	_ =	sdelay $0x4  }
0x493: {  	(xrf2) =	vadd.scan.msk.f32 $0xffff, v22;
	_ =	sdelay $0x6  }
0x494: {  	s5 =	simm.s32 $0x0  }
0x495: {  	v20 =	vmov s5  }
0x496: {  	v23 =	vperm.xlane v23, v4;
	v20 =	vand.u32 $0xFFFFFFFE, v20  }
0x497: {  	v25 =	vbroadcast v20, $0x0;
	v24, _, _ =	vpop (xrf2)  }
0x498: {  	v20 =	vadd.f32 v23, v21;
	v21 =	vsub.f32 v24, v22  }
0x499: {  	s7 =	simm.s32 $0x1  }
0x49a: {  	v22 =	vmov s7;
	v21 =	vadd.f32 v21, v20;
	_ =	sdelay $0x1  }
0x49b: {  	[tilespmem:$0x10830] =	vst v21  }
0x49c: {  	s9 =	simm.s32 $0x0;
	s7 =	simm.s32 $0x10010;
	v21 =	vld.idx.msk [tilespmem:v25+s22+$0x0], $0xffff  }
0x49d: {  	s0 =	sand.u32 $0xC000, s9;
	v23 =	vld [tilespmem:s7+$0xFFFFFFF0]  }
0x49e: {  	s9 =	sand.u32 $0x380, s5;
	s0 =	sshrl.u32 s0, $0x2;
	v22 =	vld.idx.msk [tilespmem:v22+s22+$0x0], $0xffff  }
0x49f: {  	s10 =	sor.u32 s9, s0;
	v25 =	vld [tilespmem:s7+$0x0]  }
0x4a0: {  	v26 =	vld [tilespmem:s10+$0xC470]  }
0x4a1: {  	v27 =	vld [tilespmem:s10+$0xC000]  }
0x4a2: {  	s30 =	simm.s32 $0x800;
	v28 =	vld [tilespmem:s10+$0xC020]  }
0x4a3: {  	s0 =	sand.u32 $0x3800, s30;
	v30 =	vld [tilespmem:s10+$0xC030];
	v23 =	vadd.f32 v23, v21  }
0x4a4: {  	s14 =	sor.u32 s9, s0;
	v32 =	vld [tilespmem:s10+$0xC040]  }
0x4a5: {  	v43 =	vld [tilespmem:s14+$0xC000];
	v29 =	vperm.xlane v23, v4  }
0x4a6: {  	v21 =	vld [tilespmem:s10+$0xC010];
	v41 =	vadd.f32 v25, v22;
	v31 =	vperm.xlane v23, v5  }
0x4a7: {  	v57 =	vld [tilespmem:s10+$0xC410];
	v55 =	vperm.xlane v23, v8;
	v26 =	vadd.f32 v29, v26  }
0x4a8: {  	v45 =	vld [tilespmem:s14+$0xC010];
	v63 =	vperm.xlane v41, v5;
	v27 =	vadd.f32 v31, v27  }
0x4a9: {  	v53 =	vperm.xlane v23, v6;
	v29 =	vld [tilespmem:s10+$0xC050];
	v30 =	vadd.f32 v55, v30;
	[tilespmem:s10+$0xC470] =	vst v26  }
0x4aa: {  	v54 =	vperm.xlane v23, v7;
	v31 =	vld [tilespmem:s10+$0xC060];
	v43 =	vadd.f32 v63, v43;
	[tilespmem:s10+$0xC000] =	vst v27  }
0x4ab: {  	s17 =	simm.s32 $0x3;
	v33 =	vadd.f32 v53, v21;
	v21 =	vperm.xlane v24, v4;
	v24 =	vperm.xlane v23, v9;
	v26 =	vld [tilespmem:s10+$0xC070];
	[tilespmem:s10+$0xC030] =	vst v30  }
0x4ac: {  	v40 =	vmov s17;
	v56 =	vperm.xlane v23, v10;
	v27 =	vadd.f32 v54, v28;
	v28 =	vld [tilespmem:s10+$0xC400];
	[tilespmem:s14+$0xC000] =	vst v43  }
0x4ad: {  	v46 =	vld [tilespmem:s14+$0xC020];
	v22 =	vperm.xlane v23, v11;
	v58 =	vperm.xlane v23, v13;
	[tilespmem:s10+$0xC010] =	vst v33;
	v24 =	vadd.f32 v24, v32  }
0x4ae: {  	v25 =	vld [tilespmem:s10+$0xC420];
	v59 =	vperm.xlane v23, v14;
	[tilespmem:s10+$0xC020] =	vst v27;
	v27 =	vperm.xlane v23, v12;
	v29 =	vadd.f32 v56, v29  }
0x4af: {  	v60 =	vperm.xlane v23, v15;
	v61 =	vperm.xlane v23, v17;
	v30 =	vld [tilespmem:s10+$0xC430];
	[tilespmem:s10+$0xC040] =	vst v24;
	v22 =	vadd.f32 v22, v31  }
0x4b0: {  	v62 =	vld [tilespmem:s10+$0xC460];
	v42 =	vperm.xlane v41, v6;
	v44 =	vperm.xlane v41, v7;
	[tilespmem:s10+$0xC050] =	vst v29;
	v26 =	vadd.f32 v27, v26  }
0x4b1: {  	v34 =	vperm.xlane v41, v8;
	v35 =	vperm.xlane v41, v9;
	v24 =	vld [tilespmem:s10+$0xC440];
	[tilespmem:s10+$0xC060] =	vst v22;
	v22 =	vadd.f32 v58, v28  }
0x4b2: {  	v42 =	vadd.f32 v42, v45;
	v31 =	vperm.xlane v23, v16;
	v27 =	vld [tilespmem:s10+$0xC450];
	[tilespmem:s10+$0xC070] =	vst v26;
	v26 =	vadd.f32 v59, v57  }
0x4b3: {  	v29 =	vperm.xlane v23, v18;
	v23 =	vperm.xlane v23, v19;
	[tilespmem:s10+$0xC400] =	vst v22;
	v22 =	vadd.f32 v60, v25  }
0x4b4: {  	v36 =	vld [tilespmem:s14+$0xC030];
	v43 =	vadd.f32 v44, v46;
	v32 =	vperm.xlane v41, v10;
	v25 =	vadd.f32 v31, v30;
	[tilespmem:s10+$0xC410] =	vst v26  }
0x4b5: {  	v37 =	vld [tilespmem:s14+$0xC040];
	v33 =	vperm.xlane v41, v11;
	v28 =	vperm.xlane v41, v14;
	v47 =	vadd.f32 v23, v62;
	[tilespmem:s10+$0xC420] =	vst v22  }
0x4b6: {  	v38 =	vld [tilespmem:s14+$0xC050];
	v30 =	vperm.xlane v41, v12;
	v31 =	vperm.xlane v41, v13;
	v22 =	vadd.f32 v61, v24;
	[tilespmem:s10+$0xC430] =	vst v25  }
0x4b7: {  	v39 =	vld [tilespmem:s14+$0xC060];
	v23 =	vperm.xlane v41, v4;
	v26 =	vperm.xlane v41, v17;
	[tilespmem:s10+$0xC460] =	vst v47;
	v25 =	vadd.f32 v29, v27  }
0x4b8: {  	s31 =	simm.s32 $0x2;
	v24 =	vperm.xlane v41, v18;
	v29 =	vperm.xlane v41, v15;
	[tilespmem:s10+$0xC440] =	vst v22;
	v22 =	vld.idx.msk [tilespmem:v40+s22+$0x0], $0xffff  }
0x4b9: {  	s15 =	simm.s32 $0x2000;
	s16 =	simm.s32 $0x4;
	v27 =	vperm.xlane v41, v16;
	v40 =	vld [tilespmem:s14+$0xC070];
	[tilespmem:s10+$0xC450] =	vst v25;
	v25 =	vperm.xlane v41, v19;
	v41 =	vmov s31  }
.LBB2_25:
0x4ba: {  	p0 =	slt.u32 s16, $0x3E;
	v41 =	vand.u32 $0xFFFFFFFE, v41;
	[tilespmem:s14+$0xC010] =	vst v42;
	v34 =	vadd.f32 v34, v36;
	v36 =	vld [tilespmem:s14+$0xC400]  }
0x4bb: {  	v41 =	vbroadcast v41, $0x0;
	[tilespmem:s14+$0xC020] =	vst v43;
	v35 =	vadd.f32 v35, v37;
	v37 =	vld [tilespmem:s14+$0xC410]  }
0x4bc: {  	[tilespmem:s14+$0xC030] =	vst v34;
	v32 =	vadd.f32 v32, v38;
	v34 =	vld [tilespmem:s14+$0xC420]  }
0x4bd: {  	[tilespmem:s14+$0xC040] =	vst v35;
	v33 =	vadd.f32 v33, v39;
	v35 =	vld [tilespmem:s14+$0xC430]  }
0x4be: {  	[tilespmem:s14+$0xC050] =	vst v32;
	v30 =	vadd.f32 v30, v40;
	v32 =	vld [tilespmem:s14+$0xC440]  }
0x4bf: {  	s0 =	sadd.s32 $0x1, s16;
	[tilespmem:s14+$0xC060] =	vst v33;
	v31 =	vadd.f32 v31, v36;
	v33 =	vld [tilespmem:s14+$0xC450]  }
0x4c0: {  	v36 =	vmov s0;
	[tilespmem:s14+$0xC070] =	vst v30;
	v28 =	vadd.f32 v28, v37;
	v30 =	vld [tilespmem:s14+$0xC460]  }
0x4c1: {  	s7 =	sadd.s32 $0x20, s7;
	s15 =	sadd.s32 $0x4000, s15;
	v37 =	vld.idx.msk [tilespmem:v41+s22+$0x0], $0xffff;
	[tilespmem:s14+$0xC400] =	vst v31;
	v29 =	vadd.f32 v29, v34  }
0x4c2: {  	s9 =	sshrl.u32 s15, $0x2;
	s0 =	sadd.s32 $0xFFFFE000, s15;
	v31 =	vld [tilespmem:s7+$0xFFFFFFF0];
	[tilespmem:s14+$0xC410] =	vst v28;
	v27 =	vadd.f32 v27, v35  }
0x4c3: {  	s5 =	sadd.s32 $0x20, s5;
	s9 =	sand.u32 $0x3800, s9;
	s0 =	sand.u32 $0xC000, s0;
	v28 =	vld [tilespmem:s7+$0x0];
	[tilespmem:s14+$0xC420] =	vst v29;
	v26 =	vadd.f32 v26, v32  }
0x4c4: {  	s10 =	sand.u32 $0x380, s5;
	s0 =	sshrl.u32 s0, $0x2;
	[tilespmem:s14+$0xC430] =	vst v27;
	v24 =	vadd.f32 v24, v33;
	v27 =	vld [tilespmem:s14+$0xC470]  }
0x4c5: {  	s17 =	sor.u32 s10, s0;
	s0 =	sor.u32 s10, s9;
	v29 =	vld.idx.msk [tilespmem:v36+s22+$0x0], $0xffff;
	[tilespmem:s14+$0xC440] =	vst v26;
	v25 =	vadd.f32 v25, v30  }
0x4c6: {  	v26 =	vld [tilespmem:s17+$0xC470];
	[tilespmem:s14+$0xC450] =	vst v24  }
0x4c7: {  	v24 =	vadd.f32 v31, v37;
	v30 =	vld [tilespmem:s17+$0xC000];
	[tilespmem:s14+$0xC460] =	vst v25  }
0x4c8: {  	v25 =	vld [tilespmem:s17+$0xC010];
	v36 =	vadd.f32 v28, v22  }
0x4c9: {  	v39 =	vperm.xlane v24, v5;
	v28 =	vld [tilespmem:s17+$0xC020];
	v31 =	vperm.xlane v24, v4;
	v23 =	vadd.f32 v23, v27  }
0x4ca: {  	v27 =	vperm.xlane v24, v6;
	v32 =	vperm.xlane v24, v7;
	v33 =	vld [tilespmem:s17+$0xC030]  }
0x4cb: {  	v34 =	vperm.xlane v24, v8;
	v37 =	vperm.xlane v24, v9;
	v35 =	vld [tilespmem:s17+$0xC040];
	v26 =	vadd.f32 v31, v26;
	[tilespmem:s14+$0xC470] =	vst v23;
	s14 =	smov.u32 s0  }
0x4cc: {  	v38 =	vperm.xlane v24, v11;
	v22 =	vmovc v29;
	v31 =	vperm.xlane v24, v10;
	v23 =	vadd.f32 v39, v30;
	v30 =	vld [tilespmem:s17+$0xC050]  }
0x4cd: {  	v29 =	vperm.xlane v24, v12;
	v39 =	vperm.xlane v24, v13;
	v25 =	vadd.f32 v27, v25;
	v27 =	vld [tilespmem:s17+$0xC060];
	[tilespmem:s17+$0xC470] =	vst v26  }
0x4ce: {  	v40 =	vperm.xlane v24, v15;
	[tilespmem:s17+$0xC000] =	vst v23;
	v23 =	vadd.f32 v32, v28;
	v26 =	vld [tilespmem:s17+$0xC070];
	v28 =	vperm.xlane v24, v14  }
0x4cf: {  	v41 =	vperm.xlane v24, v16;
	v42 =	vperm.xlane v24, v17;
	[tilespmem:s17+$0xC010] =	vst v25;
	v25 =	vadd.f32 v34, v33;
	v33 =	vld [tilespmem:s17+$0xC400]  }
0x4d0: {  	v43 =	vperm.xlane v24, v18;
	v44 =	vperm.xlane v24, v19;
	[tilespmem:s17+$0xC020] =	vst v23;
	v23 =	vadd.f32 v37, v35;
	v37 =	vld [tilespmem:s17+$0xC410]  }
0x4d1: {  	v45 =	vperm.xlane v36, v5;
	v46 =	vperm.xlane v36, v6;
	[tilespmem:s17+$0xC030] =	vst v25;
	v24 =	vadd.f32 v31, v30;
	v25 =	vld [tilespmem:s17+$0xC420]  }
0x4d2: {  	v47 =	vperm.xlane v36, v7;
	v34 =	vperm.xlane v36, v8;
	[tilespmem:s17+$0xC040] =	vst v23;
	v23 =	vadd.f32 v38, v27;
	v38 =	vld [tilespmem:s17+$0xC430]  }
0x4d3: {  	v32 =	vperm.xlane v36, v10;
	v35 =	vperm.xlane v36, v9;
	[tilespmem:s17+$0xC050] =	vst v24;
	v24 =	vadd.f32 v29, v26;
	v48 =	vld [tilespmem:s17+$0xC440]  }
0x4d4: {  	v30 =	vperm.xlane v36, v12;
	[tilespmem:s17+$0xC060] =	vst v23;
	v23 =	vadd.f32 v39, v33;
	v39 =	vld [tilespmem:s17+$0xC450];
	v33 =	vperm.xlane v36, v11  }
0x4d5: {  	v31 =	vperm.xlane v36, v13;
	[tilespmem:s17+$0xC070] =	vst v24;
	v24 =	vadd.f32 v28, v37;
	v37 =	vld [tilespmem:s17+$0xC460];
	v28 =	vperm.xlane v36, v14  }
0x4d6: {  	v27 =	vperm.xlane v36, v16;
	v29 =	vperm.xlane v36, v15;
	[tilespmem:s17+$0xC400] =	vst v23;
	v23 =	vadd.f32 v40, v25;
	v40 =	vld [tilespmem:s14+$0xC000]  }
0x4d7: {  	v26 =	vperm.xlane v36, v17;
	[tilespmem:s17+$0xC410] =	vst v24;
	v38 =	vadd.f32 v41, v38;
	v41 =	vld [tilespmem:s14+$0xC010];
	v24 =	vperm.xlane v36, v18  }
0x4d8: {  	v25 =	vperm.xlane v36, v19;
	[tilespmem:s17+$0xC420] =	vst v23;
	v42 =	vadd.f32 v42, v48;
	v48 =	vld [tilespmem:s14+$0xC020];
	v23 =	vperm.xlane v36, v4  }
.Ltmp11:
0x4d9: {  	[tilespmem:s17+$0xC430] =	vst v38;
	v38 =	vadd.f32 v43, v39;
	v36 =	vld [tilespmem:s14+$0xC030];
	(pc) =	sbr.rel @p0 .LBB2_25-.Ltmp11, $4  }
0x4da: {  	[tilespmem:s17+$0xC440] =	vst v42;
	v39 =	vadd.f32 v44, v37;
	v37 =	vld [tilespmem:s14+$0xC040]  }
0x4db: {  	[tilespmem:s17+$0xC450] =	vst v38;
	v40 =	vadd.f32 v45, v40;
	v38 =	vld [tilespmem:s14+$0xC050]  }
0x4dc: {  	[tilespmem:s17+$0xC460] =	vst v39;
	v42 =	vadd.f32 v46, v41;
	v39 =	vld [tilespmem:s14+$0xC060]  }
0x4dd: {  	v41 =	vmov s16;
	s16 =	sadd.s32 $0x2, s16;
	[tilespmem:s14+$0xC000] =	vst v40;
	v43 =	vadd.f32 v47, v48;
	v40 =	vld [tilespmem:s14+$0xC070]  }
0x4de: {  	_ = 	snop  }
0x4df: {  	v35 =	vadd.f32 v35, v37  }
0x4e0: {  	v59 =	vld [tilespmem:s14+$0xC400];
	v62 =	vand.u32 $0xFFFFFFFE, v41  }
0x4e1: {  	v60 =	vld [tilespmem:s14+$0xC410];
	[tilespmem:s14+$0xC040] =	vst v35;
	v35 =	vbroadcast v62, $0x0  }
0x4e2: {  	v61 =	vld [tilespmem:s14+$0xC420]  }
0x4e3: {  	v63 =	vld [tilespmem:s14+$0xC430]  }
0x4e4: {  	[tilespmem:s14+$0xC010] =	vst v42;
	v34 =	vadd.f32 v34, v36;
	v41 =	vld [tilespmem:s14+$0xC450]  }
0x4e5: {  	v42 =	vld [tilespmem:s14+$0xC460];
	s0 =	sadd.s32 $0x20, s7;
	s16 =	sadd.s32 $0x4000, s15;
	[tilespmem:s14+$0xC020] =	vst v43;
	v32 =	vadd.f32 v32, v38  }
0x4e6: {  	s9 =	sadd.s32 $0xFFFFE000, s16;
	v43 =	vld [tilespmem:s0+$0xFFFFFFF0];
	[tilespmem:s14+$0xC030] =	vst v34;
	v33 =	vadd.f32 v33, v39  }
0x4e7: {  	s5 =	sadd.s32 $0x20, s5;
	s9 =	sand.u32 $0xC000, s9;
	[tilespmem:s14+$0xC050] =	vst v32;
	v30 =	vadd.f32 v30, v40;
	v35 =	vld.idx.msk [tilespmem:v35+s22+$0x0], $0xffff  }
0x4e8: {  	v44 =	vld [tilespmem:s14+$0xC470];
	s17 =	sand.u32 $0x380, s5;
	s30 =	sshrl.u32 s9, $0x2;
	[tilespmem:s14+$0xC060] =	vst v33;
	v31 =	vadd.f32 v31, v59  }
0x4e9: {  	v39 =	vld [tilespmem:s14+$0xC440];
	s5 =	sor.u32 s17, s30;
	v28 =	vadd.f32 v28, v60;
	[tilespmem:s14+$0xC070] =	vst v30  }
0x4ea: {  	v29 =	vadd.f32 v29, v61;
	v45 =	vld [tilespmem:s5+$0xC470];
	[tilespmem:s14+$0xC400] =	vst v31  }
0x4eb: {  	v27 =	vadd.f32 v27, v63;
	v46 =	vld [tilespmem:s5+$0xC000];
	[tilespmem:s14+$0xC410] =	vst v28  }
0x4ec: {  	v24 =	vadd.f32 v24, v41;
	v47 =	vld [tilespmem:s5+$0xC010];
	[tilespmem:s14+$0xC420] =	vst v29;
	v31 =	vadd.f32 v43, v35  }
0x4ed: {  	v25 =	vadd.f32 v25, v42;
	v48 =	vld [tilespmem:s5+$0xC020];
	[tilespmem:s14+$0xC430] =	vst v27  }
0x4ee: {  	v23 =	vadd.f32 v23, v44;
	v51 =	vld [tilespmem:s5+$0xC030];
	[tilespmem:s14+$0xC450] =	vst v24;
	v49 =	vperm.xlane v31, v4  }
0x4ef: {  	v55 =	vld [tilespmem:s5+$0xC050];
	[tilespmem:s14+$0xC460] =	vst v25;
	v26 =	vadd.f32 v26, v39;
	v50 =	vperm.xlane v31, v5  }
0x4f0: {  	v53 =	vld [tilespmem:s5+$0xC040];
	[tilespmem:s14+$0xC470] =	vst v23;
	v52 =	vperm.xlane v31, v6;
	v29 =	vadd.f32 v49, v45  }
0x4f1: {  	v59 =	vld [tilespmem:s5+$0xC070];
	[tilespmem:s14+$0xC440] =	vst v26;
	v56 =	vperm.xlane v31, v8;
	v23 =	vadd.f32 v50, v46  }
0x4f2: {  	v57 =	vld [tilespmem:s5+$0xC060];
	v60 =	vperm.xlane v31, v10;
	v25 =	vadd.f32 v52, v47;
	[tilespmem:s5+$0xC470] =	vst v29  }
0x4f3: {  	v36 =	vld [tilespmem:s5+$0xC410];
	v54 =	vperm.xlane v31, v7;
	v61 =	vadd.f32 v56, v51;
	[tilespmem:s5+$0xC000] =	vst v23  }
0x4f4: {  	v40 =	vld [tilespmem:s5+$0xC430];
	v37 =	vperm.xlane v31, v12;
	v24 =	vadd.f32 v60, v55;
	[tilespmem:s5+$0xC010] =	vst v25  }
0x4f5: {  	v28 =	vld [tilespmem:s0+$0x0];
	v58 =	vperm.xlane v31, v9;
	v23 =	vadd.f32 v54, v48;
	[tilespmem:s5+$0xC030] =	vst v61  }
0x4f6: {  	s7 =	sshrl.u32 s16, $0x2;
	v62 =	vld [tilespmem:s5+$0xC400];
	v41 =	vperm.xlane v31, v14;
	v42 =	vadd.f32 v37, v59;
	[tilespmem:s5+$0xC050] =	vst v24  }
0x4f7: {  	s7 =	sand.u32 $0x3800, s7;
	v63 =	vperm.xlane v31, v11;
	v45 =	vld [tilespmem:s5+$0xC450];
	[tilespmem:s5+$0xC020] =	vst v23;
	v23 =	vadd.f32 v58, v53  }
0x4f8: {  	s7 =	sor.u32 s17, s7;
	v38 =	vld [tilespmem:s5+$0xC420];
	v46 =	vperm.xlane v31, v16;
	v47 =	vadd.f32 v41, v36;
	[tilespmem:s5+$0xC070] =	vst v42  }
0x4f9: {  	v39 =	vperm.xlane v31, v13;
	v50 =	vld [tilespmem:s7+$0xC000];
	[tilespmem:s5+$0xC040] =	vst v23;
	v23 =	vadd.f32 v63, v57  }
0x4fa: {  	v22 =	vadd.f32 v28, v22;
	v43 =	vld [tilespmem:s5+$0xC440];
	v51 =	vperm.xlane v31, v18;
	[tilespmem:s5+$0xC410] =	vst v47;
	v52 =	vadd.f32 v46, v40  }
0x4fb: {  	v44 =	vperm.xlane v31, v15;
	v54 =	vld [tilespmem:s7+$0xC020];
	[tilespmem:s5+$0xC060] =	vst v23;
	v23 =	vadd.f32 v39, v62  }
0x4fc: {  	v55 =	vperm.xlane v22, v5;
	v48 =	vld [tilespmem:s5+$0xC460];
	[tilespmem:s5+$0xC430] =	vst v52;
	v56 =	vadd.f32 v51, v45  }
0x4fd: {  	v49 =	vperm.xlane v31, v17;
	v59 =	vld [tilespmem:s7+$0xC040];
	[tilespmem:s5+$0xC400] =	vst v23;
	v23 =	vadd.f32 v44, v38  }
0x4fe: {  	v60 =	vperm.xlane v22, v7;
	v53 =	vld [tilespmem:s7+$0xC010];
	v61 =	vadd.f32 v55, v50;
	[tilespmem:s5+$0xC450] =	vst v56  }
0x4ff: {  	v31 =	vperm.xlane v31, v19;
	v36 =	vld [tilespmem:s7+$0xC060];
	[tilespmem:s5+$0xC420] =	vst v23;
	v23 =	vadd.f32 v49, v43  }
0x500: {  	v37 =	vperm.xlane v22, v9;
	v57 =	vld [tilespmem:s7+$0xC030];
	[tilespmem:s7+$0xC000] =	vst v61;
	v38 =	vadd.f32 v60, v54  }
0x501: {  	v41 =	vld [tilespmem:s7+$0xC400];
	v58 =	vperm.xlane v22, v6;
	[tilespmem:s5+$0xC440] =	vst v23;
	v23 =	vadd.f32 v31, v48  }
0x502: {  	v42 =	vperm.xlane v22, v11;
	v62 =	vld [tilespmem:s7+$0xC050];
	[tilespmem:s7+$0xC020] =	vst v38;
	v43 =	vadd.f32 v37, v59  }
0x503: {  	v46 =	vld [tilespmem:s7+$0xC420];
	v63 =	vperm.xlane v22, v8;
	[tilespmem:s5+$0xC460] =	vst v23;
	v23 =	vadd.f32 v58, v53  }
0x504: {  	v47 =	vperm.xlane v22, v13;
	v39 =	vld [tilespmem:s7+$0xC070];
	[tilespmem:s7+$0xC040] =	vst v43;
	v48 =	vadd.f32 v42, v36  }
0x505: {  	v40 =	vperm.xlane v22, v10;
	v56 =	vld [tilespmem:s7+$0xC460];
	[tilespmem:s7+$0xC010] =	vst v23;
	v23 =	vadd.f32 v63, v57  }
0x506: {  	v52 =	vperm.xlane v22, v15;
	v44 =	vld [tilespmem:s7+$0xC410];
	[tilespmem:s7+$0xC060] =	vst v48;
	v53 =	vadd.f32 v47, v41  }
0x507: {  	v45 =	vperm.xlane v22, v12;
	v51 =	vld [tilespmem:s7+$0xC440];
	[tilespmem:s7+$0xC030] =	vst v23;
	v23 =	vadd.f32 v40, v62  }
0x508: {  	v61 =	vperm.xlane v22, v19;
	v49 =	vld [tilespmem:s7+$0xC430];
	v58 =	vadd.f32 v52, v46;
	[tilespmem:s7+$0xC400] =	vst v53  }
0x509: {  	v50 =	vperm.xlane v22, v14;
	v59 =	vld [tilespmem:s7+$0xC470];
	[tilespmem:s7+$0xC050] =	vst v23;
	v23 =	vadd.f32 v45, v39  }
0x50a: {  	v54 =	vld [tilespmem:s7+$0xC450];
	v57 =	vperm.xlane v22, v17;
	[tilespmem:s7+$0xC420] =	vst v58;
	v63 =	vadd.f32 v61, v56  }
0x50b: {  	v55 =	vperm.xlane v22, v16;
	[tilespmem:s7+$0xC070] =	vst v23;
	v23 =	vadd.f32 v50, v44  }
0x50c: {  	s3 =	sadd.s32 $0x1, s3;
	v60 =	vperm.xlane v22, v18;
	v22 =	vperm.xlane v22, v4;
	v62 =	vadd.f32 v57, v51;
	[tilespmem:s7+$0xC460] =	vst v63  }
0x50d: {  	p0 =	sne.s32 s3, $0x10;
	[tilespmem:s7+$0xC410] =	vst v23;
	v23 =	vadd.f32 v55, v49  }
.Ltmp12:
0x50e: {  	v22 =	vadd.f32 v22, v59;
	[tilespmem:s7+$0xC440] =	vst v62;
	(pc) =	sbr.rel @p0 .LBB2_2-.Ltmp12, $4  }
0x50f: {  	[tilespmem:s7+$0xC430] =	vst v23;
	v23 =	vadd.f32 v60, v54  }
0x510: {  	[tilespmem:s7+$0xC470] =	vst v22  }
0x511: {  	s31 =	sadd.s32 s2, s8;
	[tilespmem:s7+$0xC450] =	vst v23  }
0x512: {  	v23 =	vadd.f32 v21, v20;
	[hbm4b:s31+s4] =	stream.linear.scatter [tilespmem:s23], [sflag:$0x8], $0x4000, $0x38;
	[tilespmem:$0x11900] =	vst v63  }
0x513: {  	s0 =	simm.s32 $0x7  }
0x514: {  	_ =	swait.ge [sflag:s0], $0x4000  }
0x515: {  	[sflag:s0] =	ssyncset.done $0x0  }
0x516: {  	s3 =	simm.s32 $0x8;
	[sflag:s0] =	ssyncadd.s32 $0xFFFFC000  }
0x517: {  	_ =	swait.ge [sflag:s3], $0x4000  }
0x518: {  	s5 =	rddreg [dreg:$0xa]  }
0x519: {  	s31 =	rddreg [dreg:$0x9];
	s5 =	sadd.s32 $0x1, s5  }
0x51a: {  	p0 =	sne.s32 s5, s31  }
.Ltmp13:
0x51b: {  	_ = 	snop;
	(pc) =	sbr.rel @p0 .LBB2_1-.Ltmp13, $3  }
0x51c: {  	_ =	sdelay $0x1  }
0x51d: {  	[sflag:s3] =	ssyncset.done $0x0  }
0x51e: {  	[sflag:s3] =	ssyncadd.s32 $0xFFFFC000  }
0x51f: {  	_ =	sfence.sel $0x180000  }
0x520: {  	[bflag:$0x0] =	sbarrier.arrive $0xFFFF  }
0x521: {  	_ =	strace $0x9000004A  }
0x522: {  	s0 =	stileid.u32;
	[bflag:$0x2] =	sbarrier.arrive $0xFFFF  }
0x523: {  	p0 =	sne.s32 s0, $0x0;
	s0 =	rddreg [dreg:$0x3]  }
0x524: {  	s0 =	sadd.s32 @!p0 $0x100000, s0  }
0x525: {  	[sflag:s0] =	ssyncadd.tile.s32 @!p0 $0x1;
	_ =	shalt  }
.Lfunc_end2:
_tile_overlayer_lowered:
.L_overlay_start_2:
0x526: {  	(tag) =	ssettag $0x2  }
0x527: {  	s0 =	rddreg [dreg:$0x0];
	s2 =	stileid.u32  }
0x528: {  	s1 =	rddreg [dreg:$0x1];
	p0 =	sne.s32 s2, $0x0  }
0x529: {  	s3 =	rddreg [dreg:$0x2];
	[bflag:$0x3] =	sbarrier.arrive $0xFFFF;
	s2 =	simm.s32 @!p0 $0x1C09  }
0x52a: {  	[timem:s3], [sflag:s2] =	dma.local @!p0 [hbm:s0], s1  }
0x52b: {  	s0 =	simm.s32 @!p0 $0x9  }
0x52c: {  	_ =	swait.ge @!p0 [sflag:s0], s1  }
0x52d: {  	s1 =	ssub.s32 @!p0 $0x0, s1;
	[sflag:s0] =	ssyncset.done @!p0 $0x0  }
0x52e: {  	[sflag:s0] =	ssyncadd.s32 @!p0 s1  }
0x52f: {  	[bflag:$0x3] =	sbarrier.arrive $0xFFFF  }
0x530: {  	_ =	shalt  }

</sc_bundles>
